<compile_context>
chip_gen: v7x
topology: tpu7x:2x2x1
jax: 0.10.2.dev20260603
libtpu: 0.0.44.dev20260713+nightly
codegen_flags: <defaults>
</compile_context>

<pallas_src>
import functools

import jax
import jax.numpy as jnp
from jax import lax
from jax.experimental import pallas as pl
from jax.experimental.pallas import tpu as pltpu
from jax.experimental.pallas import tpu_sc as plsc

N = 10000
E = 320000
F = 128
C = 40

NC, NS = 2, 16
NW = NC * NS
E_PER_W = E // NW
K = 80
CHUNKS = E_PER_W // K
KS = 40
CHUNKS_S = E_PER_W // KS
RPT = N // NS
ZR = 75

_HIGH = lax.Precision.HIGHEST


@functools.cache
def _mesh():
    return plsc.VectorSubcoreMesh(core_axis_name="c", subcore_axis_name="s",
                                  num_cores=NC, num_subcores=NS)


def _zero_fill(zbuf, nrows, ncols):
    zero16 = jnp.zeros((16,), jnp.float32)

    def body(r, carry):
        for j in range(ncols // 16):
            zbuf[r, pl.ds(j * 16, 16)] = zero16
        return carry

    lax.fori_loop(0, nrows, body, 0)


NPAD = 10240
RPT1 = NPAD // NS


NB = 5


def _deg_body(dst3, out_hbm, acc, didx2, ones_v, zbuf, *sems):
    c = lax.axis_index("c")
    s = lax.axis_index("s")
    w = c * NS + s
    zero16 = jnp.zeros((16,), jnp.float32)
    ones16 = jnp.ones((16,), jnp.float32)
    for i in range(RPT1 // 16):
        zbuf[pl.ds(i * 16, 16)] = zero16
    for i in range(K // 16):
        ones_v[pl.ds(i * 16, 16)] = ones16
    pltpu.sync_copy(dst3.at[w], didx2)
    pltpu.sync_copy(zbuf, acc.at[pl.ds(s * RPT1, RPT1)])
    plsc.subcore_barrier()

    for b in range(NB):
        pltpu.async_copy(ones_v, acc.at[didx2.at[b]], sems[b], add=True)

    def body(t, carry):
        for b in range(NB):
            j = t * NB + b
            pltpu.make_async_copy(ones_v, acc.at[didx2.at[j]], sems[b]).wait()
            pltpu.async_copy(ones_v, acc.at[didx2.at[j + NB]], sems[b],
                             add=True)
        return carry

    lax.fori_loop(0, CHUNKS // NB - 1, body, 0)
    for b in range(NB):
        pltpu.make_async_copy(ones_v, acc.at[didx2.at[b]], sems[b]).wait()
    plsc.subcore_barrier()
    pltpu.sync_copy(acc.at[pl.ds(s * RPT1, RPT1)], out_hbm.at[c, s])


@functools.cache
def _deg_call():
    return pl.kernel(
        _deg_body,
        out_type=jax.ShapeDtypeStruct((NC, NS, RPT1), jnp.float32),
        mesh=_mesh(),
        scratch_types=[
            pltpu.VMEM_SHARED((NPAD,), jnp.float32),
            pltpu.VMEM((CHUNKS, K), jnp.int32),
            pltpu.VMEM((K,), jnp.float32),
            pltpu.VMEM((RPT1,), jnp.float32),
        ] + [pltpu.SemaphoreType.DMA] * NB,
    )


def _scat_body(src2, dst3, g_hbm, out_hbm, acc, sidx1, zbuf, *rest):
    rows = rest[:NB]
    didx = rest[NB:2 * NB]
    gsem = rest[2 * NB:3 * NB]
    ssem = rest[3 * NB:4 * NB]
    dsem = rest[4 * NB:5 * NB]
    c = lax.axis_index("c")
    s = lax.axis_index("s")
    w = c * NS + s
    _zero_fill(zbuf, ZR, F)
    pltpu.sync_copy(src2.at[w], sidx1)
    for j in range(RPT // ZR):
        pltpu.sync_copy(zbuf, acc.at[pl.ds(s * RPT + j * ZR, ZR)])
    pltpu.sync_copy(zbuf.at[pl.ds(0, RPT - (RPT // ZR) * ZR)],
                    acc.at[pl.ds(s * RPT + (RPT // ZR) * ZR,
                                 RPT - (RPT // ZR) * ZR)])
    plsc.subcore_barrier()

    def start_front(j, b):
        pltpu.async_copy(g_hbm.at[sidx1.at[pl.ds(j * KS, KS)]], rows[b],
                         gsem[b])
        pltpu.async_copy(dst3.at[w, j], didx[b], dsem[b])

    for b in range(NB):
        start_front(b, b)

    def body(t, carry):
        for b in range(NB):
            j = t * NB + b
            pltpu.make_async_copy(g_hbm.at[sidx1.at[pl.ds(j * KS, KS)]],
                                  rows[b], gsem[b]).wait()
            pltpu.make_async_copy(dst3.at[w, j], didx[b], dsem[b]).wait()
            pltpu.async_copy(rows[b], acc.at[didx[b]], ssem[b], add=True)
        for b in range(NB):
            j = t * NB + b
            jn = jnp.minimum(j + NB, CHUNKS_S - 1)
            pltpu.make_async_copy(rows[b], acc.at[didx[b]], ssem[b]).wait()
            start_front(jn, b)
        return carry

    lax.fori_loop(0, CHUNKS_S // NB, body, 0)
    for b in range(NB):
        pltpu.make_async_copy(g_hbm.at[sidx1.at[pl.ds(0, KS)]], rows[b],
                              gsem[b]).wait()
        pltpu.make_async_copy(dst3.at[w, 0], didx[b], dsem[b]).wait()
    plsc.subcore_barrier()
    pltpu.sync_copy(acc.at[pl.ds(s * RPT, RPT)], out_hbm.at[c, s])


@functools.cache
def _scat_call():
    return pl.kernel(
        _scat_body,
        out_type=jax.ShapeDtypeStruct((NC, NS, RPT, F), jnp.float32),
        mesh=_mesh(),
        scratch_types=[
            pltpu.VMEM_SHARED((N, F), jnp.float32),
            pltpu.VMEM((E_PER_W,), jnp.int32),
            pltpu.VMEM((ZR, F), jnp.float32),
        ] + [pltpu.VMEM((KS, F), jnp.float32)] * NB
          + [pltpu.VMEM((KS,), jnp.int32)] * NB
          + [pltpu.SemaphoreType.DMA] * (3 * NB),
    )


BLK = 1000
GRID = N // BLK


def _tc_a_body(degp, x, w0, g0, dis_o):
    deg = degp[0, :, 0] + degp[1, :, 0] + 1.0
    dis = lax.rsqrt(jnp.maximum(deg, 1.0))[:, None]
    g0[...] = jnp.dot(x[...], w0[...], preferred_element_type=jnp.float32,
                      precision=_HIGH) * dis
    dis_o[...] = dis


def _tc_b_body(p, gprev, dis_r, b, w, h_o, gnext_o):
    dis = dis_r[...]
    h = jnp.maximum((p[0] + p[1] + gprev[...]) * dis + b[...], 0.0)
    h_o[...] = h
    gnext_o[...] = jnp.dot(h, w[...], preferred_element_type=jnp.float32,
                           precision=_HIGH) * dis


def _tc_c_body(p, g2, dis_r, b2, h1, h2, wout, bout, out_o):
    dis = dis_r[...]
    h3 = jnp.maximum((p[0] + p[1] + g2[...]) * dis + b2[...], 0.0)
    hjk = jnp.maximum(jnp.maximum(h1[...], h2[...]), h3)
    out_o[...] = jnp.dot(hjk, wout[...], preferred_element_type=jnp.float32,
                         precision=_HIGH) + bout[...]


def _rows(blk, w):
    return pl.BlockSpec((blk, w), lambda i: (i, 0))


def _whole(shape):
    return pl.BlockSpec(shape, lambda i: tuple(0 for _ in shape))


_tc_a = pl.pallas_call(
    _tc_a_body,
    grid=(GRID,),
    in_specs=[pl.BlockSpec((NC, BLK, 1), lambda i: (0, i, 0)),
              _rows(BLK, F), _whole((F, F))],
    out_specs=[_rows(BLK, F), _rows(BLK, 1)],
    out_shape=[jax.ShapeDtypeStruct((N, F), jnp.float32),
               jax.ShapeDtypeStruct((N, 1), jnp.float32)],
)

_tc_b = pl.pallas_call(
    _tc_b_body,
    grid=(GRID,),
    in_specs=[pl.BlockSpec((NC, BLK, F), lambda i: (0, i, 0)),
              _rows(BLK, F), _rows(BLK, 1), _whole((1, F)), _whole((F, F))],
    out_specs=[_rows(BLK, F), _rows(BLK, F)],
    out_shape=[jax.ShapeDtypeStruct((N, F), jnp.float32),
               jax.ShapeDtypeStruct((N, F), jnp.float32)],
)

_tc_c = pl.pallas_call(
    _tc_c_body,
    grid=(GRID,),
    in_specs=[pl.BlockSpec((NC, BLK, F), lambda i: (0, i, 0)),
              _rows(BLK, F), _rows(BLK, 1), _whole((1, F)),
              _rows(BLK, F), _rows(BLK, F), _whole((F, C)), _whole((1, C))],
    out_specs=_rows(BLK, C),
    out_shape=jax.ShapeDtypeStruct((N, C), jnp.float32),
)


def kernel(x, edge_index, W0, b0, W1, b1, W2, b2, Wout, bout):
    src2 = edge_index[0].reshape(NW, E_PER_W)
    dst3 = edge_index[1].reshape(NW, CHUNKS_S, KS)
    dst3d = edge_index[1].reshape(NW, CHUNKS, K)
    degp = _deg_call()(dst3d).reshape(NC, NPAD)[:, :N].reshape(NC, N, 1)
    g0, dis = _tc_a(degp, x, W0)
    p0 = _scat_call()(src2, dst3, g0).reshape(NC, N, F)
    h1, g1 = _tc_b(p0, g0, dis, b0.reshape(1, F), W1)
    p1 = _scat_call()(src2, dst3, g1).reshape(NC, N, F)
    h2, g2 = _tc_b(p1, g1, dis, b1.reshape(1, F), W2)
    p2 = _scat_call()(src2, dst3, g2).reshape(NC, N, F)
    return _tc_c(p2, g2, dis, b2.reshape(1, F), h1, h2, Wout,
                 bout.reshape(1, C))

# --- scband reference (transcript-rebuilt; emitter-appended) ---
"""Pipeline reference for scband-jknet-9723805958220 (READ-ONLY COPY).

The authoritative reference and input builder live on the scoring server;
editing this copy changes nothing except your own understanding.
"""

import jax, jax.numpy as jnp
import numpy as np

N_NODES, N_EDGES, N_FEAT, N_HID, N_CLASS = 10000, 320000, 128, 128, 40


def setup_inputs(seed: int = 0) -> dict:
    key = jax.random.key(seed)
    ks = jax.random.split(key, 12)
    x = jax.random.normal(ks[0], (N_NODES, N_FEAT), dtype=jnp.float32)
    edge_index = jax.random.randint(ks[1], (2, N_EDGES), 0, N_NODES, dtype=jnp.int32)

    def glorot(k, fan_in, fan_out):
        s = float(np.sqrt(6.0 / (fan_in + fan_out)))
        return jax.random.uniform(k, (fan_in, fan_out), dtype=jnp.float32, minval=-s, maxval=s)

    W0 = glorot(ks[2], N_FEAT, N_HID)
    b0 = jnp.zeros((N_HID,), dtype=jnp.float32)
    W1 = glorot(ks[3], N_HID, N_HID)
    b1 = jnp.zeros((N_HID,), dtype=jnp.float32)
    W2 = glorot(ks[4], N_HID, N_HID)
    b2 = jnp.zeros((N_HID,), dtype=jnp.float32)
    Wout = glorot(ks[5], N_HID, N_CLASS)
    bout = jnp.zeros((N_CLASS,), dtype=jnp.float32)
    return {"x": x, "edge_index": edge_index, "W0": W0, "b0": b0, "W1": W1, "b1": b1, "W2": W2, "b2": b2, "Wout": Wout, "bout": bout}


def reference(x, edge_index, W0, b0, W1, b1, W2, b2, Wout, bout):
    # JKNet, task='transductive', mode='max', n_layer=3, dropout in eval mode (identity)
    N = x.shape[0]
    loops = jnp.arange(N, dtype=edge_index.dtype)
    src = jnp.concatenate([edge_index[0], loops])
    dst = jnp.concatenate([edge_index[1], loops])
    # symmetric GCN normalization D^-1/2 (A+I) D^-1/2
    deg = jax.ops.segment_sum(jnp.ones_like(src, dtype=x.dtype), dst, num_segments=N)
    dis = jax.lax.rsqrt(jnp.maximum(deg, 1.0))
    norm = (dis[src] * dis[dst])[:, None]

    def gcn(h, W, b):
        h = h @ W
        msg = h[src] * norm
        agg = jax.ops.segment_sum(msg, dst, num_segments=N)
        return agg + b

    h = jax.nn.relu(gcn(x, W0, b0))
    xs = [h]
    h = jax.nn.relu(gcn(h, W1, b1))
    xs.append(h)
    h = jax.nn.relu(gcn(h, W2, b2))
    xs.append(h)
    # JumpingKnowledge mode='max': elementwise max over layer outputs
    hjk = jnp.max(jnp.stack(xs, axis=0), axis=0)
    return hjk @ Wout + bout

if __name__ == "__main__":
    import jax
    _d = setup_inputs()
    print(jax.jit(kernel)(*tuple(_d.values())))

</pallas_src>

<mosaic_0001>
#map = affine_map<(d0, d1) -> (0, 0, 0)>
module attributes {stable_mosaic.version = 14 : i64} {
  func.func @_deg_body(%arg0: i32, %arg1: i32, %arg2: memref<32x125x80xi32, #tpu.memory_space<hbm>>, %arg3: memref<2x16x640xf32, #tpu.memory_space<hbm>>, %arg4: memref<10240xf32, #tpu.memory_space<vmem_shared>>, %arg5: memref<125x80xi32, #tpu.memory_space<vmem>>, %arg6: memref<80xf32, #tpu.memory_space<vmem>>, %arg7: memref<640xf32, #tpu.memory_space<vmem>>, %arg8: memref<!tpu.dma_semaphore, #tpu.memory_space<semaphore_mem>>, %arg9: memref<!tpu.dma_semaphore, #tpu.memory_space<semaphore_mem>>, %arg10: memref<!tpu.dma_semaphore, #tpu.memory_space<semaphore_mem>>, %arg11: memref<!tpu.dma_semaphore, #tpu.memory_space<semaphore_mem>>, %arg12: memref<!tpu.dma_semaphore, #tpu.memory_space<semaphore_mem>>) attributes {dimension_semantics = [#tpu.dimension_semantics<core_parallel>, #tpu.dimension_semantics<subcore_parallel>], iteration_bounds = array<i64: 2, 16>, scalar_prefetch = 0 : i64, scratch_operands = 9 : i64, tpu.core_type = #tpu.core_type<sc_vector_subcore>, window_params = [{transform_indices = #map}, {transform_indices = #map}]} {
    %mul3A = arith.constant 16 : i32
    %mul3A_0 = arith.muli %arg0, %mul3A : i32
    %add3A = arith.addi %mul3A_0, %arg1 : i32
    %broadcast_in_dim3A = arith.constant 0.000000e+00 : f32
    %broadcast_in_dim3A_1 = vector.broadcast %broadcast_in_dim3A : f32 to vector<16xf32>
    %broadcast_in_dim3A_2 = arith.constant 1.000000e+00 : f32
    %broadcast_in_dim3A_3 = vector.broadcast %broadcast_in_dim3A_2 : f32 to vector<16xf32>
    %swap3A = arith.constant 0 : index
    %swap3A_4 = tpu.vector_load %arg7[%swap3A] {strides = array<i32>} : memref<640xf32, #tpu.memory_space<vmem>>, vector<16xf32>,
    %swap3A_5 = vector.shape_cast %swap3A_4 : vector<16xf32> to vector<16xf32>
    %swap3A_6 = vector.shape_cast %broadcast_in_dim3A_1 : vector<16xf32> to vector<16xf32>
    tpu.vector_store %arg7[%swap3A], %swap3A_6 {strides = array<i32>} : memref<640xf32, #tpu.memory_space<vmem>>, vector<16xf32>,
    %swap3A_7 = arith.constant 16 : index
    %swap3A_8 = tpu.vector_load %arg7[%swap3A_7] {strides = array<i32>} : memref<640xf32, #tpu.memory_space<vmem>>, vector<16xf32>,
    %swap3A_9 = vector.shape_cast %swap3A_8 : vector<16xf32> to vector<16xf32>
    %swap3A_10 = vector.shape_cast %broadcast_in_dim3A_1 : vector<16xf32> to vector<16xf32>
    tpu.vector_store %arg7[%swap3A_7], %swap3A_10 {strides = array<i32>} : memref<640xf32, #tpu.memory_space<vmem>>, vector<16xf32>,
    %swap3A_11 = arith.constant 32 : index
    %swap3A_12 = tpu.vector_load %arg7[%swap3A_11] {strides = array<i32>} : memref<640xf32, #tpu.memory_space<vmem>>, vector<16xf32>,
    %swap3A_13 = vector.shape_cast %swap3A_12 : vector<16xf32> to vector<16xf32>
    %swap3A_14 = vector.shape_cast %broadcast_in_dim3A_1 : vector<16xf32> to vector<16xf32>
    tpu.vector_store %arg7[%swap3A_11], %swap3A_14 {strides = array<i32>} : memref<640xf32, #tpu.memory_space<vmem>>, vector<16xf32>,
    %swap3A_15 = arith.constant 48 : index
    %swap3A_16 = tpu.vector_load %arg7[%swap3A_15] {strides = array<i32>} : memref<640xf32, #tpu.memory_space<vmem>>, vector<16xf32>,
    %swap3A_17 = vector.shape_cast %swap3A_16 : vector<16xf32> to vector<16xf32>
    %swap3A_18 = vector.shape_cast %broadcast_in_dim3A_1 : vector<16xf32> to vector<16xf32>
    tpu.vector_store %arg7[%swap3A_15], %swap3A_18 {strides = array<i32>} : memref<640xf32, #tpu.memory_space<vmem>>, vector<16xf32>,
    %swap3A_19 = arith.constant 64 : index
    %swap3A_20 = tpu.vector_load %arg7[%swap3A_19] {strides = array<i32>} : memref<640xf32, #tpu.memory_space<vmem>>, vector<16xf32>,
    %swap3A_21 = vector.shape_cast %swap3A_20 : vector<16xf32> to vector<16xf32>
    %swap3A_22 = vector.shape_cast %broadcast_in_dim3A_1 : vector<16xf32> to vector<16xf32>
    tpu.vector_store %arg7[%swap3A_19], %swap3A_22 {strides = array<i32>} : memref<640xf32, #tpu.memory_space<vmem>>, vector<16xf32>,
    %swap3A_23 = arith.constant 80 : index
    %swap3A_24 = tpu.vector_load %arg7[%swap3A_23] {strides = array<i32>} : memref<640xf32, #tpu.memory_space<vmem>>, vector<16xf32>,
    %swap3A_25 = vector.shape_cast %swap3A_24 : vector<16xf32> to vector<16xf32>
    %swap3A_26 = vector.shape_cast %broadcast_in_dim3A_1 : vector<16xf32> to vector<16xf32>
    tpu.vector_store %arg7[%swap3A_23], %swap3A_26 {strides = array<i32>} : memref<640xf32, #tpu.memory_space<vmem>>, vector<16xf32>,
    %swap3A_27 = arith.constant 96 : index
    %swap3A_28 = tpu.vector_load %arg7[%swap3A_27] {strides = array<i32>} : memref<640xf32, #tpu.memory_space<vmem>>, vector<16xf32>,
    %swap3A_29 = vector.shape_cast %swap3A_28 : vector<16xf32> to vector<16xf32>
    %swap3A_30 = vector.shape_cast %broadcast_in_dim3A_1 : vector<16xf32> to vector<16xf32>
    tpu.vector_store %arg7[%swap3A_27], %swap3A_30 {strides = array<i32>} : memref<640xf32, #tpu.memory_space<vmem>>, vector<16xf32>,
    %swap3A_31 = arith.constant 112 : index
    %swap3A_32 = tpu.vector_load %arg7[%swap3A_31] {strides = array<i32>} : memref<640xf32, #tpu.memory_space<vmem>>, vector<16xf32>,
    %swap3A_33 = vector.shape_cast %swap3A_32 : vector<16xf32> to vector<16xf32>
    %swap3A_34 = vector.shape_cast %broadcast_in_dim3A_1 : vector<16xf32> to vector<16xf32>
    tpu.vector_store %arg7[%swap3A_31], %swap3A_34 {strides = array<i32>} : memref<640xf32, #tpu.memory_space<vmem>>, vector<16xf32>,
    %swap3A_35 = arith.constant 128 : index
    %swap3A_36 = tpu.vector_load %arg7[%swap3A_35] {strides = array<i32>} : memref<640xf32, #tpu.memory_space<vmem>>, vector<16xf32>,
    %swap3A_37 = vector.shape_cast %swap3A_36 : vector<16xf32> to vector<16xf32>
    %swap3A_38 = vector.shape_cast %broadcast_in_dim3A_1 : vector<16xf32> to vector<16xf32>
    tpu.vector_store %arg7[%swap3A_35], %swap3A_38 {strides = array<i32>} : memref<640xf32, #tpu.memory_space<vmem>>, vector<16xf32>,
    %swap3A_39 = arith.constant 144 : index
    %swap3A_40 = tpu.vector_load %arg7[%swap3A_39] {strides = array<i32>} : memref<640xf32, #tpu.memory_space<vmem>>, vector<16xf32>,
    %swap3A_41 = vector.shape_cast %swap3A_40 : vector<16xf32> to vector<16xf32>
    %swap3A_42 = vector.shape_cast %broadcast_in_dim3A_1 : vector<16xf32> to vector<16xf32>
    tpu.vector_store %arg7[%swap3A_39], %swap3A_42 {strides = array<i32>} : memref<640xf32, #tpu.memory_space<vmem>>, vector<16xf32>,
    %swap3A_43 = arith.constant 160 : index
    %swap3A_44 = tpu.vector_load %arg7[%swap3A_43] {strides = array<i32>} : memref<640xf32, #tpu.memory_space<vmem>>, vector<16xf32>,
    %swap3A_45 = vector.shape_cast %swap3A_44 : vector<16xf32> to vector<16xf32>
    %swap3A_46 = vector.shape_cast %broadcast_in_dim3A_1 : vector<16xf32> to vector<16xf32>
    tpu.vector_store %arg7[%swap3A_43], %swap3A_46 {strides = array<i32>} : memref<640xf32, #tpu.memory_space<vmem>>, vector<16xf32>,
    %swap3A_47 = arith.constant 176 : index
    %swap3A_48 = tpu.vector_load %arg7[%swap3A_47] {strides = array<i32>} : memref<640xf32, #tpu.memory_space<vmem>>, vector<16xf32>,
    %swap3A_49 = vector.shape_cast %swap3A_48 : vector<16xf32> to vector<16xf32>
    %swap3A_50 = vector.shape_cast %broadcast_in_dim3A_1 : vector<16xf32> to vector<16xf32>
    tpu.vector_store %arg7[%swap3A_47], %swap3A_50 {strides = array<i32>} : memref<640xf32, #tpu.memory_space<vmem>>, vector<16xf32>,
    %swap3A_51 = arith.constant 192 : index
    %swap3A_52 = tpu.vector_load %arg7[%swap3A_51] {strides = array<i32>} : memref<640xf32, #tpu.memory_space<vmem>>, vector<16xf32>,
    %swap3A_53 = vector.shape_cast %swap3A_52 : vector<16xf32> to vector<16xf32>
    %swap3A_54 = vector.shape_cast %broadcast_in_dim3A_1 : vector<16xf32> to vector<16xf32>
    tpu.vector_store %arg7[%swap3A_51], %swap3A_54 {strides = array<i32>} : memref<640xf32, #tpu.memory_space<vmem>>, vector<16xf32>,
    %swap3A_55 = arith.constant 208 : index
    %swap3A_56 = tpu.vector_load %arg7[%swap3A_55] {strides = array<i32>} : memref<640xf32, #tpu.memory_space<vmem>>, vector<16xf32>,
    %swap3A_57 = vector.shape_cast %swap3A_56 : vector<16xf32> to vector<16xf32>
    %swap3A_58 = vector.shape_cast %broadcast_in_dim3A_1 : vector<16xf32> to vector<16xf32>
    tpu.vector_store %arg7[%swap3A_55], %swap3A_58 {strides = array<i32>} : memref<640xf32, #tpu.memory_space<vmem>>, vector<16xf32>,
    %swap3A_59 = arith.constant 224 : index
    %swap3A_60 = tpu.vector_load %arg7[%swap3A_59] {strides = array<i32>} : memref<640xf32, #tpu.memory_space<vmem>>, vector<16xf32>,
    %swap3A_61 = vector.shape_cast %swap3A_60 : vector<16xf32> to vector<16xf32>
    %swap3A_62 = vector.shape_cast %broadcast_in_dim3A_1 : vector<16xf32> to vector<16xf32>
    tpu.vector_store %arg7[%swap3A_59], %swap3A_62 {strides = array<i32>} : memref<640xf32, #tpu.memory_space<vmem>>, vector<16xf32>,
    %swap3A_63 = arith.constant 240 : index
    %swap3A_64 = tpu.vector_load %arg7[%swap3A_63] {strides = array<i32>} : memref<640xf32, #tpu.memory_space<vmem>>, vector<16xf32>,
    %swap3A_65 = vector.shape_cast %swap3A_64 : vector<16xf32> to vector<16xf32>
    %swap3A_66 = vector.shape_cast %broadcast_in_dim3A_1 : vector<16xf32> to vector<16xf32>
    tpu.vector_store %arg7[%swap3A_63], %swap3A_66 {strides = array<i32>} : memref<640xf32, #tpu.memory_space<vmem>>, vector<16xf32>,
    %swap3A_67 = arith.constant 256 : index
    %swap3A_68 = tpu.vector_load %arg7[%swap3A_67] {strides = array<i32>} : memref<640xf32, #tpu.memory_space<vmem>>, vector<16xf32>,
    %swap3A_69 = vector.shape_cast %swap3A_68 : vector<16xf32> to vector<16xf32>
    %swap3A_70 = vector.shape_cast %broadcast_in_dim3A_1 : vector<16xf32> to vector<16xf32>
    tpu.vector_store %arg7[%swap3A_67], %swap3A_70 {strides = array<i32>} : memref<640xf32, #tpu.memory_space<vmem>>, vector<16xf32>,
    %swap3A_71 = arith.constant 272 : index
    %swap3A_72 = tpu.vector_load %arg7[%swap3A_71] {strides = array<i32>} : memref<640xf32, #tpu.memory_space<vmem>>, vector<16xf32>,
    %swap3A_73 = vector.shape_cast %swap3A_72 : vector<16xf32> to vector<16xf32>
    %swap3A_74 = vector.shape_cast %broadcast_in_dim3A_1 : vector<16xf32> to vector<16xf32>
    tpu.vector_store %arg7[%swap3A_71], %swap3A_74 {strides = array<i32>} : memref<640xf32, #tpu.memory_space<vmem>>, vector<16xf32>,
    %swap3A_75 = arith.constant 288 : index
    %swap3A_76 = tpu.vector_load %arg7[%swap3A_75] {strides = array<i32>} : memref<640xf32, #tpu.memory_space<vmem>>, vector<16xf32>,
    %swap3A_77 = vector.shape_cast %swap3A_76 : vector<16xf32> to vector<16xf32>
    %swap3A_78 = vector.shape_cast %broadcast_in_dim3A_1 : vector<16xf32> to vector<16xf32>
    tpu.vector_store %arg7[%swap3A_75], %swap3A_78 {strides = array<i32>} : memref<640xf32, #tpu.memory_space<vmem>>, vector<16xf32>,
    %swap3A_79 = arith.constant 304 : index
    %swap3A_80 = tpu.vector_load %arg7[%swap3A_79] {strides = array<i32>} : memref<640xf32, #tpu.memory_space<vmem>>, vector<16xf32>,
    %swap3A_81 = vector.shape_cast %swap3A_80 : vector<16xf32> to vector<16xf32>
    %swap3A_82 = vector.shape_cast %broadcast_in_dim3A_1 : vector<16xf32> to vector<16xf32>
    tpu.vector_store %arg7[%swap3A_79], %swap3A_82 {strides = array<i32>} : memref<640xf32, #tpu.memory_space<vmem>>, vector<16xf32>,
    %swap3A_83 = arith.constant 320 : index
    %swap3A_84 = tpu.vector_load %arg7[%swap3A_83] {strides = array<i32>} : memref<640xf32, #tpu.memory_space<vmem>>, vector<16xf32>,
    %swap3A_85 = vector.shape_cast %swap3A_84 : vector<16xf32> to vector<16xf32>
    %swap3A_86 = vector.shape_cast %broadcast_in_dim3A_1 : vector<16xf32> to vector<16xf32>
    tpu.vector_store %arg7[%swap3A_83], %swap3A_86 {strides = array<i32>} : memref<640xf32, #tpu.memory_space<vmem>>, vector<16xf32>,
    %swap3A_87 = arith.constant 336 : index
    %swap3A_88 = tpu.vector_load %arg7[%swap3A_87] {strides = array<i32>} : memref<640xf32, #tpu.memory_space<vmem>>, vector<16xf32>,
    %swap3A_89 = vector.shape_cast %swap3A_88 : vector<16xf32> to vector<16xf32>
    %swap3A_90 = vector.shape_cast %broadcast_in_dim3A_1 : vector<16xf32> to vector<16xf32>
    tpu.vector_store %arg7[%swap3A_87], %swap3A_90 {strides = array<i32>} : memref<640xf32, #tpu.memory_space<vmem>>, vector<16xf32>,
    %swap3A_91 = arith.constant 352 : index
    %swap3A_92 = tpu.vector_load %arg7[%swap3A_91] {strides = array<i32>} : memref<640xf32, #tpu.memory_space<vmem>>, vector<16xf32>,
    %swap3A_93 = vector.shape_cast %swap3A_92 : vector<16xf32> to vector<16xf32>
    %swap3A_94 = vector.shape_cast %broadcast_in_dim3A_1 : vector<16xf32> to vector<16xf32>
    tpu.vector_store %arg7[%swap3A_91], %swap3A_94 {strides = array<i32>} : memref<640xf32, #tpu.memory_space<vmem>>, vector<16xf32>,
    %swap3A_95 = arith.constant 368 : index
    %swap3A_96 = tpu.vector_load %arg7[%swap3A_95] {strides = array<i32>} : memref<640xf32, #tpu.memory_space<vmem>>, vector<16xf32>,
    %swap3A_97 = vector.shape_cast %swap3A_96 : vector<16xf32> to vector<16xf32>
    %swap3A_98 = vector.shape_cast %broadcast_in_dim3A_1 : vector<16xf32> to vector<16xf32>
    tpu.vector_store %arg7[%swap3A_95], %swap3A_98 {strides = array<i32>} : memref<640xf32, #tpu.memory_space<vmem>>, vector<16xf32>,
    %swap3A_99 = arith.constant 384 : index
    %swap3A_100 = tpu.vector_load %arg7[%swap3A_99] {strides = array<i32>} : memref<640xf32, #tpu.memory_space<vmem>>, vector<16xf32>,
    %swap3A_101 = vector.shape_cast %swap3A_100 : vector<16xf32> to vector<16xf32>
    %swap3A_102 = vector.shape_cast %broadcast_in_dim3A_1 : vector<16xf32> to vector<16xf32>
    tpu.vector_store %arg7[%swap3A_99], %swap3A_102 {strides = array<i32>} : memref<640xf32, #tpu.memory_space<vmem>>, vector<16xf32>,
    %swap3A_103 = arith.constant 400 : index
    %swap3A_104 = tpu.vector_load %arg7[%swap3A_103] {strides = array<i32>} : memref<640xf32, #tpu.memory_space<vmem>>, vector<16xf32>,
    %swap3A_105 = vector.shape_cast %swap3A_104 : vector<16xf32> to vector<16xf32>
    %swap3A_106 = vector.shape_cast %broadcast_in_dim3A_1 : vector<16xf32> to vector<16xf32>
    tpu.vector_store %arg7[%swap3A_103], %swap3A_106 {strides = array<i32>} : memref<640xf32, #tpu.memory_space<vmem>>, vector<16xf32>,
    %swap3A_107 = arith.constant 416 : index
    %swap3A_108 = tpu.vector_load %arg7[%swap3A_107] {strides = array<i32>} : memref<640xf32, #tpu.memory_space<vmem>>, vector<16xf32>,
    %swap3A_109 = vector.shape_cast %swap3A_108 : vector<16xf32> to vector<16xf32>
    %swap3A_110 = vector.shape_cast %broadcast_in_dim3A_1 : vector<16xf32> to vector<16xf32>
    tpu.vector_store %arg7[%swap3A_107], %swap3A_110 {strides = array<i32>} : memref<640xf32, #tpu.memory_space<vmem>>, vector<16xf32>,
    %swap3A_111 = arith.constant 432 : index
    %swap3A_112 = tpu.vector_load %arg7[%swap3A_111] {strides = array<i32>} : memref<640xf32, #tpu.memory_space<vmem>>, vector<16xf32>,
    %swap3A_113 = vector.shape_cast %swap3A_112 : vector<16xf32> to vector<16xf32>
    %swap3A_114 = vector.shape_cast %broadcast_in_dim3A_1 : vector<16xf32> to vector<16xf32>
    tpu.vector_store %arg7[%swap3A_111], %swap3A_114 {strides = array<i32>} : memref<640xf32, #tpu.memory_space<vmem>>, vector<16xf32>,
    %swap3A_115 = arith.constant 448 : index
    %swap3A_116 = tpu.vector_load %arg7[%swap3A_115] {strides = array<i32>} : memref<640xf32, #tpu.memory_space<vmem>>, vector<16xf32>,
    %swap3A_117 = vector.shape_cast %swap3A_116 : vector<16xf32> to vector<16xf32>
    %swap3A_118 = vector.shape_cast %broadcast_in_dim3A_1 : vector<16xf32> to vector<16xf32>
    tpu.vector_store %arg7[%swap3A_115], %swap3A_118 {strides = array<i32>} : memref<640xf32, #tpu.memory_space<vmem>>, vector<16xf32>,
    %swap3A_119 = arith.constant 464 : index
    %swap3A_120 = tpu.vector_load %arg7[%swap3A_119] {strides = array<i32>} : memref<640xf32, #tpu.memory_space<vmem>>, vector<16xf32>,
    %swap3A_121 = vector.shape_cast %swap3A_120 : vector<16xf32> to vector<16xf32>
    %swap3A_122 = vector.shape_cast %broadcast_in_dim3A_1 : vector<16xf32> to vector<16xf32>
    tpu.vector_store %arg7[%swap3A_119], %swap3A_122 {strides = array<i32>} : memref<640xf32, #tpu.memory_space<vmem>>, vector<16xf32>,
    %swap3A_123 = arith.constant 480 : index
    %swap3A_124 = tpu.vector_load %arg7[%swap3A_123] {strides = array<i32>} : memref<640xf32, #tpu.memory_space<vmem>>, vector<16xf32>,
    %swap3A_125 = vector.shape_cast %swap3A_124 : vector<16xf32> to vector<16xf32>
    %swap3A_126 = vector.shape_cast %broadcast_in_dim3A_1 : vector<16xf32> to vector<16xf32>
    tpu.vector_store %arg7[%swap3A_123], %swap3A_126 {strides = array<i32>} : memref<640xf32, #tpu.memory_space<vmem>>, vector<16xf32>,
    %swap3A_127 = arith.constant 496 : index
    %swap3A_128 = tpu.vector_load %arg7[%swap3A_127] {strides = array<i32>} : memref<640xf32, #tpu.memory_space<vmem>>, vector<16xf32>,
    %swap3A_129 = vector.shape_cast %swap3A_128 : vector<16xf32> to vector<16xf32>
    %swap3A_130 = vector.shape_cast %broadcast_in_dim3A_1 : vector<16xf32> to vector<16xf32>
    tpu.vector_store %arg7[%swap3A_127], %swap3A_130 {strides = array<i32>} : memref<640xf32, #tpu.memory_space<vmem>>, vector<16xf32>,
    %swap3A_131 = arith.constant 512 : index
    %swap3A_132 = tpu.vector_load %arg7[%swap3A_131] {strides = array<i32>} : memref<640xf32, #tpu.memory_space<vmem>>, vector<16xf32>,
    %swap3A_133 = vector.shape_cast %swap3A_132 : vector<16xf32> to vector<16xf32>
    %swap3A_134 = vector.shape_cast %broadcast_in_dim3A_1 : vector<16xf32> to vector<16xf32>
    tpu.vector_store %arg7[%swap3A_131], %swap3A_134 {strides = array<i32>} : memref<640xf32, #tpu.memory_space<vmem>>, vector<16xf32>,
    %swap3A_135 = arith.constant 528 : index
    %swap3A_136 = tpu.vector_load %arg7[%swap3A_135] {strides = array<i32>} : memref<640xf32, #tpu.memory_space<vmem>>, vector<16xf32>,
    %swap3A_137 = vector.shape_cast %swap3A_136 : vector<16xf32> to vector<16xf32>
    %swap3A_138 = vector.shape_cast %broadcast_in_dim3A_1 : vector<16xf32> to vector<16xf32>
    tpu.vector_store %arg7[%swap3A_135], %swap3A_138 {strides = array<i32>} : memref<640xf32, #tpu.memory_space<vmem>>, vector<16xf32>,
    %swap3A_139 = arith.constant 544 : index
    %swap3A_140 = tpu.vector_load %arg7[%swap3A_139] {strides = array<i32>} : memref<640xf32, #tpu.memory_space<vmem>>, vector<16xf32>,
    %swap3A_141 = vector.shape_cast %swap3A_140 : vector<16xf32> to vector<16xf32>
    %swap3A_142 = vector.shape_cast %broadcast_in_dim3A_1 : vector<16xf32> to vector<16xf32>
    tpu.vector_store %arg7[%swap3A_139], %swap3A_142 {strides = array<i32>} : memref<640xf32, #tpu.memory_space<vmem>>, vector<16xf32>,
    %swap3A_143 = arith.constant 560 : index
    %swap3A_144 = tpu.vector_load %arg7[%swap3A_143] {strides = array<i32>} : memref<640xf32, #tpu.memory_space<vmem>>, vector<16xf32>,
    %swap3A_145 = vector.shape_cast %swap3A_144 : vector<16xf32> to vector<16xf32>
    %swap3A_146 = vector.shape_cast %broadcast_in_dim3A_1 : vector<16xf32> to vector<16xf32>
    tpu.vector_store %arg7[%swap3A_143], %swap3A_146 {strides = array<i32>} : memref<640xf32, #tpu.memory_space<vmem>>, vector<16xf32>,
    %swap3A_147 = arith.constant 576 : index
    %swap3A_148 = tpu.vector_load %arg7[%swap3A_147] {strides = array<i32>} : memref<640xf32, #tpu.memory_space<vmem>>, vector<16xf32>,
    %swap3A_149 = vector.shape_cast %swap3A_148 : vector<16xf32> to vector<16xf32>
    %swap3A_150 = vector.shape_cast %broadcast_in_dim3A_1 : vector<16xf32> to vector<16xf32>
    tpu.vector_store %arg7[%swap3A_147], %swap3A_150 {strides = array<i32>} : memref<640xf32, #tpu.memory_space<vmem>>, vector<16xf32>,
    %swap3A_151 = arith.constant 592 : index
    %swap3A_152 = tpu.vector_load %arg7[%swap3A_151] {strides = array<i32>} : memref<640xf32, #tpu.memory_space<vmem>>, vector<16xf32>,
    %swap3A_153 = vector.shape_cast %swap3A_152 : vector<16xf32> to vector<16xf32>
    %swap3A_154 = vector.shape_cast %broadcast_in_dim3A_1 : vector<16xf32> to vector<16xf32>
    tpu.vector_store %arg7[%swap3A_151], %swap3A_154 {strides = array<i32>} : memref<640xf32, #tpu.memory_space<vmem>>, vector<16xf32>,
    %swap3A_155 = arith.constant 608 : index
    %swap3A_156 = tpu.vector_load %arg7[%swap3A_155] {strides = array<i32>} : memref<640xf32, #tpu.memory_space<vmem>>, vector<16xf32>,
    %swap3A_157 = vector.shape_cast %swap3A_156 : vector<16xf32> to vector<16xf32>
    %swap3A_158 = vector.shape_cast %broadcast_in_dim3A_1 : vector<16xf32> to vector<16xf32>
    tpu.vector_store %arg7[%swap3A_155], %swap3A_158 {strides = array<i32>} : memref<640xf32, #tpu.memory_space<vmem>>, vector<16xf32>,
    %swap3A_159 = arith.constant 624 : index
    %swap3A_160 = tpu.vector_load %arg7[%swap3A_159] {strides = array<i32>} : memref<640xf32, #tpu.memory_space<vmem>>, vector<16xf32>,
    %swap3A_161 = vector.shape_cast %swap3A_160 : vector<16xf32> to vector<16xf32>
    %swap3A_162 = vector.shape_cast %broadcast_in_dim3A_1 : vector<16xf32> to vector<16xf32>
    tpu.vector_store %arg7[%swap3A_159], %swap3A_162 {strides = array<i32>} : memref<640xf32, #tpu.memory_space<vmem>>, vector<16xf32>,
    %swap3A_163 = arith.constant 0 : index
    %swap3A_164 = tpu.vector_load %arg6[%swap3A_163] {strides = array<i32>} : memref<80xf32, #tpu.memory_space<vmem>>, vector<16xf32>,
    %swap3A_165 = vector.shape_cast %swap3A_164 : vector<16xf32> to vector<16xf32>
    %swap3A_166 = vector.shape_cast %broadcast_in_dim3A_3 : vector<16xf32> to vector<16xf32>
    tpu.vector_store %arg6[%swap3A_163], %swap3A_166 {strides = array<i32>} : memref<80xf32, #tpu.memory_space<vmem>>, vector<16xf32>,
    %swap3A_167 = arith.constant 16 : index
    %swap3A_168 = tpu.vector_load %arg6[%swap3A_167] {strides = array<i32>} : memref<80xf32, #tpu.memory_space<vmem>>, vector<16xf32>,
    %swap3A_169 = vector.shape_cast %swap3A_168 : vector<16xf32> to vector<16xf32>
    %swap3A_170 = vector.shape_cast %broadcast_in_dim3A_3 : vector<16xf32> to vector<16xf32>
    tpu.vector_store %arg6[%swap3A_167], %swap3A_170 {strides = array<i32>} : memref<80xf32, #tpu.memory_space<vmem>>, vector<16xf32>,
    %swap3A_171 = arith.constant 32 : index
    %swap3A_172 = tpu.vector_load %arg6[%swap3A_171] {strides = array<i32>} : memref<80xf32, #tpu.memory_space<vmem>>, vector<16xf32>,
    %swap3A_173 = vector.shape_cast %swap3A_172 : vector<16xf32> to vector<16xf32>
    %swap3A_174 = vector.shape_cast %broadcast_in_dim3A_3 : vector<16xf32> to vector<16xf32>
    tpu.vector_store %arg6[%swap3A_171], %swap3A_174 {strides = array<i32>} : memref<80xf32, #tpu.memory_space<vmem>>, vector<16xf32>,
    %swap3A_175 = arith.constant 48 : index
    %swap3A_176 = tpu.vector_load %arg6[%swap3A_175] {strides = array<i32>} : memref<80xf32, #tpu.memory_space<vmem>>, vector<16xf32>,
    %swap3A_177 = vector.shape_cast %swap3A_176 : vector<16xf32> to vector<16xf32>
    %swap3A_178 = vector.shape_cast %broadcast_in_dim3A_3 : vector<16xf32> to vector<16xf32>
    tpu.vector_store %arg6[%swap3A_175], %swap3A_178 {strides = array<i32>} : memref<80xf32, #tpu.memory_space<vmem>>, vector<16xf32>,
    %swap3A_179 = arith.constant 64 : index
    %swap3A_180 = tpu.vector_load %arg6[%swap3A_179] {strides = array<i32>} : memref<80xf32, #tpu.memory_space<vmem>>, vector<16xf32>,
    %swap3A_181 = vector.shape_cast %swap3A_180 : vector<16xf32> to vector<16xf32>
    %swap3A_182 = vector.shape_cast %broadcast_in_dim3A_3 : vector<16xf32> to vector<16xf32>
    tpu.vector_store %arg6[%swap3A_179], %swap3A_182 {strides = array<i32>} : memref<80xf32, #tpu.memory_space<vmem>>, vector<16xf32>,
    "tpu.region"() ({
      %run_scoped3A = tpu.sem_alloc : memref<!tpu.dma_semaphore, #tpu.memory_space<semaphore_mem>>
      %dma_start3A_251 = arith.constant 0 : i32
      %dma_start3A_252 = arith.constant 0 : i32
      %dma_start3A_253 = tpu.memref_slice %arg2[%add3A, %dma_start3A_251, %dma_start3A_252] : memref<32x125x80xi32, #tpu.memory_space<hbm>> -> memref<1x125x80xi32, #tpu.memory_space<hbm>>
      %dma_start3A_254 = tpu.memref_squeeze %dma_start3A_253 : memref<1x125x80xi32, #tpu.memory_space<hbm>> -> memref<125x80xi32, #tpu.memory_space<hbm>>
      %dma_start3A_255 = arith.constant 0 : i32
      %dma_start3A_256 = arith.constant 0 : i32
      %dma_start3A_257 = tpu.memref_slice %arg2[%add3A, %dma_start3A_255, %dma_start3A_256] : memref<32x125x80xi32, #tpu.memory_space<hbm>> -> memref<1x125x80xi32, #tpu.memory_space<hbm>>
      %dma_start3A_258 = tpu.memref_squeeze %dma_start3A_257 : memref<1x125x80xi32, #tpu.memory_space<hbm>> -> memref<125x80xi32, #tpu.memory_space<hbm>>
      tpu.enqueue_dma source(%dma_start3A_258 : memref<125x80xi32, #tpu.memory_space<hbm>>) target(%arg5 : memref<125x80xi32, #tpu.memory_space<vmem>>) target_semaphore(%run_scoped3A : memref<!tpu.dma_semaphore, #tpu.memory_space<semaphore_mem>>)
      %dma_wait3A_259 = arith.constant 0 : i32
      %dma_wait3A_260 = arith.constant 0 : i32
      %dma_wait3A_261 = tpu.memref_slice %arg2[%add3A, %dma_wait3A_259, %dma_wait3A_260] : memref<32x125x80xi32, #tpu.memory_space<hbm>> -> memref<1x125x80xi32, #tpu.memory_space<hbm>>
      %dma_wait3A_262 = tpu.memref_squeeze %dma_wait3A_261 : memref<1x125x80xi32, #tpu.memory_space<hbm>> -> memref<125x80xi32, #tpu.memory_space<hbm>>
      %dma_wait3A_263 = arith.constant 0 : i32
      %dma_wait3A_264 = arith.constant 0 : i32
      %dma_wait3A_265 = tpu.memref_slice %arg2[%add3A, %dma_wait3A_263, %dma_wait3A_264] : memref<32x125x80xi32, #tpu.memory_space<hbm>> -> memref<1x125x80xi32, #tpu.memory_space<hbm>>
      %dma_wait3A_266 = tpu.memref_squeeze %dma_wait3A_265 : memref<1x125x80xi32, #tpu.memory_space<hbm>> -> memref<125x80xi32, #tpu.memory_space<hbm>>
      tpu.wait_dma2 semaphore(%run_scoped3A : memref<!tpu.dma_semaphore, #tpu.memory_space<semaphore_mem>>) src(%dma_wait3A_266 : memref<125x80xi32, #tpu.memory_space<hbm>>) dst(%arg5 : memref<125x80xi32, #tpu.memory_space<vmem>>)
      tpu.yield
    }) : () -> ()
    %mul3A_183 = arith.constant 640 : i32
    %mul3A_184 = arith.muli %arg1, %mul3A_183 : i32
    "tpu.region"() ({
      %run_scoped3A = tpu.sem_alloc : memref<!tpu.dma_semaphore, #tpu.memory_space<semaphore_mem>>
      %dma_start3A_251 = tpu.memref_slice %arg4[%mul3A_184] : memref<10240xf32, #tpu.memory_space<vmem_shared>> -> memref<640xf32, #tpu.memory_space<vmem_shared>>
      %dma_start3A_252 = tpu.memref_slice %arg4[%mul3A_184] : memref<10240xf32, #tpu.memory_space<vmem_shared>> -> memref<640xf32, #tpu.memory_space<vmem_shared>>
      tpu.enqueue_dma source(%arg7 : memref<640xf32, #tpu.memory_space<vmem>>) target(%dma_start3A_252 : memref<640xf32, #tpu.memory_space<vmem_shared>>) target_semaphore(%run_scoped3A : memref<!tpu.dma_semaphore, #tpu.memory_space<semaphore_mem>>)
      %dma_wait3A_253 = tpu.memref_slice %arg4[%mul3A_184] : memref<10240xf32, #tpu.memory_space<vmem_shared>> -> memref<640xf32, #tpu.memory_space<vmem_shared>>
      %dma_wait3A_254 = tpu.memref_slice %arg4[%mul3A_184] : memref<10240xf32, #tpu.memory_space<vmem_shared>> -> memref<640xf32, #tpu.memory_space<vmem_shared>>
      tpu.wait_dma2 semaphore(%run_scoped3A : memref<!tpu.dma_semaphore, #tpu.memory_space<semaphore_mem>>) src(%arg7 : memref<640xf32, #tpu.memory_space<vmem>>) dst(%dma_wait3A_254 : memref<640xf32, #tpu.memory_space<vmem_shared>>)
      tpu.yield
    }) : () -> ()
    %barrier3A = arith.constant 0 : index
    tpu.barrier barrier_id(%barrier3A)
    %dma_start3A = arith.constant 0 : i32
    %dma_start3A_185 = arith.constant 0 : i32
    %dma_start3A_186 = tpu.memref_slice %arg5[%dma_start3A, %dma_start3A_185] : memref<125x80xi32, #tpu.memory_space<vmem>> -> memref<1x80xi32, #tpu.memory_space<vmem>>
    %dma_start3A_187 = tpu.memref_squeeze %dma_start3A_186 : memref<1x80xi32, #tpu.memory_space<vmem>> -> memref<80xi32, #tpu.memory_space<vmem>>
    %dma_start3A_188 = arith.constant 0 : i32
    %dma_start3A_189 = tpu.memref_slice %arg4[%dma_start3A_188] : memref<10240xf32, #tpu.memory_space<vmem_shared>> -> memref<10240xf32, #tpu.memory_space<vmem_shared>>
    tpu.enqueue_indirect_dma source(%arg6 : memref<80xf32, #tpu.memory_space<vmem>>) target(%dma_start3A_189 : memref<10240xf32, #tpu.memory_space<vmem_shared>>) offsets(%dma_start3A_187 : memref<80xi32, #tpu.memory_space<vmem>>) semaphore(%arg8 : memref<!tpu.dma_semaphore, #tpu.memory_space<semaphore_mem>>) {add = true}
    %dma_start3A_190 = arith.constant 1 : i32
    %dma_start3A_191 = arith.constant 0 : i32
    %dma_start3A_192 = tpu.memref_slice %arg5[%dma_start3A_190, %dma_start3A_191] : memref<125x80xi32, #tpu.memory_space<vmem>> -> memref<1x80xi32, #tpu.memory_space<vmem>>
    %dma_start3A_193 = tpu.memref_squeeze %dma_start3A_192 : memref<1x80xi32, #tpu.memory_space<vmem>> -> memref<80xi32, #tpu.memory_space<vmem>>
    %dma_start3A_194 = arith.constant 0 : i32
    %dma_start3A_195 = tpu.memref_slice %arg4[%dma_start3A_194] : memref<10240xf32, #tpu.memory_space<vmem_shared>> -> memref<10240xf32, #tpu.memory_space<vmem_shared>>
    tpu.enqueue_indirect_dma source(%arg6 : memref<80xf32, #tpu.memory_space<vmem>>) target(%dma_start3A_195 : memref<10240xf32, #tpu.memory_space<vmem_shared>>) offsets(%dma_start3A_193 : memref<80xi32, #tpu.memory_space<vmem>>) semaphore(%arg9 : memref<!tpu.dma_semaphore, #tpu.memory_space<semaphore_mem>>) {add = true}
    %dma_start3A_196 = arith.constant 2 : i32
    %dma_start3A_197 = arith.constant 0 : i32
    %dma_start3A_198 = tpu.memref_slice %arg5[%dma_start3A_196, %dma_start3A_197] : memref<125x80xi32, #tpu.memory_space<vmem>> -> memref<1x80xi32, #tpu.memory_space<vmem>>
    %dma_start3A_199 = tpu.memref_squeeze %dma_start3A_198 : memref<1x80xi32, #tpu.memory_space<vmem>> -> memref<80xi32, #tpu.memory_space<vmem>>
    %dma_start3A_200 = arith.constant 0 : i32
    %dma_start3A_201 = tpu.memref_slice %arg4[%dma_start3A_200] : memref<10240xf32, #tpu.memory_space<vmem_shared>> -> memref<10240xf32, #tpu.memory_space<vmem_shared>>
    tpu.enqueue_indirect_dma source(%arg6 : memref<80xf32, #tpu.memory_space<vmem>>) target(%dma_start3A_201 : memref<10240xf32, #tpu.memory_space<vmem_shared>>) offsets(%dma_start3A_199 : memref<80xi32, #tpu.memory_space<vmem>>) semaphore(%arg10 : memref<!tpu.dma_semaphore, #tpu.memory_space<semaphore_mem>>) {add = true}
    %dma_start3A_202 = arith.constant 3 : i32
    %dma_start3A_203 = arith.constant 0 : i32
    %dma_start3A_204 = tpu.memref_slice %arg5[%dma_start3A_202, %dma_start3A_203] : memref<125x80xi32, #tpu.memory_space<vmem>> -> memref<1x80xi32, #tpu.memory_space<vmem>>
    %dma_start3A_205 = tpu.memref_squeeze %dma_start3A_204 : memref<1x80xi32, #tpu.memory_space<vmem>> -> memref<80xi32, #tpu.memory_space<vmem>>
    %dma_start3A_206 = arith.constant 0 : i32
    %dma_start3A_207 = tpu.memref_slice %arg4[%dma_start3A_206] : memref<10240xf32, #tpu.memory_space<vmem_shared>> -> memref<10240xf32, #tpu.memory_space<vmem_shared>>
    tpu.enqueue_indirect_dma source(%arg6 : memref<80xf32, #tpu.memory_space<vmem>>) target(%dma_start3A_207 : memref<10240xf32, #tpu.memory_space<vmem_shared>>) offsets(%dma_start3A_205 : memref<80xi32, #tpu.memory_space<vmem>>) semaphore(%arg11 : memref<!tpu.dma_semaphore, #tpu.memory_space<semaphore_mem>>) {add = true}
    %dma_start3A_208 = arith.constant 4 : i32
    %dma_start3A_209 = arith.constant 0 : i32
    %dma_start3A_210 = tpu.memref_slice %arg5[%dma_start3A_208, %dma_start3A_209] : memref<125x80xi32, #tpu.memory_space<vmem>> -> memref<1x80xi32, #tpu.memory_space<vmem>>
    %dma_start3A_211 = tpu.memref_squeeze %dma_start3A_210 : memref<1x80xi32, #tpu.memory_space<vmem>> -> memref<80xi32, #tpu.memory_space<vmem>>
    %dma_start3A_212 = arith.constant 0 : i32
    %dma_start3A_213 = tpu.memref_slice %arg4[%dma_start3A_212] : memref<10240xf32, #tpu.memory_space<vmem_shared>> -> memref<10240xf32, #tpu.memory_space<vmem_shared>>
    tpu.enqueue_indirect_dma source(%arg6 : memref<80xf32, #tpu.memory_space<vmem>>) target(%dma_start3A_213 : memref<10240xf32, #tpu.memory_space<vmem_shared>>) offsets(%dma_start3A_211 : memref<80xi32, #tpu.memory_space<vmem>>) semaphore(%arg12 : memref<!tpu.dma_semaphore, #tpu.memory_space<semaphore_mem>>) {add = true}
    %scan3A = arith.constant 0 : i32
    %scan3A_214 = arith.constant 0 : i32
    %scan3A_215 = arith.constant 24 : i32
    %scan3A_216 = arith.addi %scan3A_214, %scan3A_215 : i32
    %scan3A_217 = arith.constant 1 : i32
    scf.for %scan3A_251 = %scan3A_214 to %scan3A_216 step %scan3A_217  : i32 {
      %mul3A_252 = arith.constant 5 : i32
      %mul3A_253 = arith.muli %scan3A_251, %mul3A_252 : i32
      %add3A_254 = arith.constant 0 : i32
      %add3A_255 = arith.addi %mul3A_253, %add3A_254 : i32
      %dma_wait3A_256 = arith.constant 0 : i32
      %dma_wait3A_257 = tpu.memref_slice %arg5[%add3A_255, %dma_wait3A_256] : memref<125x80xi32, #tpu.memory_space<vmem>> -> memref<1x80xi32, #tpu.memory_space<vmem>>
      %dma_wait3A_258 = tpu.memref_squeeze %dma_wait3A_257 : memref<1x80xi32, #tpu.memory_space<vmem>> -> memref<80xi32, #tpu.memory_space<vmem>>
      %dma_wait3A_259 = arith.constant 0 : i32
      %dma_wait3A_260 = tpu.memref_slice %arg4[%dma_wait3A_259] : memref<10240xf32, #tpu.memory_space<vmem_shared>> -> memref<10240xf32, #tpu.memory_space<vmem_shared>>
      tpu.wait_indirect_dma semaphore(%arg8 : memref<!tpu.dma_semaphore, #tpu.memory_space<semaphore_mem>>) src(%arg6 : memref<80xf32, #tpu.memory_space<vmem>>) dst(%dma_wait3A_260 : memref<10240xf32, #tpu.memory_space<vmem_shared>>)
      %add3A_261 = arith.constant 5 : i32
      %add3A_262 = arith.addi %add3A_255, %add3A_261 : i32
      %dma_start3A_263 = arith.constant 0 : i32
      %dma_start3A_264 = tpu.memref_slice %arg5[%add3A_262, %dma_start3A_263] : memref<125x80xi32, #tpu.memory_space<vmem>> -> memref<1x80xi32, #tpu.memory_space<vmem>>
      %dma_start3A_265 = tpu.memref_squeeze %dma_start3A_264 : memref<1x80xi32, #tpu.memory_space<vmem>> -> memref<80xi32, #tpu.memory_space<vmem>>
      %dma_start3A_266 = arith.constant 0 : i32
      %dma_start3A_267 = tpu.memref_slice %arg4[%dma_start3A_266] : memref<10240xf32, #tpu.memory_space<vmem_shared>> -> memref<10240xf32, #tpu.memory_space<vmem_shared>>
      tpu.enqueue_indirect_dma source(%arg6 : memref<80xf32, #tpu.memory_space<vmem>>) target(%dma_start3A_267 : memref<10240xf32, #tpu.memory_space<vmem_shared>>) offsets(%dma_start3A_265 : memref<80xi32, #tpu.memory_space<vmem>>) semaphore(%arg8 : memref<!tpu.dma_semaphore, #tpu.memory_space<semaphore_mem>>) {add = true}
      %mul3A_268 = arith.constant 5 : i32
      %mul3A_269 = arith.muli %scan3A_251, %mul3A_268 : i32
      %add3A_270 = arith.constant 1 : i32
      %add3A_271 = arith.addi %mul3A_269, %add3A_270 : i32
      %dma_wait3A_272 = arith.constant 0 : i32
      %dma_wait3A_273 = tpu.memref_slice %arg5[%add3A_271, %dma_wait3A_272] : memref<125x80xi32, #tpu.memory_space<vmem>> -> memref<1x80xi32, #tpu.memory_space<vmem>>
      %dma_wait3A_274 = tpu.memref_squeeze %dma_wait3A_273 : memref<1x80xi32, #tpu.memory_space<vmem>> -> memref<80xi32, #tpu.memory_space<vmem>>
      %dma_wait3A_275 = arith.constant 0 : i32
      %dma_wait3A_276 = tpu.memref_slice %arg4[%dma_wait3A_275] : memref<10240xf32, #tpu.memory_space<vmem_shared>> -> memref<10240xf32, #tpu.memory_space<vmem_shared>>
      tpu.wait_indirect_dma semaphore(%arg9 : memref<!tpu.dma_semaphore, #tpu.memory_space<semaphore_mem>>) src(%arg6 : memref<80xf32, #tpu.memory_space<vmem>>) dst(%dma_wait3A_276 : memref<10240xf32, #tpu.memory_space<vmem_shared>>)
      %add3A_277 = arith.constant 5 : i32
      %add3A_278 = arith.addi %add3A_271, %add3A_277 : i32
      %dma_start3A_279 = arith.constant 0 : i32
      %dma_start3A_280 = tpu.memref_slice %arg5[%add3A_278, %dma_start3A_279] : memref<125x80xi32, #tpu.memory_space<vmem>> -> memref<1x80xi32, #tpu.memory_space<vmem>>
      %dma_start3A_281 = tpu.memref_squeeze %dma_start3A_280 : memref<1x80xi32, #tpu.memory_space<vmem>> -> memref<80xi32, #tpu.memory_space<vmem>>
      %dma_start3A_282 = arith.constant 0 : i32
      %dma_start3A_283 = tpu.memref_slice %arg4[%dma_start3A_282] : memref<10240xf32, #tpu.memory_space<vmem_shared>> -> memref<10240xf32, #tpu.memory_space<vmem_shared>>
      tpu.enqueue_indirect_dma source(%arg6 : memref<80xf32, #tpu.memory_space<vmem>>) target(%dma_start3A_283 : memref<10240xf32, #tpu.memory_space<vmem_shared>>) offsets(%dma_start3A_281 : memref<80xi32, #tpu.memory_space<vmem>>) semaphore(%arg9 : memref<!tpu.dma_semaphore, #tpu.memory_space<semaphore_mem>>) {add = true}
      %mul3A_284 = arith.constant 5 : i32
      %mul3A_285 = arith.muli %scan3A_251, %mul3A_284 : i32
      %add3A_286 = arith.constant 2 : i32
      %add3A_287 = arith.addi %mul3A_285, %add3A_286 : i32
      %dma_wait3A_288 = arith.constant 0 : i32
      %dma_wait3A_289 = tpu.memref_slice %arg5[%add3A_287, %dma_wait3A_288] : memref<125x80xi32, #tpu.memory_space<vmem>> -> memref<1x80xi32, #tpu.memory_space<vmem>>
      %dma_wait3A_290 = tpu.memref_squeeze %dma_wait3A_289 : memref<1x80xi32, #tpu.memory_space<vmem>> -> memref<80xi32, #tpu.memory_space<vmem>>
      %dma_wait3A_291 = arith.constant 0 : i32
      %dma_wait3A_292 = tpu.memref_slice %arg4[%dma_wait3A_291] : memref<10240xf32, #tpu.memory_space<vmem_shared>> -> memref<10240xf32, #tpu.memory_space<vmem_shared>>
      tpu.wait_indirect_dma semaphore(%arg10 : memref<!tpu.dma_semaphore, #tpu.memory_space<semaphore_mem>>) src(%arg6 : memref<80xf32, #tpu.memory_space<vmem>>) dst(%dma_wait3A_292 : memref<10240xf32, #tpu.memory_space<vmem_shared>>)
      %add3A_293 = arith.constant 5 : i32
      %add3A_294 = arith.addi %add3A_287, %add3A_293 : i32
      %dma_start3A_295 = arith.constant 0 : i32
      %dma_start3A_296 = tpu.memref_slice %arg5[%add3A_294, %dma_start3A_295] : memref<125x80xi32, #tpu.memory_space<vmem>> -> memref<1x80xi32, #tpu.memory_space<vmem>>
      %dma_start3A_297 = tpu.memref_squeeze %dma_start3A_296 : memref<1x80xi32, #tpu.memory_space<vmem>> -> memref<80xi32, #tpu.memory_space<vmem>>
      %dma_start3A_298 = arith.constant 0 : i32
      %dma_start3A_299 = tpu.memref_slice %arg4[%dma_start3A_298] : memref<10240xf32, #tpu.memory_space<vmem_shared>> -> memref<10240xf32, #tpu.memory_space<vmem_shared>>
      tpu.enqueue_indirect_dma source(%arg6 : memref<80xf32, #tpu.memory_space<vmem>>) target(%dma_start3A_299 : memref<10240xf32, #tpu.memory_space<vmem_shared>>) offsets(%dma_start3A_297 : memref<80xi32, #tpu.memory_space<vmem>>) semaphore(%arg10 : memref<!tpu.dma_semaphore, #tpu.memory_space<semaphore_mem>>) {add = true}
      %mul3A_300 = arith.constant 5 : i32
      %mul3A_301 = arith.muli %scan3A_251, %mul3A_300 : i32
      %add3A_302 = arith.constant 3 : i32
      %add3A_303 = arith.addi %mul3A_301, %add3A_302 : i32
      %dma_wait3A_304 = arith.constant 0 : i32
      %dma_wait3A_305 = tpu.memref_slice %arg5[%add3A_303, %dma_wait3A_304] : memref<125x80xi32, #tpu.memory_space<vmem>> -> memref<1x80xi32, #tpu.memory_space<vmem>>
      %dma_wait3A_306 = tpu.memref_squeeze %dma_wait3A_305 : memref<1x80xi32, #tpu.memory_space<vmem>> -> memref<80xi32, #tpu.memory_space<vmem>>
      %dma_wait3A_307 = arith.constant 0 : i32
      %dma_wait3A_308 = tpu.memref_slice %arg4[%dma_wait3A_307] : memref<10240xf32, #tpu.memory_space<vmem_shared>> -> memref<10240xf32, #tpu.memory_space<vmem_shared>>
      tpu.wait_indirect_dma semaphore(%arg11 : memref<!tpu.dma_semaphore, #tpu.memory_space<semaphore_mem>>) src(%arg6 : memref<80xf32, #tpu.memory_space<vmem>>) dst(%dma_wait3A_308 : memref<10240xf32, #tpu.memory_space<vmem_shared>>)
      %add3A_309 = arith.constant 5 : i32
      %add3A_310 = arith.addi %add3A_303, %add3A_309 : i32
      %dma_start3A_311 = arith.constant 0 : i32
      %dma_start3A_312 = tpu.memref_slice %arg5[%add3A_310, %dma_start3A_311] : memref<125x80xi32, #tpu.memory_space<vmem>> -> memref<1x80xi32, #tpu.memory_space<vmem>>
      %dma_start3A_313 = tpu.memref_squeeze %dma_start3A_312 : memref<1x80xi32, #tpu.memory_space<vmem>> -> memref<80xi32, #tpu.memory_space<vmem>>
      %dma_start3A_314 = arith.constant 0 : i32
      %dma_start3A_315 = tpu.memref_slice %arg4[%dma_start3A_314] : memref<10240xf32, #tpu.memory_space<vmem_shared>> -> memref<10240xf32, #tpu.memory_space<vmem_shared>>
      tpu.enqueue_indirect_dma source(%arg6 : memref<80xf32, #tpu.memory_space<vmem>>) target(%dma_start3A_315 : memref<10240xf32, #tpu.memory_space<vmem_shared>>) offsets(%dma_start3A_313 : memref<80xi32, #tpu.memory_space<vmem>>) semaphore(%arg11 : memref<!tpu.dma_semaphore, #tpu.memory_space<semaphore_mem>>) {add = true}
      %mul3A_316 = arith.constant 5 : i32
      %mul3A_317 = arith.muli %scan3A_251, %mul3A_316 : i32
      %add3A_318 = arith.constant 4 : i32
      %add3A_319 = arith.addi %mul3A_317, %add3A_318 : i32
      %dma_wait3A_320 = arith.constant 0 : i32
      %dma_wait3A_321 = tpu.memref_slice %arg5[%add3A_319, %dma_wait3A_320] : memref<125x80xi32, #tpu.memory_space<vmem>> -> memref<1x80xi32, #tpu.memory_space<vmem>>
      %dma_wait3A_322 = tpu.memref_squeeze %dma_wait3A_321 : memref<1x80xi32, #tpu.memory_space<vmem>> -> memref<80xi32, #tpu.memory_space<vmem>>
      %dma_wait3A_323 = arith.constant 0 : i32
      %dma_wait3A_324 = tpu.memref_slice %arg4[%dma_wait3A_323] : memref<10240xf32, #tpu.memory_space<vmem_shared>> -> memref<10240xf32, #tpu.memory_space<vmem_shared>>
      tpu.wait_indirect_dma semaphore(%arg12 : memref<!tpu.dma_semaphore, #tpu.memory_space<semaphore_mem>>) src(%arg6 : memref<80xf32, #tpu.memory_space<vmem>>) dst(%dma_wait3A_324 : memref<10240xf32, #tpu.memory_space<vmem_shared>>)
      %add3A_325 = arith.constant 5 : i32
      %add3A_326 = arith.addi %add3A_319, %add3A_325 : i32
      %dma_start3A_327 = arith.constant 0 : i32
      %dma_start3A_328 = tpu.memref_slice %arg5[%add3A_326, %dma_start3A_327] : memref<125x80xi32, #tpu.memory_space<vmem>> -> memref<1x80xi32, #tpu.memory_space<vmem>>
      %dma_start3A_329 = tpu.memref_squeeze %dma_start3A_328 : memref<1x80xi32, #tpu.memory_space<vmem>> -> memref<80xi32, #tpu.memory_space<vmem>>
      %dma_start3A_330 = arith.constant 0 : i32
      %dma_start3A_331 = tpu.memref_slice %arg4[%dma_start3A_330] : memref<10240xf32, #tpu.memory_space<vmem_shared>> -> memref<10240xf32, #tpu.memory_space<vmem_shared>>
      tpu.enqueue_indirect_dma source(%arg6 : memref<80xf32, #tpu.memory_space<vmem>>) target(%dma_start3A_331 : memref<10240xf32, #tpu.memory_space<vmem_shared>>) offsets(%dma_start3A_329 : memref<80xi32, #tpu.memory_space<vmem>>) semaphore(%arg12 : memref<!tpu.dma_semaphore, #tpu.memory_space<semaphore_mem>>) {add = true}
    }
    %scan3A_218 = arith.constant 24 : i32
    %dma_wait3A = arith.constant 0 : i32
    %dma_wait3A_219 = arith.constant 0 : i32
    %dma_wait3A_220 = tpu.memref_slice %arg5[%dma_wait3A, %dma_wait3A_219] : memref<125x80xi32, #tpu.memory_space<vmem>> -> memref<1x80xi32, #tpu.memory_space<vmem>>
    %dma_wait3A_221 = tpu.memref_squeeze %dma_wait3A_220 : memref<1x80xi32, #tpu.memory_space<vmem>> -> memref<80xi32, #tpu.memory_space<vmem>>
    %dma_wait3A_222 = arith.constant 0 : i32
    %dma_wait3A_223 = tpu.memref_slice %arg4[%dma_wait3A_222] : memref<10240xf32, #tpu.memory_space<vmem_shared>> -> memref<10240xf32, #tpu.memory_space<vmem_shared>>
    tpu.wait_indirect_dma semaphore(%arg8 : memref<!tpu.dma_semaphore, #tpu.memory_space<semaphore_mem>>) src(%arg6 : memref<80xf32, #tpu.memory_space<vmem>>) dst(%dma_wait3A_223 : memref<10240xf32, #tpu.memory_space<vmem_shared>>)
    %dma_wait3A_224 = arith.constant 1 : i32
    %dma_wait3A_225 = arith.constant 0 : i32
    %dma_wait3A_226 = tpu.memref_slice %arg5[%dma_wait3A_224, %dma_wait3A_225] : memref<125x80xi32, #tpu.memory_space<vmem>> -> memref<1x80xi32, #tpu.memory_space<vmem>>
    %dma_wait3A_227 = tpu.memref_squeeze %dma_wait3A_226 : memref<1x80xi32, #tpu.memory_space<vmem>> -> memref<80xi32, #tpu.memory_space<vmem>>
    %dma_wait3A_228 = arith.constant 0 : i32
    %dma_wait3A_229 = tpu.memref_slice %arg4[%dma_wait3A_228] : memref<10240xf32, #tpu.memory_space<vmem_shared>> -> memref<10240xf32, #tpu.memory_space<vmem_shared>>
    tpu.wait_indirect_dma semaphore(%arg9 : memref<!tpu.dma_semaphore, #tpu.memory_space<semaphore_mem>>) src(%arg6 : memref<80xf32, #tpu.memory_space<vmem>>) dst(%dma_wait3A_229 : memref<10240xf32, #tpu.memory_space<vmem_shared>>)
    %dma_wait3A_230 = arith.constant 2 : i32
    %dma_wait3A_231 = arith.constant 0 : i32
    %dma_wait3A_232 = tpu.memref_slice %arg5[%dma_wait3A_230, %dma_wait3A_231] : memref<125x80xi32, #tpu.memory_space<vmem>> -> memref<1x80xi32, #tpu.memory_space<vmem>>
    %dma_wait3A_233 = tpu.memref_squeeze %dma_wait3A_232 : memref<1x80xi32, #tpu.memory_space<vmem>> -> memref<80xi32, #tpu.memory_space<vmem>>
    %dma_wait3A_234 = arith.constant 0 : i32
    %dma_wait3A_235 = tpu.memref_slice %arg4[%dma_wait3A_234] : memref<10240xf32, #tpu.memory_space<vmem_shared>> -> memref<10240xf32, #tpu.memory_space<vmem_shared>>
    tpu.wait_indirect_dma semaphore(%arg10 : memref<!tpu.dma_semaphore, #tpu.memory_space<semaphore_mem>>) src(%arg6 : memref<80xf32, #tpu.memory_space<vmem>>) dst(%dma_wait3A_235 : memref<10240xf32, #tpu.memory_space<vmem_shared>>)
    %dma_wait3A_236 = arith.constant 3 : i32
    %dma_wait3A_237 = arith.constant 0 : i32
    %dma_wait3A_238 = tpu.memref_slice %arg5[%dma_wait3A_236, %dma_wait3A_237] : memref<125x80xi32, #tpu.memory_space<vmem>> -> memref<1x80xi32, #tpu.memory_space<vmem>>
    %dma_wait3A_239 = tpu.memref_squeeze %dma_wait3A_238 : memref<1x80xi32, #tpu.memory_space<vmem>> -> memref<80xi32, #tpu.memory_space<vmem>>
    %dma_wait3A_240 = arith.constant 0 : i32
    %dma_wait3A_241 = tpu.memref_slice %arg4[%dma_wait3A_240] : memref<10240xf32, #tpu.memory_space<vmem_shared>> -> memref<10240xf32, #tpu.memory_space<vmem_shared>>
    tpu.wait_indirect_dma semaphore(%arg11 : memref<!tpu.dma_semaphore, #tpu.memory_space<semaphore_mem>>) src(%arg6 : memref<80xf32, #tpu.memory_space<vmem>>) dst(%dma_wait3A_241 : memref<10240xf32, #tpu.memory_space<vmem_shared>>)
    %dma_wait3A_242 = arith.constant 4 : i32
    %dma_wait3A_243 = arith.constant 0 : i32
    %dma_wait3A_244 = tpu.memref_slice %arg5[%dma_wait3A_242, %dma_wait3A_243] : memref<125x80xi32, #tpu.memory_space<vmem>> -> memref<1x80xi32, #tpu.memory_space<vmem>>
    %dma_wait3A_245 = tpu.memref_squeeze %dma_wait3A_244 : memref<1x80xi32, #tpu.memory_space<vmem>> -> memref<80xi32, #tpu.memory_space<vmem>>
    %dma_wait3A_246 = arith.constant 0 : i32
    %dma_wait3A_247 = tpu.memref_slice %arg4[%dma_wait3A_246] : memref<10240xf32, #tpu.memory_space<vmem_shared>> -> memref<10240xf32, #tpu.memory_space<vmem_shared>>
    tpu.wait_indirect_dma semaphore(%arg12 : memref<!tpu.dma_semaphore, #tpu.memory_space<semaphore_mem>>) src(%arg6 : memref<80xf32, #tpu.memory_space<vmem>>) dst(%dma_wait3A_247 : memref<10240xf32, #tpu.memory_space<vmem_shared>>)
    %barrier3A_248 = arith.constant 0 : index
    tpu.barrier barrier_id(%barrier3A_248)
    %mul3A_249 = arith.constant 640 : i32
    %mul3A_250 = arith.muli %arg1, %mul3A_249 : i32
    "tpu.region"() ({
      %run_scoped3A = tpu.sem_alloc : memref<!tpu.dma_semaphore, #tpu.memory_space<semaphore_mem>>
      %dma_start3A_251 = arith.constant 0 : i32
      %dma_start3A_252 = tpu.memref_slice %arg3[%arg0, %arg1, %dma_start3A_251] : memref<2x16x640xf32, #tpu.memory_space<hbm>> -> memref<1x1x640xf32, #tpu.memory_space<hbm>>
      %dma_start3A_253 = tpu.memref_squeeze %dma_start3A_252 : memref<1x1x640xf32, #tpu.memory_space<hbm>> -> memref<640xf32, #tpu.memory_space<hbm>>
      %dma_start3A_254 = tpu.memref_slice %arg4[%mul3A_250] : memref<10240xf32, #tpu.memory_space<vmem_shared>> -> memref<640xf32, #tpu.memory_space<vmem_shared>>
      tpu.enqueue_dma source(%dma_start3A_254 : memref<640xf32, #tpu.memory_space<vmem_shared>>) target(%dma_start3A_253 : memref<640xf32, #tpu.memory_space<hbm>>) target_semaphore(%run_scoped3A : memref<!tpu.dma_semaphore, #tpu.memory_space<semaphore_mem>>)
      %dma_wait3A_255 = arith.constant 0 : i32
      %dma_wait3A_256 = tpu.memref_slice %arg3[%arg0, %arg1, %dma_wait3A_255] : memref<2x16x640xf32, #tpu.memory_space<hbm>> -> memref<1x1x640xf32, #tpu.memory_space<hbm>>
      %dma_wait3A_257 = tpu.memref_squeeze %dma_wait3A_256 : memref<1x1x640xf32, #tpu.memory_space<hbm>> -> memref<640xf32, #tpu.memory_space<hbm>>
      %dma_wait3A_258 = tpu.memref_slice %arg4[%mul3A_250] : memref<10240xf32, #tpu.memory_space<vmem_shared>> -> memref<640xf32, #tpu.memory_space<vmem_shared>>
      tpu.wait_dma2 semaphore(%run_scoped3A : memref<!tpu.dma_semaphore, #tpu.memory_space<semaphore_mem>>) src(%dma_wait3A_258 : memref<640xf32, #tpu.memory_space<vmem_shared>>) dst(%dma_wait3A_257 : memref<640xf32, #tpu.memory_space<hbm>>)
      tpu.yield
    }) : () -> ()
    return
  }
}

#map = affine_map<(d0, d1) -> (0, 0)>
#map1 = affine_map<(d0, d1) -> (0, 0, 0)>
#map2 = affine_map<(d0, d1) -> (0, 0, 0, 0)>
module attributes {stable_mosaic.version = 14 : i64} {
  func.func @_scat_body(%arg0: i32, %arg1: i32, %arg2: memref<32x10000xi32, #tpu.memory_space<hbm>>, %arg3: memref<32x250x40xi32, #tpu.memory_space<hbm>>, %arg4: memref<10000x128xf32, #tpu.memory_space<hbm>>, %arg5: memref<2x16x625x128xf32, #tpu.memory_space<hbm>>, %arg6: memref<10000x128xf32, #tpu.memory_space<vmem_shared>>, %arg7: memref<10000xi32, #tpu.memory_space<vmem>>, %arg8: memref<75x128xf32, #tpu.memory_space<vmem>>, %arg9: memref<40x128xf32, #tpu.memory_space<vmem>>, %arg10: memref<40x128xf32, #tpu.memory_space<vmem>>, %arg11: memref<40x128xf32, #tpu.memory_space<vmem>>, %arg12: memref<40x128xf32, #tpu.memory_space<vmem>>, %arg13: memref<40x128xf32, #tpu.memory_space<vmem>>, %arg14: memref<40xi32, #tpu.memory_space<vmem>>, %arg15: memref<40xi32, #tpu.memory_space<vmem>>, %arg16: memref<40xi32, #tpu.memory_space<vmem>>, %arg17: memref<40xi32, #tpu.memory_space<vmem>>, %arg18: memref<40xi32, #tpu.memory_space<vmem>>, %arg19: memref<!tpu.dma_semaphore, #tpu.memory_space<semaphore_mem>>, %arg20: memref<!tpu.dma_semaphore, #tpu.memory_space<semaphore_mem>>, %arg21: memref<!tpu.dma_semaphore, #tpu.memory_space<semaphore_mem>>, %arg22: memref<!tpu.dma_semaphore, #tpu.memory_space<semaphore_mem>>, %arg23: memref<!tpu.dma_semaphore, #tpu.memory_space<semaphore_mem>>, %arg24: memref<!tpu.dma_semaphore, #tpu.memory_space<semaphore_mem>>, %arg25: memref<!tpu.dma_semaphore, #tpu.memory_space<semaphore_mem>>, %arg26: memref<!tpu.dma_semaphore, #tpu.memory_space<semaphore_mem>>, %arg27: memref<!tpu.dma_semaphore, #tpu.memory_space<semaphore_mem>>, %arg28: memref<!tpu.dma_semaphore, #tpu.memory_space<semaphore_mem>>, %arg29: memref<!tpu.dma_semaphore, #tpu.memory_space<semaphore_mem>>, %arg30: memref<!tpu.dma_semaphore, #tpu.memory_space<semaphore_mem>>, %arg31: memref<!tpu.dma_semaphore, #tpu.memory_space<semaphore_mem>>, %arg32: memref<!tpu.dma_semaphore, #tpu.memory_space<semaphore_mem>>, %arg33: memref<!tpu.dma_semaphore, #tpu.memory_space<semaphore_mem>>) attributes {dimension_semantics = [#tpu.dimension_semantics<core_parallel>, #tpu.dimension_semantics<subcore_parallel>], iteration_bounds = array<i64: 2, 16>, scalar_prefetch = 0 : i64, scratch_operands = 28 : i64, tpu.core_type = #tpu.core_type<sc_vector_subcore>, window_params = [{transform_indices = #map}, {transform_indices = #map1}, {transform_indices = #map}, {transform_indices = #map2}]} {
    %mul3A = arith.constant 16 : i32
    %mul3A_0 = arith.muli %arg0, %mul3A : i32
    %add3A = arith.addi %mul3A_0, %arg1 : i32
    %broadcast_in_dim3A = arith.constant 0.000000e+00 : f32
    %broadcast_in_dim3A_1 = vector.broadcast %broadcast_in_dim3A : f32 to vector<16xf32>
    %scan3A = arith.constant 0 : i32
    %scan3A_2 = arith.constant 0 : i32
    %scan3A_3 = arith.constant 75 : i32
    %scan3A_4 = arith.addi %scan3A_2, %scan3A_3 : i32
    %scan3A_5 = arith.constant 1 : i32
    scf.for %scan3A_170 = %scan3A_2 to %scan3A_4 step %scan3A_5  : i32 {
      %swap3A = arith.index_cast %scan3A_170 : i32 to index
      %swap3A_171 = arith.constant 0 : index
      %swap3A_172 = tpu.vector_load %arg8[%swap3A, %swap3A_171] {strides = array<i32>} : memref<75x128xf32, #tpu.memory_space<vmem>>, vector<1x16xf32>,
      %swap3A_173 = vector.shape_cast %swap3A_172 : vector<1x16xf32> to vector<16xf32>
      %swap3A_174 = vector.shape_cast %broadcast_in_dim3A_1 : vector<16xf32> to vector<1x16xf32>
      tpu.vector_store %arg8[%swap3A, %swap3A_171], %swap3A_174 {strides = array<i32>} : memref<75x128xf32, #tpu.memory_space<vmem>>, vector<1x16xf32>,
      %swap3A_175 = arith.index_cast %scan3A_170 : i32 to index
      %swap3A_176 = arith.constant 16 : index
      %swap3A_177 = tpu.vector_load %arg8[%swap3A_175, %swap3A_176] {strides = array<i32>} : memref<75x128xf32, #tpu.memory_space<vmem>>, vector<1x16xf32>,
      %swap3A_178 = vector.shape_cast %swap3A_177 : vector<1x16xf32> to vector<16xf32>
      %swap3A_179 = vector.shape_cast %broadcast_in_dim3A_1 : vector<16xf32> to vector<1x16xf32>
      tpu.vector_store %arg8[%swap3A_175, %swap3A_176], %swap3A_179 {strides = array<i32>} : memref<75x128xf32, #tpu.memory_space<vmem>>, vector<1x16xf32>,
      %swap3A_180 = arith.index_cast %scan3A_170 : i32 to index
      %swap3A_181 = arith.constant 32 : index
      %swap3A_182 = tpu.vector_load %arg8[%swap3A_180, %swap3A_181] {strides = array<i32>} : memref<75x128xf32, #tpu.memory_space<vmem>>, vector<1x16xf32>,
      %swap3A_183 = vector.shape_cast %swap3A_182 : vector<1x16xf32> to vector<16xf32>
      %swap3A_184 = vector.shape_cast %broadcast_in_dim3A_1 : vector<16xf32> to vector<1x16xf32>
      tpu.vector_store %arg8[%swap3A_180, %swap3A_181], %swap3A_184 {strides = array<i32>} : memref<75x128xf32, #tpu.memory_space<vmem>>, vector<1x16xf32>,
      %swap3A_185 = arith.index_cast %scan3A_170 : i32 to index
      %swap3A_186 = arith.constant 48 : index
      %swap3A_187 = tpu.vector_load %arg8[%swap3A_185, %swap3A_186] {strides = array<i32>} : memref<75x128xf32, #tpu.memory_space<vmem>>, vector<1x16xf32>,
      %swap3A_188 = vector.shape_cast %swap3A_187 : vector<1x16xf32> to vector<16xf32>
      %swap3A_189 = vector.shape_cast %broadcast_in_dim3A_1 : vector<16xf32> to vector<1x16xf32>
      tpu.vector_store %arg8[%swap3A_185, %swap3A_186], %swap3A_189 {strides = array<i32>} : memref<75x128xf32, #tpu.memory_space<vmem>>, vector<1x16xf32>,
      %swap3A_190 = arith.index_cast %scan3A_170 : i32 to index
      %swap3A_191 = arith.constant 64 : index
      %swap3A_192 = tpu.vector_load %arg8[%swap3A_190, %swap3A_191] {strides = array<i32>} : memref<75x128xf32, #tpu.memory_space<vmem>>, vector<1x16xf32>,
      %swap3A_193 = vector.shape_cast %swap3A_192 : vector<1x16xf32> to vector<16xf32>
      %swap3A_194 = vector.shape_cast %broadcast_in_dim3A_1 : vector<16xf32> to vector<1x16xf32>
      tpu.vector_store %arg8[%swap3A_190, %swap3A_191], %swap3A_194 {strides = array<i32>} : memref<75x128xf32, #tpu.memory_space<vmem>>, vector<1x16xf32>,
      %swap3A_195 = arith.index_cast %scan3A_170 : i32 to index
      %swap3A_196 = arith.constant 80 : index
      %swap3A_197 = tpu.vector_load %arg8[%swap3A_195, %swap3A_196] {strides = array<i32>} : memref<75x128xf32, #tpu.memory_space<vmem>>, vector<1x16xf32>,
      %swap3A_198 = vector.shape_cast %swap3A_197 : vector<1x16xf32> to vector<16xf32>
      %swap3A_199 = vector.shape_cast %broadcast_in_dim3A_1 : vector<16xf32> to vector<1x16xf32>
      tpu.vector_store %arg8[%swap3A_195, %swap3A_196], %swap3A_199 {strides = array<i32>} : memref<75x128xf32, #tpu.memory_space<vmem>>, vector<1x16xf32>,
      %swap3A_200 = arith.index_cast %scan3A_170 : i32 to index
      %swap3A_201 = arith.constant 96 : index
      %swap3A_202 = tpu.vector_load %arg8[%swap3A_200, %swap3A_201] {strides = array<i32>} : memref<75x128xf32, #tpu.memory_space<vmem>>, vector<1x16xf32>,
      %swap3A_203 = vector.shape_cast %swap3A_202 : vector<1x16xf32> to vector<16xf32>
      %swap3A_204 = vector.shape_cast %broadcast_in_dim3A_1 : vector<16xf32> to vector<1x16xf32>
      tpu.vector_store %arg8[%swap3A_200, %swap3A_201], %swap3A_204 {strides = array<i32>} : memref<75x128xf32, #tpu.memory_space<vmem>>, vector<1x16xf32>,
      %swap3A_205 = arith.index_cast %scan3A_170 : i32 to index
      %swap3A_206 = arith.constant 112 : index
      %swap3A_207 = tpu.vector_load %arg8[%swap3A_205, %swap3A_206] {strides = array<i32>} : memref<75x128xf32, #tpu.memory_space<vmem>>, vector<1x16xf32>,
      %swap3A_208 = vector.shape_cast %swap3A_207 : vector<1x16xf32> to vector<16xf32>
      %swap3A_209 = vector.shape_cast %broadcast_in_dim3A_1 : vector<16xf32> to vector<1x16xf32>
      tpu.vector_store %arg8[%swap3A_205, %swap3A_206], %swap3A_209 {strides = array<i32>} : memref<75x128xf32, #tpu.memory_space<vmem>>, vector<1x16xf32>,
    }
    %scan3A_6 = arith.constant 75 : i32
    "tpu.region"() ({
      %run_scoped3A = tpu.sem_alloc : memref<!tpu.dma_semaphore, #tpu.memory_space<semaphore_mem>>
      %dma_start3A_170 = arith.constant 0 : i32
      %dma_start3A_171 = tpu.memref_slice %arg2[%add3A, %dma_start3A_170] : memref<32x10000xi32, #tpu.memory_space<hbm>> -> memref<1x10000xi32, #tpu.memory_space<hbm>>
      %dma_start3A_172 = tpu.memref_squeeze %dma_start3A_171 : memref<1x10000xi32, #tpu.memory_space<hbm>> -> memref<10000xi32, #tpu.memory_space<hbm>>
      %dma_start3A_173 = arith.constant 0 : i32
      %dma_start3A_174 = tpu.memref_slice %arg2[%add3A, %dma_start3A_173] : memref<32x10000xi32, #tpu.memory_space<hbm>> -> memref<1x10000xi32, #tpu.memory_space<hbm>>
      %dma_start3A_175 = tpu.memref_squeeze %dma_start3A_174 : memref<1x10000xi32, #tpu.memory_space<hbm>> -> memref<10000xi32, #tpu.memory_space<hbm>>
      tpu.enqueue_dma source(%dma_start3A_175 : memref<10000xi32, #tpu.memory_space<hbm>>) target(%arg7 : memref<10000xi32, #tpu.memory_space<vmem>>) target_semaphore(%run_scoped3A : memref<!tpu.dma_semaphore, #tpu.memory_space<semaphore_mem>>)
      %dma_wait3A_176 = arith.constant 0 : i32
      %dma_wait3A_177 = tpu.memref_slice %arg2[%add3A, %dma_wait3A_176] : memref<32x10000xi32, #tpu.memory_space<hbm>> -> memref<1x10000xi32, #tpu.memory_space<hbm>>
      %dma_wait3A_178 = tpu.memref_squeeze %dma_wait3A_177 : memref<1x10000xi32, #tpu.memory_space<hbm>> -> memref<10000xi32, #tpu.memory_space<hbm>>
      %dma_wait3A_179 = arith.constant 0 : i32
      %dma_wait3A_180 = tpu.memref_slice %arg2[%add3A, %dma_wait3A_179] : memref<32x10000xi32, #tpu.memory_space<hbm>> -> memref<1x10000xi32, #tpu.memory_space<hbm>>
      %dma_wait3A_181 = tpu.memref_squeeze %dma_wait3A_180 : memref<1x10000xi32, #tpu.memory_space<hbm>> -> memref<10000xi32, #tpu.memory_space<hbm>>
      tpu.wait_dma2 semaphore(%run_scoped3A : memref<!tpu.dma_semaphore, #tpu.memory_space<semaphore_mem>>) src(%dma_wait3A_181 : memref<10000xi32, #tpu.memory_space<hbm>>) dst(%arg7 : memref<10000xi32, #tpu.memory_space<vmem>>)
      tpu.yield
    }) : () -> ()
    %mul3A_7 = arith.constant 625 : i32
    %mul3A_8 = arith.muli %arg1, %mul3A_7 : i32
    %add3A_9 = arith.constant 0 : i32
    %add3A_10 = arith.addi %mul3A_8, %add3A_9 : i32
    "tpu.region"() ({
      %run_scoped3A = tpu.sem_alloc : memref<!tpu.dma_semaphore, #tpu.memory_space<semaphore_mem>>
      %dma_start3A_170 = arith.constant 0 : i32
      %dma_start3A_171 = tpu.memref_slice %arg6[%add3A_10, %dma_start3A_170] : memref<10000x128xf32, #tpu.memory_space<vmem_shared>> -> memref<75x128xf32, #tpu.memory_space<vmem_shared>>
      %dma_start3A_172 = arith.constant 0 : i32
      %dma_start3A_173 = tpu.memref_slice %arg6[%add3A_10, %dma_start3A_172] : memref<10000x128xf32, #tpu.memory_space<vmem_shared>> -> memref<75x128xf32, #tpu.memory_space<vmem_shared>>
      tpu.enqueue_dma source(%arg8 : memref<75x128xf32, #tpu.memory_space<vmem>>) target(%dma_start3A_173 : memref<75x128xf32, #tpu.memory_space<vmem_shared>>) target_semaphore(%run_scoped3A : memref<!tpu.dma_semaphore, #tpu.memory_space<semaphore_mem>>)
      %dma_wait3A_174 = arith.constant 0 : i32
      %dma_wait3A_175 = tpu.memref_slice %arg6[%add3A_10, %dma_wait3A_174] : memref<10000x128xf32, #tpu.memory_space<vmem_shared>> -> memref<75x128xf32, #tpu.memory_space<vmem_shared>>
      %dma_wait3A_176 = arith.constant 0 : i32
      %dma_wait3A_177 = tpu.memref_slice %arg6[%add3A_10, %dma_wait3A_176] : memref<10000x128xf32, #tpu.memory_space<vmem_shared>> -> memref<75x128xf32, #tpu.memory_space<vmem_shared>>
      tpu.wait_dma2 semaphore(%run_scoped3A : memref<!tpu.dma_semaphore, #tpu.memory_space<semaphore_mem>>) src(%arg8 : memref<75x128xf32, #tpu.memory_space<vmem>>) dst(%dma_wait3A_177 : memref<75x128xf32, #tpu.memory_space<vmem_shared>>)
      tpu.yield
    }) : () -> ()
    %mul3A_11 = arith.constant 625 : i32
    %mul3A_12 = arith.muli %arg1, %mul3A_11 : i32
    %add3A_13 = arith.constant 75 : i32
    %add3A_14 = arith.addi %mul3A_12, %add3A_13 : i32
    "tpu.region"() ({
      %run_scoped3A = tpu.sem_alloc : memref<!tpu.dma_semaphore, #tpu.memory_space<semaphore_mem>>
      %dma_start3A_170 = arith.constant 0 : i32
      %dma_start3A_171 = tpu.memref_slice %arg6[%add3A_14, %dma_start3A_170] : memref<10000x128xf32, #tpu.memory_space<vmem_shared>> -> memref<75x128xf32, #tpu.memory_space<vmem_shared>>
      %dma_start3A_172 = arith.constant 0 : i32
      %dma_start3A_173 = tpu.memref_slice %arg6[%add3A_14, %dma_start3A_172] : memref<10000x128xf32, #tpu.memory_space<vmem_shared>> -> memref<75x128xf32, #tpu.memory_space<vmem_shared>>
      tpu.enqueue_dma source(%arg8 : memref<75x128xf32, #tpu.memory_space<vmem>>) target(%dma_start3A_173 : memref<75x128xf32, #tpu.memory_space<vmem_shared>>) target_semaphore(%run_scoped3A : memref<!tpu.dma_semaphore, #tpu.memory_space<semaphore_mem>>)
      %dma_wait3A_174 = arith.constant 0 : i32
      %dma_wait3A_175 = tpu.memref_slice %arg6[%add3A_14, %dma_wait3A_174] : memref<10000x128xf32, #tpu.memory_space<vmem_shared>> -> memref<75x128xf32, #tpu.memory_space<vmem_shared>>
      %dma_wait3A_176 = arith.constant 0 : i32
      %dma_wait3A_177 = tpu.memref_slice %arg6[%add3A_14, %dma_wait3A_176] : memref<10000x128xf32, #tpu.memory_space<vmem_shared>> -> memref<75x128xf32, #tpu.memory_space<vmem_shared>>
      tpu.wait_dma2 semaphore(%run_scoped3A : memref<!tpu.dma_semaphore, #tpu.memory_space<semaphore_mem>>) src(%arg8 : memref<75x128xf32, #tpu.memory_space<vmem>>) dst(%dma_wait3A_177 : memref<75x128xf32, #tpu.memory_space<vmem_shared>>)
      tpu.yield
    }) : () -> ()
    %mul3A_15 = arith.constant 625 : i32
    %mul3A_16 = arith.muli %arg1, %mul3A_15 : i32
    %add3A_17 = arith.constant 150 : i32
    %add3A_18 = arith.addi %mul3A_16, %add3A_17 : i32
    "tpu.region"() ({
      %run_scoped3A = tpu.sem_alloc : memref<!tpu.dma_semaphore, #tpu.memory_space<semaphore_mem>>
      %dma_start3A_170 = arith.constant 0 : i32
      %dma_start3A_171 = tpu.memref_slice %arg6[%add3A_18, %dma_start3A_170] : memref<10000x128xf32, #tpu.memory_space<vmem_shared>> -> memref<75x128xf32, #tpu.memory_space<vmem_shared>>
      %dma_start3A_172 = arith.constant 0 : i32
      %dma_start3A_173 = tpu.memref_slice %arg6[%add3A_18, %dma_start3A_172] : memref<10000x128xf32, #tpu.memory_space<vmem_shared>> -> memref<75x128xf32, #tpu.memory_space<vmem_shared>>
      tpu.enqueue_dma source(%arg8 : memref<75x128xf32, #tpu.memory_space<vmem>>) target(%dma_start3A_173 : memref<75x128xf32, #tpu.memory_space<vmem_shared>>) target_semaphore(%run_scoped3A : memref<!tpu.dma_semaphore, #tpu.memory_space<semaphore_mem>>)
      %dma_wait3A_174 = arith.constant 0 : i32
      %dma_wait3A_175 = tpu.memref_slice %arg6[%add3A_18, %dma_wait3A_174] : memref<10000x128xf32, #tpu.memory_space<vmem_shared>> -> memref<75x128xf32, #tpu.memory_space<vmem_shared>>
      %dma_wait3A_176 = arith.constant 0 : i32
      %dma_wait3A_177 = tpu.memref_slice %arg6[%add3A_18, %dma_wait3A_176] : memref<10000x128xf32, #tpu.memory_space<vmem_shared>> -> memref<75x128xf32, #tpu.memory_space<vmem_shared>>
      tpu.wait_dma2 semaphore(%run_scoped3A : memref<!tpu.dma_semaphore, #tpu.memory_space<semaphore_mem>>) src(%arg8 : memref<75x128xf32, #tpu.memory_space<vmem>>) dst(%dma_wait3A_177 : memref<75x128xf32, #tpu.memory_space<vmem_shared>>)
      tpu.yield
    }) : () -> ()
    %mul3A_19 = arith.constant 625 : i32
    %mul3A_20 = arith.muli %arg1, %mul3A_19 : i32
    %add3A_21 = arith.constant 225 : i32
    %add3A_22 = arith.addi %mul3A_20, %add3A_21 : i32
    "tpu.region"() ({
      %run_scoped3A = tpu.sem_alloc : memref<!tpu.dma_semaphore, #tpu.memory_space<semaphore_mem>>
      %dma_start3A_170 = arith.constant 0 : i32
      %dma_start3A_171 = tpu.memref_slice %arg6[%add3A_22, %dma_start3A_170] : memref<10000x128xf32, #tpu.memory_space<vmem_shared>> -> memref<75x128xf32, #tpu.memory_space<vmem_shared>>
      %dma_start3A_172 = arith.constant 0 : i32
      %dma_start3A_173 = tpu.memref_slice %arg6[%add3A_22, %dma_start3A_172] : memref<10000x128xf32, #tpu.memory_space<vmem_shared>> -> memref<75x128xf32, #tpu.memory_space<vmem_shared>>
      tpu.enqueue_dma source(%arg8 : memref<75x128xf32, #tpu.memory_space<vmem>>) target(%dma_start3A_173 : memref<75x128xf32, #tpu.memory_space<vmem_shared>>) target_semaphore(%run_scoped3A : memref<!tpu.dma_semaphore, #tpu.memory_space<semaphore_mem>>)
      %dma_wait3A_174 = arith.constant 0 : i32
      %dma_wait3A_175 = tpu.memref_slice %arg6[%add3A_22, %dma_wait3A_174] : memref<10000x128xf32, #tpu.memory_space<vmem_shared>> -> memref<75x128xf32, #tpu.memory_space<vmem_shared>>
      %dma_wait3A_176 = arith.constant 0 : i32
      %dma_wait3A_177 = tpu.memref_slice %arg6[%add3A_22, %dma_wait3A_176] : memref<10000x128xf32, #tpu.memory_space<vmem_shared>> -> memref<75x128xf32, #tpu.memory_space<vmem_shared>>
      tpu.wait_dma2 semaphore(%run_scoped3A : memref<!tpu.dma_semaphore, #tpu.memory_space<semaphore_mem>>) src(%arg8 : memref<75x128xf32, #tpu.memory_space<vmem>>) dst(%dma_wait3A_177 : memref<75x128xf32, #tpu.memory_space<vmem_shared>>)
      tpu.yield
    }) : () -> ()
    %mul3A_23 = arith.constant 625 : i32
    %mul3A_24 = arith.muli %arg1, %mul3A_23 : i32
    %add3A_25 = arith.constant 300 : i32
    %add3A_26 = arith.addi %mul3A_24, %add3A_25 : i32
    "tpu.region"() ({
      %run_scoped3A = tpu.sem_alloc : memref<!tpu.dma_semaphore, #tpu.memory_space<semaphore_mem>>
      %dma_start3A_170 = arith.constant 0 : i32
      %dma_start3A_171 = tpu.memref_slice %arg6[%add3A_26, %dma_start3A_170] : memref<10000x128xf32, #tpu.memory_space<vmem_shared>> -> memref<75x128xf32, #tpu.memory_space<vmem_shared>>
      %dma_start3A_172 = arith.constant 0 : i32
      %dma_start3A_173 = tpu.memref_slice %arg6[%add3A_26, %dma_start3A_172] : memref<10000x128xf32, #tpu.memory_space<vmem_shared>> -> memref<75x128xf32, #tpu.memory_space<vmem_shared>>
      tpu.enqueue_dma source(%arg8 : memref<75x128xf32, #tpu.memory_space<vmem>>) target(%dma_start3A_173 : memref<75x128xf32, #tpu.memory_space<vmem_shared>>) target_semaphore(%run_scoped3A : memref<!tpu.dma_semaphore, #tpu.memory_space<semaphore_mem>>)
      %dma_wait3A_174 = arith.constant 0 : i32
      %dma_wait3A_175 = tpu.memref_slice %arg6[%add3A_26, %dma_wait3A_174] : memref<10000x128xf32, #tpu.memory_space<vmem_shared>> -> memref<75x128xf32, #tpu.memory_space<vmem_shared>>
      %dma_wait3A_176 = arith.constant 0 : i32
      %dma_wait3A_177 = tpu.memref_slice %arg6[%add3A_26, %dma_wait3A_176] : memref<10000x128xf32, #tpu.memory_space<vmem_shared>> -> memref<75x128xf32, #tpu.memory_space<vmem_shared>>
      tpu.wait_dma2 semaphore(%run_scoped3A : memref<!tpu.dma_semaphore, #tpu.memory_space<semaphore_mem>>) src(%arg8 : memref<75x128xf32, #tpu.memory_space<vmem>>) dst(%dma_wait3A_177 : memref<75x128xf32, #tpu.memory_space<vmem_shared>>)
      tpu.yield
    }) : () -> ()
    %mul3A_27 = arith.constant 625 : i32
    %mul3A_28 = arith.muli %arg1, %mul3A_27 : i32
    %add3A_29 = arith.constant 375 : i32
    %add3A_30 = arith.addi %mul3A_28, %add3A_29 : i32
    "tpu.region"() ({
      %run_scoped3A = tpu.sem_alloc : memref<!tpu.dma_semaphore, #tpu.memory_space<semaphore_mem>>
      %dma_start3A_170 = arith.constant 0 : i32
      %dma_start3A_171 = tpu.memref_slice %arg6[%add3A_30, %dma_start3A_170] : memref<10000x128xf32, #tpu.memory_space<vmem_shared>> -> memref<75x128xf32, #tpu.memory_space<vmem_shared>>
      %dma_start3A_172 = arith.constant 0 : i32
      %dma_start3A_173 = tpu.memref_slice %arg6[%add3A_30, %dma_start3A_172] : memref<10000x128xf32, #tpu.memory_space<vmem_shared>> -> memref<75x128xf32, #tpu.memory_space<vmem_shared>>
      tpu.enqueue_dma source(%arg8 : memref<75x128xf32, #tpu.memory_space<vmem>>) target(%dma_start3A_173 : memref<75x128xf32, #tpu.memory_space<vmem_shared>>) target_semaphore(%run_scoped3A : memref<!tpu.dma_semaphore, #tpu.memory_space<semaphore_mem>>)
      %dma_wait3A_174 = arith.constant 0 : i32
      %dma_wait3A_175 = tpu.memref_slice %arg6[%add3A_30, %dma_wait3A_174] : memref<10000x128xf32, #tpu.memory_space<vmem_shared>> -> memref<75x128xf32, #tpu.memory_space<vmem_shared>>
      %dma_wait3A_176 = arith.constant 0 : i32
      %dma_wait3A_177 = tpu.memref_slice %arg6[%add3A_30, %dma_wait3A_176] : memref<10000x128xf32, #tpu.memory_space<vmem_shared>> -> memref<75x128xf32, #tpu.memory_space<vmem_shared>>
      tpu.wait_dma2 semaphore(%run_scoped3A : memref<!tpu.dma_semaphore, #tpu.memory_space<semaphore_mem>>) src(%arg8 : memref<75x128xf32, #tpu.memory_space<vmem>>) dst(%dma_wait3A_177 : memref<75x128xf32, #tpu.memory_space<vmem_shared>>)
      tpu.yield
    }) : () -> ()
    %mul3A_31 = arith.constant 625 : i32
    %mul3A_32 = arith.muli %arg1, %mul3A_31 : i32
    %add3A_33 = arith.constant 450 : i32
    %add3A_34 = arith.addi %mul3A_32, %add3A_33 : i32
    "tpu.region"() ({
      %run_scoped3A = tpu.sem_alloc : memref<!tpu.dma_semaphore, #tpu.memory_space<semaphore_mem>>
      %dma_start3A_170 = arith.constant 0 : i32
      %dma_start3A_171 = tpu.memref_slice %arg6[%add3A_34, %dma_start3A_170] : memref<10000x128xf32, #tpu.memory_space<vmem_shared>> -> memref<75x128xf32, #tpu.memory_space<vmem_shared>>
      %dma_start3A_172 = arith.constant 0 : i32
      %dma_start3A_173 = tpu.memref_slice %arg6[%add3A_34, %dma_start3A_172] : memref<10000x128xf32, #tpu.memory_space<vmem_shared>> -> memref<75x128xf32, #tpu.memory_space<vmem_shared>>
      tpu.enqueue_dma source(%arg8 : memref<75x128xf32, #tpu.memory_space<vmem>>) target(%dma_start3A_173 : memref<75x128xf32, #tpu.memory_space<vmem_shared>>) target_semaphore(%run_scoped3A : memref<!tpu.dma_semaphore, #tpu.memory_space<semaphore_mem>>)
      %dma_wait3A_174 = arith.constant 0 : i32
      %dma_wait3A_175 = tpu.memref_slice %arg6[%add3A_34, %dma_wait3A_174] : memref<10000x128xf32, #tpu.memory_space<vmem_shared>> -> memref<75x128xf32, #tpu.memory_space<vmem_shared>>
      %dma_wait3A_176 = arith.constant 0 : i32
      %dma_wait3A_177 = tpu.memref_slice %arg6[%add3A_34, %dma_wait3A_176] : memref<10000x128xf32, #tpu.memory_space<vmem_shared>> -> memref<75x128xf32, #tpu.memory_space<vmem_shared>>
      tpu.wait_dma2 semaphore(%run_scoped3A : memref<!tpu.dma_semaphore, #tpu.memory_space<semaphore_mem>>) src(%arg8 : memref<75x128xf32, #tpu.memory_space<vmem>>) dst(%dma_wait3A_177 : memref<75x128xf32, #tpu.memory_space<vmem_shared>>)
      tpu.yield
    }) : () -> ()
    %mul3A_35 = arith.constant 625 : i32
    %mul3A_36 = arith.muli %arg1, %mul3A_35 : i32
    %add3A_37 = arith.constant 525 : i32
    %add3A_38 = arith.addi %mul3A_36, %add3A_37 : i32
    "tpu.region"() ({
      %run_scoped3A = tpu.sem_alloc : memref<!tpu.dma_semaphore, #tpu.memory_space<semaphore_mem>>
      %dma_start3A_170 = arith.constant 0 : i32
      %dma_start3A_171 = tpu.memref_slice %arg6[%add3A_38, %dma_start3A_170] : memref<10000x128xf32, #tpu.memory_space<vmem_shared>> -> memref<75x128xf32, #tpu.memory_space<vmem_shared>>
      %dma_start3A_172 = arith.constant 0 : i32
      %dma_start3A_173 = tpu.memref_slice %arg6[%add3A_38, %dma_start3A_172] : memref<10000x128xf32, #tpu.memory_space<vmem_shared>> -> memref<75x128xf32, #tpu.memory_space<vmem_shared>>
      tpu.enqueue_dma source(%arg8 : memref<75x128xf32, #tpu.memory_space<vmem>>) target(%dma_start3A_173 : memref<75x128xf32, #tpu.memory_space<vmem_shared>>) target_semaphore(%run_scoped3A : memref<!tpu.dma_semaphore, #tpu.memory_space<semaphore_mem>>)
      %dma_wait3A_174 = arith.constant 0 : i32
      %dma_wait3A_175 = tpu.memref_slice %arg6[%add3A_38, %dma_wait3A_174] : memref<10000x128xf32, #tpu.memory_space<vmem_shared>> -> memref<75x128xf32, #tpu.memory_space<vmem_shared>>
      %dma_wait3A_176 = arith.constant 0 : i32
      %dma_wait3A_177 = tpu.memref_slice %arg6[%add3A_38, %dma_wait3A_176] : memref<10000x128xf32, #tpu.memory_space<vmem_shared>> -> memref<75x128xf32, #tpu.memory_space<vmem_shared>>
      tpu.wait_dma2 semaphore(%run_scoped3A : memref<!tpu.dma_semaphore, #tpu.memory_space<semaphore_mem>>) src(%arg8 : memref<75x128xf32, #tpu.memory_space<vmem>>) dst(%dma_wait3A_177 : memref<75x128xf32, #tpu.memory_space<vmem_shared>>)
      tpu.yield
    }) : () -> ()
    %mul3A_39 = arith.constant 625 : i32
    %mul3A_40 = arith.muli %arg1, %mul3A_39 : i32
    %add3A_41 = arith.constant 600 : i32
    %add3A_42 = arith.addi %mul3A_40, %add3A_41 : i32
    "tpu.region"() ({
      %run_scoped3A = tpu.sem_alloc : memref<!tpu.dma_semaphore, #tpu.memory_space<semaphore_mem>>
      %dma_start3A_170 = arith.constant 0 : i32
      %dma_start3A_171 = arith.constant 0 : i32
      %dma_start3A_172 = tpu.memref_slice %arg8[%dma_start3A_170, %dma_start3A_171] : memref<75x128xf32, #tpu.memory_space<vmem>> -> memref<25x128xf32, #tpu.memory_space<vmem>>
      %dma_start3A_173 = arith.constant 0 : i32
      %dma_start3A_174 = tpu.memref_slice %arg6[%add3A_42, %dma_start3A_173] : memref<10000x128xf32, #tpu.memory_space<vmem_shared>> -> memref<25x128xf32, #tpu.memory_space<vmem_shared>>
      %dma_start3A_175 = arith.constant 0 : i32
      %dma_start3A_176 = tpu.memref_slice %arg6[%add3A_42, %dma_start3A_175] : memref<10000x128xf32, #tpu.memory_space<vmem_shared>> -> memref<25x128xf32, #tpu.memory_space<vmem_shared>>
      %dma_start3A_177 = arith.constant 0 : i32
      %dma_start3A_178 = arith.constant 0 : i32
      %dma_start3A_179 = tpu.memref_slice %arg8[%dma_start3A_177, %dma_start3A_178] : memref<75x128xf32, #tpu.memory_space<vmem>> -> memref<25x128xf32, #tpu.memory_space<vmem>>
      tpu.enqueue_dma source(%dma_start3A_179 : memref<25x128xf32, #tpu.memory_space<vmem>>) target(%dma_start3A_176 : memref<25x128xf32, #tpu.memory_space<vmem_shared>>) target_semaphore(%run_scoped3A : memref<!tpu.dma_semaphore, #tpu.memory_space<semaphore_mem>>)
      %dma_wait3A_180 = arith.constant 0 : i32
      %dma_wait3A_181 = arith.constant 0 : i32
      %dma_wait3A_182 = tpu.memref_slice %arg8[%dma_wait3A_180, %dma_wait3A_181] : memref<75x128xf32, #tpu.memory_space<vmem>> -> memref<25x128xf32, #tpu.memory_space<vmem>>
      %dma_wait3A_183 = arith.constant 0 : i32
      %dma_wait3A_184 = tpu.memref_slice %arg6[%add3A_42, %dma_wait3A_183] : memref<10000x128xf32, #tpu.memory_space<vmem_shared>> -> memref<25x128xf32, #tpu.memory_space<vmem_shared>>
      %dma_wait3A_185 = arith.constant 0 : i32
      %dma_wait3A_186 = tpu.memref_slice %arg6[%add3A_42, %dma_wait3A_185] : memref<10000x128xf32, #tpu.memory_space<vmem_shared>> -> memref<25x128xf32, #tpu.memory_space<vmem_shared>>
      %dma_wait3A_187 = arith.constant 0 : i32
      %dma_wait3A_188 = arith.constant 0 : i32
      %dma_wait3A_189 = tpu.memref_slice %arg8[%dma_wait3A_187, %dma_wait3A_188] : memref<75x128xf32, #tpu.memory_space<vmem>> -> memref<25x128xf32, #tpu.memory_space<vmem>>
      tpu.wait_dma2 semaphore(%run_scoped3A : memref<!tpu.dma_semaphore, #tpu.memory_space<semaphore_mem>>) src(%dma_wait3A_189 : memref<25x128xf32, #tpu.memory_space<vmem>>) dst(%dma_wait3A_186 : memref<25x128xf32, #tpu.memory_space<vmem_shared>>)
      tpu.yield
    }) : () -> ()
    %barrier3A = arith.constant 0 : index
    tpu.barrier barrier_id(%barrier3A)
    %dma_start3A = arith.constant 0 : i32
    %dma_start3A_43 = tpu.memref_slice %arg7[%dma_start3A] : memref<10000xi32, #tpu.memory_space<vmem>> -> memref<40xi32, #tpu.memory_space<vmem>>
    %dma_start3A_44 = arith.constant 0 : i32
    %dma_start3A_45 = arith.constant 0 : i32
    %dma_start3A_46 = tpu.memref_slice %arg4[%dma_start3A_44, %dma_start3A_45] : memref<10000x128xf32, #tpu.memory_space<hbm>> -> memref<10000x128xf32, #tpu.memory_space<hbm>>
    tpu.enqueue_indirect_dma source(%dma_start3A_46 : memref<10000x128xf32, #tpu.memory_space<hbm>>) target(%arg9 : memref<40x128xf32, #tpu.memory_space<vmem>>) offsets(%dma_start3A_43 : memref<40xi32, #tpu.memory_space<vmem>>) semaphore(%arg19 : memref<!tpu.dma_semaphore, #tpu.memory_space<semaphore_mem>>)
    %dma_start3A_47 = arith.constant 0 : i32
    %dma_start3A_48 = arith.constant 0 : i32
    %dma_start3A_49 = tpu.memref_slice %arg3[%add3A, %dma_start3A_47, %dma_start3A_48] : memref<32x250x40xi32, #tpu.memory_space<hbm>> -> memref<1x1x40xi32, #tpu.memory_space<hbm>>
    %dma_start3A_50 = tpu.memref_squeeze %dma_start3A_49 : memref<1x1x40xi32, #tpu.memory_space<hbm>> -> memref<40xi32, #tpu.memory_space<hbm>>
    %dma_start3A_51 = arith.constant 0 : i32
    %dma_start3A_52 = tpu.memref_slice %arg3[%add3A, %dma_start3A_47, %dma_start3A_51] : memref<32x250x40xi32, #tpu.memory_space<hbm>> -> memref<1x1x40xi32, #tpu.memory_space<hbm>>
    %dma_start3A_53 = tpu.memref_squeeze %dma_start3A_52 : memref<1x1x40xi32, #tpu.memory_space<hbm>> -> memref<40xi32, #tpu.memory_space<hbm>>
    tpu.enqueue_dma source(%dma_start3A_53 : memref<40xi32, #tpu.memory_space<hbm>>) target(%arg14 : memref<40xi32, #tpu.memory_space<vmem>>) target_semaphore(%arg29 : memref<!tpu.dma_semaphore, #tpu.memory_space<semaphore_mem>>)
    %dma_start3A_54 = arith.constant 40 : i32
    %dma_start3A_55 = tpu.memref_slice %arg7[%dma_start3A_54] : memref<10000xi32, #tpu.memory_space<vmem>> -> memref<40xi32, #tpu.memory_space<vmem>>
    %dma_start3A_56 = arith.constant 0 : i32
    %dma_start3A_57 = arith.constant 0 : i32
    %dma_start3A_58 = tpu.memref_slice %arg4[%dma_start3A_56, %dma_start3A_57] : memref<10000x128xf32, #tpu.memory_space<hbm>> -> memref<10000x128xf32, #tpu.memory_space<hbm>>
    tpu.enqueue_indirect_dma source(%dma_start3A_58 : memref<10000x128xf32, #tpu.memory_space<hbm>>) target(%arg10 : memref<40x128xf32, #tpu.memory_space<vmem>>) offsets(%dma_start3A_55 : memref<40xi32, #tpu.memory_space<vmem>>) semaphore(%arg20 : memref<!tpu.dma_semaphore, #tpu.memory_space<semaphore_mem>>)
    %dma_start3A_59 = arith.constant 1 : i32
    %dma_start3A_60 = arith.constant 0 : i32
    %dma_start3A_61 = tpu.memref_slice %arg3[%add3A, %dma_start3A_59, %dma_start3A_60] : memref<32x250x40xi32, #tpu.memory_space<hbm>> -> memref<1x1x40xi32, #tpu.memory_space<hbm>>
    %dma_start3A_62 = tpu.memref_squeeze %dma_start3A_61 : memref<1x1x40xi32, #tpu.memory_space<hbm>> -> memref<40xi32, #tpu.memory_space<hbm>>
    %dma_start3A_63 = arith.constant 0 : i32
    %dma_start3A_64 = tpu.memref_slice %arg3[%add3A, %dma_start3A_59, %dma_start3A_63] : memref<32x250x40xi32, #tpu.memory_space<hbm>> -> memref<1x1x40xi32, #tpu.memory_space<hbm>>
    %dma_start3A_65 = tpu.memref_squeeze %dma_start3A_64 : memref<1x1x40xi32, #tpu.memory_space<hbm>> -> memref<40xi32, #tpu.memory_space<hbm>>
    tpu.enqueue_dma source(%dma_start3A_65 : memref<40xi32, #tpu.memory_space<hbm>>) target(%arg15 : memref<40xi32, #tpu.memory_space<vmem>>) target_semaphore(%arg30 : memref<!tpu.dma_semaphore, #tpu.memory_space<semaphore_mem>>)
    %dma_start3A_66 = arith.constant 80 : i32
    %dma_start3A_67 = tpu.memref_slice %arg7[%dma_start3A_66] : memref<10000xi32, #tpu.memory_space<vmem>> -> memref<40xi32, #tpu.memory_space<vmem>>
    %dma_start3A_68 = arith.constant 0 : i32
    %dma_start3A_69 = arith.constant 0 : i32
    %dma_start3A_70 = tpu.memref_slice %arg4[%dma_start3A_68, %dma_start3A_69] : memref<10000x128xf32, #tpu.memory_space<hbm>> -> memref<10000x128xf32, #tpu.memory_space<hbm>>
    tpu.enqueue_indirect_dma source(%dma_start3A_70 : memref<10000x128xf32, #tpu.memory_space<hbm>>) target(%arg11 : memref<40x128xf32, #tpu.memory_space<vmem>>) offsets(%dma_start3A_67 : memref<40xi32, #tpu.memory_space<vmem>>) semaphore(%arg21 : memref<!tpu.dma_semaphore, #tpu.memory_space<semaphore_mem>>)
    %dma_start3A_71 = arith.constant 2 : i32
    %dma_start3A_72 = arith.constant 0 : i32
    %dma_start3A_73 = tpu.memref_slice %arg3[%add3A, %dma_start3A_71, %dma_start3A_72] : memref<32x250x40xi32, #tpu.memory_space<hbm>> -> memref<1x1x40xi32, #tpu.memory_space<hbm>>
    %dma_start3A_74 = tpu.memref_squeeze %dma_start3A_73 : memref<1x1x40xi32, #tpu.memory_space<hbm>> -> memref<40xi32, #tpu.memory_space<hbm>>
    %dma_start3A_75 = arith.constant 0 : i32
    %dma_start3A_76 = tpu.memref_slice %arg3[%add3A, %dma_start3A_71, %dma_start3A_75] : memref<32x250x40xi32, #tpu.memory_space<hbm>> -> memref<1x1x40xi32, #tpu.memory_space<hbm>>
    %dma_start3A_77 = tpu.memref_squeeze %dma_start3A_76 : memref<1x1x40xi32, #tpu.memory_space<hbm>> -> memref<40xi32, #tpu.memory_space<hbm>>
    tpu.enqueue_dma source(%dma_start3A_77 : memref<40xi32, #tpu.memory_space<hbm>>) target(%arg16 : memref<40xi32, #tpu.memory_space<vmem>>) target_semaphore(%arg31 : memref<!tpu.dma_semaphore, #tpu.memory_space<semaphore_mem>>)
    %dma_start3A_78 = arith.constant 120 : i32
    %dma_start3A_79 = tpu.memref_slice %arg7[%dma_start3A_78] : memref<10000xi32, #tpu.memory_space<vmem>> -> memref<40xi32, #tpu.memory_space<vmem>>
    %dma_start3A_80 = arith.constant 0 : i32
    %dma_start3A_81 = arith.constant 0 : i32
    %dma_start3A_82 = tpu.memref_slice %arg4[%dma_start3A_80, %dma_start3A_81] : memref<10000x128xf32, #tpu.memory_space<hbm>> -> memref<10000x128xf32, #tpu.memory_space<hbm>>
    tpu.enqueue_indirect_dma source(%dma_start3A_82 : memref<10000x128xf32, #tpu.memory_space<hbm>>) target(%arg12 : memref<40x128xf32, #tpu.memory_space<vmem>>) offsets(%dma_start3A_79 : memref<40xi32, #tpu.memory_space<vmem>>) semaphore(%arg22 : memref<!tpu.dma_semaphore, #tpu.memory_space<semaphore_mem>>)
    %dma_start3A_83 = arith.constant 3 : i32
    %dma_start3A_84 = arith.constant 0 : i32
    %dma_start3A_85 = tpu.memref_slice %arg3[%add3A, %dma_start3A_83, %dma_start3A_84] : memref<32x250x40xi32, #tpu.memory_space<hbm>> -> memref<1x1x40xi32, #tpu.memory_space<hbm>>
    %dma_start3A_86 = tpu.memref_squeeze %dma_start3A_85 : memref<1x1x40xi32, #tpu.memory_space<hbm>> -> memref<40xi32, #tpu.memory_space<hbm>>
    %dma_start3A_87 = arith.constant 0 : i32
    %dma_start3A_88 = tpu.memref_slice %arg3[%add3A, %dma_start3A_83, %dma_start3A_87] : memref<32x250x40xi32, #tpu.memory_space<hbm>> -> memref<1x1x40xi32, #tpu.memory_space<hbm>>
    %dma_start3A_89 = tpu.memref_squeeze %dma_start3A_88 : memref<1x1x40xi32, #tpu.memory_space<hbm>> -> memref<40xi32, #tpu.memory_space<hbm>>
    tpu.enqueue_dma source(%dma_start3A_89 : memref<40xi32, #tpu.memory_space<hbm>>) target(%arg17 : memref<40xi32, #tpu.memory_space<vmem>>) target_semaphore(%arg32 : memref<!tpu.dma_semaphore, #tpu.memory_space<semaphore_mem>>)
    %dma_start3A_90 = arith.constant 160 : i32
    %dma_start3A_91 = tpu.memref_slice %arg7[%dma_start3A_90] : memref<10000xi32, #tpu.memory_space<vmem>> -> memref<40xi32, #tpu.memory_space<vmem>>
    %dma_start3A_92 = arith.constant 0 : i32
    %dma_start3A_93 = arith.constant 0 : i32
    %dma_start3A_94 = tpu.memref_slice %arg4[%dma_start3A_92, %dma_start3A_93] : memref<10000x128xf32, #tpu.memory_space<hbm>> -> memref<10000x128xf32, #tpu.memory_space<hbm>>
    tpu.enqueue_indirect_dma source(%dma_start3A_94 : memref<10000x128xf32, #tpu.memory_space<hbm>>) target(%arg13 : memref<40x128xf32, #tpu.memory_space<vmem>>) offsets(%dma_start3A_91 : memref<40xi32, #tpu.memory_space<vmem>>) semaphore(%arg23 : memref<!tpu.dma_semaphore, #tpu.memory_space<semaphore_mem>>)
    %dma_start3A_95 = arith.constant 4 : i32
    %dma_start3A_96 = arith.constant 0 : i32
    %dma_start3A_97 = tpu.memref_slice %arg3[%add3A, %dma_start3A_95, %dma_start3A_96] : memref<32x250x40xi32, #tpu.memory_space<hbm>> -> memref<1x1x40xi32, #tpu.memory_space<hbm>>
    %dma_start3A_98 = tpu.memref_squeeze %dma_start3A_97 : memref<1x1x40xi32, #tpu.memory_space<hbm>> -> memref<40xi32, #tpu.memory_space<hbm>>
    %dma_start3A_99 = arith.constant 0 : i32
    %dma_start3A_100 = tpu.memref_slice %arg3[%add3A, %dma_start3A_95, %dma_start3A_99] : memref<32x250x40xi32, #tpu.memory_space<hbm>> -> memref<1x1x40xi32, #tpu.memory_space<hbm>>
    %dma_start3A_101 = tpu.memref_squeeze %dma_start3A_100 : memref<1x1x40xi32, #tpu.memory_space<hbm>> -> memref<40xi32, #tpu.memory_space<hbm>>
    tpu.enqueue_dma source(%dma_start3A_101 : memref<40xi32, #tpu.memory_space<hbm>>) target(%arg18 : memref<40xi32, #tpu.memory_space<vmem>>) target_semaphore(%arg33 : memref<!tpu.dma_semaphore, #tpu.memory_space<semaphore_mem>>)
    %scan3A_102 = arith.constant 0 : i32
    %scan3A_103 = arith.constant 0 : i32
    %scan3A_104 = arith.constant 50 : i32
    %scan3A_105 = arith.addi %scan3A_103, %scan3A_104 : i32
    %scan3A_106 = arith.constant 1 : i32
    scf.for %scan3A_170 = %scan3A_103 to %scan3A_105 step %scan3A_106  : i32 {
      %mul3A_171 = arith.constant 5 : i32
      %mul3A_172 = arith.muli %scan3A_170, %mul3A_171 : i32
      %add3A_173 = arith.constant 0 : i32
      %add3A_174 = arith.addi %mul3A_172, %add3A_173 : i32
      %mul3A_175 = arith.constant 40 : i32
      %mul3A_176 = arith.muli %add3A_174, %mul3A_175 : i32
      %dma_wait3A_177 = tpu.memref_slice %arg7[%mul3A_176] : memref<10000xi32, #tpu.memory_space<vmem>> -> memref<40xi32, #tpu.memory_space<vmem>>
      %dma_wait3A_178 = arith.constant 0 : i32
      %dma_wait3A_179 = arith.constant 0 : i32
      %dma_wait3A_180 = tpu.memref_slice %arg4[%dma_wait3A_178, %dma_wait3A_179] : memref<10000x128xf32, #tpu.memory_space<hbm>> -> memref<10000x128xf32, #tpu.memory_space<hbm>>
      tpu.wait_indirect_dma semaphore(%arg19 : memref<!tpu.dma_semaphore, #tpu.memory_space<semaphore_mem>>) src(%dma_wait3A_180 : memref<10000x128xf32, #tpu.memory_space<hbm>>) dst(%arg9 : memref<40x128xf32, #tpu.memory_space<vmem>>)
      %dma_wait3A_181 = arith.constant 0 : i32
      %dma_wait3A_182 = tpu.memref_slice %arg3[%add3A, %add3A_174, %dma_wait3A_181] : memref<32x250x40xi32, #tpu.memory_space<hbm>> -> memref<1x1x40xi32, #tpu.memory_space<hbm>>
      %dma_wait3A_183 = tpu.memref_squeeze %dma_wait3A_182 : memref<1x1x40xi32, #tpu.memory_space<hbm>> -> memref<40xi32, #tpu.memory_space<hbm>>
      %dma_wait3A_184 = arith.constant 0 : i32
      %dma_wait3A_185 = tpu.memref_slice %arg3[%add3A, %add3A_174, %dma_wait3A_184] : memref<32x250x40xi32, #tpu.memory_space<hbm>> -> memref<1x1x40xi32, #tpu.memory_space<hbm>>
      %dma_wait3A_186 = tpu.memref_squeeze %dma_wait3A_185 : memref<1x1x40xi32, #tpu.memory_space<hbm>> -> memref<40xi32, #tpu.memory_space<hbm>>
      tpu.wait_dma2 semaphore(%arg29 : memref<!tpu.dma_semaphore, #tpu.memory_space<semaphore_mem>>) src(%dma_wait3A_186 : memref<40xi32, #tpu.memory_space<hbm>>) dst(%arg14 : memref<40xi32, #tpu.memory_space<vmem>>)
      %dma_start3A_187 = arith.constant 0 : i32
      %dma_start3A_188 = arith.constant 0 : i32
      %dma_start3A_189 = tpu.memref_slice %arg6[%dma_start3A_187, %dma_start3A_188] : memref<10000x128xf32, #tpu.memory_space<vmem_shared>> -> memref<10000x128xf32, #tpu.memory_space<vmem_shared>>
      tpu.enqueue_indirect_dma source(%arg9 : memref<40x128xf32, #tpu.memory_space<vmem>>) target(%dma_start3A_189 : memref<10000x128xf32, #tpu.memory_space<vmem_shared>>) offsets(%arg14 : memref<40xi32, #tpu.memory_space<vmem>>) semaphore(%arg24 : memref<!tpu.dma_semaphore, #tpu.memory_space<semaphore_mem>>) {add = true}
      %mul3A_190 = arith.constant 5 : i32
      %mul3A_191 = arith.muli %scan3A_170, %mul3A_190 : i32
      %add3A_192 = arith.constant 1 : i32
      %add3A_193 = arith.addi %mul3A_191, %add3A_192 : i32
      %mul3A_194 = arith.constant 40 : i32
      %mul3A_195 = arith.muli %add3A_193, %mul3A_194 : i32
      %dma_wait3A_196 = tpu.memref_slice %arg7[%mul3A_195] : memref<10000xi32, #tpu.memory_space<vmem>> -> memref<40xi32, #tpu.memory_space<vmem>>
      %dma_wait3A_197 = arith.constant 0 : i32
      %dma_wait3A_198 = arith.constant 0 : i32
      %dma_wait3A_199 = tpu.memref_slice %arg4[%dma_wait3A_197, %dma_wait3A_198] : memref<10000x128xf32, #tpu.memory_space<hbm>> -> memref<10000x128xf32, #tpu.memory_space<hbm>>
      tpu.wait_indirect_dma semaphore(%arg20 : memref<!tpu.dma_semaphore, #tpu.memory_space<semaphore_mem>>) src(%dma_wait3A_199 : memref<10000x128xf32, #tpu.memory_space<hbm>>) dst(%arg10 : memref<40x128xf32, #tpu.memory_space<vmem>>)
      %dma_wait3A_200 = arith.constant 0 : i32
      %dma_wait3A_201 = tpu.memref_slice %arg3[%add3A, %add3A_193, %dma_wait3A_200] : memref<32x250x40xi32, #tpu.memory_space<hbm>> -> memref<1x1x40xi32, #tpu.memory_space<hbm>>
      %dma_wait3A_202 = tpu.memref_squeeze %dma_wait3A_201 : memref<1x1x40xi32, #tpu.memory_space<hbm>> -> memref<40xi32, #tpu.memory_space<hbm>>
      %dma_wait3A_203 = arith.constant 0 : i32
      %dma_wait3A_204 = tpu.memref_slice %arg3[%add3A, %add3A_193, %dma_wait3A_203] : memref<32x250x40xi32, #tpu.memory_space<hbm>> -> memref<1x1x40xi32, #tpu.memory_space<hbm>>
      %dma_wait3A_205 = tpu.memref_squeeze %dma_wait3A_204 : memref<1x1x40xi32, #tpu.memory_space<hbm>> -> memref<40xi32, #tpu.memory_space<hbm>>
      tpu.wait_dma2 semaphore(%arg30 : memref<!tpu.dma_semaphore, #tpu.memory_space<semaphore_mem>>) src(%dma_wait3A_205 : memref<40xi32, #tpu.memory_space<hbm>>) dst(%arg15 : memref<40xi32, #tpu.memory_space<vmem>>)
      %dma_start3A_206 = arith.constant 0 : i32
      %dma_start3A_207 = arith.constant 0 : i32
      %dma_start3A_208 = tpu.memref_slice %arg6[%dma_start3A_206, %dma_start3A_207] : memref<10000x128xf32, #tpu.memory_space<vmem_shared>> -> memref<10000x128xf32, #tpu.memory_space<vmem_shared>>
      tpu.enqueue_indirect_dma source(%arg10 : memref<40x128xf32, #tpu.memory_space<vmem>>) target(%dma_start3A_208 : memref<10000x128xf32, #tpu.memory_space<vmem_shared>>) offsets(%arg15 : memref<40xi32, #tpu.memory_space<vmem>>) semaphore(%arg25 : memref<!tpu.dma_semaphore, #tpu.memory_space<semaphore_mem>>) {add = true}
      %mul3A_209 = arith.constant 5 : i32
      %mul3A_210 = arith.muli %scan3A_170, %mul3A_209 : i32
      %add3A_211 = arith.constant 2 : i32
      %add3A_212 = arith.addi %mul3A_210, %add3A_211 : i32
      %mul3A_213 = arith.constant 40 : i32
      %mul3A_214 = arith.muli %add3A_212, %mul3A_213 : i32
      %dma_wait3A_215 = tpu.memref_slice %arg7[%mul3A_214] : memref<10000xi32, #tpu.memory_space<vmem>> -> memref<40xi32, #tpu.memory_space<vmem>>
      %dma_wait3A_216 = arith.constant 0 : i32
      %dma_wait3A_217 = arith.constant 0 : i32
      %dma_wait3A_218 = tpu.memref_slice %arg4[%dma_wait3A_216, %dma_wait3A_217] : memref<10000x128xf32, #tpu.memory_space<hbm>> -> memref<10000x128xf32, #tpu.memory_space<hbm>>
      tpu.wait_indirect_dma semaphore(%arg21 : memref<!tpu.dma_semaphore, #tpu.memory_space<semaphore_mem>>) src(%dma_wait3A_218 : memref<10000x128xf32, #tpu.memory_space<hbm>>) dst(%arg11 : memref<40x128xf32, #tpu.memory_space<vmem>>)
      %dma_wait3A_219 = arith.constant 0 : i32
      %dma_wait3A_220 = tpu.memref_slice %arg3[%add3A, %add3A_212, %dma_wait3A_219] : memref<32x250x40xi32, #tpu.memory_space<hbm>> -> memref<1x1x40xi32, #tpu.memory_space<hbm>>
      %dma_wait3A_221 = tpu.memref_squeeze %dma_wait3A_220 : memref<1x1x40xi32, #tpu.memory_space<hbm>> -> memref<40xi32, #tpu.memory_space<hbm>>
      %dma_wait3A_222 = arith.constant 0 : i32
      %dma_wait3A_223 = tpu.memref_slice %arg3[%add3A, %add3A_212, %dma_wait3A_222] : memref<32x250x40xi32, #tpu.memory_space<hbm>> -> memref<1x1x40xi32, #tpu.memory_space<hbm>>
      %dma_wait3A_224 = tpu.memref_squeeze %dma_wait3A_223 : memref<1x1x40xi32, #tpu.memory_space<hbm>> -> memref<40xi32, #tpu.memory_space<hbm>>
      tpu.wait_dma2 semaphore(%arg31 : memref<!tpu.dma_semaphore, #tpu.memory_space<semaphore_mem>>) src(%dma_wait3A_224 : memref<40xi32, #tpu.memory_space<hbm>>) dst(%arg16 : memref<40xi32, #tpu.memory_space<vmem>>)
      %dma_start3A_225 = arith.constant 0 : i32
      %dma_start3A_226 = arith.constant 0 : i32
      %dma_start3A_227 = tpu.memref_slice %arg6[%dma_start3A_225, %dma_start3A_226] : memref<10000x128xf32, #tpu.memory_space<vmem_shared>> -> memref<10000x128xf32, #tpu.memory_space<vmem_shared>>
      tpu.enqueue_indirect_dma source(%arg11 : memref<40x128xf32, #tpu.memory_space<vmem>>) target(%dma_start3A_227 : memref<10000x128xf32, #tpu.memory_space<vmem_shared>>) offsets(%arg16 : memref<40xi32, #tpu.memory_space<vmem>>) semaphore(%arg26 : memref<!tpu.dma_semaphore, #tpu.memory_space<semaphore_mem>>) {add = true}
      %mul3A_228 = arith.constant 5 : i32
      %mul3A_229 = arith.muli %scan3A_170, %mul3A_228 : i32
      %add3A_230 = arith.constant 3 : i32
      %add3A_231 = arith.addi %mul3A_229, %add3A_230 : i32
      %mul3A_232 = arith.constant 40 : i32
      %mul3A_233 = arith.muli %add3A_231, %mul3A_232 : i32
      %dma_wait3A_234 = tpu.memref_slice %arg7[%mul3A_233] : memref<10000xi32, #tpu.memory_space<vmem>> -> memref<40xi32, #tpu.memory_space<vmem>>
      %dma_wait3A_235 = arith.constant 0 : i32
      %dma_wait3A_236 = arith.constant 0 : i32
      %dma_wait3A_237 = tpu.memref_slice %arg4[%dma_wait3A_235, %dma_wait3A_236] : memref<10000x128xf32, #tpu.memory_space<hbm>> -> memref<10000x128xf32, #tpu.memory_space<hbm>>
      tpu.wait_indirect_dma semaphore(%arg22 : memref<!tpu.dma_semaphore, #tpu.memory_space<semaphore_mem>>) src(%dma_wait3A_237 : memref<10000x128xf32, #tpu.memory_space<hbm>>) dst(%arg12 : memref<40x128xf32, #tpu.memory_space<vmem>>)
      %dma_wait3A_238 = arith.constant 0 : i32
      %dma_wait3A_239 = tpu.memref_slice %arg3[%add3A, %add3A_231, %dma_wait3A_238] : memref<32x250x40xi32, #tpu.memory_space<hbm>> -> memref<1x1x40xi32, #tpu.memory_space<hbm>>
      %dma_wait3A_240 = tpu.memref_squeeze %dma_wait3A_239 : memref<1x1x40xi32, #tpu.memory_space<hbm>> -> memref<40xi32, #tpu.memory_space<hbm>>
      %dma_wait3A_241 = arith.constant 0 : i32
      %dma_wait3A_242 = tpu.memref_slice %arg3[%add3A, %add3A_231, %dma_wait3A_241] : memref<32x250x40xi32, #tpu.memory_space<hbm>> -> memref<1x1x40xi32, #tpu.memory_space<hbm>>
      %dma_wait3A_243 = tpu.memref_squeeze %dma_wait3A_242 : memref<1x1x40xi32, #tpu.memory_space<hbm>> -> memref<40xi32, #tpu.memory_space<hbm>>
      tpu.wait_dma2 semaphore(%arg32 : memref<!tpu.dma_semaphore, #tpu.memory_space<semaphore_mem>>) src(%dma_wait3A_243 : memref<40xi32, #tpu.memory_space<hbm>>) dst(%arg17 : memref<40xi32, #tpu.memory_space<vmem>>)
      %dma_start3A_244 = arith.constant 0 : i32
      %dma_start3A_245 = arith.constant 0 : i32
      %dma_start3A_246 = tpu.memref_slice %arg6[%dma_start3A_244, %dma_start3A_245] : memref<10000x128xf32, #tpu.memory_space<vmem_shared>> -> memref<10000x128xf32, #tpu.memory_space<vmem_shared>>
      tpu.enqueue_indirect_dma source(%arg12 : memref<40x128xf32, #tpu.memory_space<vmem>>) target(%dma_start3A_246 : memref<10000x128xf32, #tpu.memory_space<vmem_shared>>) offsets(%arg17 : memref<40xi32, #tpu.memory_space<vmem>>) semaphore(%arg27 : memref<!tpu.dma_semaphore, #tpu.memory_space<semaphore_mem>>) {add = true}
      %mul3A_247 = arith.constant 5 : i32
      %mul3A_248 = arith.muli %scan3A_170, %mul3A_247 : i32
      %add3A_249 = arith.constant 4 : i32
      %add3A_250 = arith.addi %mul3A_248, %add3A_249 : i32
      %mul3A_251 = arith.constant 40 : i32
      %mul3A_252 = arith.muli %add3A_250, %mul3A_251 : i32
      %dma_wait3A_253 = tpu.memref_slice %arg7[%mul3A_252] : memref<10000xi32, #tpu.memory_space<vmem>> -> memref<40xi32, #tpu.memory_space<vmem>>
      %dma_wait3A_254 = arith.constant 0 : i32
      %dma_wait3A_255 = arith.constant 0 : i32
      %dma_wait3A_256 = tpu.memref_slice %arg4[%dma_wait3A_254, %dma_wait3A_255] : memref<10000x128xf32, #tpu.memory_space<hbm>> -> memref<10000x128xf32, #tpu.memory_space<hbm>>
      tpu.wait_indirect_dma semaphore(%arg23 : memref<!tpu.dma_semaphore, #tpu.memory_space<semaphore_mem>>) src(%dma_wait3A_256 : memref<10000x128xf32, #tpu.memory_space<hbm>>) dst(%arg13 : memref<40x128xf32, #tpu.memory_space<vmem>>)
      %dma_wait3A_257 = arith.constant 0 : i32
      %dma_wait3A_258 = tpu.memref_slice %arg3[%add3A, %add3A_250, %dma_wait3A_257] : memref<32x250x40xi32, #tpu.memory_space<hbm>> -> memref<1x1x40xi32, #tpu.memory_space<hbm>>
      %dma_wait3A_259 = tpu.memref_squeeze %dma_wait3A_258 : memref<1x1x40xi32, #tpu.memory_space<hbm>> -> memref<40xi32, #tpu.memory_space<hbm>>
      %dma_wait3A_260 = arith.constant 0 : i32
      %dma_wait3A_261 = tpu.memref_slice %arg3[%add3A, %add3A_250, %dma_wait3A_260] : memref<32x250x40xi32, #tpu.memory_space<hbm>> -> memref<1x1x40xi32, #tpu.memory_space<hbm>>
      %dma_wait3A_262 = tpu.memref_squeeze %dma_wait3A_261 : memref<1x1x40xi32, #tpu.memory_space<hbm>> -> memref<40xi32, #tpu.memory_space<hbm>>
      tpu.wait_dma2 semaphore(%arg33 : memref<!tpu.dma_semaphore, #tpu.memory_space<semaphore_mem>>) src(%dma_wait3A_262 : memref<40xi32, #tpu.memory_space<hbm>>) dst(%arg18 : memref<40xi32, #tpu.memory_space<vmem>>)
      %dma_start3A_263 = arith.constant 0 : i32
      %dma_start3A_264 = arith.constant 0 : i32
      %dma_start3A_265 = tpu.memref_slice %arg6[%dma_start3A_263, %dma_start3A_264] : memref<10000x128xf32, #tpu.memory_space<vmem_shared>> -> memref<10000x128xf32, #tpu.memory_space<vmem_shared>>
      tpu.enqueue_indirect_dma source(%arg13 : memref<40x128xf32, #tpu.memory_space<vmem>>) target(%dma_start3A_265 : memref<10000x128xf32, #tpu.memory_space<vmem_shared>>) offsets(%arg18 : memref<40xi32, #tpu.memory_space<vmem>>) semaphore(%arg28 : memref<!tpu.dma_semaphore, #tpu.memory_space<semaphore_mem>>) {add = true}
      %mul3A_266 = arith.constant 5 : i32
      %mul3A_267 = arith.muli %scan3A_170, %mul3A_266 : i32
      %add3A_268 = arith.constant 0 : i32
      %add3A_269 = arith.addi %mul3A_267, %add3A_268 : i32
      %add3A_270 = arith.constant 5 : i32
      %add3A_271 = arith.addi %add3A_269, %add3A_270 : i32
      %min3A = arith.constant 249 : i32
      %min3A_272 = arith.minsi %add3A_271, %min3A : i32
      %dma_wait3A_273 = arith.constant 0 : i32
      %dma_wait3A_274 = arith.constant 0 : i32
      %dma_wait3A_275 = tpu.memref_slice %arg6[%dma_wait3A_273, %dma_wait3A_274] : memref<10000x128xf32, #tpu.memory_space<vmem_shared>> -> memref<10000x128xf32, #tpu.memory_space<vmem_shared>>
      tpu.wait_indirect_dma semaphore(%arg24 : memref<!tpu.dma_semaphore, #tpu.memory_space<semaphore_mem>>) src(%arg9 : memref<40x128xf32, #tpu.memory_space<vmem>>) dst(%dma_wait3A_275 : memref<10000x128xf32, #tpu.memory_space<vmem_shared>>)
      %mul3A_276 = arith.constant 40 : i32
      %mul3A_277 = arith.muli %min3A_272, %mul3A_276 : i32
      %dma_start3A_278 = tpu.memref_slice %arg7[%mul3A_277] : memref<10000xi32, #tpu.memory_space<vmem>> -> memref<40xi32, #tpu.memory_space<vmem>>
      %dma_start3A_279 = arith.constant 0 : i32
      %dma_start3A_280 = arith.constant 0 : i32
      %dma_start3A_281 = tpu.memref_slice %arg4[%dma_start3A_279, %dma_start3A_280] : memref<10000x128xf32, #tpu.memory_space<hbm>> -> memref<10000x128xf32, #tpu.memory_space<hbm>>
      tpu.enqueue_indirect_dma source(%dma_start3A_281 : memref<10000x128xf32, #tpu.memory_space<hbm>>) target(%arg9 : memref<40x128xf32, #tpu.memory_space<vmem>>) offsets(%dma_start3A_278 : memref<40xi32, #tpu.memory_space<vmem>>) semaphore(%arg19 : memref<!tpu.dma_semaphore, #tpu.memory_space<semaphore_mem>>)
      %dma_start3A_282 = arith.constant 0 : i32
      %dma_start3A_283 = tpu.memref_slice %arg3[%add3A, %min3A_272, %dma_start3A_282] : memref<32x250x40xi32, #tpu.memory_space<hbm>> -> memref<1x1x40xi32, #tpu.memory_space<hbm>>
      %dma_start3A_284 = tpu.memref_squeeze %dma_start3A_283 : memref<1x1x40xi32, #tpu.memory_space<hbm>> -> memref<40xi32, #tpu.memory_space<hbm>>
      %dma_start3A_285 = arith.constant 0 : i32
      %dma_start3A_286 = tpu.memref_slice %arg3[%add3A, %min3A_272, %dma_start3A_285] : memref<32x250x40xi32, #tpu.memory_space<hbm>> -> memref<1x1x40xi32, #tpu.memory_space<hbm>>
      %dma_start3A_287 = tpu.memref_squeeze %dma_start3A_286 : memref<1x1x40xi32, #tpu.memory_space<hbm>> -> memref<40xi32, #tpu.memory_space<hbm>>
      tpu.enqueue_dma source(%dma_start3A_287 : memref<40xi32, #tpu.memory_space<hbm>>) target(%arg14 : memref<40xi32, #tpu.memory_space<vmem>>) target_semaphore(%arg29 : memref<!tpu.dma_semaphore, #tpu.memory_space<semaphore_mem>>)
      %mul3A_288 = arith.constant 5 : i32
      %mul3A_289 = arith.muli %scan3A_170, %mul3A_288 : i32
      %add3A_290 = arith.constant 1 : i32
      %add3A_291 = arith.addi %mul3A_289, %add3A_290 : i32
      %add3A_292 = arith.constant 5 : i32
      %add3A_293 = arith.addi %add3A_291, %add3A_292 : i32
      %min3A_294 = arith.constant 249 : i32
      %min3A_295 = arith.minsi %add3A_293, %min3A_294 : i32
      %dma_wait3A_296 = arith.constant 0 : i32
      %dma_wait3A_297 = arith.constant 0 : i32
      %dma_wait3A_298 = tpu.memref_slice %arg6[%dma_wait3A_296, %dma_wait3A_297] : memref<10000x128xf32, #tpu.memory_space<vmem_shared>> -> memref<10000x128xf32, #tpu.memory_space<vmem_shared>>
      tpu.wait_indirect_dma semaphore(%arg25 : memref<!tpu.dma_semaphore, #tpu.memory_space<semaphore_mem>>) src(%arg10 : memref<40x128xf32, #tpu.memory_space<vmem>>) dst(%dma_wait3A_298 : memref<10000x128xf32, #tpu.memory_space<vmem_shared>>)
      %mul3A_299 = arith.constant 40 : i32
      %mul3A_300 = arith.muli %min3A_295, %mul3A_299 : i32
      %dma_start3A_301 = tpu.memref_slice %arg7[%mul3A_300] : memref<10000xi32, #tpu.memory_space<vmem>> -> memref<40xi32, #tpu.memory_space<vmem>>
      %dma_start3A_302 = arith.constant 0 : i32
      %dma_start3A_303 = arith.constant 0 : i32
      %dma_start3A_304 = tpu.memref_slice %arg4[%dma_start3A_302, %dma_start3A_303] : memref<10000x128xf32, #tpu.memory_space<hbm>> -> memref<10000x128xf32, #tpu.memory_space<hbm>>
      tpu.enqueue_indirect_dma source(%dma_start3A_304 : memref<10000x128xf32, #tpu.memory_space<hbm>>) target(%arg10 : memref<40x128xf32, #tpu.memory_space<vmem>>) offsets(%dma_start3A_301 : memref<40xi32, #tpu.memory_space<vmem>>) semaphore(%arg20 : memref<!tpu.dma_semaphore, #tpu.memory_space<semaphore_mem>>)
      %dma_start3A_305 = arith.constant 0 : i32
      %dma_start3A_306 = tpu.memref_slice %arg3[%add3A, %min3A_295, %dma_start3A_305] : memref<32x250x40xi32, #tpu.memory_space<hbm>> -> memref<1x1x40xi32, #tpu.memory_space<hbm>>
      %dma_start3A_307 = tpu.memref_squeeze %dma_start3A_306 : memref<1x1x40xi32, #tpu.memory_space<hbm>> -> memref<40xi32, #tpu.memory_space<hbm>>
      %dma_start3A_308 = arith.constant 0 : i32
      %dma_start3A_309 = tpu.memref_slice %arg3[%add3A, %min3A_295, %dma_start3A_308] : memref<32x250x40xi32, #tpu.memory_space<hbm>> -> memref<1x1x40xi32, #tpu.memory_space<hbm>>
      %dma_start3A_310 = tpu.memref_squeeze %dma_start3A_309 : memref<1x1x40xi32, #tpu.memory_space<hbm>> -> memref<40xi32, #tpu.memory_space<hbm>>
      tpu.enqueue_dma source(%dma_start3A_310 : memref<40xi32, #tpu.memory_space<hbm>>) target(%arg15 : memref<40xi32, #tpu.memory_space<vmem>>) target_semaphore(%arg30 : memref<!tpu.dma_semaphore, #tpu.memory_space<semaphore_mem>>)
      %mul3A_311 = arith.constant 5 : i32
      %mul3A_312 = arith.muli %scan3A_170, %mul3A_311 : i32
      %add3A_313 = arith.constant 2 : i32
      %add3A_314 = arith.addi %mul3A_312, %add3A_313 : i32
      %add3A_315 = arith.constant 5 : i32
      %add3A_316 = arith.addi %add3A_314, %add3A_315 : i32
      %min3A_317 = arith.constant 249 : i32
      %min3A_318 = arith.minsi %add3A_316, %min3A_317 : i32
      %dma_wait3A_319 = arith.constant 0 : i32
      %dma_wait3A_320 = arith.constant 0 : i32
      %dma_wait3A_321 = tpu.memref_slice %arg6[%dma_wait3A_319, %dma_wait3A_320] : memref<10000x128xf32, #tpu.memory_space<vmem_shared>> -> memref<10000x128xf32, #tpu.memory_space<vmem_shared>>
      tpu.wait_indirect_dma semaphore(%arg26 : memref<!tpu.dma_semaphore, #tpu.memory_space<semaphore_mem>>) src(%arg11 : memref<40x128xf32, #tpu.memory_space<vmem>>) dst(%dma_wait3A_321 : memref<10000x128xf32, #tpu.memory_space<vmem_shared>>)
      %mul3A_322 = arith.constant 40 : i32
      %mul3A_323 = arith.muli %min3A_318, %mul3A_322 : i32
      %dma_start3A_324 = tpu.memref_slice %arg7[%mul3A_323] : memref<10000xi32, #tpu.memory_space<vmem>> -> memref<40xi32, #tpu.memory_space<vmem>>
      %dma_start3A_325 = arith.constant 0 : i32
      %dma_start3A_326 = arith.constant 0 : i32
      %dma_start3A_327 = tpu.memref_slice %arg4[%dma_start3A_325, %dma_start3A_326] : memref<10000x128xf32, #tpu.memory_space<hbm>> -> memref<10000x128xf32, #tpu.memory_space<hbm>>
      tpu.enqueue_indirect_dma source(%dma_start3A_327 : memref<10000x128xf32, #tpu.memory_space<hbm>>) target(%arg11 : memref<40x128xf32, #tpu.memory_space<vmem>>) offsets(%dma_start3A_324 : memref<40xi32, #tpu.memory_space<vmem>>) semaphore(%arg21 : memref<!tpu.dma_semaphore, #tpu.memory_space<semaphore_mem>>)
      %dma_start3A_328 = arith.constant 0 : i32
      %dma_start3A_329 = tpu.memref_slice %arg3[%add3A, %min3A_318, %dma_start3A_328] : memref<32x250x40xi32, #tpu.memory_space<hbm>> -> memref<1x1x40xi32, #tpu.memory_space<hbm>>
      %dma_start3A_330 = tpu.memref_squeeze %dma_start3A_329 : memref<1x1x40xi32, #tpu.memory_space<hbm>> -> memref<40xi32, #tpu.memory_space<hbm>>
      %dma_start3A_331 = arith.constant 0 : i32
      %dma_start3A_332 = tpu.memref_slice %arg3[%add3A, %min3A_318, %dma_start3A_331] : memref<32x250x40xi32, #tpu.memory_space<hbm>> -> memref<1x1x40xi32, #tpu.memory_space<hbm>>
      %dma_start3A_333 = tpu.memref_squeeze %dma_start3A_332 : memref<1x1x40xi32, #tpu.memory_space<hbm>> -> memref<40xi32, #tpu.memory_space<hbm>>
      tpu.enqueue_dma source(%dma_start3A_333 : memref<40xi32, #tpu.memory_space<hbm>>) target(%arg16 : memref<40xi32, #tpu.memory_space<vmem>>) target_semaphore(%arg31 : memref<!tpu.dma_semaphore, #tpu.memory_space<semaphore_mem>>)
      %mul3A_334 = arith.constant 5 : i32
      %mul3A_335 = arith.muli %scan3A_170, %mul3A_334 : i32
      %add3A_336 = arith.constant 3 : i32
      %add3A_337 = arith.addi %mul3A_335, %add3A_336 : i32
      %add3A_338 = arith.constant 5 : i32
      %add3A_339 = arith.addi %add3A_337, %add3A_338 : i32
      %min3A_340 = arith.constant 249 : i32
      %min3A_341 = arith.minsi %add3A_339, %min3A_340 : i32
      %dma_wait3A_342 = arith.constant 0 : i32
      %dma_wait3A_343 = arith.constant 0 : i32
      %dma_wait3A_344 = tpu.memref_slice %arg6[%dma_wait3A_342, %dma_wait3A_343] : memref<10000x128xf32, #tpu.memory_space<vmem_shared>> -> memref<10000x128xf32, #tpu.memory_space<vmem_shared>>
      tpu.wait_indirect_dma semaphore(%arg27 : memref<!tpu.dma_semaphore, #tpu.memory_space<semaphore_mem>>) src(%arg12 : memref<40x128xf32, #tpu.memory_space<vmem>>) dst(%dma_wait3A_344 : memref<10000x128xf32, #tpu.memory_space<vmem_shared>>)
      %mul3A_345 = arith.constant 40 : i32
      %mul3A_346 = arith.muli %min3A_341, %mul3A_345 : i32
      %dma_start3A_347 = tpu.memref_slice %arg7[%mul3A_346] : memref<10000xi32, #tpu.memory_space<vmem>> -> memref<40xi32, #tpu.memory_space<vmem>>
      %dma_start3A_348 = arith.constant 0 : i32
      %dma_start3A_349 = arith.constant 0 : i32
      %dma_start3A_350 = tpu.memref_slice %arg4[%dma_start3A_348, %dma_start3A_349] : memref<10000x128xf32, #tpu.memory_space<hbm>> -> memref<10000x128xf32, #tpu.memory_space<hbm>>
      tpu.enqueue_indirect_dma source(%dma_start3A_350 : memref<10000x128xf32, #tpu.memory_space<hbm>>) target(%arg12 : memref<40x128xf32, #tpu.memory_space<vmem>>) offsets(%dma_start3A_347 : memref<40xi32, #tpu.memory_space<vmem>>) semaphore(%arg22 : memref<!tpu.dma_semaphore, #tpu.memory_space<semaphore_mem>>)
      %dma_start3A_351 = arith.constant 0 : i32
      %dma_start3A_352 = tpu.memref_slice %arg3[%add3A, %min3A_341, %dma_start3A_351] : memref<32x250x40xi32, #tpu.memory_space<hbm>> -> memref<1x1x40xi32, #tpu.memory_space<hbm>>
      %dma_start3A_353 = tpu.memref_squeeze %dma_start3A_352 : memref<1x1x40xi32, #tpu.memory_space<hbm>> -> memref<40xi32, #tpu.memory_space<hbm>>
      %dma_start3A_354 = arith.constant 0 : i32
      %dma_start3A_355 = tpu.memref_slice %arg3[%add3A, %min3A_341, %dma_start3A_354] : memref<32x250x40xi32, #tpu.memory_space<hbm>> -> memref<1x1x40xi32, #tpu.memory_space<hbm>>
      %dma_start3A_356 = tpu.memref_squeeze %dma_start3A_355 : memref<1x1x40xi32, #tpu.memory_space<hbm>> -> memref<40xi32, #tpu.memory_space<hbm>>
      tpu.enqueue_dma source(%dma_start3A_356 : memref<40xi32, #tpu.memory_space<hbm>>) target(%arg17 : memref<40xi32, #tpu.memory_space<vmem>>) target_semaphore(%arg32 : memref<!tpu.dma_semaphore, #tpu.memory_space<semaphore_mem>>)
      %mul3A_357 = arith.constant 5 : i32
      %mul3A_358 = arith.muli %scan3A_170, %mul3A_357 : i32
      %add3A_359 = arith.constant 4 : i32
      %add3A_360 = arith.addi %mul3A_358, %add3A_359 : i32
      %add3A_361 = arith.constant 5 : i32
      %add3A_362 = arith.addi %add3A_360, %add3A_361 : i32
      %min3A_363 = arith.constant 249 : i32
      %min3A_364 = arith.minsi %add3A_362, %min3A_363 : i32
      %dma_wait3A_365 = arith.constant 0 : i32
      %dma_wait3A_366 = arith.constant 0 : i32
      %dma_wait3A_367 = tpu.memref_slice %arg6[%dma_wait3A_365, %dma_wait3A_366] : memref<10000x128xf32, #tpu.memory_space<vmem_shared>> -> memref<10000x128xf32, #tpu.memory_space<vmem_shared>>
      tpu.wait_indirect_dma semaphore(%arg28 : memref<!tpu.dma_semaphore, #tpu.memory_space<semaphore_mem>>) src(%arg13 : memref<40x128xf32, #tpu.memory_space<vmem>>) dst(%dma_wait3A_367 : memref<10000x128xf32, #tpu.memory_space<vmem_shared>>)
      %mul3A_368 = arith.constant 40 : i32
      %mul3A_369 = arith.muli %min3A_364, %mul3A_368 : i32
      %dma_start3A_370 = tpu.memref_slice %arg7[%mul3A_369] : memref<10000xi32, #tpu.memory_space<vmem>> -> memref<40xi32, #tpu.memory_space<vmem>>
      %dma_start3A_371 = arith.constant 0 : i32
      %dma_start3A_372 = arith.constant 0 : i32
      %dma_start3A_373 = tpu.memref_slice %arg4[%dma_start3A_371, %dma_start3A_372] : memref<10000x128xf32, #tpu.memory_space<hbm>> -> memref<10000x128xf32, #tpu.memory_space<hbm>>
      tpu.enqueue_indirect_dma source(%dma_start3A_373 : memref<10000x128xf32, #tpu.memory_space<hbm>>) target(%arg13 : memref<40x128xf32, #tpu.memory_space<vmem>>) offsets(%dma_start3A_370 : memref<40xi32, #tpu.memory_space<vmem>>) semaphore(%arg23 : memref<!tpu.dma_semaphore, #tpu.memory_space<semaphore_mem>>)
      %dma_start3A_374 = arith.constant 0 : i32
      %dma_start3A_375 = tpu.memref_slice %arg3[%add3A, %min3A_364, %dma_start3A_374] : memref<32x250x40xi32, #tpu.memory_space<hbm>> -> memref<1x1x40xi32, #tpu.memory_space<hbm>>
      %dma_start3A_376 = tpu.memref_squeeze %dma_start3A_375 : memref<1x1x40xi32, #tpu.memory_space<hbm>> -> memref<40xi32, #tpu.memory_space<hbm>>
      %dma_start3A_377 = arith.constant 0 : i32
      %dma_start3A_378 = tpu.memref_slice %arg3[%add3A, %min3A_364, %dma_start3A_377] : memref<32x250x40xi32, #tpu.memory_space<hbm>> -> memref<1x1x40xi32, #tpu.memory_space<hbm>>
      %dma_start3A_379 = tpu.memref_squeeze %dma_start3A_378 : memref<1x1x40xi32, #tpu.memory_space<hbm>> -> memref<40xi32, #tpu.memory_space<hbm>>
      tpu.enqueue_dma source(%dma_start3A_379 : memref<40xi32, #tpu.memory_space<hbm>>) target(%arg18 : memref<40xi32, #tpu.memory_space<vmem>>) target_semaphore(%arg33 : memref<!tpu.dma_semaphore, #tpu.memory_space<semaphore_mem>>)
    }
    %scan3A_107 = arith.constant 50 : i32
    %dma_wait3A = arith.constant 0 : i32
    %dma_wait3A_108 = tpu.memref_slice %arg7[%dma_wait3A] : memref<10000xi32, #tpu.memory_space<vmem>> -> memref<40xi32, #tpu.memory_space<vmem>>
    %dma_wait3A_109 = arith.constant 0 : i32
    %dma_wait3A_110 = arith.constant 0 : i32
    %dma_wait3A_111 = tpu.memref_slice %arg4[%dma_wait3A_109, %dma_wait3A_110] : memref<10000x128xf32, #tpu.memory_space<hbm>> -> memref<10000x128xf32, #tpu.memory_space<hbm>>
    tpu.wait_indirect_dma semaphore(%arg19 : memref<!tpu.dma_semaphore, #tpu.memory_space<semaphore_mem>>) src(%dma_wait3A_111 : memref<10000x128xf32, #tpu.memory_space<hbm>>) dst(%arg9 : memref<40x128xf32, #tpu.memory_space<vmem>>)
    %dma_wait3A_112 = arith.constant 0 : i32
    %dma_wait3A_113 = arith.constant 0 : i32
    %dma_wait3A_114 = tpu.memref_slice %arg3[%add3A, %dma_wait3A_112, %dma_wait3A_113] : memref<32x250x40xi32, #tpu.memory_space<hbm>> -> memref<1x1x40xi32, #tpu.memory_space<hbm>>
    %dma_wait3A_115 = tpu.memref_squeeze %dma_wait3A_114 : memref<1x1x40xi32, #tpu.memory_space<hbm>> -> memref<40xi32, #tpu.memory_space<hbm>>
    %dma_wait3A_116 = arith.constant 0 : i32
    %dma_wait3A_117 = tpu.memref_slice %arg3[%add3A, %dma_wait3A_112, %dma_wait3A_116] : memref<32x250x40xi32, #tpu.memory_space<hbm>> -> memref<1x1x40xi32, #tpu.memory_space<hbm>>
    %dma_wait3A_118 = tpu.memref_squeeze %dma_wait3A_117 : memref<1x1x40xi32, #tpu.memory_space<hbm>> -> memref<40xi32, #tpu.memory_space<hbm>>
    tpu.wait_dma2 semaphore(%arg29 : memref<!tpu.dma_semaphore, #tpu.memory_space<semaphore_mem>>) src(%dma_wait3A_118 : memref<40xi32, #tpu.memory_space<hbm>>) dst(%arg14 : memref<40xi32, #tpu.memory_space<vmem>>)
    %dma_wait3A_119 = arith.constant 0 : i32
    %dma_wait3A_120 = tpu.memref_slice %arg7[%dma_wait3A_119] : memref<10000xi32, #tpu.memory_space<vmem>> -> memref<40xi32, #tpu.memory_space<vmem>>
    %dma_wait3A_121 = arith.constant 0 : i32
    %dma_wait3A_122 = arith.constant 0 : i32
    %dma_wait3A_123 = tpu.memref_slice %arg4[%dma_wait3A_121, %dma_wait3A_122] : memref<10000x128xf32, #tpu.memory_space<hbm>> -> memref<10000x128xf32, #tpu.memory_space<hbm>>
    tpu.wait_indirect_dma semaphore(%arg20 : memref<!tpu.dma_semaphore, #tpu.memory_space<semaphore_mem>>) src(%dma_wait3A_123 : memref<10000x128xf32, #tpu.memory_space<hbm>>) dst(%arg10 : memref<40x128xf32, #tpu.memory_space<vmem>>)
    %dma_wait3A_124 = arith.constant 0 : i32
    %dma_wait3A_125 = arith.constant 0 : i32
    %dma_wait3A_126 = tpu.memref_slice %arg3[%add3A, %dma_wait3A_124, %dma_wait3A_125] : memref<32x250x40xi32, #tpu.memory_space<hbm>> -> memref<1x1x40xi32, #tpu.memory_space<hbm>>
    %dma_wait3A_127 = tpu.memref_squeeze %dma_wait3A_126 : memref<1x1x40xi32, #tpu.memory_space<hbm>> -> memref<40xi32, #tpu.memory_space<hbm>>
    %dma_wait3A_128 = arith.constant 0 : i32
    %dma_wait3A_129 = tpu.memref_slice %arg3[%add3A, %dma_wait3A_124, %dma_wait3A_128] : memref<32x250x40xi32, #tpu.memory_space<hbm>> -> memref<1x1x40xi32, #tpu.memory_space<hbm>>
    %dma_wait3A_130 = tpu.memref_squeeze %dma_wait3A_129 : memref<1x1x40xi32, #tpu.memory_space<hbm>> -> memref<40xi32, #tpu.memory_space<hbm>>
    tpu.wait_dma2 semaphore(%arg30 : memref<!tpu.dma_semaphore, #tpu.memory_space<semaphore_mem>>) src(%dma_wait3A_130 : memref<40xi32, #tpu.memory_space<hbm>>) dst(%arg15 : memref<40xi32, #tpu.memory_space<vmem>>)
    %dma_wait3A_131 = arith.constant 0 : i32
    %dma_wait3A_132 = tpu.memref_slice %arg7[%dma_wait3A_131] : memref<10000xi32, #tpu.memory_space<vmem>> -> memref<40xi32, #tpu.memory_space<vmem>>
    %dma_wait3A_133 = arith.constant 0 : i32
    %dma_wait3A_134 = arith.constant 0 : i32
    %dma_wait3A_135 = tpu.memref_slice %arg4[%dma_wait3A_133, %dma_wait3A_134] : memref<10000x128xf32, #tpu.memory_space<hbm>> -> memref<10000x128xf32, #tpu.memory_space<hbm>>
    tpu.wait_indirect_dma semaphore(%arg21 : memref<!tpu.dma_semaphore, #tpu.memory_space<semaphore_mem>>) src(%dma_wait3A_135 : memref<10000x128xf32, #tpu.memory_space<hbm>>) dst(%arg11 : memref<40x128xf32, #tpu.memory_space<vmem>>)
    %dma_wait3A_136 = arith.constant 0 : i32
    %dma_wait3A_137 = arith.constant 0 : i32
    %dma_wait3A_138 = tpu.memref_slice %arg3[%add3A, %dma_wait3A_136, %dma_wait3A_137] : memref<32x250x40xi32, #tpu.memory_space<hbm>> -> memref<1x1x40xi32, #tpu.memory_space<hbm>>
    %dma_wait3A_139 = tpu.memref_squeeze %dma_wait3A_138 : memref<1x1x40xi32, #tpu.memory_space<hbm>> -> memref<40xi32, #tpu.memory_space<hbm>>
    %dma_wait3A_140 = arith.constant 0 : i32
    %dma_wait3A_141 = tpu.memref_slice %arg3[%add3A, %dma_wait3A_136, %dma_wait3A_140] : memref<32x250x40xi32, #tpu.memory_space<hbm>> -> memref<1x1x40xi32, #tpu.memory_space<hbm>>
    %dma_wait3A_142 = tpu.memref_squeeze %dma_wait3A_141 : memref<1x1x40xi32, #tpu.memory_space<hbm>> -> memref<40xi32, #tpu.memory_space<hbm>>
    tpu.wait_dma2 semaphore(%arg31 : memref<!tpu.dma_semaphore, #tpu.memory_space<semaphore_mem>>) src(%dma_wait3A_142 : memref<40xi32, #tpu.memory_space<hbm>>) dst(%arg16 : memref<40xi32, #tpu.memory_space<vmem>>)
    %dma_wait3A_143 = arith.constant 0 : i32
    %dma_wait3A_144 = tpu.memref_slice %arg7[%dma_wait3A_143] : memref<10000xi32, #tpu.memory_space<vmem>> -> memref<40xi32, #tpu.memory_space<vmem>>
    %dma_wait3A_145 = arith.constant 0 : i32
    %dma_wait3A_146 = arith.constant 0 : i32
    %dma_wait3A_147 = tpu.memref_slice %arg4[%dma_wait3A_145, %dma_wait3A_146] : memref<10000x128xf32, #tpu.memory_space<hbm>> -> memref<10000x128xf32, #tpu.memory_space<hbm>>
    tpu.wait_indirect_dma semaphore(%arg22 : memref<!tpu.dma_semaphore, #tpu.memory_space<semaphore_mem>>) src(%dma_wait3A_147 : memref<10000x128xf32, #tpu.memory_space<hbm>>) dst(%arg12 : memref<40x128xf32, #tpu.memory_space<vmem>>)
    %dma_wait3A_148 = arith.constant 0 : i32
    %dma_wait3A_149 = arith.constant 0 : i32
    %dma_wait3A_150 = tpu.memref_slice %arg3[%add3A, %dma_wait3A_148, %dma_wait3A_149] : memref<32x250x40xi32, #tpu.memory_space<hbm>> -> memref<1x1x40xi32, #tpu.memory_space<hbm>>
    %dma_wait3A_151 = tpu.memref_squeeze %dma_wait3A_150 : memref<1x1x40xi32, #tpu.memory_space<hbm>> -> memref<40xi32, #tpu.memory_space<hbm>>
    %dma_wait3A_152 = arith.constant 0 : i32
    %dma_wait3A_153 = tpu.memref_slice %arg3[%add3A, %dma_wait3A_148, %dma_wait3A_152] : memref<32x250x40xi32, #tpu.memory_space<hbm>> -> memref<1x1x40xi32, #tpu.memory_space<hbm>>
    %dma_wait3A_154 = tpu.memref_squeeze %dma_wait3A_153 : memref<1x1x40xi32, #tpu.memory_space<hbm>> -> memref<40xi32, #tpu.memory_space<hbm>>
    tpu.wait_dma2 semaphore(%arg32 : memref<!tpu.dma_semaphore, #tpu.memory_space<semaphore_mem>>) src(%dma_wait3A_154 : memref<40xi32, #tpu.memory_space<hbm>>) dst(%arg17 : memref<40xi32, #tpu.memory_space<vmem>>)
    %dma_wait3A_155 = arith.constant 0 : i32
    %dma_wait3A_156 = tpu.memref_slice %arg7[%dma_wait3A_155] : memref<10000xi32, #tpu.memory_space<vmem>> -> memref<40xi32, #tpu.memory_space<vmem>>
    %dma_wait3A_157 = arith.constant 0 : i32
    %dma_wait3A_158 = arith.constant 0 : i32
    %dma_wait3A_159 = tpu.memref_slice %arg4[%dma_wait3A_157, %dma_wait3A_158] : memref<10000x128xf32, #tpu.memory_space<hbm>> -> memref<10000x128xf32, #tpu.memory_space<hbm>>
    tpu.wait_indirect_dma semaphore(%arg23 : memref<!tpu.dma_semaphore, #tpu.memory_space<semaphore_mem>>) src(%dma_wait3A_159 : memref<10000x128xf32, #tpu.memory_space<hbm>>) dst(%arg13 : memref<40x128xf32, #tpu.memory_space<vmem>>)
    %dma_wait3A_160 = arith.constant 0 : i32
    %dma_wait3A_161 = arith.constant 0 : i32
    %dma_wait3A_162 = tpu.memref_slice %arg3[%add3A, %dma_wait3A_160, %dma_wait3A_161] : memref<32x250x40xi32, #tpu.memory_space<hbm>> -> memref<1x1x40xi32, #tpu.memory_space<hbm>>
    %dma_wait3A_163 = tpu.memref_squeeze %dma_wait3A_162 : memref<1x1x40xi32, #tpu.memory_space<hbm>> -> memref<40xi32, #tpu.memory_space<hbm>>
    %dma_wait3A_164 = arith.constant 0 : i32
    %dma_wait3A_165 = tpu.memref_slice %arg3[%add3A, %dma_wait3A_160, %dma_wait3A_164] : memref<32x250x40xi32, #tpu.memory_space<hbm>> -> memref<1x1x40xi32, #tpu.memory_space<hbm>>
    %dma_wait3A_166 = tpu.memref_squeeze %dma_wait3A_165 : memref<1x1x40xi32, #tpu.memory_space<hbm>> -> memref<40xi32, #tpu.memory_space<hbm>>
    tpu.wait_dma2 semaphore(%arg33 : memref<!tpu.dma_semaphore, #tpu.memory_space<semaphore_mem>>) src(%dma_wait3A_166 : memref<40xi32, #tpu.memory_space<hbm>>) dst(%arg18 : memref<40xi32, #tpu.memory_space<vmem>>)
    %barrier3A_167 = arith.constant 0 : index
    tpu.barrier barrier_id(%barrier3A_167)
    %mul3A_168 = arith.constant 625 : i32
    %mul3A_169 = arith.muli %arg1, %mul3A_168 : i32
    "tpu.region"() ({
      %run_scoped3A = tpu.sem_alloc : memref<!tpu.dma_semaphore, #tpu.memory_space<semaphore_mem>>
      %dma_start3A_170 = arith.constant 0 : i32
      %dma_start3A_171 = arith.constant 0 : i32
      %dma_start3A_172 = tpu.memref_slice %arg5[%arg0, %arg1, %dma_start3A_170, %dma_start3A_171] : memref<2x16x625x128xf32, #tpu.memory_space<hbm>> -> memref<1x1x625x128xf32, #tpu.memory_space<hbm>>
      %dma_start3A_173 = tpu.memref_squeeze %dma_start3A_172 : memref<1x1x625x128xf32, #tpu.memory_space<hbm>> -> memref<625x128xf32, #tpu.memory_space<hbm>>
      %dma_start3A_174 = arith.constant 0 : i32
      %dma_start3A_175 = tpu.memref_slice %arg6[%mul3A_169, %dma_start3A_174] : memref<10000x128xf32, #tpu.memory_space<vmem_shared>> -> memref<625x128xf32, #tpu.memory_space<vmem_shared>>
      tpu.enqueue_dma source(%dma_start3A_175 : memref<625x128xf32, #tpu.memory_space<vmem_shared>>) target(%dma_start3A_173 : memref<625x128xf32, #tpu.memory_space<hbm>>) target_semaphore(%run_scoped3A : memref<!tpu.dma_semaphore, #tpu.memory_space<semaphore_mem>>)
      %dma_wait3A_176 = arith.constant 0 : i32
      %dma_wait3A_177 = arith.constant 0 : i32
      %dma_wait3A_178 = tpu.memref_slice %arg5[%arg0, %arg1, %dma_wait3A_176, %dma_wait3A_177] : memref<2x16x625x128xf32, #tpu.memory_space<hbm>> -> memref<1x1x625x128xf32, #tpu.memory_space<hbm>>
      %dma_wait3A_179 = tpu.memref_squeeze %dma_wait3A_178 : memref<1x1x625x128xf32, #tpu.memory_space<hbm>> -> memref<625x128xf32, #tpu.memory_space<hbm>>
      %dma_wait3A_180 = arith.constant 0 : i32
      %dma_wait3A_181 = tpu.memref_slice %arg6[%mul3A_169, %dma_wait3A_180] : memref<10000x128xf32, #tpu.memory_space<vmem_shared>> -> memref<625x128xf32, #tpu.memory_space<vmem_shared>>
      tpu.wait_dma2 semaphore(%run_scoped3A : memref<!tpu.dma_semaphore, #tpu.memory_space<semaphore_mem>>) src(%dma_wait3A_181 : memref<625x128xf32, #tpu.memory_space<vmem_shared>>) dst(%dma_wait3A_179 : memref<625x128xf32, #tpu.memory_space<hbm>>)
      tpu.yield
    }) : () -> ()
    return
  }
}

#map = affine_map<(d0, d1) -> (0, 0)>
#map1 = affine_map<(d0, d1) -> (0, 0, 0)>
#map2 = affine_map<(d0, d1) -> (0, 0, 0, 0)>
module attributes {stable_mosaic.version = 14 : i64} {
  func.func @_scat_body(%arg0: i32, %arg1: i32, %arg2: memref<32x10000xi32, #tpu.memory_space<hbm>>, %arg3: memref<32x250x40xi32, #tpu.memory_space<hbm>>, %arg4: memref<10000x128xf32, #tpu.memory_space<hbm>>, %arg5: memref<2x16x625x128xf32, #tpu.memory_space<hbm>>, %arg6: memref<10000x128xf32, #tpu.memory_space<vmem_shared>>, %arg7: memref<10000xi32, #tpu.memory_space<vmem>>, %arg8: memref<75x128xf32, #tpu.memory_space<vmem>>, %arg9: memref<40x128xf32, #tpu.memory_space<vmem>>, %arg10: memref<40x128xf32, #tpu.memory_space<vmem>>, %arg11: memref<40x128xf32, #tpu.memory_space<vmem>>, %arg12: memref<40x128xf32, #tpu.memory_space<vmem>>, %arg13: memref<40x128xf32, #tpu.memory_space<vmem>>, %arg14: memref<40xi32, #tpu.memory_space<vmem>>, %arg15: memref<40xi32, #tpu.memory_space<vmem>>, %arg16: memref<40xi32, #tpu.memory_space<vmem>>, %arg17: memref<40xi32, #tpu.memory_space<vmem>>, %arg18: memref<40xi32, #tpu.memory_space<vmem>>, %arg19: memref<!tpu.dma_semaphore, #tpu.memory_space<semaphore_mem>>, %arg20: memref<!tpu.dma_semaphore, #tpu.memory_space<semaphore_mem>>, %arg21: memref<!tpu.dma_semaphore, #tpu.memory_space<semaphore_mem>>, %arg22: memref<!tpu.dma_semaphore, #tpu.memory_space<semaphore_mem>>, %arg23: memref<!tpu.dma_semaphore, #tpu.memory_space<semaphore_mem>>, %arg24: memref<!tpu.dma_semaphore, #tpu.memory_space<semaphore_mem>>, %arg25: memref<!tpu.dma_semaphore, #tpu.memory_space<semaphore_mem>>, %arg26: memref<!tpu.dma_semaphore, #tpu.memory_space<semaphore_mem>>, %arg27: memref<!tpu.dma_semaphore, #tpu.memory_space<semaphore_mem>>, %arg28: memref<!tpu.dma_semaphore, #tpu.memory_space<semaphore_mem>>, %arg29: memref<!tpu.dma_semaphore, #tpu.memory_space<semaphore_mem>>, %arg30: memref<!tpu.dma_semaphore, #tpu.memory_space<semaphore_mem>>, %arg31: memref<!tpu.dma_semaphore, #tpu.memory_space<semaphore_mem>>, %arg32: memref<!tpu.dma_semaphore, #tpu.memory_space<semaphore_mem>>, %arg33: memref<!tpu.dma_semaphore, #tpu.memory_space<semaphore_mem>>) attributes {dimension_semantics = [#tpu.dimension_semantics<core_parallel>, #tpu.dimension_semantics<subcore_parallel>], iteration_bounds = array<i64: 2, 16>, scalar_prefetch = 0 : i64, scratch_operands = 28 : i64, tpu.core_type = #tpu.core_type<sc_vector_subcore>, window_params = [{transform_indices = #map}, {transform_indices = #map1}, {transform_indices = #map}, {transform_indices = #map2}]} {
    %mul3A = arith.constant 16 : i32
    %mul3A_0 = arith.muli %arg0, %mul3A : i32
    %add3A = arith.addi %mul3A_0, %arg1 : i32
    %broadcast_in_dim3A = arith.constant 0.000000e+00 : f32
    %broadcast_in_dim3A_1 = vector.broadcast %broadcast_in_dim3A : f32 to vector<16xf32>
    %scan3A = arith.constant 0 : i32
    %scan3A_2 = arith.constant 0 : i32
    %scan3A_3 = arith.constant 75 : i32
    %scan3A_4 = arith.addi %scan3A_2, %scan3A_3 : i32
    %scan3A_5 = arith.constant 1 : i32
    scf.for %scan3A_170 = %scan3A_2 to %scan3A_4 step %scan3A_5  : i32 {
      %swap3A = arith.index_cast %scan3A_170 : i32 to index
      %swap3A_171 = arith.constant 0 : index
      %swap3A_172 = tpu.vector_load %arg8[%swap3A, %swap3A_171] {strides = array<i32>} : memref<75x128xf32, #tpu.memory_space<vmem>>, vector<1x16xf32>,
      %swap3A_173 = vector.shape_cast %swap3A_172 : vector<1x16xf32> to vector<16xf32>
      %swap3A_174 = vector.shape_cast %broadcast_in_dim3A_1 : vector<16xf32> to vector<1x16xf32>
      tpu.vector_store %arg8[%swap3A, %swap3A_171], %swap3A_174 {strides = array<i32>} : memref<75x128xf32, #tpu.memory_space<vmem>>, vector<1x16xf32>,
      %swap3A_175 = arith.index_cast %scan3A_170 : i32 to index
      %swap3A_176 = arith.constant 16 : index
      %swap3A_177 = tpu.vector_load %arg8[%swap3A_175, %swap3A_176] {strides = array<i32>} : memref<75x128xf32, #tpu.memory_space<vmem>>, vector<1x16xf32>,
      %swap3A_178 = vector.shape_cast %swap3A_177 : vector<1x16xf32> to vector<16xf32>
      %swap3A_179 = vector.shape_cast %broadcast_in_dim3A_1 : vector<16xf32> to vector<1x16xf32>
      tpu.vector_store %arg8[%swap3A_175, %swap3A_176], %swap3A_179 {strides = array<i32>} : memref<75x128xf32, #tpu.memory_space<vmem>>, vector<1x16xf32>,
      %swap3A_180 = arith.index_cast %scan3A_170 : i32 to index
      %swap3A_181 = arith.constant 32 : index
      %swap3A_182 = tpu.vector_load %arg8[%swap3A_180, %swap3A_181] {strides = array<i32>} : memref<75x128xf32, #tpu.memory_space<vmem>>, vector<1x16xf32>,
      %swap3A_183 = vector.shape_cast %swap3A_182 : vector<1x16xf32> to vector<16xf32>
      %swap3A_184 = vector.shape_cast %broadcast_in_dim3A_1 : vector<16xf32> to vector<1x16xf32>
      tpu.vector_store %arg8[%swap3A_180, %swap3A_181], %swap3A_184 {strides = array<i32>} : memref<75x128xf32, #tpu.memory_space<vmem>>, vector<1x16xf32>,
      %swap3A_185 = arith.index_cast %scan3A_170 : i32 to index
      %swap3A_186 = arith.constant 48 : index
      %swap3A_187 = tpu.vector_load %arg8[%swap3A_185, %swap3A_186] {strides = array<i32>} : memref<75x128xf32, #tpu.memory_space<vmem>>, vector<1x16xf32>,
      %swap3A_188 = vector.shape_cast %swap3A_187 : vector<1x16xf32> to vector<16xf32>
      %swap3A_189 = vector.shape_cast %broadcast_in_dim3A_1 : vector<16xf32> to vector<1x16xf32>
      tpu.vector_store %arg8[%swap3A_185, %swap3A_186], %swap3A_189 {strides = array<i32>} : memref<75x128xf32, #tpu.memory_space<vmem>>, vector<1x16xf32>,
      %swap3A_190 = arith.index_cast %scan3A_170 : i32 to index
      %swap3A_191 = arith.constant 64 : index
      %swap3A_192 = tpu.vector_load %arg8[%swap3A_190, %swap3A_191] {strides = array<i32>} : memref<75x128xf32, #tpu.memory_space<vmem>>, vector<1x16xf32>,
      %swap3A_193 = vector.shape_cast %swap3A_192 : vector<1x16xf32> to vector<16xf32>
      %swap3A_194 = vector.shape_cast %broadcast_in_dim3A_1 : vector<16xf32> to vector<1x16xf32>
      tpu.vector_store %arg8[%swap3A_190, %swap3A_191], %swap3A_194 {strides = array<i32>} : memref<75x128xf32, #tpu.memory_space<vmem>>, vector<1x16xf32>,
      %swap3A_195 = arith.index_cast %scan3A_170 : i32 to index
      %swap3A_196 = arith.constant 80 : index
      %swap3A_197 = tpu.vector_load %arg8[%swap3A_195, %swap3A_196] {strides = array<i32>} : memref<75x128xf32, #tpu.memory_space<vmem>>, vector<1x16xf32>,
      %swap3A_198 = vector.shape_cast %swap3A_197 : vector<1x16xf32> to vector<16xf32>
      %swap3A_199 = vector.shape_cast %broadcast_in_dim3A_1 : vector<16xf32> to vector<1x16xf32>
      tpu.vector_store %arg8[%swap3A_195, %swap3A_196], %swap3A_199 {strides = array<i32>} : memref<75x128xf32, #tpu.memory_space<vmem>>, vector<1x16xf32>,
      %swap3A_200 = arith.index_cast %scan3A_170 : i32 to index
      %swap3A_201 = arith.constant 96 : index
      %swap3A_202 = tpu.vector_load %arg8[%swap3A_200, %swap3A_201] {strides = array<i32>} : memref<75x128xf32, #tpu.memory_space<vmem>>, vector<1x16xf32>,
      %swap3A_203 = vector.shape_cast %swap3A_202 : vector<1x16xf32> to vector<16xf32>
      %swap3A_204 = vector.shape_cast %broadcast_in_dim3A_1 : vector<16xf32> to vector<1x16xf32>
      tpu.vector_store %arg8[%swap3A_200, %swap3A_201], %swap3A_204 {strides = array<i32>} : memref<75x128xf32, #tpu.memory_space<vmem>>, vector<1x16xf32>,
      %swap3A_205 = arith.index_cast %scan3A_170 : i32 to index
      %swap3A_206 = arith.constant 112 : index
      %swap3A_207 = tpu.vector_load %arg8[%swap3A_205, %swap3A_206] {strides = array<i32>} : memref<75x128xf32, #tpu.memory_space<vmem>>, vector<1x16xf32>,
      %swap3A_208 = vector.shape_cast %swap3A_207 : vector<1x16xf32> to vector<16xf32>
      %swap3A_209 = vector.shape_cast %broadcast_in_dim3A_1 : vector<16xf32> to vector<1x16xf32>
      tpu.vector_store %arg8[%swap3A_205, %swap3A_206], %swap3A_209 {strides = array<i32>} : memref<75x128xf32, #tpu.memory_space<vmem>>, vector<1x16xf32>,
    }
    %scan3A_6 = arith.constant 75 : i32
    "tpu.region"() ({
      %run_scoped3A = tpu.sem_alloc : memref<!tpu.dma_semaphore, #tpu.memory_space<semaphore_mem>>
      %dma_start3A_170 = arith.constant 0 : i32
      %dma_start3A_171 = tpu.memref_slice %arg2[%add3A, %dma_start3A_170] : memref<32x10000xi32, #tpu.memory_space<hbm>> -> memref<1x10000xi32, #tpu.memory_space<hbm>>
      %dma_start3A_172 = tpu.memref_squeeze %dma_start3A_171 : memref<1x10000xi32, #tpu.memory_space<hbm>> -> memref<10000xi32, #tpu.memory_space<hbm>>
      %dma_start3A_173 = arith.constant 0 : i32
      %dma_start3A_174 = tpu.memref_slice %arg2[%add3A, %dma_start3A_173] : memref<32x10000xi32, #tpu.memory_space<hbm>> -> memref<1x10000xi32, #tpu.memory_space<hbm>>
      %dma_start3A_175 = tpu.memref_squeeze %dma_start3A_174 : memref<1x10000xi32, #tpu.memory_space<hbm>> -> memref<10000xi32, #tpu.memory_space<hbm>>
      tpu.enqueue_dma source(%dma_start3A_175 : memref<10000xi32, #tpu.memory_space<hbm>>) target(%arg7 : memref<10000xi32, #tpu.memory_space<vmem>>) target_semaphore(%run_scoped3A : memref<!tpu.dma_semaphore, #tpu.memory_space<semaphore_mem>>)
      %dma_wait3A_176 = arith.constant 0 : i32
      %dma_wait3A_177 = tpu.memref_slice %arg2[%add3A, %dma_wait3A_176] : memref<32x10000xi32, #tpu.memory_space<hbm>> -> memref<1x10000xi32, #tpu.memory_space<hbm>>
      %dma_wait3A_178 = tpu.memref_squeeze %dma_wait3A_177 : memref<1x10000xi32, #tpu.memory_space<hbm>> -> memref<10000xi32, #tpu.memory_space<hbm>>
      %dma_wait3A_179 = arith.constant 0 : i32
      %dma_wait3A_180 = tpu.memref_slice %arg2[%add3A, %dma_wait3A_179] : memref<32x10000xi32, #tpu.memory_space<hbm>> -> memref<1x10000xi32, #tpu.memory_space<hbm>>
      %dma_wait3A_181 = tpu.memref_squeeze %dma_wait3A_180 : memref<1x10000xi32, #tpu.memory_space<hbm>> -> memref<10000xi32, #tpu.memory_space<hbm>>
      tpu.wait_dma2 semaphore(%run_scoped3A : memref<!tpu.dma_semaphore, #tpu.memory_space<semaphore_mem>>) src(%dma_wait3A_181 : memref<10000xi32, #tpu.memory_space<hbm>>) dst(%arg7 : memref<10000xi32, #tpu.memory_space<vmem>>)
      tpu.yield
    }) : () -> ()
    %mul3A_7 = arith.constant 625 : i32
    %mul3A_8 = arith.muli %arg1, %mul3A_7 : i32
    %add3A_9 = arith.constant 0 : i32
    %add3A_10 = arith.addi %mul3A_8, %add3A_9 : i32
    "tpu.region"() ({
      %run_scoped3A = tpu.sem_alloc : memref<!tpu.dma_semaphore, #tpu.memory_space<semaphore_mem>>
      %dma_start3A_170 = arith.constant 0 : i32
      %dma_start3A_171 = tpu.memref_slice %arg6[%add3A_10, %dma_start3A_170] : memref<10000x128xf32, #tpu.memory_space<vmem_shared>> -> memref<75x128xf32, #tpu.memory_space<vmem_shared>>
      %dma_start3A_172 = arith.constant 0 : i32
      %dma_start3A_173 = tpu.memref_slice %arg6[%add3A_10, %dma_start3A_172] : memref<10000x128xf32, #tpu.memory_space<vmem_shared>> -> memref<75x128xf32, #tpu.memory_space<vmem_shared>>
      tpu.enqueue_dma source(%arg8 : memref<75x128xf32, #tpu.memory_space<vmem>>) target(%dma_start3A_173 : memref<75x128xf32, #tpu.memory_space<vmem_shared>>) target_semaphore(%run_scoped3A : memref<!tpu.dma_semaphore, #tpu.memory_space<semaphore_mem>>)
      %dma_wait3A_174 = arith.constant 0 : i32
      %dma_wait3A_175 = tpu.memref_slice %arg6[%add3A_10, %dma_wait3A_174] : memref<10000x128xf32, #tpu.memory_space<vmem_shared>> -> memref<75x128xf32, #tpu.memory_space<vmem_shared>>
      %dma_wait3A_176 = arith.constant 0 : i32
      %dma_wait3A_177 = tpu.memref_slice %arg6[%add3A_10, %dma_wait3A_176] : memref<10000x128xf32, #tpu.memory_space<vmem_shared>> -> memref<75x128xf32, #tpu.memory_space<vmem_shared>>
      tpu.wait_dma2 semaphore(%run_scoped3A : memref<!tpu.dma_semaphore, #tpu.memory_space<semaphore_mem>>) src(%arg8 : memref<75x128xf32, #tpu.memory_space<vmem>>) dst(%dma_wait3A_177 : memref<75x128xf32, #tpu.memory_space<vmem_shared>>)
      tpu.yield
    }) : () -> ()
    %mul3A_11 = arith.constant 625 : i32
    %mul3A_12 = arith.muli %arg1, %mul3A_11 : i32
    %add3A_13 = arith.constant 75 : i32
    %add3A_14 = arith.addi %mul3A_12, %add3A_13 : i32
    "tpu.region"() ({
      %run_scoped3A = tpu.sem_alloc : memref<!tpu.dma_semaphore, #tpu.memory_space<semaphore_mem>>
      %dma_start3A_170 = arith.constant 0 : i32
      %dma_start3A_171 = tpu.memref_slice %arg6[%add3A_14, %dma_start3A_170] : memref<10000x128xf32, #tpu.memory_space<vmem_shared>> -> memref<75x128xf32, #tpu.memory_space<vmem_shared>>
      %dma_start3A_172 = arith.constant 0 : i32
      %dma_start3A_173 = tpu.memref_slice %arg6[%add3A_14, %dma_start3A_172] : memref<10000x128xf32, #tpu.memory_space<vmem_shared>> -> memref<75x128xf32, #tpu.memory_space<vmem_shared>>
      tpu.enqueue_dma source(%arg8 : memref<75x128xf32, #tpu.memory_space<vmem>>) target(%dma_start3A_173 : memref<75x128xf32, #tpu.memory_space<vmem_shared>>) target_semaphore(%run_scoped3A : memref<!tpu.dma_semaphore, #tpu.memory_space<semaphore_mem>>)
      %dma_wait3A_174 = arith.constant 0 : i32
      %dma_wait3A_175 = tpu.memref_slice %arg6[%add3A_14, %dma_wait3A_174] : memref<10000x128xf32, #tpu.memory_space<vmem_shared>> -> memref<75x128xf32, #tpu.memory_space<vmem_shared>>
      %dma_wait3A_176 = arith.constant 0 : i32
      %dma_wait3A_177 = tpu.memref_slice %arg6[%add3A_14, %dma_wait3A_176] : memref<10000x128xf32, #tpu.memory_space<vmem_shared>> -> memref<75x128xf32, #tpu.memory_space<vmem_shared>>
      tpu.wait_dma2 semaphore(%run_scoped3A : memref<!tpu.dma_semaphore, #tpu.memory_space<semaphore_mem>>) src(%arg8 : memref<75x128xf32, #tpu.memory_space<vmem>>) dst(%dma_wait3A_177 : memref<75x128xf32, #tpu.memory_space<vmem_shared>>)
      tpu.yield
    }) : () -> ()
    %mul3A_15 = arith.constant 625 : i32
    %mul3A_16 = arith.muli %arg1, %mul3A_15 : i32
    %add3A_17 = arith.constant 150 : i32
    %add3A_18 = arith.addi %mul3A_16, %add3A_17 : i32
    "tpu.region"() ({
      %run_scoped3A = tpu.sem_alloc : memref<!tpu.dma_semaphore, #tpu.memory_space<semaphore_mem>>
      %dma_start3A_170 = arith.constant 0 : i32
      %dma_start3A_171 = tpu.memref_slice %arg6[%add3A_18, %dma_start3A_170] : memref<10000x128xf32, #tpu.memory_space<vmem_shared>> -> memref<75x128xf32, #tpu.memory_space<vmem_shared>>
      %dma_start3A_172 = arith.constant 0 : i32
      %dma_start3A_173 = tpu.memref_slice %arg6[%add3A_18, %dma_start3A_172] : memref<10000x128xf32, #tpu.memory_space<vmem_shared>> -> memref<75x128xf32, #tpu.memory_space<vmem_shared>>
      tpu.enqueue_dma source(%arg8 : memref<75x128xf32, #tpu.memory_space<vmem>>) target(%dma_start3A_173 : memref<75x128xf32, #tpu.memory_space<vmem_shared>>) target_semaphore(%run_scoped3A : memref<!tpu.dma_semaphore, #tpu.memory_space<semaphore_mem>>)
      %dma_wait3A_174 = arith.constant 0 : i32
      %dma_wait3A_175 = tpu.memref_slice %arg6[%add3A_18, %dma_wait3A_174] : memref<10000x128xf32, #tpu.memory_space<vmem_shared>> -> memref<75x128xf32, #tpu.memory_space<vmem_shared>>
      %dma_wait3A_176 = arith.constant 0 : i32
      %dma_wait3A_177 = tpu.memref_slice %arg6[%add3A_18, %dma_wait3A_176] : memref<10000x128xf32, #tpu.memory_space<vmem_shared>> -> memref<75x128xf32, #tpu.memory_space<vmem_shared>>
      tpu.wait_dma2 semaphore(%run_scoped3A : memref<!tpu.dma_semaphore, #tpu.memory_space<semaphore_mem>>) src(%arg8 : memref<75x128xf32, #tpu.memory_space<vmem>>) dst(%dma_wait3A_177 : memref<75x128xf32, #tpu.memory_space<vmem_shared>>)
      tpu.yield
    }) : () -> ()
    %mul3A_19 = arith.constant 625 : i32
    %mul3A_20 = arith.muli %arg1, %mul3A_19 : i32
    %add3A_21 = arith.constant 225 : i32
    %add3A_22 = arith.addi %mul3A_20, %add3A_21 : i32
    "tpu.region"() ({
      %run_scoped3A = tpu.sem_alloc : memref<!tpu.dma_semaphore, #tpu.memory_space<semaphore_mem>>
      %dma_start3A_170 = arith.constant 0 : i32
      %dma_start3A_171 = tpu.memref_slice %arg6[%add3A_22, %dma_start3A_170] : memref<10000x128xf32, #tpu.memory_space<vmem_shared>> -> memref<75x128xf32, #tpu.memory_space<vmem_shared>>
      %dma_start3A_172 = arith.constant 0 : i32
      %dma_start3A_173 = tpu.memref_slice %arg6[%add3A_22, %dma_start3A_172] : memref<10000x128xf32, #tpu.memory_space<vmem_shared>> -> memref<75x128xf32, #tpu.memory_space<vmem_shared>>
      tpu.enqueue_dma source(%arg8 : memref<75x128xf32, #tpu.memory_space<vmem>>) target(%dma_start3A_173 : memref<75x128xf32, #tpu.memory_space<vmem_shared>>) target_semaphore(%run_scoped3A : memref<!tpu.dma_semaphore, #tpu.memory_space<semaphore_mem>>)
      %dma_wait3A_174 = arith.constant 0 : i32
      %dma_wait3A_175 = tpu.memref_slice %arg6[%add3A_22, %dma_wait3A_174] : memref<10000x128xf32, #tpu.memory_space<vmem_shared>> -> memref<75x128xf32, #tpu.memory_space<vmem_shared>>
      %dma_wait3A_176 = arith.constant 0 : i32
      %dma_wait3A_177 = tpu.memref_slice %arg6[%add3A_22, %dma_wait3A_176] : memref<10000x128xf32, #tpu.memory_space<vmem_shared>> -> memref<75x128xf32, #tpu.memory_space<vmem_shared>>
      tpu.wait_dma2 semaphore(%run_scoped3A : memref<!tpu.dma_semaphore, #tpu.memory_space<semaphore_mem>>) src(%arg8 : memref<75x128xf32, #tpu.memory_space<vmem>>) dst(%dma_wait3A_177 : memref<75x128xf32, #tpu.memory_space<vmem_shared>>)
      tpu.yield
    }) : () -> ()
    %mul3A_23 = arith.constant 625 : i32
    %mul3A_24 = arith.muli %arg1, %mul3A_23 : i32
    %add3A_25 = arith.constant 300 : i32
    %add3A_26 = arith.addi %mul3A_24, %add3A_25 : i32
    "tpu.region"() ({
      %run_scoped3A = tpu.sem_alloc : memref<!tpu.dma_semaphore, #tpu.memory_space<semaphore_mem>>
      %dma_start3A_170 = arith.constant 0 : i32
      %dma_start3A_171 = tpu.memref_slice %arg6[%add3A_26, %dma_start3A_170] : memref<10000x128xf32, #tpu.memory_space<vmem_shared>> -> memref<75x128xf32, #tpu.memory_space<vmem_shared>>
      %dma_start3A_172 = arith.constant 0 : i32
      %dma_start3A_173 = tpu.memref_slice %arg6[%add3A_26, %dma_start3A_172] : memref<10000x128xf32, #tpu.memory_space<vmem_shared>> -> memref<75x128xf32, #tpu.memory_space<vmem_shared>>
      tpu.enqueue_dma source(%arg8 : memref<75x128xf32, #tpu.memory_space<vmem>>) target(%dma_start3A_173 : memref<75x128xf32, #tpu.memory_space<vmem_shared>>) target_semaphore(%run_scoped3A : memref<!tpu.dma_semaphore, #tpu.memory_space<semaphore_mem>>)
      %dma_wait3A_174 = arith.constant 0 : i32
      %dma_wait3A_175 = tpu.memref_slice %arg6[%add3A_26, %dma_wait3A_174] : memref<10000x128xf32, #tpu.memory_space<vmem_shared>> -> memref<75x128xf32, #tpu.memory_space<vmem_shared>>
      %dma_wait3A_176 = arith.constant 0 : i32
      %dma_wait3A_177 = tpu.memref_slice %arg6[%add3A_26, %dma_wait3A_176] : memref<10000x128xf32, #tpu.memory_space<vmem_shared>> -> memref<75x128xf32, #tpu.memory_space<vmem_shared>>
      tpu.wait_dma2 semaphore(%run_scoped3A : memref<!tpu.dma_semaphore, #tpu.memory_space<semaphore_mem>>) src(%arg8 : memref<75x128xf32, #tpu.memory_space<vmem>>) dst(%dma_wait3A_177 : memref<75x128xf32, #tpu.memory_space<vmem_shared>>)
      tpu.yield
    }) : () -> ()
    %mul3A_27 = arith.constant 625 : i32
    %mul3A_28 = arith.muli %arg1, %mul3A_27 : i32
    %add3A_29 = arith.constant 375 : i32
    %add3A_30 = arith.addi %mul3A_28, %add3A_29 : i32
    "tpu.region"() ({
      %run_scoped3A = tpu.sem_alloc : memref<!tpu.dma_semaphore, #tpu.memory_space<semaphore_mem>>
      %dma_start3A_170 = arith.constant 0 : i32
      %dma_start3A_171 = tpu.memref_slice %arg6[%add3A_30, %dma_start3A_170] : memref<10000x128xf32, #tpu.memory_space<vmem_shared>> -> memref<75x128xf32, #tpu.memory_space<vmem_shared>>
      %dma_start3A_172 = arith.constant 0 : i32
      %dma_start3A_173 = tpu.memref_slice %arg6[%add3A_30, %dma_start3A_172] : memref<10000x128xf32, #tpu.memory_space<vmem_shared>> -> memref<75x128xf32, #tpu.memory_space<vmem_shared>>
      tpu.enqueue_dma source(%arg8 : memref<75x128xf32, #tpu.memory_space<vmem>>) target(%dma_start3A_173 : memref<75x128xf32, #tpu.memory_space<vmem_shared>>) target_semaphore(%run_scoped3A : memref<!tpu.dma_semaphore, #tpu.memory_space<semaphore_mem>>)
      %dma_wait3A_174 = arith.constant 0 : i32
      %dma_wait3A_175 = tpu.memref_slice %arg6[%add3A_30, %dma_wait3A_174] : memref<10000x128xf32, #tpu.memory_space<vmem_shared>> -> memref<75x128xf32, #tpu.memory_space<vmem_shared>>
      %dma_wait3A_176 = arith.constant 0 : i32
      %dma_wait3A_177 = tpu.memref_slice %arg6[%add3A_30, %dma_wait3A_176] : memref<10000x128xf32, #tpu.memory_space<vmem_shared>> -> memref<75x128xf32, #tpu.memory_space<vmem_shared>>
      tpu.wait_dma2 semaphore(%run_scoped3A : memref<!tpu.dma_semaphore, #tpu.memory_space<semaphore_mem>>) src(%arg8 : memref<75x128xf32, #tpu.memory_space<vmem>>) dst(%dma_wait3A_177 : memref<75x128xf32, #tpu.memory_space<vmem_shared>>)
      tpu.yield
    }) : () -> ()
    %mul3A_31 = arith.constant 625 : i32
    %mul3A_32 = arith.muli %arg1, %mul3A_31 : i32
    %add3A_33 = arith.constant 450 : i32
    %add3A_34 = arith.addi %mul3A_32, %add3A_33 : i32
    "tpu.region"() ({
      %run_scoped3A = tpu.sem_alloc : memref<!tpu.dma_semaphore, #tpu.memory_space<semaphore_mem>>
      %dma_start3A_170 = arith.constant 0 : i32
      %dma_start3A_171 = tpu.memref_slice %arg6[%add3A_34, %dma_start3A_170] : memref<10000x128xf32, #tpu.memory_space<vmem_shared>> -> memref<75x128xf32, #tpu.memory_space<vmem_shared>>
      %dma_start3A_172 = arith.constant 0 : i32
      %dma_start3A_173 = tpu.memref_slice %arg6[%add3A_34, %dma_start3A_172] : memref<10000x128xf32, #tpu.memory_space<vmem_shared>> -> memref<75x128xf32, #tpu.memory_space<vmem_shared>>
      tpu.enqueue_dma source(%arg8 : memref<75x128xf32, #tpu.memory_space<vmem>>) target(%dma_start3A_173 : memref<75x128xf32, #tpu.memory_space<vmem_shared>>) target_semaphore(%run_scoped3A : memref<!tpu.dma_semaphore, #tpu.memory_space<semaphore_mem>>)
      %dma_wait3A_174 = arith.constant 0 : i32
      %dma_wait3A_175 = tpu.memref_slice %arg6[%add3A_34, %dma_wait3A_174] : memref<10000x128xf32, #tpu.memory_space<vmem_shared>> -> memref<75x128xf32, #tpu.memory_space<vmem_shared>>
      %dma_wait3A_176 = arith.constant 0 : i32
      %dma_wait3A_177 = tpu.memref_slice %arg6[%add3A_34, %dma_wait3A_176] : memref<10000x128xf32, #tpu.memory_space<vmem_shared>> -> memref<75x128xf32, #tpu.memory_space<vmem_shared>>
      tpu.wait_dma2 semaphore(%run_scoped3A : memref<!tpu.dma_semaphore, #tpu.memory_space<semaphore_mem>>) src(%arg8 : memref<75x128xf32, #tpu.memory_space<vmem>>) dst(%dma_wait3A_177 : memref<75x128xf32, #tpu.memory_space<vmem_shared>>)
      tpu.yield
    }) : () -> ()
    %mul3A_35 = arith.constant 625 : i32
    %mul3A_36 = arith.muli %arg1, %mul3A_35 : i32
    %add3A_37 = arith.constant 525 : i32
    %add3A_38 = arith.addi %mul3A_36, %add3A_37 : i32
    "tpu.region"() ({
      %run_scoped3A = tpu.sem_alloc : memref<!tpu.dma_semaphore, #tpu.memory_space<semaphore_mem>>
      %dma_start3A_170 = arith.constant 0 : i32
      %dma_start3A_171 = tpu.memref_slice %arg6[%add3A_38, %dma_start3A_170] : memref<10000x128xf32, #tpu.memory_space<vmem_shared>> -> memref<75x128xf32, #tpu.memory_space<vmem_shared>>
      %dma_start3A_172 = arith.constant 0 : i32
      %dma_start3A_173 = tpu.memref_slice %arg6[%add3A_38, %dma_start3A_172] : memref<10000x128xf32, #tpu.memory_space<vmem_shared>> -> memref<75x128xf32, #tpu.memory_space<vmem_shared>>
      tpu.enqueue_dma source(%arg8 : memref<75x128xf32, #tpu.memory_space<vmem>>) target(%dma_start3A_173 : memref<75x128xf32, #tpu.memory_space<vmem_shared>>) target_semaphore(%run_scoped3A : memref<!tpu.dma_semaphore, #tpu.memory_space<semaphore_mem>>)
      %dma_wait3A_174 = arith.constant 0 : i32
      %dma_wait3A_175 = tpu.memref_slice %arg6[%add3A_38, %dma_wait3A_174] : memref<10000x128xf32, #tpu.memory_space<vmem_shared>> -> memref<75x128xf32, #tpu.memory_space<vmem_shared>>
      %dma_wait3A_176 = arith.constant 0 : i32
      %dma_wait3A_177 = tpu.memref_slice %arg6[%add3A_38, %dma_wait3A_176] : memref<10000x128xf32, #tpu.memory_space<vmem_shared>> -> memref<75x128xf32, #tpu.memory_space<vmem_shared>>
      tpu.wait_dma2 semaphore(%run_scoped3A : memref<!tpu.dma_semaphore, #tpu.memory_space<semaphore_mem>>) src(%arg8 : memref<75x128xf32, #tpu.memory_space<vmem>>) dst(%dma_wait3A_177 : memref<75x128xf32, #tpu.memory_space<vmem_shared>>)
      tpu.yield
    }) : () -> ()
    %mul3A_39 = arith.constant 625 : i32
    %mul3A_40 = arith.muli %arg1, %mul3A_39 : i32
    %add3A_41 = arith.constant 600 : i32
    %add3A_42 = arith.addi %mul3A_40, %add3A_41 : i32
    "tpu.region"() ({
      %run_scoped3A = tpu.sem_alloc : memref<!tpu.dma_semaphore, #tpu.memory_space<semaphore_mem>>
      %dma_start3A_170 = arith.constant 0 : i32
      %dma_start3A_171 = arith.constant 0 : i32
      %dma_start3A_172 = tpu.memref_slice %arg8[%dma_start3A_170, %dma_start3A_171] : memref<75x128xf32, #tpu.memory_space<vmem>> -> memref<25x128xf32, #tpu.memory_space<vmem>>
      %dma_start3A_173 = arith.constant 0 : i32
      %dma_start3A_174 = tpu.memref_slice %arg6[%add3A_42, %dma_start3A_173] : memref<10000x128xf32, #tpu.memory_space<vmem_shared>> -> memref<25x128xf32, #tpu.memory_space<vmem_shared>>
      %dma_start3A_175 = arith.constant 0 : i32
      %dma_start3A_176 = tpu.memref_slice %arg6[%add3A_42, %dma_start3A_175] : memref<10000x128xf32, #tpu.memory_space<vmem_shared>> -> memref<25x128xf32, #tpu.memory_space<vmem_shared>>
      %dma_start3A_177 = arith.constant 0 : i32
      %dma_start3A_178 = arith.constant 0 : i32
      %dma_start3A_179 = tpu.memref_slice %arg8[%dma_start3A_177, %dma_start3A_178] : memref<75x128xf32, #tpu.memory_space<vmem>> -> memref<25x128xf32, #tpu.memory_space<vmem>>
      tpu.enqueue_dma source(%dma_start3A_179 : memref<25x128xf32, #tpu.memory_space<vmem>>) target(%dma_start3A_176 : memref<25x128xf32, #tpu.memory_space<vmem_shared>>) target_semaphore(%run_scoped3A : memref<!tpu.dma_semaphore, #tpu.memory_space<semaphore_mem>>)
      %dma_wait3A_180 = arith.constant 0 : i32
      %dma_wait3A_181 = arith.constant 0 : i32
      %dma_wait3A_182 = tpu.memref_slice %arg8[%dma_wait3A_180, %dma_wait3A_181] : memref<75x128xf32, #tpu.memory_space<vmem>> -> memref<25x128xf32, #tpu.memory_space<vmem>>
      %dma_wait3A_183 = arith.constant 0 : i32
      %dma_wait3A_184 = tpu.memref_slice %arg6[%add3A_42, %dma_wait3A_183] : memref<10000x128xf32, #tpu.memory_space<vmem_shared>> -> memref<25x128xf32, #tpu.memory_space<vmem_shared>>
      %dma_wait3A_185 = arith.constant 0 : i32
      %dma_wait3A_186 = tpu.memref_slice %arg6[%add3A_42, %dma_wait3A_185] : memref<10000x128xf32, #tpu.memory_space<vmem_shared>> -> memref<25x128xf32, #tpu.memory_space<vmem_shared>>
      %dma_wait3A_187 = arith.constant 0 : i32
      %dma_wait3A_188 = arith.constant 0 : i32
      %dma_wait3A_189 = tpu.memref_slice %arg8[%dma_wait3A_187, %dma_wait3A_188] : memref<75x128xf32, #tpu.memory_space<vmem>> -> memref<25x128xf32, #tpu.memory_space<vmem>>
      tpu.wait_dma2 semaphore(%run_scoped3A : memref<!tpu.dma_semaphore, #tpu.memory_space<semaphore_mem>>) src(%dma_wait3A_189 : memref<25x128xf32, #tpu.memory_space<vmem>>) dst(%dma_wait3A_186 : memref<25x128xf32, #tpu.memory_space<vmem_shared>>)
      tpu.yield
    }) : () -> ()
    %barrier3A = arith.constant 0 : index
    tpu.barrier barrier_id(%barrier3A)
    %dma_start3A = arith.constant 0 : i32
    %dma_start3A_43 = tpu.memref_slice %arg7[%dma_start3A] : memref<10000xi32, #tpu.memory_space<vmem>> -> memref<40xi32, #tpu.memory_space<vmem>>
    %dma_start3A_44 = arith.constant 0 : i32
    %dma_start3A_45 = arith.constant 0 : i32
    %dma_start3A_46 = tpu.memref_slice %arg4[%dma_start3A_44, %dma_start3A_45] : memref<10000x128xf32, #tpu.memory_space<hbm>> -> memref<10000x128xf32, #tpu.memory_space<hbm>>
    tpu.enqueue_indirect_dma source(%dma_start3A_46 : memref<10000x128xf32, #tpu.memory_space<hbm>>) target(%arg9 : memref<40x128xf32, #tpu.memory_space<vmem>>) offsets(%dma_start3A_43 : memref<40xi32, #tpu.memory_space<vmem>>) semaphore(%arg19 : memref<!tpu.dma_semaphore, #tpu.memory_space<semaphore_mem>>)
    %dma_start3A_47 = arith.constant 0 : i32
    %dma_start3A_48 = arith.constant 0 : i32
    %dma_start3A_49 = tpu.memref_slice %arg3[%add3A, %dma_start3A_47, %dma_start3A_48] : memref<32x250x40xi32, #tpu.memory_space<hbm>> -> memref<1x1x40xi32, #tpu.memory_space<hbm>>
    %dma_start3A_50 = tpu.memref_squeeze %dma_start3A_49 : memref<1x1x40xi32, #tpu.memory_space<hbm>> -> memref<40xi32, #tpu.memory_space<hbm>>
    %dma_start3A_51 = arith.constant 0 : i32
    %dma_start3A_52 = tpu.memref_slice %arg3[%add3A, %dma_start3A_47, %dma_start3A_51] : memref<32x250x40xi32, #tpu.memory_space<hbm>> -> memref<1x1x40xi32, #tpu.memory_space<hbm>>
    %dma_start3A_53 = tpu.memref_squeeze %dma_start3A_52 : memref<1x1x40xi32, #tpu.memory_space<hbm>> -> memref<40xi32, #tpu.memory_space<hbm>>
    tpu.enqueue_dma source(%dma_start3A_53 : memref<40xi32, #tpu.memory_space<hbm>>) target(%arg14 : memref<40xi32, #tpu.memory_space<vmem>>) target_semaphore(%arg29 : memref<!tpu.dma_semaphore, #tpu.memory_space<semaphore_mem>>)
    %dma_start3A_54 = arith.constant 40 : i32
    %dma_start3A_55 = tpu.memref_slice %arg7[%dma_start3A_54] : memref<10000xi32, #tpu.memory_space<vmem>> -> memref<40xi32, #tpu.memory_space<vmem>>
    %dma_start3A_56 = arith.constant 0 : i32
    %dma_start3A_57 = arith.constant 0 : i32
    %dma_start3A_58 = tpu.memref_slice %arg4[%dma_start3A_56, %dma_start3A_57] : memref<10000x128xf32, #tpu.memory_space<hbm>> -> memref<10000x128xf32, #tpu.memory_space<hbm>>
    tpu.enqueue_indirect_dma source(%dma_start3A_58 : memref<10000x128xf32, #tpu.memory_space<hbm>>) target(%arg10 : memref<40x128xf32, #tpu.memory_space<vmem>>) offsets(%dma_start3A_55 : memref<40xi32, #tpu.memory_space<vmem>>) semaphore(%arg20 : memref<!tpu.dma_semaphore, #tpu.memory_space<semaphore_mem>>)
    %dma_start3A_59 = arith.constant 1 : i32
    %dma_start3A_60 = arith.constant 0 : i32
    %dma_start3A_61 = tpu.memref_slice %arg3[%add3A, %dma_start3A_59, %dma_start3A_60] : memref<32x250x40xi32, #tpu.memory_space<hbm>> -> memref<1x1x40xi32, #tpu.memory_space<hbm>>
    %dma_start3A_62 = tpu.memref_squeeze %dma_start3A_61 : memref<1x1x40xi32, #tpu.memory_space<hbm>> -> memref<40xi32, #tpu.memory_space<hbm>>
    %dma_start3A_63 = arith.constant 0 : i32
    %dma_start3A_64 = tpu.memref_slice %arg3[%add3A, %dma_start3A_59, %dma_start3A_63] : memref<32x250x40xi32, #tpu.memory_space<hbm>> -> memref<1x1x40xi32, #tpu.memory_space<hbm>>
    %dma_start3A_65 = tpu.memref_squeeze %dma_start3A_64 : memref<1x1x40xi32, #tpu.memory_space<hbm>> -> memref<40xi32, #tpu.memory_space<hbm>>
    tpu.enqueue_dma source(%dma_start3A_65 : memref<40xi32, #tpu.memory_space<hbm>>) target(%arg15 : memref<40xi32, #tpu.memory_space<vmem>>) target_semaphore(%arg30 : memref<!tpu.dma_semaphore, #tpu.memory_space<semaphore_mem>>)
    %dma_start3A_66 = arith.constant 80 : i32
    %dma_start3A_67 = tpu.memref_slice %arg7[%dma_start3A_66] : memref<10000xi32, #tpu.memory_space<vmem>> -> memref<40xi32, #tpu.memory_space<vmem>>
    %dma_start3A_68 = arith.constant 0 : i32
    %dma_start3A_69 = arith.constant 0 : i32
    %dma_start3A_70 = tpu.memref_slice %arg4[%dma_start3A_68, %dma_start3A_69] : memref<10000x128xf32, #tpu.memory_space<hbm>> -> memref<10000x128xf32, #tpu.memory_space<hbm>>
    tpu.enqueue_indirect_dma source(%dma_start3A_70 : memref<10000x128xf32, #tpu.memory_space<hbm>>) target(%arg11 : memref<40x128xf32, #tpu.memory_space<vmem>>) offsets(%dma_start3A_67 : memref<40xi32, #tpu.memory_space<vmem>>) semaphore(%arg21 : memref<!tpu.dma_semaphore, #tpu.memory_space<semaphore_mem>>)
    %dma_start3A_71 = arith.constant 2 : i32
    %dma_start3A_72 = arith.constant 0 : i32
    %dma_start3A_73 = tpu.memref_slice %arg3[%add3A, %dma_start3A_71, %dma_start3A_72] : memref<32x250x40xi32, #tpu.memory_space<hbm>> -> memref<1x1x40xi32, #tpu.memory_space<hbm>>
    %dma_start3A_74 = tpu.memref_squeeze %dma_start3A_73 : memref<1x1x40xi32, #tpu.memory_space<hbm>> -> memref<40xi32, #tpu.memory_space<hbm>>
    %dma_start3A_75 = arith.constant 0 : i32
    %dma_start3A_76 = tpu.memref_slice %arg3[%add3A, %dma_start3A_71, %dma_start3A_75] : memref<32x250x40xi32, #tpu.memory_space<hbm>> -> memref<1x1x40xi32, #tpu.memory_space<hbm>>
    %dma_start3A_77 = tpu.memref_squeeze %dma_start3A_76 : memref<1x1x40xi32, #tpu.memory_space<hbm>> -> memref<40xi32, #tpu.memory_space<hbm>>
    tpu.enqueue_dma source(%dma_start3A_77 : memref<40xi32, #tpu.memory_space<hbm>>) target(%arg16 : memref<40xi32, #tpu.memory_space<vmem>>) target_semaphore(%arg31 : memref<!tpu.dma_semaphore, #tpu.memory_space<semaphore_mem>>)
    %dma_start3A_78 = arith.constant 120 : i32
    %dma_start3A_79 = tpu.memref_slice %arg7[%dma_start3A_78] : memref<10000xi32, #tpu.memory_space<vmem>> -> memref<40xi32, #tpu.memory_space<vmem>>
    %dma_start3A_80 = arith.constant 0 : i32
    %dma_start3A_81 = arith.constant 0 : i32
    %dma_start3A_82 = tpu.memref_slice %arg4[%dma_start3A_80, %dma_start3A_81] : memref<10000x128xf32, #tpu.memory_space<hbm>> -> memref<10000x128xf32, #tpu.memory_space<hbm>>
    tpu.enqueue_indirect_dma source(%dma_start3A_82 : memref<10000x128xf32, #tpu.memory_space<hbm>>) target(%arg12 : memref<40x128xf32, #tpu.memory_space<vmem>>) offsets(%dma_start3A_79 : memref<40xi32, #tpu.memory_space<vmem>>) semaphore(%arg22 : memref<!tpu.dma_semaphore, #tpu.memory_space<semaphore_mem>>)
    %dma_start3A_83 = arith.constant 3 : i32
    %dma_start3A_84 = arith.constant 0 : i32
    %dma_start3A_85 = tpu.memref_slice %arg3[%add3A, %dma_start3A_83, %dma_start3A_84] : memref<32x250x40xi32, #tpu.memory_space<hbm>> -> memref<1x1x40xi32, #tpu.memory_space<hbm>>
    %dma_start3A_86 = tpu.memref_squeeze %dma_start3A_85 : memref<1x1x40xi32, #tpu.memory_space<hbm>> -> memref<40xi32, #tpu.memory_space<hbm>>
    %dma_start3A_87 = arith.constant 0 : i32
    %dma_start3A_88 = tpu.memref_slice %arg3[%add3A, %dma_start3A_83, %dma_start3A_87] : memref<32x250x40xi32, #tpu.memory_space<hbm>> -> memref<1x1x40xi32, #tpu.memory_space<hbm>>
    %dma_start3A_89 = tpu.memref_squeeze %dma_start3A_88 : memref<1x1x40xi32, #tpu.memory_space<hbm>> -> memref<40xi32, #tpu.memory_space<hbm>>
    tpu.enqueue_dma source(%dma_start3A_89 : memref<40xi32, #tpu.memory_space<hbm>>) target(%arg17 : memref<40xi32, #tpu.memory_space<vmem>>) target_semaphore(%arg32 : memref<!tpu.dma_semaphore, #tpu.memory_space<semaphore_mem>>)
    %dma_start3A_90 = arith.constant 160 : i32
    %dma_start3A_91 = tpu.memref_slice %arg7[%dma_start3A_90] : memref<10000xi32, #tpu.memory_space<vmem>> -> memref<40xi32, #tpu.memory_space<vmem>>
    %dma_start3A_92 = arith.constant 0 : i32
    %dma_start3A_93 = arith.constant 0 : i32
    %dma_start3A_94 = tpu.memref_slice %arg4[%dma_start3A_92, %dma_start3A_93] : memref<10000x128xf32, #tpu.memory_space<hbm>> -> memref<10000x128xf32, #tpu.memory_space<hbm>>
    tpu.enqueue_indirect_dma source(%dma_start3A_94 : memref<10000x128xf32, #tpu.memory_space<hbm>>) target(%arg13 : memref<40x128xf32, #tpu.memory_space<vmem>>) offsets(%dma_start3A_91 : memref<40xi32, #tpu.memory_space<vmem>>) semaphore(%arg23 : memref<!tpu.dma_semaphore, #tpu.memory_space<semaphore_mem>>)
    %dma_start3A_95 = arith.constant 4 : i32
    %dma_start3A_96 = arith.constant 0 : i32
    %dma_start3A_97 = tpu.memref_slice %arg3[%add3A, %dma_start3A_95, %dma_start3A_96] : memref<32x250x40xi32, #tpu.memory_space<hbm>> -> memref<1x1x40xi32, #tpu.memory_space<hbm>>
    %dma_start3A_98 = tpu.memref_squeeze %dma_start3A_97 : memref<1x1x40xi32, #tpu.memory_space<hbm>> -> memref<40xi32, #tpu.memory_space<hbm>>
    %dma_start3A_99 = arith.constant 0 : i32
    %dma_start3A_100 = tpu.memref_slice %arg3[%add3A, %dma_start3A_95, %dma_start3A_99] : memref<32x250x40xi32, #tpu.memory_space<hbm>> -> memref<1x1x40xi32, #tpu.memory_space<hbm>>
    %dma_start3A_101 = tpu.memref_squeeze %dma_start3A_100 : memref<1x1x40xi32, #tpu.memory_space<hbm>> -> memref<40xi32, #tpu.memory_space<hbm>>
    tpu.enqueue_dma source(%dma_start3A_101 : memref<40xi32, #tpu.memory_space<hbm>>) target(%arg18 : memref<40xi32, #tpu.memory_space<vmem>>) target_semaphore(%arg33 : memref<!tpu.dma_semaphore, #tpu.memory_space<semaphore_mem>>)
    %scan3A_102 = arith.constant 0 : i32
    %scan3A_103 = arith.constant 0 : i32
    %scan3A_104 = arith.constant 50 : i32
    %scan3A_105 = arith.addi %scan3A_103, %scan3A_104 : i32
    %scan3A_106 = arith.constant 1 : i32
    scf.for %scan3A_170 = %scan3A_103 to %scan3A_105 step %scan3A_106  : i32 {
      %mul3A_171 = arith.constant 5 : i32
      %mul3A_172 = arith.muli %scan3A_170, %mul3A_171 : i32
      %add3A_173 = arith.constant 0 : i32
      %add3A_174 = arith.addi %mul3A_172, %add3A_173 : i32
      %mul3A_175 = arith.constant 40 : i32
      %mul3A_176 = arith.muli %add3A_174, %mul3A_175 : i32
      %dma_wait3A_177 = tpu.memref_slice %arg7[%mul3A_176] : memref<10000xi32, #tpu.memory_space<vmem>> -> memref<40xi32, #tpu.memory_space<vmem>>
      %dma_wait3A_178 = arith.constant 0 : i32
      %dma_wait3A_179 = arith.constant 0 : i32
      %dma_wait3A_180 = tpu.memref_slice %arg4[%dma_wait3A_178, %dma_wait3A_179] : memref<10000x128xf32, #tpu.memory_space<hbm>> -> memref<10000x128xf32, #tpu.memory_space<hbm>>
      tpu.wait_indirect_dma semaphore(%arg19 : memref<!tpu.dma_semaphore, #tpu.memory_space<semaphore_mem>>) src(%dma_wait3A_180 : memref<10000x128xf32, #tpu.memory_space<hbm>>) dst(%arg9 : memref<40x128xf32, #tpu.memory_space<vmem>>)
      %dma_wait3A_181 = arith.constant 0 : i32
      %dma_wait3A_182 = tpu.memref_slice %arg3[%add3A, %add3A_174, %dma_wait3A_181] : memref<32x250x40xi32, #tpu.memory_space<hbm>> -> memref<1x1x40xi32, #tpu.memory_space<hbm>>
      %dma_wait3A_183 = tpu.memref_squeeze %dma_wait3A_182 : memref<1x1x40xi32, #tpu.memory_space<hbm>> -> memref<40xi32, #tpu.memory_space<hbm>>
      %dma_wait3A_184 = arith.constant 0 : i32
      %dma_wait3A_185 = tpu.memref_slice %arg3[%add3A, %add3A_174, %dma_wait3A_184] : memref<32x250x40xi32, #tpu.memory_space<hbm>> -> memref<1x1x40xi32, #tpu.memory_space<hbm>>
      %dma_wait3A_186 = tpu.memref_squeeze %dma_wait3A_185 : memref<1x1x40xi32, #tpu.memory_space<hbm>> -> memref<40xi32, #tpu.memory_space<hbm>>
      tpu.wait_dma2 semaphore(%arg29 : memref<!tpu.dma_semaphore, #tpu.memory_space<semaphore_mem>>) src(%dma_wait3A_186 : memref<40xi32, #tpu.memory_space<hbm>>) dst(%arg14 : memref<40xi32, #tpu.memory_space<vmem>>)
      %dma_start3A_187 = arith.constant 0 : i32
      %dma_start3A_188 = arith.constant 0 : i32
      %dma_start3A_189 = tpu.memref_slice %arg6[%dma_start3A_187, %dma_start3A_188] : memref<10000x128xf32, #tpu.memory_space<vmem_shared>> -> memref<10000x128xf32, #tpu.memory_space<vmem_shared>>
      tpu.enqueue_indirect_dma source(%arg9 : memref<40x128xf32, #tpu.memory_space<vmem>>) target(%dma_start3A_189 : memref<10000x128xf32, #tpu.memory_space<vmem_shared>>) offsets(%arg14 : memref<40xi32, #tpu.memory_space<vmem>>) semaphore(%arg24 : memref<!tpu.dma_semaphore, #tpu.memory_space<semaphore_mem>>) {add = true}
      %mul3A_190 = arith.constant 5 : i32
      %mul3A_191 = arith.muli %scan3A_170, %mul3A_190 : i32
      %add3A_192 = arith.constant 1 : i32
      %add3A_193 = arith.addi %mul3A_191, %add3A_192 : i32
      %mul3A_194 = arith.constant 40 : i32
      %mul3A_195 = arith.muli %add3A_193, %mul3A_194 : i32
      %dma_wait3A_196 = tpu.memref_slice %arg7[%mul3A_195] : memref<10000xi32, #tpu.memory_space<vmem>> -> memref<40xi32, #tpu.memory_space<vmem>>
      %dma_wait3A_197 = arith.constant 0 : i32
      %dma_wait3A_198 = arith.constant 0 : i32
      %dma_wait3A_199 = tpu.memref_slice %arg4[%dma_wait3A_197, %dma_wait3A_198] : memref<10000x128xf32, #tpu.memory_space<hbm>> -> memref<10000x128xf32, #tpu.memory_space<hbm>>
      tpu.wait_indirect_dma semaphore(%arg20 : memref<!tpu.dma_semaphore, #tpu.memory_space<semaphore_mem>>) src(%dma_wait3A_199 : memref<10000x128xf32, #tpu.memory_space<hbm>>) dst(%arg10 : memref<40x128xf32, #tpu.memory_space<vmem>>)
      %dma_wait3A_200 = arith.constant 0 : i32
      %dma_wait3A_201 = tpu.memref_slice %arg3[%add3A, %add3A_193, %dma_wait3A_200] : memref<32x250x40xi32, #tpu.memory_space<hbm>> -> memref<1x1x40xi32, #tpu.memory_space<hbm>>
      %dma_wait3A_202 = tpu.memref_squeeze %dma_wait3A_201 : memref<1x1x40xi32, #tpu.memory_space<hbm>> -> memref<40xi32, #tpu.memory_space<hbm>>
      %dma_wait3A_203 = arith.constant 0 : i32
      %dma_wait3A_204 = tpu.memref_slice %arg3[%add3A, %add3A_193, %dma_wait3A_203] : memref<32x250x40xi32, #tpu.memory_space<hbm>> -> memref<1x1x40xi32, #tpu.memory_space<hbm>>
      %dma_wait3A_205 = tpu.memref_squeeze %dma_wait3A_204 : memref<1x1x40xi32, #tpu.memory_space<hbm>> -> memref<40xi32, #tpu.memory_space<hbm>>
      tpu.wait_dma2 semaphore(%arg30 : memref<!tpu.dma_semaphore, #tpu.memory_space<semaphore_mem>>) src(%dma_wait3A_205 : memref<40xi32, #tpu.memory_space<hbm>>) dst(%arg15 : memref<40xi32, #tpu.memory_space<vmem>>)
      %dma_start3A_206 = arith.constant 0 : i32
      %dma_start3A_207 = arith.constant 0 : i32
      %dma_start3A_208 = tpu.memref_slice %arg6[%dma_start3A_206, %dma_start3A_207] : memref<10000x128xf32, #tpu.memory_space<vmem_shared>> -> memref<10000x128xf32, #tpu.memory_space<vmem_shared>>
      tpu.enqueue_indirect_dma source(%arg10 : memref<40x128xf32, #tpu.memory_space<vmem>>) target(%dma_start3A_208 : memref<10000x128xf32, #tpu.memory_space<vmem_shared>>) offsets(%arg15 : memref<40xi32, #tpu.memory_space<vmem>>) semaphore(%arg25 : memref<!tpu.dma_semaphore, #tpu.memory_space<semaphore_mem>>) {add = true}
      %mul3A_209 = arith.constant 5 : i32
      %mul3A_210 = arith.muli %scan3A_170, %mul3A_209 : i32
      %add3A_211 = arith.constant 2 : i32
      %add3A_212 = arith.addi %mul3A_210, %add3A_211 : i32
      %mul3A_213 = arith.constant 40 : i32
      %mul3A_214 = arith.muli %add3A_212, %mul3A_213 : i32
      %dma_wait3A_215 = tpu.memref_slice %arg7[%mul3A_214] : memref<10000xi32, #tpu.memory_space<vmem>> -> memref<40xi32, #tpu.memory_space<vmem>>
      %dma_wait3A_216 = arith.constant 0 : i32
      %dma_wait3A_217 = arith.constant 0 : i32
      %dma_wait3A_218 = tpu.memref_slice %arg4[%dma_wait3A_216, %dma_wait3A_217] : memref<10000x128xf32, #tpu.memory_space<hbm>> -> memref<10000x128xf32, #tpu.memory_space<hbm>>
      tpu.wait_indirect_dma semaphore(%arg21 : memref<!tpu.dma_semaphore, #tpu.memory_space<semaphore_mem>>) src(%dma_wait3A_218 : memref<10000x128xf32, #tpu.memory_space<hbm>>) dst(%arg11 : memref<40x128xf32, #tpu.memory_space<vmem>>)
      %dma_wait3A_219 = arith.constant 0 : i32
      %dma_wait3A_220 = tpu.memref_slice %arg3[%add3A, %add3A_212, %dma_wait3A_219] : memref<32x250x40xi32, #tpu.memory_space<hbm>> -> memref<1x1x40xi32, #tpu.memory_space<hbm>>
      %dma_wait3A_221 = tpu.memref_squeeze %dma_wait3A_220 : memref<1x1x40xi32, #tpu.memory_space<hbm>> -> memref<40xi32, #tpu.memory_space<hbm>>
      %dma_wait3A_222 = arith.constant 0 : i32
      %dma_wait3A_223 = tpu.memref_slice %arg3[%add3A, %add3A_212, %dma_wait3A_222] : memref<32x250x40xi32, #tpu.memory_space<hbm>> -> memref<1x1x40xi32, #tpu.memory_space<hbm>>
      %dma_wait3A_224 = tpu.memref_squeeze %dma_wait3A_223 : memref<1x1x40xi32, #tpu.memory_space<hbm>> -> memref<40xi32, #tpu.memory_space<hbm>>
      tpu.wait_dma2 semaphore(%arg31 : memref<!tpu.dma_semaphore, #tpu.memory_space<semaphore_mem>>) src(%dma_wait3A_224 : memref<40xi32, #tpu.memory_space<hbm>>) dst(%arg16 : memref<40xi32, #tpu.memory_space<vmem>>)
      %dma_start3A_225 = arith.constant 0 : i32
      %dma_start3A_226 = arith.constant 0 : i32
      %dma_start3A_227 = tpu.memref_slice %arg6[%dma_start3A_225, %dma_start3A_226] : memref<10000x128xf32, #tpu.memory_space<vmem_shared>> -> memref<10000x128xf32, #tpu.memory_space<vmem_shared>>
      tpu.enqueue_indirect_dma source(%arg11 : memref<40x128xf32, #tpu.memory_space<vmem>>) target(%dma_start3A_227 : memref<10000x128xf32, #tpu.memory_space<vmem_shared>>) offsets(%arg16 : memref<40xi32, #tpu.memory_space<vmem>>) semaphore(%arg26 : memref<!tpu.dma_semaphore, #tpu.memory_space<semaphore_mem>>) {add = true}
      %mul3A_228 = arith.constant 5 : i32
      %mul3A_229 = arith.muli %scan3A_170, %mul3A_228 : i32
      %add3A_230 = arith.constant 3 : i32
      %add3A_231 = arith.addi %mul3A_229, %add3A_230 : i32
      %mul3A_232 = arith.constant 40 : i32
      %mul3A_233 = arith.muli %add3A_231, %mul3A_232 : i32
      %dma_wait3A_234 = tpu.memref_slice %arg7[%mul3A_233] : memref<10000xi32, #tpu.memory_space<vmem>> -> memref<40xi32, #tpu.memory_space<vmem>>
      %dma_wait3A_235 = arith.constant 0 : i32
      %dma_wait3A_236 = arith.constant 0 : i32
      %dma_wait3A_237 = tpu.memref_slice %arg4[%dma_wait3A_235, %dma_wait3A_236] : memref<10000x128xf32, #tpu.memory_space<hbm>> -> memref<10000x128xf32, #tpu.memory_space<hbm>>
      tpu.wait_indirect_dma semaphore(%arg22 : memref<!tpu.dma_semaphore, #tpu.memory_space<semaphore_mem>>) src(%dma_wait3A_237 : memref<10000x128xf32, #tpu.memory_space<hbm>>) dst(%arg12 : memref<40x128xf32, #tpu.memory_space<vmem>>)
      %dma_wait3A_238 = arith.constant 0 : i32
      %dma_wait3A_239 = tpu.memref_slice %arg3[%add3A, %add3A_231, %dma_wait3A_238] : memref<32x250x40xi32, #tpu.memory_space<hbm>> -> memref<1x1x40xi32, #tpu.memory_space<hbm>>
      %dma_wait3A_240 = tpu.memref_squeeze %dma_wait3A_239 : memref<1x1x40xi32, #tpu.memory_space<hbm>> -> memref<40xi32, #tpu.memory_space<hbm>>
      %dma_wait3A_241 = arith.constant 0 : i32
      %dma_wait3A_242 = tpu.memref_slice %arg3[%add3A, %add3A_231, %dma_wait3A_241] : memref<32x250x40xi32, #tpu.memory_space<hbm>> -> memref<1x1x40xi32, #tpu.memory_space<hbm>>
      %dma_wait3A_243 = tpu.memref_squeeze %dma_wait3A_242 : memref<1x1x40xi32, #tpu.memory_space<hbm>> -> memref<40xi32, #tpu.memory_space<hbm>>
      tpu.wait_dma2 semaphore(%arg32 : memref<!tpu.dma_semaphore, #tpu.memory_space<semaphore_mem>>) src(%dma_wait3A_243 : memref<40xi32, #tpu.memory_space<hbm>>) dst(%arg17 : memref<40xi32, #tpu.memory_space<vmem>>)
      %dma_start3A_244 = arith.constant 0 : i32
      %dma_start3A_245 = arith.constant 0 : i32
      %dma_start3A_246 = tpu.memref_slice %arg6[%dma_start3A_244, %dma_start3A_245] : memref<10000x128xf32, #tpu.memory_space<vmem_shared>> -> memref<10000x128xf32, #tpu.memory_space<vmem_shared>>
      tpu.enqueue_indirect_dma source(%arg12 : memref<40x128xf32, #tpu.memory_space<vmem>>) target(%dma_start3A_246 : memref<10000x128xf32, #tpu.memory_space<vmem_shared>>) offsets(%arg17 : memref<40xi32, #tpu.memory_space<vmem>>) semaphore(%arg27 : memref<!tpu.dma_semaphore, #tpu.memory_space<semaphore_mem>>) {add = true}
      %mul3A_247 = arith.constant 5 : i32
      %mul3A_248 = arith.muli %scan3A_170, %mul3A_247 : i32
      %add3A_249 = arith.constant 4 : i32
      %add3A_250 = arith.addi %mul3A_248, %add3A_249 : i32
      %mul3A_251 = arith.constant 40 : i32
      %mul3A_252 = arith.muli %add3A_250, %mul3A_251 : i32
      %dma_wait3A_253 = tpu.memref_slice %arg7[%mul3A_252] : memref<10000xi32, #tpu.memory_space<vmem>> -> memref<40xi32, #tpu.memory_space<vmem>>
      %dma_wait3A_254 = arith.constant 0 : i32
      %dma_wait3A_255 = arith.constant 0 : i32
      %dma_wait3A_256 = tpu.memref_slice %arg4[%dma_wait3A_254, %dma_wait3A_255] : memref<10000x128xf32, #tpu.memory_space<hbm>> -> memref<10000x128xf32, #tpu.memory_space<hbm>>
      tpu.wait_indirect_dma semaphore(%arg23 : memref<!tpu.dma_semaphore, #tpu.memory_space<semaphore_mem>>) src(%dma_wait3A_256 : memref<10000x128xf32, #tpu.memory_space<hbm>>) dst(%arg13 : memref<40x128xf32, #tpu.memory_space<vmem>>)
      %dma_wait3A_257 = arith.constant 0 : i32
      %dma_wait3A_258 = tpu.memref_slice %arg3[%add3A, %add3A_250, %dma_wait3A_257] : memref<32x250x40xi32, #tpu.memory_space<hbm>> -> memref<1x1x40xi32, #tpu.memory_space<hbm>>
      %dma_wait3A_259 = tpu.memref_squeeze %dma_wait3A_258 : memref<1x1x40xi32, #tpu.memory_space<hbm>> -> memref<40xi32, #tpu.memory_space<hbm>>
      %dma_wait3A_260 = arith.constant 0 : i32
      %dma_wait3A_261 = tpu.memref_slice %arg3[%add3A, %add3A_250, %dma_wait3A_260] : memref<32x250x40xi32, #tpu.memory_space<hbm>> -> memref<1x1x40xi32, #tpu.memory_space<hbm>>
      %dma_wait3A_262 = tpu.memref_squeeze %dma_wait3A_261 : memref<1x1x40xi32, #tpu.memory_space<hbm>> -> memref<40xi32, #tpu.memory_space<hbm>>
      tpu.wait_dma2 semaphore(%arg33 : memref<!tpu.dma_semaphore, #tpu.memory_space<semaphore_mem>>) src(%dma_wait3A_262 : memref<40xi32, #tpu.memory_space<hbm>>) dst(%arg18 : memref<40xi32, #tpu.memory_space<vmem>>)
      %dma_start3A_263 = arith.constant 0 : i32
      %dma_start3A_264 = arith.constant 0 : i32
      %dma_start3A_265 = tpu.memref_slice %arg6[%dma_start3A_263, %dma_start3A_264] : memref<10000x128xf32, #tpu.memory_space<vmem_shared>> -> memref<10000x128xf32, #tpu.memory_space<vmem_shared>>
      tpu.enqueue_indirect_dma source(%arg13 : memref<40x128xf32, #tpu.memory_space<vmem>>) target(%dma_start3A_265 : memref<10000x128xf32, #tpu.memory_space<vmem_shared>>) offsets(%arg18 : memref<40xi32, #tpu.memory_space<vmem>>) semaphore(%arg28 : memref<!tpu.dma_semaphore, #tpu.memory_space<semaphore_mem>>) {add = true}
      %mul3A_266 = arith.constant 5 : i32
      %mul3A_267 = arith.muli %scan3A_170, %mul3A_266 : i32
      %add3A_268 = arith.constant 0 : i32
      %add3A_269 = arith.addi %mul3A_267, %add3A_268 : i32
      %add3A_270 = arith.constant 5 : i32
      %add3A_271 = arith.addi %add3A_269, %add3A_270 : i32
      %min3A = arith.constant 249 : i32
      %min3A_272 = arith.minsi %add3A_271, %min3A : i32
      %dma_wait3A_273 = arith.constant 0 : i32
      %dma_wait3A_274 = arith.constant 0 : i32
      %dma_wait3A_275 = tpu.memref_slice %arg6[%dma_wait3A_273, %dma_wait3A_274] : memref<10000x128xf32, #tpu.memory_space<vmem_shared>> -> memref<10000x128xf32, #tpu.memory_space<vmem_shared>>
      tpu.wait_indirect_dma semaphore(%arg24 : memref<!tpu.dma_semaphore, #tpu.memory_space<semaphore_mem>>) src(%arg9 : memref<40x128xf32, #tpu.memory_space<vmem>>) dst(%dma_wait3A_275 : memref<10000x128xf32, #tpu.memory_space<vmem_shared>>)
      %mul3A_276 = arith.constant 40 : i32
      %mul3A_277 = arith.muli %min3A_272, %mul3A_276 : i32
      %dma_start3A_278 = tpu.memref_slice %arg7[%mul3A_277] : memref<10000xi32, #tpu.memory_space<vmem>> -> memref<40xi32, #tpu.memory_space<vmem>>
      %dma_start3A_279 = arith.constant 0 : i32
      %dma_start3A_280 = arith.constant 0 : i32
      %dma_start3A_281 = tpu.memref_slice %arg4[%dma_start3A_279, %dma_start3A_280] : memref<10000x128xf32, #tpu.memory_space<hbm>> -> memref<10000x128xf32, #tpu.memory_space<hbm>>
      tpu.enqueue_indirect_dma source(%dma_start3A_281 : memref<10000x128xf32, #tpu.memory_space<hbm>>) target(%arg9 : memref<40x128xf32, #tpu.memory_space<vmem>>) offsets(%dma_start3A_278 : memref<40xi32, #tpu.memory_space<vmem>>) semaphore(%arg19 : memref<!tpu.dma_semaphore, #tpu.memory_space<semaphore_mem>>)
      %dma_start3A_282 = arith.constant 0 : i32
      %dma_start3A_283 = tpu.memref_slice %arg3[%add3A, %min3A_272, %dma_start3A_282] : memref<32x250x40xi32, #tpu.memory_space<hbm>> -> memref<1x1x40xi32, #tpu.memory_space<hbm>>
      %dma_start3A_284 = tpu.memref_squeeze %dma_start3A_283 : memref<1x1x40xi32, #tpu.memory_space<hbm>> -> memref<40xi32, #tpu.memory_space<hbm>>
      %dma_start3A_285 = arith.constant 0 : i32
      %dma_start3A_286 = tpu.memref_slice %arg3[%add3A, %min3A_272, %dma_start3A_285] : memref<32x250x40xi32, #tpu.memory_space<hbm>> -> memref<1x1x40xi32, #tpu.memory_space<hbm>>
      %dma_start3A_287 = tpu.memref_squeeze %dma_start3A_286 : memref<1x1x40xi32, #tpu.memory_space<hbm>> -> memref<40xi32, #tpu.memory_space<hbm>>
      tpu.enqueue_dma source(%dma_start3A_287 : memref<40xi32, #tpu.memory_space<hbm>>) target(%arg14 : memref<40xi32, #tpu.memory_space<vmem>>) target_semaphore(%arg29 : memref<!tpu.dma_semaphore, #tpu.memory_space<semaphore_mem>>)
      %mul3A_288 = arith.constant 5 : i32
      %mul3A_289 = arith.muli %scan3A_170, %mul3A_288 : i32
      %add3A_290 = arith.constant 1 : i32
      %add3A_291 = arith.addi %mul3A_289, %add3A_290 : i32
      %add3A_292 = arith.constant 5 : i32
      %add3A_293 = arith.addi %add3A_291, %add3A_292 : i32
      %min3A_294 = arith.constant 249 : i32
      %min3A_295 = arith.minsi %add3A_293, %min3A_294 : i32
      %dma_wait3A_296 = arith.constant 0 : i32
      %dma_wait3A_297 = arith.constant 0 : i32
      %dma_wait3A_298 = tpu.memref_slice %arg6[%dma_wait3A_296, %dma_wait3A_297] : memref<10000x128xf32, #tpu.memory_space<vmem_shared>> -> memref<10000x128xf32, #tpu.memory_space<vmem_shared>>
      tpu.wait_indirect_dma semaphore(%arg25 : memref<!tpu.dma_semaphore, #tpu.memory_space<semaphore_mem>>) src(%arg10 : memref<40x128xf32, #tpu.memory_space<vmem>>) dst(%dma_wait3A_298 : memref<10000x128xf32, #tpu.memory_space<vmem_shared>>)
      %mul3A_299 = arith.constant 40 : i32
      %mul3A_300 = arith.muli %min3A_295, %mul3A_299 : i32
      %dma_start3A_301 = tpu.memref_slice %arg7[%mul3A_300] : memref<10000xi32, #tpu.memory_space<vmem>> -> memref<40xi32, #tpu.memory_space<vmem>>
      %dma_start3A_302 = arith.constant 0 : i32
      %dma_start3A_303 = arith.constant 0 : i32
      %dma_start3A_304 = tpu.memref_slice %arg4[%dma_start3A_302, %dma_start3A_303] : memref<10000x128xf32, #tpu.memory_space<hbm>> -> memref<10000x128xf32, #tpu.memory_space<hbm>>
      tpu.enqueue_indirect_dma source(%dma_start3A_304 : memref<10000x128xf32, #tpu.memory_space<hbm>>) target(%arg10 : memref<40x128xf32, #tpu.memory_space<vmem>>) offsets(%dma_start3A_301 : memref<40xi32, #tpu.memory_space<vmem>>) semaphore(%arg20 : memref<!tpu.dma_semaphore, #tpu.memory_space<semaphore_mem>>)
      %dma_start3A_305 = arith.constant 0 : i32
      %dma_start3A_306 = tpu.memref_slice %arg3[%add3A, %min3A_295, %dma_start3A_305] : memref<32x250x40xi32, #tpu.memory_space<hbm>> -> memref<1x1x40xi32, #tpu.memory_space<hbm>>
      %dma_start3A_307 = tpu.memref_squeeze %dma_start3A_306 : memref<1x1x40xi32, #tpu.memory_space<hbm>> -> memref<40xi32, #tpu.memory_space<hbm>>
      %dma_start3A_308 = arith.constant 0 : i32
      %dma_start3A_309 = tpu.memref_slice %arg3[%add3A, %min3A_295, %dma_start3A_308] : memref<32x250x40xi32, #tpu.memory_space<hbm>> -> memref<1x1x40xi32, #tpu.memory_space<hbm>>
      %dma_start3A_310 = tpu.memref_squeeze %dma_start3A_309 : memref<1x1x40xi32, #tpu.memory_space<hbm>> -> memref<40xi32, #tpu.memory_space<hbm>>
      tpu.enqueue_dma source(%dma_start3A_310 : memref<40xi32, #tpu.memory_space<hbm>>) target(%arg15 : memref<40xi32, #tpu.memory_space<vmem>>) target_semaphore(%arg30 : memref<!tpu.dma_semaphore, #tpu.memory_space<semaphore_mem>>)
      %mul3A_311 = arith.constant 5 : i32
      %mul3A_312 = arith.muli %scan3A_170, %mul3A_311 : i32
      %add3A_313 = arith.constant 2 : i32
      %add3A_314 = arith.addi %mul3A_312, %add3A_313 : i32
      %add3A_315 = arith.constant 5 : i32
      %add3A_316 = arith.addi %add3A_314, %add3A_315 : i32
      %min3A_317 = arith.constant 249 : i32
      %min3A_318 = arith.minsi %add3A_316, %min3A_317 : i32
      %dma_wait3A_319 = arith.constant 0 : i32
      %dma_wait3A_320 = arith.constant 0 : i32
      %dma_wait3A_321 = tpu.memref_slice %arg6[%dma_wait3A_319, %dma_wait3A_320] : memref<10000x128xf32, #tpu.memory_space<vmem_shared>> -> memref<10000x128xf32, #tpu.memory_space<vmem_shared>>
      tpu.wait_indirect_dma semaphore(%arg26 : memref<!tpu.dma_semaphore, #tpu.memory_space<semaphore_mem>>) src(%arg11 : memref<40x128xf32, #tpu.memory_space<vmem>>) dst(%dma_wait3A_321 : memref<10000x128xf32, #tpu.memory_space<vmem_shared>>)
      %mul3A_322 = arith.constant 40 : i32
      %mul3A_323 = arith.muli %min3A_318, %mul3A_322 : i32
      %dma_start3A_324 = tpu.memref_slice %arg7[%mul3A_323] : memref<10000xi32, #tpu.memory_space<vmem>> -> memref<40xi32, #tpu.memory_space<vmem>>
      %dma_start3A_325 = arith.constant 0 : i32
      %dma_start3A_326 = arith.constant 0 : i32
      %dma_start3A_327 = tpu.memref_slice %arg4[%dma_start3A_325, %dma_start3A_326] : memref<10000x128xf32, #tpu.memory_space<hbm>> -> memref<10000x128xf32, #tpu.memory_space<hbm>>
      tpu.enqueue_indirect_dma source(%dma_start3A_327 : memref<10000x128xf32, #tpu.memory_space<hbm>>) target(%arg11 : memref<40x128xf32, #tpu.memory_space<vmem>>) offsets(%dma_start3A_324 : memref<40xi32, #tpu.memory_space<vmem>>) semaphore(%arg21 : memref<!tpu.dma_semaphore, #tpu.memory_space<semaphore_mem>>)
      %dma_start3A_328 = arith.constant 0 : i32
      %dma_start3A_329 = tpu.memref_slice %arg3[%add3A, %min3A_318, %dma_start3A_328] : memref<32x250x40xi32, #tpu.memory_space<hbm>> -> memref<1x1x40xi32, #tpu.memory_space<hbm>>
      %dma_start3A_330 = tpu.memref_squeeze %dma_start3A_329 : memref<1x1x40xi32, #tpu.memory_space<hbm>> -> memref<40xi32, #tpu.memory_space<hbm>>
      %dma_start3A_331 = arith.constant 0 : i32
      %dma_start3A_332 = tpu.memref_slice %arg3[%add3A, %min3A_318, %dma_start3A_331] : memref<32x250x40xi32, #tpu.memory_space<hbm>> -> memref<1x1x40xi32, #tpu.memory_space<hbm>>
      %dma_start3A_333 = tpu.memref_squeeze %dma_start3A_332 : memref<1x1x40xi32, #tpu.memory_space<hbm>> -> memref<40xi32, #tpu.memory_space<hbm>>
      tpu.enqueue_dma source(%dma_start3A_333 : memref<40xi32, #tpu.memory_space<hbm>>) target(%arg16 : memref<40xi32, #tpu.memory_space<vmem>>) target_semaphore(%arg31 : memref<!tpu.dma_semaphore, #tpu.memory_space<semaphore_mem>>)
      %mul3A_334 = arith.constant 5 : i32
      %mul3A_335 = arith.muli %scan3A_170, %mul3A_334 : i32
      %add3A_336 = arith.constant 3 : i32
      %add3A_337 = arith.addi %mul3A_335, %add3A_336 : i32
      %add3A_338 = arith.constant 5 : i32
      %add3A_339 = arith.addi %add3A_337, %add3A_338 : i32
      %min3A_340 = arith.constant 249 : i32
      %min3A_341 = arith.minsi %add3A_339, %min3A_340 : i32
      %dma_wait3A_342 = arith.constant 0 : i32
      %dma_wait3A_343 = arith.constant 0 : i32
      %dma_wait3A_344 = tpu.memref_slice %arg6[%dma_wait3A_342, %dma_wait3A_343] : memref<10000x128xf32, #tpu.memory_space<vmem_shared>> -> memref<10000x128xf32, #tpu.memory_space<vmem_shared>>
      tpu.wait_indirect_dma semaphore(%arg27 : memref<!tpu.dma_semaphore, #tpu.memory_space<semaphore_mem>>) src(%arg12 : memref<40x128xf32, #tpu.memory_space<vmem>>) dst(%dma_wait3A_344 : memref<10000x128xf32, #tpu.memory_space<vmem_shared>>)
      %mul3A_345 = arith.constant 40 : i32
      %mul3A_346 = arith.muli %min3A_341, %mul3A_345 : i32
      %dma_start3A_347 = tpu.memref_slice %arg7[%mul3A_346] : memref<10000xi32, #tpu.memory_space<vmem>> -> memref<40xi32, #tpu.memory_space<vmem>>
      %dma_start3A_348 = arith.constant 0 : i32
      %dma_start3A_349 = arith.constant 0 : i32
      %dma_start3A_350 = tpu.memref_slice %arg4[%dma_start3A_348, %dma_start3A_349] : memref<10000x128xf32, #tpu.memory_space<hbm>> -> memref<10000x128xf32, #tpu.memory_space<hbm>>
      tpu.enqueue_indirect_dma source(%dma_start3A_350 : memref<10000x128xf32, #tpu.memory_space<hbm>>) target(%arg12 : memref<40x128xf32, #tpu.memory_space<vmem>>) offsets(%dma_start3A_347 : memref<40xi32, #tpu.memory_space<vmem>>) semaphore(%arg22 : memref<!tpu.dma_semaphore, #tpu.memory_space<semaphore_mem>>)
      %dma_start3A_351 = arith.constant 0 : i32
      %dma_start3A_352 = tpu.memref_slice %arg3[%add3A, %min3A_341, %dma_start3A_351] : memref<32x250x40xi32, #tpu.memory_space<hbm>> -> memref<1x1x40xi32, #tpu.memory_space<hbm>>
      %dma_start3A_353 = tpu.memref_squeeze %dma_start3A_352 : memref<1x1x40xi32, #tpu.memory_space<hbm>> -> memref<40xi32, #tpu.memory_space<hbm>>
      %dma_start3A_354 = arith.constant 0 : i32
      %dma_start3A_355 = tpu.memref_slice %arg3[%add3A, %min3A_341, %dma_start3A_354] : memref<32x250x40xi32, #tpu.memory_space<hbm>> -> memref<1x1x40xi32, #tpu.memory_space<hbm>>
      %dma_start3A_356 = tpu.memref_squeeze %dma_start3A_355 : memref<1x1x40xi32, #tpu.memory_space<hbm>> -> memref<40xi32, #tpu.memory_space<hbm>>
      tpu.enqueue_dma source(%dma_start3A_356 : memref<40xi32, #tpu.memory_space<hbm>>) target(%arg17 : memref<40xi32, #tpu.memory_space<vmem>>) target_semaphore(%arg32 : memref<!tpu.dma_semaphore, #tpu.memory_space<semaphore_mem>>)
      %mul3A_357 = arith.constant 5 : i32
      %mul3A_358 = arith.muli %scan3A_170, %mul3A_357 : i32
      %add3A_359 = arith.constant 4 : i32
      %add3A_360 = arith.addi %mul3A_358, %add3A_359 : i32
      %add3A_361 = arith.constant 5 : i32
      %add3A_362 = arith.addi %add3A_360, %add3A_361 : i32
      %min3A_363 = arith.constant 249 : i32
      %min3A_364 = arith.minsi %add3A_362, %min3A_363 : i32
      %dma_wait3A_365 = arith.constant 0 : i32
      %dma_wait3A_366 = arith.constant 0 : i32
      %dma_wait3A_367 = tpu.memref_slice %arg6[%dma_wait3A_365, %dma_wait3A_366] : memref<10000x128xf32, #tpu.memory_space<vmem_shared>> -> memref<10000x128xf32, #tpu.memory_space<vmem_shared>>
      tpu.wait_indirect_dma semaphore(%arg28 : memref<!tpu.dma_semaphore, #tpu.memory_space<semaphore_mem>>) src(%arg13 : memref<40x128xf32, #tpu.memory_space<vmem>>) dst(%dma_wait3A_367 : memref<10000x128xf32, #tpu.memory_space<vmem_shared>>)
      %mul3A_368 = arith.constant 40 : i32
      %mul3A_369 = arith.muli %min3A_364, %mul3A_368 : i32
      %dma_start3A_370 = tpu.memref_slice %arg7[%mul3A_369] : memref<10000xi32, #tpu.memory_space<vmem>> -> memref<40xi32, #tpu.memory_space<vmem>>
      %dma_start3A_371 = arith.constant 0 : i32
      %dma_start3A_372 = arith.constant 0 : i32
      %dma_start3A_373 = tpu.memref_slice %arg4[%dma_start3A_371, %dma_start3A_372] : memref<10000x128xf32, #tpu.memory_space<hbm>> -> memref<10000x128xf32, #tpu.memory_space<hbm>>
      tpu.enqueue_indirect_dma source(%dma_start3A_373 : memref<10000x128xf32, #tpu.memory_space<hbm>>) target(%arg13 : memref<40x128xf32, #tpu.memory_space<vmem>>) offsets(%dma_start3A_370 : memref<40xi32, #tpu.memory_space<vmem>>) semaphore(%arg23 : memref<!tpu.dma_semaphore, #tpu.memory_space<semaphore_mem>>)
      %dma_start3A_374 = arith.constant 0 : i32
      %dma_start3A_375 = tpu.memref_slice %arg3[%add3A, %min3A_364, %dma_start3A_374] : memref<32x250x40xi32, #tpu.memory_space<hbm>> -> memref<1x1x40xi32, #tpu.memory_space<hbm>>
      %dma_start3A_376 = tpu.memref_squeeze %dma_start3A_375 : memref<1x1x40xi32, #tpu.memory_space<hbm>> -> memref<40xi32, #tpu.memory_space<hbm>>
      %dma_start3A_377 = arith.constant 0 : i32
      %dma_start3A_378 = tpu.memref_slice %arg3[%add3A, %min3A_364, %dma_start3A_377] : memref<32x250x40xi32, #tpu.memory_space<hbm>> -> memref<1x1x40xi32, #tpu.memory_space<hbm>>
      %dma_start3A_379 = tpu.memref_squeeze %dma_start3A_378 : memref<1x1x40xi32, #tpu.memory_space<hbm>> -> memref<40xi32, #tpu.memory_space<hbm>>
      tpu.enqueue_dma source(%dma_start3A_379 : memref<40xi32, #tpu.memory_space<hbm>>) target(%arg18 : memref<40xi32, #tpu.memory_space<vmem>>) target_semaphore(%arg33 : memref<!tpu.dma_semaphore, #tpu.memory_space<semaphore_mem>>)
    }
    %scan3A_107 = arith.constant 50 : i32
    %dma_wait3A = arith.constant 0 : i32
    %dma_wait3A_108 = tpu.memref_slice %arg7[%dma_wait3A] : memref<10000xi32, #tpu.memory_space<vmem>> -> memref<40xi32, #tpu.memory_space<vmem>>
    %dma_wait3A_109 = arith.constant 0 : i32
    %dma_wait3A_110 = arith.constant 0 : i32
    %dma_wait3A_111 = tpu.memref_slice %arg4[%dma_wait3A_109, %dma_wait3A_110] : memref<10000x128xf32, #tpu.memory_space<hbm>> -> memref<10000x128xf32, #tpu.memory_space<hbm>>
    tpu.wait_indirect_dma semaphore(%arg19 : memref<!tpu.dma_semaphore, #tpu.memory_space<semaphore_mem>>) src(%dma_wait3A_111 : memref<10000x128xf32, #tpu.memory_space<hbm>>) dst(%arg9 : memref<40x128xf32, #tpu.memory_space<vmem>>)
    %dma_wait3A_112 = arith.constant 0 : i32
    %dma_wait3A_113 = arith.constant 0 : i32
    %dma_wait3A_114 = tpu.memref_slice %arg3[%add3A, %dma_wait3A_112, %dma_wait3A_113] : memref<32x250x40xi32, #tpu.memory_space<hbm>> -> memref<1x1x40xi32, #tpu.memory_space<hbm>>
    %dma_wait3A_115 = tpu.memref_squeeze %dma_wait3A_114 : memref<1x1x40xi32, #tpu.memory_space<hbm>> -> memref<40xi32, #tpu.memory_space<hbm>>
    %dma_wait3A_116 = arith.constant 0 : i32
    %dma_wait3A_117 = tpu.memref_slice %arg3[%add3A, %dma_wait3A_112, %dma_wait3A_116] : memref<32x250x40xi32, #tpu.memory_space<hbm>> -> memref<1x1x40xi32, #tpu.memory_space<hbm>>
    %dma_wait3A_118 = tpu.memref_squeeze %dma_wait3A_117 : memref<1x1x40xi32, #tpu.memory_space<hbm>> -> memref<40xi32, #tpu.memory_space<hbm>>
    tpu.wait_dma2 semaphore(%arg29 : memref<!tpu.dma_semaphore, #tpu.memory_space<semaphore_mem>>) src(%dma_wait3A_118 : memref<40xi32, #tpu.memory_space<hbm>>) dst(%arg14 : memref<40xi32, #tpu.memory_space<vmem>>)
    %dma_wait3A_119 = arith.constant 0 : i32
    %dma_wait3A_120 = tpu.memref_slice %arg7[%dma_wait3A_119] : memref<10000xi32, #tpu.memory_space<vmem>> -> memref<40xi32, #tpu.memory_space<vmem>>
    %dma_wait3A_121 = arith.constant 0 : i32
    %dma_wait3A_122 = arith.constant 0 : i32
    %dma_wait3A_123 = tpu.memref_slice %arg4[%dma_wait3A_121, %dma_wait3A_122] : memref<10000x128xf32, #tpu.memory_space<hbm>> -> memref<10000x128xf32, #tpu.memory_space<hbm>>
    tpu.wait_indirect_dma semaphore(%arg20 : memref<!tpu.dma_semaphore, #tpu.memory_space<semaphore_mem>>) src(%dma_wait3A_123 : memref<10000x128xf32, #tpu.memory_space<hbm>>) dst(%arg10 : memref<40x128xf32, #tpu.memory_space<vmem>>)
    %dma_wait3A_124 = arith.constant 0 : i32
    %dma_wait3A_125 = arith.constant 0 : i32
    %dma_wait3A_126 = tpu.memref_slice %arg3[%add3A, %dma_wait3A_124, %dma_wait3A_125] : memref<32x250x40xi32, #tpu.memory_space<hbm>> -> memref<1x1x40xi32, #tpu.memory_space<hbm>>
    %dma_wait3A_127 = tpu.memref_squeeze %dma_wait3A_126 : memref<1x1x40xi32, #tpu.memory_space<hbm>> -> memref<40xi32, #tpu.memory_space<hbm>>
    %dma_wait3A_128 = arith.constant 0 : i32
    %dma_wait3A_129 = tpu.memref_slice %arg3[%add3A, %dma_wait3A_124, %dma_wait3A_128] : memref<32x250x40xi32, #tpu.memory_space<hbm>> -> memref<1x1x40xi32, #tpu.memory_space<hbm>>
    %dma_wait3A_130 = tpu.memref_squeeze %dma_wait3A_129 : memref<1x1x40xi32, #tpu.memory_space<hbm>> -> memref<40xi32, #tpu.memory_space<hbm>>
    tpu.wait_dma2 semaphore(%arg30 : memref<!tpu.dma_semaphore, #tpu.memory_space<semaphore_mem>>) src(%dma_wait3A_130 : memref<40xi32, #tpu.memory_space<hbm>>) dst(%arg15 : memref<40xi32, #tpu.memory_space<vmem>>)
    %dma_wait3A_131 = arith.constant 0 : i32
    %dma_wait3A_132 = tpu.memref_slice %arg7[%dma_wait3A_131] : memref<10000xi32, #tpu.memory_space<vmem>> -> memref<40xi32, #tpu.memory_space<vmem>>
    %dma_wait3A_133 = arith.constant 0 : i32
    %dma_wait3A_134 = arith.constant 0 : i32
    %dma_wait3A_135 = tpu.memref_slice %arg4[%dma_wait3A_133, %dma_wait3A_134] : memref<10000x128xf32, #tpu.memory_space<hbm>> -> memref<10000x128xf32, #tpu.memory_space<hbm>>
    tpu.wait_indirect_dma semaphore(%arg21 : memref<!tpu.dma_semaphore, #tpu.memory_space<semaphore_mem>>) src(%dma_wait3A_135 : memref<10000x128xf32, #tpu.memory_space<hbm>>) dst(%arg11 : memref<40x128xf32, #tpu.memory_space<vmem>>)
    %dma_wait3A_136 = arith.constant 0 : i32
    %dma_wait3A_137 = arith.constant 0 : i32
    %dma_wait3A_138 = tpu.memref_slice %arg3[%add3A, %dma_wait3A_136, %dma_wait3A_137] : memref<32x250x40xi32, #tpu.memory_space<hbm>> -> memref<1x1x40xi32, #tpu.memory_space<hbm>>
    %dma_wait3A_139 = tpu.memref_squeeze %dma_wait3A_138 : memref<1x1x40xi32, #tpu.memory_space<hbm>> -> memref<40xi32, #tpu.memory_space<hbm>>
    %dma_wait3A_140 = arith.constant 0 : i32
    %dma_wait3A_141 = tpu.memref_slice %arg3[%add3A, %dma_wait3A_136, %dma_wait3A_140] : memref<32x250x40xi32, #tpu.memory_space<hbm>> -> memref<1x1x40xi32, #tpu.memory_space<hbm>>
    %dma_wait3A_142 = tpu.memref_squeeze %dma_wait3A_141 : memref<1x1x40xi32, #tpu.memory_space<hbm>> -> memref<40xi32, #tpu.memory_space<hbm>>
    tpu.wait_dma2 semaphore(%arg31 : memref<!tpu.dma_semaphore, #tpu.memory_space<semaphore_mem>>) src(%dma_wait3A_142 : memref<40xi32, #tpu.memory_space<hbm>>) dst(%arg16 : memref<40xi32, #tpu.memory_space<vmem>>)
    %dma_wait3A_143 = arith.constant 0 : i32
    %dma_wait3A_144 = tpu.memref_slice %arg7[%dma_wait3A_143] : memref<10000xi32, #tpu.memory_space<vmem>> -> memref<40xi32, #tpu.memory_space<vmem>>
    %dma_wait3A_145 = arith.constant 0 : i32
    %dma_wait3A_146 = arith.constant 0 : i32
    %dma_wait3A_147 = tpu.memref_slice %arg4[%dma_wait3A_145, %dma_wait3A_146] : memref<10000x128xf32, #tpu.memory_space<hbm>> -> memref<10000x128xf32, #tpu.memory_space<hbm>>
    tpu.wait_indirect_dma semaphore(%arg22 : memref<!tpu.dma_semaphore, #tpu.memory_space<semaphore_mem>>) src(%dma_wait3A_147 : memref<10000x128xf32, #tpu.memory_space<hbm>>) dst(%arg12 : memref<40x128xf32, #tpu.memory_space<vmem>>)
    %dma_wait3A_148 = arith.constant 0 : i32
    %dma_wait3A_149 = arith.constant 0 : i32
    %dma_wait3A_150 = tpu.memref_slice %arg3[%add3A, %dma_wait3A_148, %dma_wait3A_149] : memref<32x250x40xi32, #tpu.memory_space<hbm>> -> memref<1x1x40xi32, #tpu.memory_space<hbm>>
    %dma_wait3A_151 = tpu.memref_squeeze %dma_wait3A_150 : memref<1x1x40xi32, #tpu.memory_space<hbm>> -> memref<40xi32, #tpu.memory_space<hbm>>
    %dma_wait3A_152 = arith.constant 0 : i32
    %dma_wait3A_153 = tpu.memref_slice %arg3[%add3A, %dma_wait3A_148, %dma_wait3A_152] : memref<32x250x40xi32, #tpu.memory_space<hbm>> -> memref<1x1x40xi32, #tpu.memory_space<hbm>>
    %dma_wait3A_154 = tpu.memref_squeeze %dma_wait3A_153 : memref<1x1x40xi32, #tpu.memory_space<hbm>> -> memref<40xi32, #tpu.memory_space<hbm>>
    tpu.wait_dma2 semaphore(%arg32 : memref<!tpu.dma_semaphore, #tpu.memory_space<semaphore_mem>>) src(%dma_wait3A_154 : memref<40xi32, #tpu.memory_space<hbm>>) dst(%arg17 : memref<40xi32, #tpu.memory_space<vmem>>)
    %dma_wait3A_155 = arith.constant 0 : i32
    %dma_wait3A_156 = tpu.memref_slice %arg7[%dma_wait3A_155] : memref<10000xi32, #tpu.memory_space<vmem>> -> memref<40xi32, #tpu.memory_space<vmem>>
    %dma_wait3A_157 = arith.constant 0 : i32
    %dma_wait3A_158 = arith.constant 0 : i32
    %dma_wait3A_159 = tpu.memref_slice %arg4[%dma_wait3A_157, %dma_wait3A_158] : memref<10000x128xf32, #tpu.memory_space<hbm>> -> memref<10000x128xf32, #tpu.memory_space<hbm>>
    tpu.wait_indirect_dma semaphore(%arg23 : memref<!tpu.dma_semaphore, #tpu.memory_space<semaphore_mem>>) src(%dma_wait3A_159 : memref<10000x128xf32, #tpu.memory_space<hbm>>) dst(%arg13 : memref<40x128xf32, #tpu.memory_space<vmem>>)
    %dma_wait3A_160 = arith.constant 0 : i32
    %dma_wait3A_161 = arith.constant 0 : i32
    %dma_wait3A_162 = tpu.memref_slice %arg3[%add3A, %dma_wait3A_160, %dma_wait3A_161] : memref<32x250x40xi32, #tpu.memory_space<hbm>> -> memref<1x1x40xi32, #tpu.memory_space<hbm>>
    %dma_wait3A_163 = tpu.memref_squeeze %dma_wait3A_162 : memref<1x1x40xi32, #tpu.memory_space<hbm>> -> memref<40xi32, #tpu.memory_space<hbm>>
    %dma_wait3A_164 = arith.constant 0 : i32
    %dma_wait3A_165 = tpu.memref_slice %arg3[%add3A, %dma_wait3A_160, %dma_wait3A_164] : memref<32x250x40xi32, #tpu.memory_space<hbm>> -> memref<1x1x40xi32, #tpu.memory_space<hbm>>
    %dma_wait3A_166 = tpu.memref_squeeze %dma_wait3A_165 : memref<1x1x40xi32, #tpu.memory_space<hbm>> -> memref<40xi32, #tpu.memory_space<hbm>>
    tpu.wait_dma2 semaphore(%arg33 : memref<!tpu.dma_semaphore, #tpu.memory_space<semaphore_mem>>) src(%dma_wait3A_166 : memref<40xi32, #tpu.memory_space<hbm>>) dst(%arg18 : memref<40xi32, #tpu.memory_space<vmem>>)
    %barrier3A_167 = arith.constant 0 : index
    tpu.barrier barrier_id(%barrier3A_167)
    %mul3A_168 = arith.constant 625 : i32
    %mul3A_169 = arith.muli %arg1, %mul3A_168 : i32
    "tpu.region"() ({
      %run_scoped3A = tpu.sem_alloc : memref<!tpu.dma_semaphore, #tpu.memory_space<semaphore_mem>>
      %dma_start3A_170 = arith.constant 0 : i32
      %dma_start3A_171 = arith.constant 0 : i32
      %dma_start3A_172 = tpu.memref_slice %arg5[%arg0, %arg1, %dma_start3A_170, %dma_start3A_171] : memref<2x16x625x128xf32, #tpu.memory_space<hbm>> -> memref<1x1x625x128xf32, #tpu.memory_space<hbm>>
      %dma_start3A_173 = tpu.memref_squeeze %dma_start3A_172 : memref<1x1x625x128xf32, #tpu.memory_space<hbm>> -> memref<625x128xf32, #tpu.memory_space<hbm>>
      %dma_start3A_174 = arith.constant 0 : i32
      %dma_start3A_175 = tpu.memref_slice %arg6[%mul3A_169, %dma_start3A_174] : memref<10000x128xf32, #tpu.memory_space<vmem_shared>> -> memref<625x128xf32, #tpu.memory_space<vmem_shared>>
      tpu.enqueue_dma source(%dma_start3A_175 : memref<625x128xf32, #tpu.memory_space<vmem_shared>>) target(%dma_start3A_173 : memref<625x128xf32, #tpu.memory_space<hbm>>) target_semaphore(%run_scoped3A : memref<!tpu.dma_semaphore, #tpu.memory_space<semaphore_mem>>)
      %dma_wait3A_176 = arith.constant 0 : i32
      %dma_wait3A_177 = arith.constant 0 : i32
      %dma_wait3A_178 = tpu.memref_slice %arg5[%arg0, %arg1, %dma_wait3A_176, %dma_wait3A_177] : memref<2x16x625x128xf32, #tpu.memory_space<hbm>> -> memref<1x1x625x128xf32, #tpu.memory_space<hbm>>
      %dma_wait3A_179 = tpu.memref_squeeze %dma_wait3A_178 : memref<1x1x625x128xf32, #tpu.memory_space<hbm>> -> memref<625x128xf32, #tpu.memory_space<hbm>>
      %dma_wait3A_180 = arith.constant 0 : i32
      %dma_wait3A_181 = tpu.memref_slice %arg6[%mul3A_169, %dma_wait3A_180] : memref<10000x128xf32, #tpu.memory_space<vmem_shared>> -> memref<625x128xf32, #tpu.memory_space<vmem_shared>>
      tpu.wait_dma2 semaphore(%run_scoped3A : memref<!tpu.dma_semaphore, #tpu.memory_space<semaphore_mem>>) src(%dma_wait3A_181 : memref<625x128xf32, #tpu.memory_space<vmem_shared>>) dst(%dma_wait3A_179 : memref<625x128xf32, #tpu.memory_space<hbm>>)
      tpu.yield
    }) : () -> ()
    return
  }
}

#map = affine_map<(d0, d1) -> (0, 0)>
#map1 = affine_map<(d0, d1) -> (0, 0, 0)>
#map2 = affine_map<(d0, d1) -> (0, 0, 0, 0)>
module attributes {stable_mosaic.version = 14 : i64} {
  func.func @_scat_body(%arg0: i32, %arg1: i32, %arg2: memref<32x10000xi32, #tpu.memory_space<hbm>>, %arg3: memref<32x250x40xi32, #tpu.memory_space<hbm>>, %arg4: memref<10000x128xf32, #tpu.memory_space<hbm>>, %arg5: memref<2x16x625x128xf32, #tpu.memory_space<hbm>>, %arg6: memref<10000x128xf32, #tpu.memory_space<vmem_shared>>, %arg7: memref<10000xi32, #tpu.memory_space<vmem>>, %arg8: memref<75x128xf32, #tpu.memory_space<vmem>>, %arg9: memref<40x128xf32, #tpu.memory_space<vmem>>, %arg10: memref<40x128xf32, #tpu.memory_space<vmem>>, %arg11: memref<40x128xf32, #tpu.memory_space<vmem>>, %arg12: memref<40x128xf32, #tpu.memory_space<vmem>>, %arg13: memref<40x128xf32, #tpu.memory_space<vmem>>, %arg14: memref<40xi32, #tpu.memory_space<vmem>>, %arg15: memref<40xi32, #tpu.memory_space<vmem>>, %arg16: memref<40xi32, #tpu.memory_space<vmem>>, %arg17: memref<40xi32, #tpu.memory_space<vmem>>, %arg18: memref<40xi32, #tpu.memory_space<vmem>>, %arg19: memref<!tpu.dma_semaphore, #tpu.memory_space<semaphore_mem>>, %arg20: memref<!tpu.dma_semaphore, #tpu.memory_space<semaphore_mem>>, %arg21: memref<!tpu.dma_semaphore, #tpu.memory_space<semaphore_mem>>, %arg22: memref<!tpu.dma_semaphore, #tpu.memory_space<semaphore_mem>>, %arg23: memref<!tpu.dma_semaphore, #tpu.memory_space<semaphore_mem>>, %arg24: memref<!tpu.dma_semaphore, #tpu.memory_space<semaphore_mem>>, %arg25: memref<!tpu.dma_semaphore, #tpu.memory_space<semaphore_mem>>, %arg26: memref<!tpu.dma_semaphore, #tpu.memory_space<semaphore_mem>>, %arg27: memref<!tpu.dma_semaphore, #tpu.memory_space<semaphore_mem>>, %arg28: memref<!tpu.dma_semaphore, #tpu.memory_space<semaphore_mem>>, %arg29: memref<!tpu.dma_semaphore, #tpu.memory_space<semaphore_mem>>, %arg30: memref<!tpu.dma_semaphore, #tpu.memory_space<semaphore_mem>>, %arg31: memref<!tpu.dma_semaphore, #tpu.memory_space<semaphore_mem>>, %arg32: memref<!tpu.dma_semaphore, #tpu.memory_space<semaphore_mem>>, %arg33: memref<!tpu.dma_semaphore, #tpu.memory_space<semaphore_mem>>) attributes {dimension_semantics = [#tpu.dimension_semantics<core_parallel>, #tpu.dimension_semantics<subcore_parallel>], iteration_bounds = array<i64: 2, 16>, scalar_prefetch = 0 : i64, scratch_operands = 28 : i64, tpu.core_type = #tpu.core_type<sc_vector_subcore>, window_params = [{transform_indices = #map}, {transform_indices = #map1}, {transform_indices = #map}, {transform_indices = #map2}]} {
    %mul3A = arith.constant 16 : i32
    %mul3A_0 = arith.muli %arg0, %mul3A : i32
    %add3A = arith.addi %mul3A_0, %arg1 : i32
    %broadcast_in_dim3A = arith.constant 0.000000e+00 : f32
    %broadcast_in_dim3A_1 = vector.broadcast %broadcast_in_dim3A : f32 to vector<16xf32>
    %scan3A = arith.constant 0 : i32
    %scan3A_2 = arith.constant 0 : i32
    %scan3A_3 = arith.constant 75 : i32
    %scan3A_4 = arith.addi %scan3A_2, %scan3A_3 : i32
    %scan3A_5 = arith.constant 1 : i32
    scf.for %scan3A_170 = %scan3A_2 to %scan3A_4 step %scan3A_5  : i32 {
      %swap3A = arith.index_cast %scan3A_170 : i32 to index
      %swap3A_171 = arith.constant 0 : index
      %swap3A_172 = tpu.vector_load %arg8[%swap3A, %swap3A_171] {strides = array<i32>} : memref<75x128xf32, #tpu.memory_space<vmem>>, vector<1x16xf32>,
      %swap3A_173 = vector.shape_cast %swap3A_172 : vector<1x16xf32> to vector<16xf32>
      %swap3A_174 = vector.shape_cast %broadcast_in_dim3A_1 : vector<16xf32> to vector<1x16xf32>
      tpu.vector_store %arg8[%swap3A, %swap3A_171], %swap3A_174 {strides = array<i32>} : memref<75x128xf32, #tpu.memory_space<vmem>>, vector<1x16xf32>,
      %swap3A_175 = arith.index_cast %scan3A_170 : i32 to index
      %swap3A_176 = arith.constant 16 : index
      %swap3A_177 = tpu.vector_load %arg8[%swap3A_175, %swap3A_176] {strides = array<i32>} : memref<75x128xf32, #tpu.memory_space<vmem>>, vector<1x16xf32>,
      %swap3A_178 = vector.shape_cast %swap3A_177 : vector<1x16xf32> to vector<16xf32>
      %swap3A_179 = vector.shape_cast %broadcast_in_dim3A_1 : vector<16xf32> to vector<1x16xf32>
      tpu.vector_store %arg8[%swap3A_175, %swap3A_176], %swap3A_179 {strides = array<i32>} : memref<75x128xf32, #tpu.memory_space<vmem>>, vector<1x16xf32>,
      %swap3A_180 = arith.index_cast %scan3A_170 : i32 to index
      %swap3A_181 = arith.constant 32 : index
      %swap3A_182 = tpu.vector_load %arg8[%swap3A_180, %swap3A_181] {strides = array<i32>} : memref<75x128xf32, #tpu.memory_space<vmem>>, vector<1x16xf32>,
      %swap3A_183 = vector.shape_cast %swap3A_182 : vector<1x16xf32> to vector<16xf32>
      %swap3A_184 = vector.shape_cast %broadcast_in_dim3A_1 : vector<16xf32> to vector<1x16xf32>
      tpu.vector_store %arg8[%swap3A_180, %swap3A_181], %swap3A_184 {strides = array<i32>} : memref<75x128xf32, #tpu.memory_space<vmem>>, vector<1x16xf32>,
      %swap3A_185 = arith.index_cast %scan3A_170 : i32 to index
      %swap3A_186 = arith.constant 48 : index
      %swap3A_187 = tpu.vector_load %arg8[%swap3A_185, %swap3A_186] {strides = array<i32>} : memref<75x128xf32, #tpu.memory_space<vmem>>, vector<1x16xf32>,
      %swap3A_188 = vector.shape_cast %swap3A_187 : vector<1x16xf32> to vector<16xf32>
      %swap3A_189 = vector.shape_cast %broadcast_in_dim3A_1 : vector<16xf32> to vector<1x16xf32>
      tpu.vector_store %arg8[%swap3A_185, %swap3A_186], %swap3A_189 {strides = array<i32>} : memref<75x128xf32, #tpu.memory_space<vmem>>, vector<1x16xf32>,
      %swap3A_190 = arith.index_cast %scan3A_170 : i32 to index
      %swap3A_191 = arith.constant 64 : index
      %swap3A_192 = tpu.vector_load %arg8[%swap3A_190, %swap3A_191] {strides = array<i32>} : memref<75x128xf32, #tpu.memory_space<vmem>>, vector<1x16xf32>,
      %swap3A_193 = vector.shape_cast %swap3A_192 : vector<1x16xf32> to vector<16xf32>
      %swap3A_194 = vector.shape_cast %broadcast_in_dim3A_1 : vector<16xf32> to vector<1x16xf32>
      tpu.vector_store %arg8[%swap3A_190, %swap3A_191], %swap3A_194 {strides = array<i32>} : memref<75x128xf32, #tpu.memory_space<vmem>>, vector<1x16xf32>,
      %swap3A_195 = arith.index_cast %scan3A_170 : i32 to index
      %swap3A_196 = arith.constant 80 : index
      %swap3A_197 = tpu.vector_load %arg8[%swap3A_195, %swap3A_196] {strides = array<i32>} : memref<75x128xf32, #tpu.memory_space<vmem>>, vector<1x16xf32>,
      %swap3A_198 = vector.shape_cast %swap3A_197 : vector<1x16xf32> to vector<16xf32>
      %swap3A_199 = vector.shape_cast %broadcast_in_dim3A_1 : vector<16xf32> to vector<1x16xf32>
      tpu.vector_store %arg8[%swap3A_195, %swap3A_196], %swap3A_199 {strides = array<i32>} : memref<75x128xf32, #tpu.memory_space<vmem>>, vector<1x16xf32>,
      %swap3A_200 = arith.index_cast %scan3A_170 : i32 to index
      %swap3A_201 = arith.constant 96 : index
      %swap3A_202 = tpu.vector_load %arg8[%swap3A_200, %swap3A_201] {strides = array<i32>} : memref<75x128xf32, #tpu.memory_space<vmem>>, vector<1x16xf32>,
      %swap3A_203 = vector.shape_cast %swap3A_202 : vector<1x16xf32> to vector<16xf32>
      %swap3A_204 = vector.shape_cast %broadcast_in_dim3A_1 : vector<16xf32> to vector<1x16xf32>
      tpu.vector_store %arg8[%swap3A_200, %swap3A_201], %swap3A_204 {strides = array<i32>} : memref<75x128xf32, #tpu.memory_space<vmem>>, vector<1x16xf32>,
      %swap3A_205 = arith.index_cast %scan3A_170 : i32 to index
      %swap3A_206 = arith.constant 112 : index
      %swap3A_207 = tpu.vector_load %arg8[%swap3A_205, %swap3A_206] {strides = array<i32>} : memref<75x128xf32, #tpu.memory_space<vmem>>, vector<1x16xf32>,
      %swap3A_208 = vector.shape_cast %swap3A_207 : vector<1x16xf32> to vector<16xf32>
      %swap3A_209 = vector.shape_cast %broadcast_in_dim3A_1 : vector<16xf32> to vector<1x16xf32>
      tpu.vector_store %arg8[%swap3A_205, %swap3A_206], %swap3A_209 {strides = array<i32>} : memref<75x128xf32, #tpu.memory_space<vmem>>, vector<1x16xf32>,
    }
    %scan3A_6 = arith.constant 75 : i32
    "tpu.region"() ({
      %run_scoped3A = tpu.sem_alloc : memref<!tpu.dma_semaphore, #tpu.memory_space<semaphore_mem>>
      %dma_start3A_170 = arith.constant 0 : i32
      %dma_start3A_171 = tpu.memref_slice %arg2[%add3A, %dma_start3A_170] : memref<32x10000xi32, #tpu.memory_space<hbm>> -> memref<1x10000xi32, #tpu.memory_space<hbm>>
      %dma_start3A_172 = tpu.memref_squeeze %dma_start3A_171 : memref<1x10000xi32, #tpu.memory_space<hbm>> -> memref<10000xi32, #tpu.memory_space<hbm>>
      %dma_start3A_173 = arith.constant 0 : i32
      %dma_start3A_174 = tpu.memref_slice %arg2[%add3A, %dma_start3A_173] : memref<32x10000xi32, #tpu.memory_space<hbm>> -> memref<1x10000xi32, #tpu.memory_space<hbm>>
      %dma_start3A_175 = tpu.memref_squeeze %dma_start3A_174 : memref<1x10000xi32, #tpu.memory_space<hbm>> -> memref<10000xi32, #tpu.memory_space<hbm>>
      tpu.enqueue_dma source(%dma_start3A_175 : memref<10000xi32, #tpu.memory_space<hbm>>) target(%arg7 : memref<10000xi32, #tpu.memory_space<vmem>>) target_semaphore(%run_scoped3A : memref<!tpu.dma_semaphore, #tpu.memory_space<semaphore_mem>>)
      %dma_wait3A_176 = arith.constant 0 : i32
      %dma_wait3A_177 = tpu.memref_slice %arg2[%add3A, %dma_wait3A_176] : memref<32x10000xi32, #tpu.memory_space<hbm>> -> memref<1x10000xi32, #tpu.memory_space<hbm>>
      %dma_wait3A_178 = tpu.memref_squeeze %dma_wait3A_177 : memref<1x10000xi32, #tpu.memory_space<hbm>> -> memref<10000xi32, #tpu.memory_space<hbm>>
      %dma_wait3A_179 = arith.constant 0 : i32
      %dma_wait3A_180 = tpu.memref_slice %arg2[%add3A, %dma_wait3A_179] : memref<32x10000xi32, #tpu.memory_space<hbm>> -> memref<1x10000xi32, #tpu.memory_space<hbm>>
      %dma_wait3A_181 = tpu.memref_squeeze %dma_wait3A_180 : memref<1x10000xi32, #tpu.memory_space<hbm>> -> memref<10000xi32, #tpu.memory_space<hbm>>
      tpu.wait_dma2 semaphore(%run_scoped3A : memref<!tpu.dma_semaphore, #tpu.memory_space<semaphore_mem>>) src(%dma_wait3A_181 : memref<10000xi32, #tpu.memory_space<hbm>>) dst(%arg7 : memref<10000xi32, #tpu.memory_space<vmem>>)
      tpu.yield
    }) : () -> ()
    %mul3A_7 = arith.constant 625 : i32
    %mul3A_8 = arith.muli %arg1, %mul3A_7 : i32
    %add3A_9 = arith.constant 0 : i32
    %add3A_10 = arith.addi %mul3A_8, %add3A_9 : i32
    "tpu.region"() ({
      %run_scoped3A = tpu.sem_alloc : memref<!tpu.dma_semaphore, #tpu.memory_space<semaphore_mem>>
      %dma_start3A_170 = arith.constant 0 : i32
      %dma_start3A_171 = tpu.memref_slice %arg6[%add3A_10, %dma_start3A_170] : memref<10000x128xf32, #tpu.memory_space<vmem_shared>> -> memref<75x128xf32, #tpu.memory_space<vmem_shared>>
      %dma_start3A_172 = arith.constant 0 : i32
      %dma_start3A_173 = tpu.memref_slice %arg6[%add3A_10, %dma_start3A_172] : memref<10000x128xf32, #tpu.memory_space<vmem_shared>> -> memref<75x128xf32, #tpu.memory_space<vmem_shared>>
      tpu.enqueue_dma source(%arg8 : memref<75x128xf32, #tpu.memory_space<vmem>>) target(%dma_start3A_173 : memref<75x128xf32, #tpu.memory_space<vmem_shared>>) target_semaphore(%run_scoped3A : memref<!tpu.dma_semaphore, #tpu.memory_space<semaphore_mem>>)
      %dma_wait3A_174 = arith.constant 0 : i32
      %dma_wait3A_175 = tpu.memref_slice %arg6[%add3A_10, %dma_wait3A_174] : memref<10000x128xf32, #tpu.memory_space<vmem_shared>> -> memref<75x128xf32, #tpu.memory_space<vmem_shared>>
      %dma_wait3A_176 = arith.constant 0 : i32
      %dma_wait3A_177 = tpu.memref_slice %arg6[%add3A_10, %dma_wait3A_176] : memref<10000x128xf32, #tpu.memory_space<vmem_shared>> -> memref<75x128xf32, #tpu.memory_space<vmem_shared>>
      tpu.wait_dma2 semaphore(%run_scoped3A : memref<!tpu.dma_semaphore, #tpu.memory_space<semaphore_mem>>) src(%arg8 : memref<75x128xf32, #tpu.memory_space<vmem>>) dst(%dma_wait3A_177 : memref<75x128xf32, #tpu.memory_space<vmem_shared>>)
      tpu.yield
    }) : () -> ()
    %mul3A_11 = arith.constant 625 : i32
    %mul3A_12 = arith.muli %arg1, %mul3A_11 : i32
    %add3A_13 = arith.constant 75 : i32
    %add3A_14 = arith.addi %mul3A_12, %add3A_13 : i32
    "tpu.region"() ({
      %run_scoped3A = tpu.sem_alloc : memref<!tpu.dma_semaphore, #tpu.memory_space<semaphore_mem>>
      %dma_start3A_170 = arith.constant 0 : i32
      %dma_start3A_171 = tpu.memref_slice %arg6[%add3A_14, %dma_start3A_170] : memref<10000x128xf32, #tpu.memory_space<vmem_shared>> -> memref<75x128xf32, #tpu.memory_space<vmem_shared>>
      %dma_start3A_172 = arith.constant 0 : i32
      %dma_start3A_173 = tpu.memref_slice %arg6[%add3A_14, %dma_start3A_172] : memref<10000x128xf32, #tpu.memory_space<vmem_shared>> -> memref<75x128xf32, #tpu.memory_space<vmem_shared>>
      tpu.enqueue_dma source(%arg8 : memref<75x128xf32, #tpu.memory_space<vmem>>) target(%dma_start3A_173 : memref<75x128xf32, #tpu.memory_space<vmem_shared>>) target_semaphore(%run_scoped3A : memref<!tpu.dma_semaphore, #tpu.memory_space<semaphore_mem>>)
      %dma_wait3A_174 = arith.constant 0 : i32
      %dma_wait3A_175 = tpu.memref_slice %arg6[%add3A_14, %dma_wait3A_174] : memref<10000x128xf32, #tpu.memory_space<vmem_shared>> -> memref<75x128xf32, #tpu.memory_space<vmem_shared>>
      %dma_wait3A_176 = arith.constant 0 : i32
      %dma_wait3A_177 = tpu.memref_slice %arg6[%add3A_14, %dma_wait3A_176] : memref<10000x128xf32, #tpu.memory_space<vmem_shared>> -> memref<75x128xf32, #tpu.memory_space<vmem_shared>>
      tpu.wait_dma2 semaphore(%run_scoped3A : memref<!tpu.dma_semaphore, #tpu.memory_space<semaphore_mem>>) src(%arg8 : memref<75x128xf32, #tpu.memory_space<vmem>>) dst(%dma_wait3A_177 : memref<75x128xf32, #tpu.memory_space<vmem_shared>>)
      tpu.yield
    }) : () -> ()
    %mul3A_15 = arith.constant 625 : i32
    %mul3A_16 = arith.muli %arg1, %mul3A_15 : i32
    %add3A_17 = arith.constant 150 : i32
    %add3A_18 = arith.addi %mul3A_16, %add3A_17 : i32
    "tpu.region"() ({
      %run_scoped3A = tpu.sem_alloc : memref<!tpu.dma_semaphore, #tpu.memory_space<semaphore_mem>>
      %dma_start3A_170 = arith.constant 0 : i32
      %dma_start3A_171 = tpu.memref_slice %arg6[%add3A_18, %dma_start3A_170] : memref<10000x128xf32, #tpu.memory_space<vmem_shared>> -> memref<75x128xf32, #tpu.memory_space<vmem_shared>>
      %dma_start3A_172 = arith.constant 0 : i32
      %dma_start3A_173 = tpu.memref_slice %arg6[%add3A_18, %dma_start3A_172] : memref<10000x128xf32, #tpu.memory_space<vmem_shared>> -> memref<75x128xf32, #tpu.memory_space<vmem_shared>>
      tpu.enqueue_dma source(%arg8 : memref<75x128xf32, #tpu.memory_space<vmem>>) target(%dma_start3A_173 : memref<75x128xf32, #tpu.memory_space<vmem_shared>>) target_semaphore(%run_scoped3A : memref<!tpu.dma_semaphore, #tpu.memory_space<semaphore_mem>>)
      %dma_wait3A_174 = arith.constant 0 : i32
      %dma_wait3A_175 = tpu.memref_slice %arg6[%add3A_18, %dma_wait3A_174] : memref<10000x128xf32, #tpu.memory_space<vmem_shared>> -> memref<75x128xf32, #tpu.memory_space<vmem_shared>>
      %dma_wait3A_176 = arith.constant 0 : i32
      %dma_wait3A_177 = tpu.memref_slice %arg6[%add3A_18, %dma_wait3A_176] : memref<10000x128xf32, #tpu.memory_space<vmem_shared>> -> memref<75x128xf32, #tpu.memory_space<vmem_shared>>
      tpu.wait_dma2 semaphore(%run_scoped3A : memref<!tpu.dma_semaphore, #tpu.memory_space<semaphore_mem>>) src(%arg8 : memref<75x128xf32, #tpu.memory_space<vmem>>) dst(%dma_wait3A_177 : memref<75x128xf32, #tpu.memory_space<vmem_shared>>)
      tpu.yield
    }) : () -> ()
    %mul3A_19 = arith.constant 625 : i32
    %mul3A_20 = arith.muli %arg1, %mul3A_19 : i32
    %add3A_21 = arith.constant 225 : i32
    %add3A_22 = arith.addi %mul3A_20, %add3A_21 : i32
    "tpu.region"() ({
      %run_scoped3A = tpu.sem_alloc : memref<!tpu.dma_semaphore, #tpu.memory_space<semaphore_mem>>
      %dma_start3A_170 = arith.constant 0 : i32
      %dma_start3A_171 = tpu.memref_slice %arg6[%add3A_22, %dma_start3A_170] : memref<10000x128xf32, #tpu.memory_space<vmem_shared>> -> memref<75x128xf32, #tpu.memory_space<vmem_shared>>
      %dma_start3A_172 = arith.constant 0 : i32
      %dma_start3A_173 = tpu.memref_slice %arg6[%add3A_22, %dma_start3A_172] : memref<10000x128xf32, #tpu.memory_space<vmem_shared>> -> memref<75x128xf32, #tpu.memory_space<vmem_shared>>
      tpu.enqueue_dma source(%arg8 : memref<75x128xf32, #tpu.memory_space<vmem>>) target(%dma_start3A_173 : memref<75x128xf32, #tpu.memory_space<vmem_shared>>) target_semaphore(%run_scoped3A : memref<!tpu.dma_semaphore, #tpu.memory_space<semaphore_mem>>)
      %dma_wait3A_174 = arith.constant 0 : i32
      %dma_wait3A_175 = tpu.memref_slice %arg6[%add3A_22, %dma_wait3A_174] : memref<10000x128xf32, #tpu.memory_space<vmem_shared>> -> memref<75x128xf32, #tpu.memory_space<vmem_shared>>
      %dma_wait3A_176 = arith.constant 0 : i32
      %dma_wait3A_177 = tpu.memref_slice %arg6[%add3A_22, %dma_wait3A_176] : memref<10000x128xf32, #tpu.memory_space<vmem_shared>> -> memref<75x128xf32, #tpu.memory_space<vmem_shared>>
      tpu.wait_dma2 semaphore(%run_scoped3A : memref<!tpu.dma_semaphore, #tpu.memory_space<semaphore_mem>>) src(%arg8 : memref<75x128xf32, #tpu.memory_space<vmem>>) dst(%dma_wait3A_177 : memref<75x128xf32, #tpu.memory_space<vmem_shared>>)
      tpu.yield
    }) : () -> ()
    %mul3A_23 = arith.constant 625 : i32
    %mul3A_24 = arith.muli %arg1, %mul3A_23 : i32
    %add3A_25 = arith.constant 300 : i32
    %add3A_26 = arith.addi %mul3A_24, %add3A_25 : i32
    "tpu.region"() ({
      %run_scoped3A = tpu.sem_alloc : memref<!tpu.dma_semaphore, #tpu.memory_space<semaphore_mem>>
      %dma_start3A_170 = arith.constant 0 : i32
      %dma_start3A_171 = tpu.memref_slice %arg6[%add3A_26, %dma_start3A_170] : memref<10000x128xf32, #tpu.memory_space<vmem_shared>> -> memref<75x128xf32, #tpu.memory_space<vmem_shared>>
      %dma_start3A_172 = arith.constant 0 : i32
      %dma_start3A_173 = tpu.memref_slice %arg6[%add3A_26, %dma_start3A_172] : memref<10000x128xf32, #tpu.memory_space<vmem_shared>> -> memref<75x128xf32, #tpu.memory_space<vmem_shared>>
      tpu.enqueue_dma source(%arg8 : memref<75x128xf32, #tpu.memory_space<vmem>>) target(%dma_start3A_173 : memref<75x128xf32, #tpu.memory_space<vmem_shared>>) target_semaphore(%run_scoped3A : memref<!tpu.dma_semaphore, #tpu.memory_space<semaphore_mem>>)
      %dma_wait3A_174 = arith.constant 0 : i32
      %dma_wait3A_175 = tpu.memref_slice %arg6[%add3A_26, %dma_wait3A_174] : memref<10000x128xf32, #tpu.memory_space<vmem_shared>> -> memref<75x128xf32, #tpu.memory_space<vmem_shared>>
      %dma_wait3A_176 = arith.constant 0 : i32
      %dma_wait3A_177 = tpu.memref_slice %arg6[%add3A_26, %dma_wait3A_176] : memref<10000x128xf32, #tpu.memory_space<vmem_shared>> -> memref<75x128xf32, #tpu.memory_space<vmem_shared>>
      tpu.wait_dma2 semaphore(%run_scoped3A : memref<!tpu.dma_semaphore, #tpu.memory_space<semaphore_mem>>) src(%arg8 : memref<75x128xf32, #tpu.memory_space<vmem>>) dst(%dma_wait3A_177 : memref<75x128xf32, #tpu.memory_space<vmem_shared>>)
      tpu.yield
    }) : () -> ()
    %mul3A_27 = arith.constant 625 : i32
    %mul3A_28 = arith.muli %arg1, %mul3A_27 : i32
    %add3A_29 = arith.constant 375 : i32
    %add3A_30 = arith.addi %mul3A_28, %add3A_29 : i32
    "tpu.region"() ({
      %run_scoped3A = tpu.sem_alloc : memref<!tpu.dma_semaphore, #tpu.memory_space<semaphore_mem>>
      %dma_start3A_170 = arith.constant 0 : i32
      %dma_start3A_171 = tpu.memref_slice %arg6[%add3A_30, %dma_start3A_170] : memref<10000x128xf32, #tpu.memory_space<vmem_shared>> -> memref<75x128xf32, #tpu.memory_space<vmem_shared>>
      %dma_start3A_172 = arith.constant 0 : i32
      %dma_start3A_173 = tpu.memref_slice %arg6[%add3A_30, %dma_start3A_172] : memref<10000x128xf32, #tpu.memory_space<vmem_shared>> -> memref<75x128xf32, #tpu.memory_space<vmem_shared>>
      tpu.enqueue_dma source(%arg8 : memref<75x128xf32, #tpu.memory_space<vmem>>) target(%dma_start3A_173 : memref<75x128xf32, #tpu.memory_space<vmem_shared>>) target_semaphore(%run_scoped3A : memref<!tpu.dma_semaphore, #tpu.memory_space<semaphore_mem>>)
      %dma_wait3A_174 = arith.constant 0 : i32
      %dma_wait3A_175 = tpu.memref_slice %arg6[%add3A_30, %dma_wait3A_174] : memref<10000x128xf32, #tpu.memory_space<vmem_shared>> -> memref<75x128xf32, #tpu.memory_space<vmem_shared>>
      %dma_wait3A_176 = arith.constant 0 : i32
      %dma_wait3A_177 = tpu.memref_slice %arg6[%add3A_30, %dma_wait3A_176] : memref<10000x128xf32, #tpu.memory_space<vmem_shared>> -> memref<75x128xf32, #tpu.memory_space<vmem_shared>>
      tpu.wait_dma2 semaphore(%run_scoped3A : memref<!tpu.dma_semaphore, #tpu.memory_space<semaphore_mem>>) src(%arg8 : memref<75x128xf32, #tpu.memory_space<vmem>>) dst(%dma_wait3A_177 : memref<75x128xf32, #tpu.memory_space<vmem_shared>>)
      tpu.yield
    }) : () -> ()
    %mul3A_31 = arith.constant 625 : i32
    %mul3A_32 = arith.muli %arg1, %mul3A_31 : i32
    %add3A_33 = arith.constant 450 : i32
    %add3A_34 = arith.addi %mul3A_32, %add3A_33 : i32
    "tpu.region"() ({
      %run_scoped3A = tpu.sem_alloc : memref<!tpu.dma_semaphore, #tpu.memory_space<semaphore_mem>>
      %dma_start3A_170 = arith.constant 0 : i32
      %dma_start3A_171 = tpu.memref_slice %arg6[%add3A_34, %dma_start3A_170] : memref<10000x128xf32, #tpu.memory_space<vmem_shared>> -> memref<75x128xf32, #tpu.memory_space<vmem_shared>>
      %dma_start3A_172 = arith.constant 0 : i32
      %dma_start3A_173 = tpu.memref_slice %arg6[%add3A_34, %dma_start3A_172] : memref<10000x128xf32, #tpu.memory_space<vmem_shared>> -> memref<75x128xf32, #tpu.memory_space<vmem_shared>>
      tpu.enqueue_dma source(%arg8 : memref<75x128xf32, #tpu.memory_space<vmem>>) target(%dma_start3A_173 : memref<75x128xf32, #tpu.memory_space<vmem_shared>>) target_semaphore(%run_scoped3A : memref<!tpu.dma_semaphore, #tpu.memory_space<semaphore_mem>>)
      %dma_wait3A_174 = arith.constant 0 : i32
      %dma_wait3A_175 = tpu.memref_slice %arg6[%add3A_34, %dma_wait3A_174] : memref<10000x128xf32, #tpu.memory_space<vmem_shared>> -> memref<75x128xf32, #tpu.memory_space<vmem_shared>>
      %dma_wait3A_176 = arith.constant 0 : i32
      %dma_wait3A_177 = tpu.memref_slice %arg6[%add3A_34, %dma_wait3A_176] : memref<10000x128xf32, #tpu.memory_space<vmem_shared>> -> memref<75x128xf32, #tpu.memory_space<vmem_shared>>
      tpu.wait_dma2 semaphore(%run_scoped3A : memref<!tpu.dma_semaphore, #tpu.memory_space<semaphore_mem>>) src(%arg8 : memref<75x128xf32, #tpu.memory_space<vmem>>) dst(%dma_wait3A_177 : memref<75x128xf32, #tpu.memory_space<vmem_shared>>)
      tpu.yield
    }) : () -> ()
    %mul3A_35 = arith.constant 625 : i32
    %mul3A_36 = arith.muli %arg1, %mul3A_35 : i32
    %add3A_37 = arith.constant 525 : i32
    %add3A_38 = arith.addi %mul3A_36, %add3A_37 : i32
    "tpu.region"() ({
      %run_scoped3A = tpu.sem_alloc : memref<!tpu.dma_semaphore, #tpu.memory_space<semaphore_mem>>
      %dma_start3A_170 = arith.constant 0 : i32
      %dma_start3A_171 = tpu.memref_slice %arg6[%add3A_38, %dma_start3A_170] : memref<10000x128xf32, #tpu.memory_space<vmem_shared>> -> memref<75x128xf32, #tpu.memory_space<vmem_shared>>
      %dma_start3A_172 = arith.constant 0 : i32
      %dma_start3A_173 = tpu.memref_slice %arg6[%add3A_38, %dma_start3A_172] : memref<10000x128xf32, #tpu.memory_space<vmem_shared>> -> memref<75x128xf32, #tpu.memory_space<vmem_shared>>
      tpu.enqueue_dma source(%arg8 : memref<75x128xf32, #tpu.memory_space<vmem>>) target(%dma_start3A_173 : memref<75x128xf32, #tpu.memory_space<vmem_shared>>) target_semaphore(%run_scoped3A : memref<!tpu.dma_semaphore, #tpu.memory_space<semaphore_mem>>)
      %dma_wait3A_174 = arith.constant 0 : i32
      %dma_wait3A_175 = tpu.memref_slice %arg6[%add3A_38, %dma_wait3A_174] : memref<10000x128xf32, #tpu.memory_space<vmem_shared>> -> memref<75x128xf32, #tpu.memory_space<vmem_shared>>
      %dma_wait3A_176 = arith.constant 0 : i32
      %dma_wait3A_177 = tpu.memref_slice %arg6[%add3A_38, %dma_wait3A_176] : memref<10000x128xf32, #tpu.memory_space<vmem_shared>> -> memref<75x128xf32, #tpu.memory_space<vmem_shared>>
      tpu.wait_dma2 semaphore(%run_scoped3A : memref<!tpu.dma_semaphore, #tpu.memory_space<semaphore_mem>>) src(%arg8 : memref<75x128xf32, #tpu.memory_space<vmem>>) dst(%dma_wait3A_177 : memref<75x128xf32, #tpu.memory_space<vmem_shared>>)
      tpu.yield
    }) : () -> ()
    %mul3A_39 = arith.constant 625 : i32
    %mul3A_40 = arith.muli %arg1, %mul3A_39 : i32
    %add3A_41 = arith.constant 600 : i32
    %add3A_42 = arith.addi %mul3A_40, %add3A_41 : i32
    "tpu.region"() ({
      %run_scoped3A = tpu.sem_alloc : memref<!tpu.dma_semaphore, #tpu.memory_space<semaphore_mem>>
      %dma_start3A_170 = arith.constant 0 : i32
      %dma_start3A_171 = arith.constant 0 : i32
      %dma_start3A_172 = tpu.memref_slice %arg8[%dma_start3A_170, %dma_start3A_171] : memref<75x128xf32, #tpu.memory_space<vmem>> -> memref<25x128xf32, #tpu.memory_space<vmem>>
      %dma_start3A_173 = arith.constant 0 : i32
      %dma_start3A_174 = tpu.memref_slice %arg6[%add3A_42, %dma_start3A_173] : memref<10000x128xf32, #tpu.memory_space<vmem_shared>> -> memref<25x128xf32, #tpu.memory_space<vmem_shared>>
      %dma_start3A_175 = arith.constant 0 : i32
      %dma_start3A_176 = tpu.memref_slice %arg6[%add3A_42, %dma_start3A_175] : memref<10000x128xf32, #tpu.memory_space<vmem_shared>> -> memref<25x128xf32, #tpu.memory_space<vmem_shared>>
      %dma_start3A_177 = arith.constant 0 : i32
      %dma_start3A_178 = arith.constant 0 : i32
      %dma_start3A_179 = tpu.memref_slice %arg8[%dma_start3A_177, %dma_start3A_178] : memref<75x128xf32, #tpu.memory_space<vmem>> -> memref<25x128xf32, #tpu.memory_space<vmem>>
      tpu.enqueue_dma source(%dma_start3A_179 : memref<25x128xf32, #tpu.memory_space<vmem>>) target(%dma_start3A_176 : memref<25x128xf32, #tpu.memory_space<vmem_shared>>) target_semaphore(%run_scoped3A : memref<!tpu.dma_semaphore, #tpu.memory_space<semaphore_mem>>)
      %dma_wait3A_180 = arith.constant 0 : i32
      %dma_wait3A_181 = arith.constant 0 : i32
      %dma_wait3A_182 = tpu.memref_slice %arg8[%dma_wait3A_180, %dma_wait3A_181] : memref<75x128xf32, #tpu.memory_space<vmem>> -> memref<25x128xf32, #tpu.memory_space<vmem>>
      %dma_wait3A_183 = arith.constant 0 : i32
      %dma_wait3A_184 = tpu.memref_slice %arg6[%add3A_42, %dma_wait3A_183] : memref<10000x128xf32, #tpu.memory_space<vmem_shared>> -> memref<25x128xf32, #tpu.memory_space<vmem_shared>>
      %dma_wait3A_185 = arith.constant 0 : i32
      %dma_wait3A_186 = tpu.memref_slice %arg6[%add3A_42, %dma_wait3A_185] : memref<10000x128xf32, #tpu.memory_space<vmem_shared>> -> memref<25x128xf32, #tpu.memory_space<vmem_shared>>
      %dma_wait3A_187 = arith.constant 0 : i32
      %dma_wait3A_188 = arith.constant 0 : i32
      %dma_wait3A_189 = tpu.memref_slice %arg8[%dma_wait3A_187, %dma_wait3A_188] : memref<75x128xf32, #tpu.memory_space<vmem>> -> memref<25x128xf32, #tpu.memory_space<vmem>>
      tpu.wait_dma2 semaphore(%run_scoped3A : memref<!tpu.dma_semaphore, #tpu.memory_space<semaphore_mem>>) src(%dma_wait3A_189 : memref<25x128xf32, #tpu.memory_space<vmem>>) dst(%dma_wait3A_186 : memref<25x128xf32, #tpu.memory_space<vmem_shared>>)
      tpu.yield
    }) : () -> ()
    %barrier3A = arith.constant 0 : index
    tpu.barrier barrier_id(%barrier3A)
    %dma_start3A = arith.constant 0 : i32
    %dma_start3A_43 = tpu.memref_slice %arg7[%dma_start3A] : memref<10000xi32, #tpu.memory_space<vmem>> -> memref<40xi32, #tpu.memory_space<vmem>>
    %dma_start3A_44 = arith.constant 0 : i32
    %dma_start3A_45 = arith.constant 0 : i32
    %dma_start3A_46 = tpu.memref_slice %arg4[%dma_start3A_44, %dma_start3A_45] : memref<10000x128xf32, #tpu.memory_space<hbm>> -> memref<10000x128xf32, #tpu.memory_space<hbm>>
    tpu.enqueue_indirect_dma source(%dma_start3A_46 : memref<10000x128xf32, #tpu.memory_space<hbm>>) target(%arg9 : memref<40x128xf32, #tpu.memory_space<vmem>>) offsets(%dma_start3A_43 : memref<40xi32, #tpu.memory_space<vmem>>) semaphore(%arg19 : memref<!tpu.dma_semaphore, #tpu.memory_space<semaphore_mem>>)
    %dma_start3A_47 = arith.constant 0 : i32
    %dma_start3A_48 = arith.constant 0 : i32
    %dma_start3A_49 = tpu.memref_slice %arg3[%add3A, %dma_start3A_47, %dma_start3A_48] : memref<32x250x40xi32, #tpu.memory_space<hbm>> -> memref<1x1x40xi32, #tpu.memory_space<hbm>>
    %dma_start3A_50 = tpu.memref_squeeze %dma_start3A_49 : memref<1x1x40xi32, #tpu.memory_space<hbm>> -> memref<40xi32, #tpu.memory_space<hbm>>
    %dma_start3A_51 = arith.constant 0 : i32
    %dma_start3A_52 = tpu.memref_slice %arg3[%add3A, %dma_start3A_47, %dma_start3A_51] : memref<32x250x40xi32, #tpu.memory_space<hbm>> -> memref<1x1x40xi32, #tpu.memory_space<hbm>>
    %dma_start3A_53 = tpu.memref_squeeze %dma_start3A_52 : memref<1x1x40xi32, #tpu.memory_space<hbm>> -> memref<40xi32, #tpu.memory_space<hbm>>
    tpu.enqueue_dma source(%dma_start3A_53 : memref<40xi32, #tpu.memory_space<hbm>>) target(%arg14 : memref<40xi32, #tpu.memory_space<vmem>>) target_semaphore(%arg29 : memref<!tpu.dma_semaphore, #tpu.memory_space<semaphore_mem>>)
    %dma_start3A_54 = arith.constant 40 : i32
    %dma_start3A_55 = tpu.memref_slice %arg7[%dma_start3A_54] : memref<10000xi32, #tpu.memory_space<vmem>> -> memref<40xi32, #tpu.memory_space<vmem>>
    %dma_start3A_56 = arith.constant 0 : i32
    %dma_start3A_57 = arith.constant 0 : i32
    %dma_start3A_58 = tpu.memref_slice %arg4[%dma_start3A_56, %dma_start3A_57] : memref<10000x128xf32, #tpu.memory_space<hbm>> -> memref<10000x128xf32, #tpu.memory_space<hbm>>
    tpu.enqueue_indirect_dma source(%dma_start3A_58 : memref<10000x128xf32, #tpu.memory_space<hbm>>) target(%arg10 : memref<40x128xf32, #tpu.memory_space<vmem>>) offsets(%dma_start3A_55 : memref<40xi32, #tpu.memory_space<vmem>>) semaphore(%arg20 : memref<!tpu.dma_semaphore, #tpu.memory_space<semaphore_mem>>)
    %dma_start3A_59 = arith.constant 1 : i32
    %dma_start3A_60 = arith.constant 0 : i32
    %dma_start3A_61 = tpu.memref_slice %arg3[%add3A, %dma_start3A_59, %dma_start3A_60] : memref<32x250x40xi32, #tpu.memory_space<hbm>> -> memref<1x1x40xi32, #tpu.memory_space<hbm>>
    %dma_start3A_62 = tpu.memref_squeeze %dma_start3A_61 : memref<1x1x40xi32, #tpu.memory_space<hbm>> -> memref<40xi32, #tpu.memory_space<hbm>>
    %dma_start3A_63 = arith.constant 0 : i32
    %dma_start3A_64 = tpu.memref_slice %arg3[%add3A, %dma_start3A_59, %dma_start3A_63] : memref<32x250x40xi32, #tpu.memory_space<hbm>> -> memref<1x1x40xi32, #tpu.memory_space<hbm>>
    %dma_start3A_65 = tpu.memref_squeeze %dma_start3A_64 : memref<1x1x40xi32, #tpu.memory_space<hbm>> -> memref<40xi32, #tpu.memory_space<hbm>>
    tpu.enqueue_dma source(%dma_start3A_65 : memref<40xi32, #tpu.memory_space<hbm>>) target(%arg15 : memref<40xi32, #tpu.memory_space<vmem>>) target_semaphore(%arg30 : memref<!tpu.dma_semaphore, #tpu.memory_space<semaphore_mem>>)
    %dma_start3A_66 = arith.constant 80 : i32
    %dma_start3A_67 = tpu.memref_slice %arg7[%dma_start3A_66] : memref<10000xi32, #tpu.memory_space<vmem>> -> memref<40xi32, #tpu.memory_space<vmem>>
    %dma_start3A_68 = arith.constant 0 : i32
    %dma_start3A_69 = arith.constant 0 : i32
    %dma_start3A_70 = tpu.memref_slice %arg4[%dma_start3A_68, %dma_start3A_69] : memref<10000x128xf32, #tpu.memory_space<hbm>> -> memref<10000x128xf32, #tpu.memory_space<hbm>>
    tpu.enqueue_indirect_dma source(%dma_start3A_70 : memref<10000x128xf32, #tpu.memory_space<hbm>>) target(%arg11 : memref<40x128xf32, #tpu.memory_space<vmem>>) offsets(%dma_start3A_67 : memref<40xi32, #tpu.memory_space<vmem>>) semaphore(%arg21 : memref<!tpu.dma_semaphore, #tpu.memory_space<semaphore_mem>>)
    %dma_start3A_71 = arith.constant 2 : i32
    %dma_start3A_72 = arith.constant 0 : i32
    %dma_start3A_73 = tpu.memref_slice %arg3[%add3A, %dma_start3A_71, %dma_start3A_72] : memref<32x250x40xi32, #tpu.memory_space<hbm>> -> memref<1x1x40xi32, #tpu.memory_space<hbm>>
    %dma_start3A_74 = tpu.memref_squeeze %dma_start3A_73 : memref<1x1x40xi32, #tpu.memory_space<hbm>> -> memref<40xi32, #tpu.memory_space<hbm>>
    %dma_start3A_75 = arith.constant 0 : i32
    %dma_start3A_76 = tpu.memref_slice %arg3[%add3A, %dma_start3A_71, %dma_start3A_75] : memref<32x250x40xi32, #tpu.memory_space<hbm>> -> memref<1x1x40xi32, #tpu.memory_space<hbm>>
    %dma_start3A_77 = tpu.memref_squeeze %dma_start3A_76 : memref<1x1x40xi32, #tpu.memory_space<hbm>> -> memref<40xi32, #tpu.memory_space<hbm>>
    tpu.enqueue_dma source(%dma_start3A_77 : memref<40xi32, #tpu.memory_space<hbm>>) target(%arg16 : memref<40xi32, #tpu.memory_space<vmem>>) target_semaphore(%arg31 : memref<!tpu.dma_semaphore, #tpu.memory_space<semaphore_mem>>)
    %dma_start3A_78 = arith.constant 120 : i32
    %dma_start3A_79 = tpu.memref_slice %arg7[%dma_start3A_78] : memref<10000xi32, #tpu.memory_space<vmem>> -> memref<40xi32, #tpu.memory_space<vmem>>
    %dma_start3A_80 = arith.constant 0 : i32
    %dma_start3A_81 = arith.constant 0 : i32
    %dma_start3A_82 = tpu.memref_slice %arg4[%dma_start3A_80, %dma_start3A_81] : memref<10000x128xf32, #tpu.memory_space<hbm>> -> memref<10000x128xf32, #tpu.memory_space<hbm>>
    tpu.enqueue_indirect_dma source(%dma_start3A_82 : memref<10000x128xf32, #tpu.memory_space<hbm>>) target(%arg12 : memref<40x128xf32, #tpu.memory_space<vmem>>) offsets(%dma_start3A_79 : memref<40xi32, #tpu.memory_space<vmem>>) semaphore(%arg22 : memref<!tpu.dma_semaphore, #tpu.memory_space<semaphore_mem>>)
    %dma_start3A_83 = arith.constant 3 : i32
    %dma_start3A_84 = arith.constant 0 : i32
    %dma_start3A_85 = tpu.memref_slice %arg3[%add3A, %dma_start3A_83, %dma_start3A_84] : memref<32x250x40xi32, #tpu.memory_space<hbm>> -> memref<1x1x40xi32, #tpu.memory_space<hbm>>
    %dma_start3A_86 = tpu.memref_squeeze %dma_start3A_85 : memref<1x1x40xi32, #tpu.memory_space<hbm>> -> memref<40xi32, #tpu.memory_space<hbm>>
    %dma_start3A_87 = arith.constant 0 : i32
    %dma_start3A_88 = tpu.memref_slice %arg3[%add3A, %dma_start3A_83, %dma_start3A_87] : memref<32x250x40xi32, #tpu.memory_space<hbm>> -> memref<1x1x40xi32, #tpu.memory_space<hbm>>
    %dma_start3A_89 = tpu.memref_squeeze %dma_start3A_88 : memref<1x1x40xi32, #tpu.memory_space<hbm>> -> memref<40xi32, #tpu.memory_space<hbm>>
    tpu.enqueue_dma source(%dma_start3A_89 : memref<40xi32, #tpu.memory_space<hbm>>) target(%arg17 : memref<40xi32, #tpu.memory_space<vmem>>) target_semaphore(%arg32 : memref<!tpu.dma_semaphore, #tpu.memory_space<semaphore_mem>>)
    %dma_start3A_90 = arith.constant 160 : i32
    %dma_start3A_91 = tpu.memref_slice %arg7[%dma_start3A_90] : memref<10000xi32, #tpu.memory_space<vmem>> -> memref<40xi32, #tpu.memory_space<vmem>>
    %dma_start3A_92 = arith.constant 0 : i32
    %dma_start3A_93 = arith.constant 0 : i32
    %dma_start3A_94 = tpu.memref_slice %arg4[%dma_start3A_92, %dma_start3A_93] : memref<10000x128xf32, #tpu.memory_space<hbm>> -> memref<10000x128xf32, #tpu.memory_space<hbm>>
    tpu.enqueue_indirect_dma source(%dma_start3A_94 : memref<10000x128xf32, #tpu.memory_space<hbm>>) target(%arg13 : memref<40x128xf32, #tpu.memory_space<vmem>>) offsets(%dma_start3A_91 : memref<40xi32, #tpu.memory_space<vmem>>) semaphore(%arg23 : memref<!tpu.dma_semaphore, #tpu.memory_space<semaphore_mem>>)
    %dma_start3A_95 = arith.constant 4 : i32
    %dma_start3A_96 = arith.constant 0 : i32
    %dma_start3A_97 = tpu.memref_slice %arg3[%add3A, %dma_start3A_95, %dma_start3A_96] : memref<32x250x40xi32, #tpu.memory_space<hbm>> -> memref<1x1x40xi32, #tpu.memory_space<hbm>>
    %dma_start3A_98 = tpu.memref_squeeze %dma_start3A_97 : memref<1x1x40xi32, #tpu.memory_space<hbm>> -> memref<40xi32, #tpu.memory_space<hbm>>
    %dma_start3A_99 = arith.constant 0 : i32
    %dma_start3A_100 = tpu.memref_slice %arg3[%add3A, %dma_start3A_95, %dma_start3A_99] : memref<32x250x40xi32, #tpu.memory_space<hbm>> -> memref<1x1x40xi32, #tpu.memory_space<hbm>>
    %dma_start3A_101 = tpu.memref_squeeze %dma_start3A_100 : memref<1x1x40xi32, #tpu.memory_space<hbm>> -> memref<40xi32, #tpu.memory_space<hbm>>
    tpu.enqueue_dma source(%dma_start3A_101 : memref<40xi32, #tpu.memory_space<hbm>>) target(%arg18 : memref<40xi32, #tpu.memory_space<vmem>>) target_semaphore(%arg33 : memref<!tpu.dma_semaphore, #tpu.memory_space<semaphore_mem>>)
    %scan3A_102 = arith.constant 0 : i32
    %scan3A_103 = arith.constant 0 : i32
    %scan3A_104 = arith.constant 50 : i32
    %scan3A_105 = arith.addi %scan3A_103, %scan3A_104 : i32
    %scan3A_106 = arith.constant 1 : i32
    scf.for %scan3A_170 = %scan3A_103 to %scan3A_105 step %scan3A_106  : i32 {
      %mul3A_171 = arith.constant 5 : i32
      %mul3A_172 = arith.muli %scan3A_170, %mul3A_171 : i32
      %add3A_173 = arith.constant 0 : i32
      %add3A_174 = arith.addi %mul3A_172, %add3A_173 : i32
      %mul3A_175 = arith.constant 40 : i32
      %mul3A_176 = arith.muli %add3A_174, %mul3A_175 : i32
      %dma_wait3A_177 = tpu.memref_slice %arg7[%mul3A_176] : memref<10000xi32, #tpu.memory_space<vmem>> -> memref<40xi32, #tpu.memory_space<vmem>>
      %dma_wait3A_178 = arith.constant 0 : i32
      %dma_wait3A_179 = arith.constant 0 : i32
      %dma_wait3A_180 = tpu.memref_slice %arg4[%dma_wait3A_178, %dma_wait3A_179] : memref<10000x128xf32, #tpu.memory_space<hbm>> -> memref<10000x128xf32, #tpu.memory_space<hbm>>
      tpu.wait_indirect_dma semaphore(%arg19 : memref<!tpu.dma_semaphore, #tpu.memory_space<semaphore_mem>>) src(%dma_wait3A_180 : memref<10000x128xf32, #tpu.memory_space<hbm>>) dst(%arg9 : memref<40x128xf32, #tpu.memory_space<vmem>>)
      %dma_wait3A_181 = arith.constant 0 : i32
      %dma_wait3A_182 = tpu.memref_slice %arg3[%add3A, %add3A_174, %dma_wait3A_181] : memref<32x250x40xi32, #tpu.memory_space<hbm>> -> memref<1x1x40xi32, #tpu.memory_space<hbm>>
      %dma_wait3A_183 = tpu.memref_squeeze %dma_wait3A_182 : memref<1x1x40xi32, #tpu.memory_space<hbm>> -> memref<40xi32, #tpu.memory_space<hbm>>
      %dma_wait3A_184 = arith.constant 0 : i32
      %dma_wait3A_185 = tpu.memref_slice %arg3[%add3A, %add3A_174, %dma_wait3A_184] : memref<32x250x40xi32, #tpu.memory_space<hbm>> -> memref<1x1x40xi32, #tpu.memory_space<hbm>>
      %dma_wait3A_186 = tpu.memref_squeeze %dma_wait3A_185 : memref<1x1x40xi32, #tpu.memory_space<hbm>> -> memref<40xi32, #tpu.memory_space<hbm>>
      tpu.wait_dma2 semaphore(%arg29 : memref<!tpu.dma_semaphore, #tpu.memory_space<semaphore_mem>>) src(%dma_wait3A_186 : memref<40xi32, #tpu.memory_space<hbm>>) dst(%arg14 : memref<40xi32, #tpu.memory_space<vmem>>)
      %dma_start3A_187 = arith.constant 0 : i32
      %dma_start3A_188 = arith.constant 0 : i32
      %dma_start3A_189 = tpu.memref_slice %arg6[%dma_start3A_187, %dma_start3A_188] : memref<10000x128xf32, #tpu.memory_space<vmem_shared>> -> memref<10000x128xf32, #tpu.memory_space<vmem_shared>>
      tpu.enqueue_indirect_dma source(%arg9 : memref<40x128xf32, #tpu.memory_space<vmem>>) target(%dma_start3A_189 : memref<10000x128xf32, #tpu.memory_space<vmem_shared>>) offsets(%arg14 : memref<40xi32, #tpu.memory_space<vmem>>) semaphore(%arg24 : memref<!tpu.dma_semaphore, #tpu.memory_space<semaphore_mem>>) {add = true}
      %mul3A_190 = arith.constant 5 : i32
      %mul3A_191 = arith.muli %scan3A_170, %mul3A_190 : i32
      %add3A_192 = arith.constant 1 : i32
      %add3A_193 = arith.addi %mul3A_191, %add3A_192 : i32
      %mul3A_194 = arith.constant 40 : i32
      %mul3A_195 = arith.muli %add3A_193, %mul3A_194 : i32
      %dma_wait3A_196 = tpu.memref_slice %arg7[%mul3A_195] : memref<10000xi32, #tpu.memory_space<vmem>> -> memref<40xi32, #tpu.memory_space<vmem>>
      %dma_wait3A_197 = arith.constant 0 : i32
      %dma_wait3A_198 = arith.constant 0 : i32
      %dma_wait3A_199 = tpu.memref_slice %arg4[%dma_wait3A_197, %dma_wait3A_198] : memref<10000x128xf32, #tpu.memory_space<hbm>> -> memref<10000x128xf32, #tpu.memory_space<hbm>>
      tpu.wait_indirect_dma semaphore(%arg20 : memref<!tpu.dma_semaphore, #tpu.memory_space<semaphore_mem>>) src(%dma_wait3A_199 : memref<10000x128xf32, #tpu.memory_space<hbm>>) dst(%arg10 : memref<40x128xf32, #tpu.memory_space<vmem>>)
      %dma_wait3A_200 = arith.constant 0 : i32
      %dma_wait3A_201 = tpu.memref_slice %arg3[%add3A, %add3A_193, %dma_wait3A_200] : memref<32x250x40xi32, #tpu.memory_space<hbm>> -> memref<1x1x40xi32, #tpu.memory_space<hbm>>
      %dma_wait3A_202 = tpu.memref_squeeze %dma_wait3A_201 : memref<1x1x40xi32, #tpu.memory_space<hbm>> -> memref<40xi32, #tpu.memory_space<hbm>>
      %dma_wait3A_203 = arith.constant 0 : i32
      %dma_wait3A_204 = tpu.memref_slice %arg3[%add3A, %add3A_193, %dma_wait3A_203] : memref<32x250x40xi32, #tpu.memory_space<hbm>> -> memref<1x1x40xi32, #tpu.memory_space<hbm>>
      %dma_wait3A_205 = tpu.memref_squeeze %dma_wait3A_204 : memref<1x1x40xi32, #tpu.memory_space<hbm>> -> memref<40xi32, #tpu.memory_space<hbm>>
      tpu.wait_dma2 semaphore(%arg30 : memref<!tpu.dma_semaphore, #tpu.memory_space<semaphore_mem>>) src(%dma_wait3A_205 : memref<40xi32, #tpu.memory_space<hbm>>) dst(%arg15 : memref<40xi32, #tpu.memory_space<vmem>>)
      %dma_start3A_206 = arith.constant 0 : i32
      %dma_start3A_207 = arith.constant 0 : i32
      %dma_start3A_208 = tpu.memref_slice %arg6[%dma_start3A_206, %dma_start3A_207] : memref<10000x128xf32, #tpu.memory_space<vmem_shared>> -> memref<10000x128xf32, #tpu.memory_space<vmem_shared>>
      tpu.enqueue_indirect_dma source(%arg10 : memref<40x128xf32, #tpu.memory_space<vmem>>) target(%dma_start3A_208 : memref<10000x128xf32, #tpu.memory_space<vmem_shared>>) offsets(%arg15 : memref<40xi32, #tpu.memory_space<vmem>>) semaphore(%arg25 : memref<!tpu.dma_semaphore, #tpu.memory_space<semaphore_mem>>) {add = true}
      %mul3A_209 = arith.constant 5 : i32
      %mul3A_210 = arith.muli %scan3A_170, %mul3A_209 : i32
      %add3A_211 = arith.constant 2 : i32
      %add3A_212 = arith.addi %mul3A_210, %add3A_211 : i32
      %mul3A_213 = arith.constant 40 : i32
      %mul3A_214 = arith.muli %add3A_212, %mul3A_213 : i32
      %dma_wait3A_215 = tpu.memref_slice %arg7[%mul3A_214] : memref<10000xi32, #tpu.memory_space<vmem>> -> memref<40xi32, #tpu.memory_space<vmem>>
      %dma_wait3A_216 = arith.constant 0 : i32
      %dma_wait3A_217 = arith.constant 0 : i32
      %dma_wait3A_218 = tpu.memref_slice %arg4[%dma_wait3A_216, %dma_wait3A_217] : memref<10000x128xf32, #tpu.memory_space<hbm>> -> memref<10000x128xf32, #tpu.memory_space<hbm>>
      tpu.wait_indirect_dma semaphore(%arg21 : memref<!tpu.dma_semaphore, #tpu.memory_space<semaphore_mem>>) src(%dma_wait3A_218 : memref<10000x128xf32, #tpu.memory_space<hbm>>) dst(%arg11 : memref<40x128xf32, #tpu.memory_space<vmem>>)
      %dma_wait3A_219 = arith.constant 0 : i32
      %dma_wait3A_220 = tpu.memref_slice %arg3[%add3A, %add3A_212, %dma_wait3A_219] : memref<32x250x40xi32, #tpu.memory_space<hbm>> -> memref<1x1x40xi32, #tpu.memory_space<hbm>>
      %dma_wait3A_221 = tpu.memref_squeeze %dma_wait3A_220 : memref<1x1x40xi32, #tpu.memory_space<hbm>> -> memref<40xi32, #tpu.memory_space<hbm>>
      %dma_wait3A_222 = arith.constant 0 : i32
      %dma_wait3A_223 = tpu.memref_slice %arg3[%add3A, %add3A_212, %dma_wait3A_222] : memref<32x250x40xi32, #tpu.memory_space<hbm>> -> memref<1x1x40xi32, #tpu.memory_space<hbm>>
      %dma_wait3A_224 = tpu.memref_squeeze %dma_wait3A_223 : memref<1x1x40xi32, #tpu.memory_space<hbm>> -> memref<40xi32, #tpu.memory_space<hbm>>
      tpu.wait_dma2 semaphore(%arg31 : memref<!tpu.dma_semaphore, #tpu.memory_space<semaphore_mem>>) src(%dma_wait3A_224 : memref<40xi32, #tpu.memory_space<hbm>>) dst(%arg16 : memref<40xi32, #tpu.memory_space<vmem>>)
      %dma_start3A_225 = arith.constant 0 : i32
      %dma_start3A_226 = arith.constant 0 : i32
      %dma_start3A_227 = tpu.memref_slice %arg6[%dma_start3A_225, %dma_start3A_226] : memref<10000x128xf32, #tpu.memory_space<vmem_shared>> -> memref<10000x128xf32, #tpu.memory_space<vmem_shared>>
      tpu.enqueue_indirect_dma source(%arg11 : memref<40x128xf32, #tpu.memory_space<vmem>>) target(%dma_start3A_227 : memref<10000x128xf32, #tpu.memory_space<vmem_shared>>) offsets(%arg16 : memref<40xi32, #tpu.memory_space<vmem>>) semaphore(%arg26 : memref<!tpu.dma_semaphore, #tpu.memory_space<semaphore_mem>>) {add = true}
      %mul3A_228 = arith.constant 5 : i32
      %mul3A_229 = arith.muli %scan3A_170, %mul3A_228 : i32
      %add3A_230 = arith.constant 3 : i32
      %add3A_231 = arith.addi %mul3A_229, %add3A_230 : i32
      %mul3A_232 = arith.constant 40 : i32
      %mul3A_233 = arith.muli %add3A_231, %mul3A_232 : i32
      %dma_wait3A_234 = tpu.memref_slice %arg7[%mul3A_233] : memref<10000xi32, #tpu.memory_space<vmem>> -> memref<40xi32, #tpu.memory_space<vmem>>
      %dma_wait3A_235 = arith.constant 0 : i32
      %dma_wait3A_236 = arith.constant 0 : i32
      %dma_wait3A_237 = tpu.memref_slice %arg4[%dma_wait3A_235, %dma_wait3A_236] : memref<10000x128xf32, #tpu.memory_space<hbm>> -> memref<10000x128xf32, #tpu.memory_space<hbm>>
      tpu.wait_indirect_dma semaphore(%arg22 : memref<!tpu.dma_semaphore, #tpu.memory_space<semaphore_mem>>) src(%dma_wait3A_237 : memref<10000x128xf32, #tpu.memory_space<hbm>>) dst(%arg12 : memref<40x128xf32, #tpu.memory_space<vmem>>)
      %dma_wait3A_238 = arith.constant 0 : i32
      %dma_wait3A_239 = tpu.memref_slice %arg3[%add3A, %add3A_231, %dma_wait3A_238] : memref<32x250x40xi32, #tpu.memory_space<hbm>> -> memref<1x1x40xi32, #tpu.memory_space<hbm>>
      %dma_wait3A_240 = tpu.memref_squeeze %dma_wait3A_239 : memref<1x1x40xi32, #tpu.memory_space<hbm>> -> memref<40xi32, #tpu.memory_space<hbm>>
      %dma_wait3A_241 = arith.constant 0 : i32
      %dma_wait3A_242 = tpu.memref_slice %arg3[%add3A, %add3A_231, %dma_wait3A_241] : memref<32x250x40xi32, #tpu.memory_space<hbm>> -> memref<1x1x40xi32, #tpu.memory_space<hbm>>
      %dma_wait3A_243 = tpu.memref_squeeze %dma_wait3A_242 : memref<1x1x40xi32, #tpu.memory_space<hbm>> -> memref<40xi32, #tpu.memory_space<hbm>>
      tpu.wait_dma2 semaphore(%arg32 : memref<!tpu.dma_semaphore, #tpu.memory_space<semaphore_mem>>) src(%dma_wait3A_243 : memref<40xi32, #tpu.memory_space<hbm>>) dst(%arg17 : memref<40xi32, #tpu.memory_space<vmem>>)
      %dma_start3A_244 = arith.constant 0 : i32
      %dma_start3A_245 = arith.constant 0 : i32
      %dma_start3A_246 = tpu.memref_slice %arg6[%dma_start3A_244, %dma_start3A_245] : memref<10000x128xf32, #tpu.memory_space<vmem_shared>> -> memref<10000x128xf32, #tpu.memory_space<vmem_shared>>
      tpu.enqueue_indirect_dma source(%arg12 : memref<40x128xf32, #tpu.memory_space<vmem>>) target(%dma_start3A_246 : memref<10000x128xf32, #tpu.memory_space<vmem_shared>>) offsets(%arg17 : memref<40xi32, #tpu.memory_space<vmem>>) semaphore(%arg27 : memref<!tpu.dma_semaphore, #tpu.memory_space<semaphore_mem>>) {add = true}
      %mul3A_247 = arith.constant 5 : i32
      %mul3A_248 = arith.muli %scan3A_170, %mul3A_247 : i32
      %add3A_249 = arith.constant 4 : i32
      %add3A_250 = arith.addi %mul3A_248, %add3A_249 : i32
      %mul3A_251 = arith.constant 40 : i32
      %mul3A_252 = arith.muli %add3A_250, %mul3A_251 : i32
      %dma_wait3A_253 = tpu.memref_slice %arg7[%mul3A_252] : memref<10000xi32, #tpu.memory_space<vmem>> -> memref<40xi32, #tpu.memory_space<vmem>>
      %dma_wait3A_254 = arith.constant 0 : i32
      %dma_wait3A_255 = arith.constant 0 : i32
      %dma_wait3A_256 = tpu.memref_slice %arg4[%dma_wait3A_254, %dma_wait3A_255] : memref<10000x128xf32, #tpu.memory_space<hbm>> -> memref<10000x128xf32, #tpu.memory_space<hbm>>
      tpu.wait_indirect_dma semaphore(%arg23 : memref<!tpu.dma_semaphore, #tpu.memory_space<semaphore_mem>>) src(%dma_wait3A_256 : memref<10000x128xf32, #tpu.memory_space<hbm>>) dst(%arg13 : memref<40x128xf32, #tpu.memory_space<vmem>>)
      %dma_wait3A_257 = arith.constant 0 : i32
      %dma_wait3A_258 = tpu.memref_slice %arg3[%add3A, %add3A_250, %dma_wait3A_257] : memref<32x250x40xi32, #tpu.memory_space<hbm>> -> memref<1x1x40xi32, #tpu.memory_space<hbm>>
      %dma_wait3A_259 = tpu.memref_squeeze %dma_wait3A_258 : memref<1x1x40xi32, #tpu.memory_space<hbm>> -> memref<40xi32, #tpu.memory_space<hbm>>
      %dma_wait3A_260 = arith.constant 0 : i32
      %dma_wait3A_261 = tpu.memref_slice %arg3[%add3A, %add3A_250, %dma_wait3A_260] : memref<32x250x40xi32, #tpu.memory_space<hbm>> -> memref<1x1x40xi32, #tpu.memory_space<hbm>>
      %dma_wait3A_262 = tpu.memref_squeeze %dma_wait3A_261 : memref<1x1x40xi32, #tpu.memory_space<hbm>> -> memref<40xi32, #tpu.memory_space<hbm>>
      tpu.wait_dma2 semaphore(%arg33 : memref<!tpu.dma_semaphore, #tpu.memory_space<semaphore_mem>>) src(%dma_wait3A_262 : memref<40xi32, #tpu.memory_space<hbm>>) dst(%arg18 : memref<40xi32, #tpu.memory_space<vmem>>)
      %dma_start3A_263 = arith.constant 0 : i32
      %dma_start3A_264 = arith.constant 0 : i32
      %dma_start3A_265 = tpu.memref_slice %arg6[%dma_start3A_263, %dma_start3A_264] : memref<10000x128xf32, #tpu.memory_space<vmem_shared>> -> memref<10000x128xf32, #tpu.memory_space<vmem_shared>>
      tpu.enqueue_indirect_dma source(%arg13 : memref<40x128xf32, #tpu.memory_space<vmem>>) target(%dma_start3A_265 : memref<10000x128xf32, #tpu.memory_space<vmem_shared>>) offsets(%arg18 : memref<40xi32, #tpu.memory_space<vmem>>) semaphore(%arg28 : memref<!tpu.dma_semaphore, #tpu.memory_space<semaphore_mem>>) {add = true}
      %mul3A_266 = arith.constant 5 : i32
      %mul3A_267 = arith.muli %scan3A_170, %mul3A_266 : i32
      %add3A_268 = arith.constant 0 : i32
      %add3A_269 = arith.addi %mul3A_267, %add3A_268 : i32
      %add3A_270 = arith.constant 5 : i32
      %add3A_271 = arith.addi %add3A_269, %add3A_270 : i32
      %min3A = arith.constant 249 : i32
      %min3A_272 = arith.minsi %add3A_271, %min3A : i32
      %dma_wait3A_273 = arith.constant 0 : i32
      %dma_wait3A_274 = arith.constant 0 : i32
      %dma_wait3A_275 = tpu.memref_slice %arg6[%dma_wait3A_273, %dma_wait3A_274] : memref<10000x128xf32, #tpu.memory_space<vmem_shared>> -> memref<10000x128xf32, #tpu.memory_space<vmem_shared>>
      tpu.wait_indirect_dma semaphore(%arg24 : memref<!tpu.dma_semaphore, #tpu.memory_space<semaphore_mem>>) src(%arg9 : memref<40x128xf32, #tpu.memory_space<vmem>>) dst(%dma_wait3A_275 : memref<10000x128xf32, #tpu.memory_space<vmem_shared>>)
      %mul3A_276 = arith.constant 40 : i32
      %mul3A_277 = arith.muli %min3A_272, %mul3A_276 : i32
      %dma_start3A_278 = tpu.memref_slice %arg7[%mul3A_277] : memref<10000xi32, #tpu.memory_space<vmem>> -> memref<40xi32, #tpu.memory_space<vmem>>
      %dma_start3A_279 = arith.constant 0 : i32
      %dma_start3A_280 = arith.constant 0 : i32
      %dma_start3A_281 = tpu.memref_slice %arg4[%dma_start3A_279, %dma_start3A_280] : memref<10000x128xf32, #tpu.memory_space<hbm>> -> memref<10000x128xf32, #tpu.memory_space<hbm>>
      tpu.enqueue_indirect_dma source(%dma_start3A_281 : memref<10000x128xf32, #tpu.memory_space<hbm>>) target(%arg9 : memref<40x128xf32, #tpu.memory_space<vmem>>) offsets(%dma_start3A_278 : memref<40xi32, #tpu.memory_space<vmem>>) semaphore(%arg19 : memref<!tpu.dma_semaphore, #tpu.memory_space<semaphore_mem>>)
      %dma_start3A_282 = arith.constant 0 : i32
      %dma_start3A_283 = tpu.memref_slice %arg3[%add3A, %min3A_272, %dma_start3A_282] : memref<32x250x40xi32, #tpu.memory_space<hbm>> -> memref<1x1x40xi32, #tpu.memory_space<hbm>>
      %dma_start3A_284 = tpu.memref_squeeze %dma_start3A_283 : memref<1x1x40xi32, #tpu.memory_space<hbm>> -> memref<40xi32, #tpu.memory_space<hbm>>
      %dma_start3A_285 = arith.constant 0 : i32
      %dma_start3A_286 = tpu.memref_slice %arg3[%add3A, %min3A_272, %dma_start3A_285] : memref<32x250x40xi32, #tpu.memory_space<hbm>> -> memref<1x1x40xi32, #tpu.memory_space<hbm>>
      %dma_start3A_287 = tpu.memref_squeeze %dma_start3A_286 : memref<1x1x40xi32, #tpu.memory_space<hbm>> -> memref<40xi32, #tpu.memory_space<hbm>>
      tpu.enqueue_dma source(%dma_start3A_287 : memref<40xi32, #tpu.memory_space<hbm>>) target(%arg14 : memref<40xi32, #tpu.memory_space<vmem>>) target_semaphore(%arg29 : memref<!tpu.dma_semaphore, #tpu.memory_space<semaphore_mem>>)
      %mul3A_288 = arith.constant 5 : i32
      %mul3A_289 = arith.muli %scan3A_170, %mul3A_288 : i32
      %add3A_290 = arith.constant 1 : i32
      %add3A_291 = arith.addi %mul3A_289, %add3A_290 : i32
      %add3A_292 = arith.constant 5 : i32
      %add3A_293 = arith.addi %add3A_291, %add3A_292 : i32
      %min3A_294 = arith.constant 249 : i32
      %min3A_295 = arith.minsi %add3A_293, %min3A_294 : i32
      %dma_wait3A_296 = arith.constant 0 : i32
      %dma_wait3A_297 = arith.constant 0 : i32
      %dma_wait3A_298 = tpu.memref_slice %arg6[%dma_wait3A_296, %dma_wait3A_297] : memref<10000x128xf32, #tpu.memory_space<vmem_shared>> -> memref<10000x128xf32, #tpu.memory_space<vmem_shared>>
      tpu.wait_indirect_dma semaphore(%arg25 : memref<!tpu.dma_semaphore, #tpu.memory_space<semaphore_mem>>) src(%arg10 : memref<40x128xf32, #tpu.memory_space<vmem>>) dst(%dma_wait3A_298 : memref<10000x128xf32, #tpu.memory_space<vmem_shared>>)
      %mul3A_299 = arith.constant 40 : i32
      %mul3A_300 = arith.muli %min3A_295, %mul3A_299 : i32
      %dma_start3A_301 = tpu.memref_slice %arg7[%mul3A_300] : memref<10000xi32, #tpu.memory_space<vmem>> -> memref<40xi32, #tpu.memory_space<vmem>>
      %dma_start3A_302 = arith.constant 0 : i32
      %dma_start3A_303 = arith.constant 0 : i32
      %dma_start3A_304 = tpu.memref_slice %arg4[%dma_start3A_302, %dma_start3A_303] : memref<10000x128xf32, #tpu.memory_space<hbm>> -> memref<10000x128xf32, #tpu.memory_space<hbm>>
      tpu.enqueue_indirect_dma source(%dma_start3A_304 : memref<10000x128xf32, #tpu.memory_space<hbm>>) target(%arg10 : memref<40x128xf32, #tpu.memory_space<vmem>>) offsets(%dma_start3A_301 : memref<40xi32, #tpu.memory_space<vmem>>) semaphore(%arg20 : memref<!tpu.dma_semaphore, #tpu.memory_space<semaphore_mem>>)
      %dma_start3A_305 = arith.constant 0 : i32
      %dma_start3A_306 = tpu.memref_slice %arg3[%add3A, %min3A_295, %dma_start3A_305] : memref<32x250x40xi32, #tpu.memory_space<hbm>> -> memref<1x1x40xi32, #tpu.memory_space<hbm>>
      %dma_start3A_307 = tpu.memref_squeeze %dma_start3A_306 : memref<1x1x40xi32, #tpu.memory_space<hbm>> -> memref<40xi32, #tpu.memory_space<hbm>>
      %dma_start3A_308 = arith.constant 0 : i32
      %dma_start3A_309 = tpu.memref_slice %arg3[%add3A, %min3A_295, %dma_start3A_308] : memref<32x250x40xi32, #tpu.memory_space<hbm>> -> memref<1x1x40xi32, #tpu.memory_space<hbm>>
      %dma_start3A_310 = tpu.memref_squeeze %dma_start3A_309 : memref<1x1x40xi32, #tpu.memory_space<hbm>> -> memref<40xi32, #tpu.memory_space<hbm>>
      tpu.enqueue_dma source(%dma_start3A_310 : memref<40xi32, #tpu.memory_space<hbm>>) target(%arg15 : memref<40xi32, #tpu.memory_space<vmem>>) target_semaphore(%arg30 : memref<!tpu.dma_semaphore, #tpu.memory_space<semaphore_mem>>)
      %mul3A_311 = arith.constant 5 : i32
      %mul3A_312 = arith.muli %scan3A_170, %mul3A_311 : i32
      %add3A_313 = arith.constant 2 : i32
      %add3A_314 = arith.addi %mul3A_312, %add3A_313 : i32
      %add3A_315 = arith.constant 5 : i32
      %add3A_316 = arith.addi %add3A_314, %add3A_315 : i32
      %min3A_317 = arith.constant 249 : i32
      %min3A_318 = arith.minsi %add3A_316, %min3A_317 : i32
      %dma_wait3A_319 = arith.constant 0 : i32
      %dma_wait3A_320 = arith.constant 0 : i32
      %dma_wait3A_321 = tpu.memref_slice %arg6[%dma_wait3A_319, %dma_wait3A_320] : memref<10000x128xf32, #tpu.memory_space<vmem_shared>> -> memref<10000x128xf32, #tpu.memory_space<vmem_shared>>
      tpu.wait_indirect_dma semaphore(%arg26 : memref<!tpu.dma_semaphore, #tpu.memory_space<semaphore_mem>>) src(%arg11 : memref<40x128xf32, #tpu.memory_space<vmem>>) dst(%dma_wait3A_321 : memref<10000x128xf32, #tpu.memory_space<vmem_shared>>)
      %mul3A_322 = arith.constant 40 : i32
      %mul3A_323 = arith.muli %min3A_318, %mul3A_322 : i32
      %dma_start3A_324 = tpu.memref_slice %arg7[%mul3A_323] : memref<10000xi32, #tpu.memory_space<vmem>> -> memref<40xi32, #tpu.memory_space<vmem>>
      %dma_start3A_325 = arith.constant 0 : i32
      %dma_start3A_326 = arith.constant 0 : i32
      %dma_start3A_327 = tpu.memref_slice %arg4[%dma_start3A_325, %dma_start3A_326] : memref<10000x128xf32, #tpu.memory_space<hbm>> -> memref<10000x128xf32, #tpu.memory_space<hbm>>
      tpu.enqueue_indirect_dma source(%dma_start3A_327 : memref<10000x128xf32, #tpu.memory_space<hbm>>) target(%arg11 : memref<40x128xf32, #tpu.memory_space<vmem>>) offsets(%dma_start3A_324 : memref<40xi32, #tpu.memory_space<vmem>>) semaphore(%arg21 : memref<!tpu.dma_semaphore, #tpu.memory_space<semaphore_mem>>)
      %dma_start3A_328 = arith.constant 0 : i32
      %dma_start3A_329 = tpu.memref_slice %arg3[%add3A, %min3A_318, %dma_start3A_328] : memref<32x250x40xi32, #tpu.memory_space<hbm>> -> memref<1x1x40xi32, #tpu.memory_space<hbm>>
      %dma_start3A_330 = tpu.memref_squeeze %dma_start3A_329 : memref<1x1x40xi32, #tpu.memory_space<hbm>> -> memref<40xi32, #tpu.memory_space<hbm>>
      %dma_start3A_331 = arith.constant 0 : i32
      %dma_start3A_332 = tpu.memref_slice %arg3[%add3A, %min3A_318, %dma_start3A_331] : memref<32x250x40xi32, #tpu.memory_space<hbm>> -> memref<1x1x40xi32, #tpu.memory_space<hbm>>
      %dma_start3A_333 = tpu.memref_squeeze %dma_start3A_332 : memref<1x1x40xi32, #tpu.memory_space<hbm>> -> memref<40xi32, #tpu.memory_space<hbm>>
      tpu.enqueue_dma source(%dma_start3A_333 : memref<40xi32, #tpu.memory_space<hbm>>) target(%arg16 : memref<40xi32, #tpu.memory_space<vmem>>) target_semaphore(%arg31 : memref<!tpu.dma_semaphore, #tpu.memory_space<semaphore_mem>>)
      %mul3A_334 = arith.constant 5 : i32
      %mul3A_335 = arith.muli %scan3A_170, %mul3A_334 : i32
      %add3A_336 = arith.constant 3 : i32
      %add3A_337 = arith.addi %mul3A_335, %add3A_336 : i32
      %add3A_338 = arith.constant 5 : i32
      %add3A_339 = arith.addi %add3A_337, %add3A_338 : i32
      %min3A_340 = arith.constant 249 : i32
      %min3A_341 = arith.minsi %add3A_339, %min3A_340 : i32
      %dma_wait3A_342 = arith.constant 0 : i32
      %dma_wait3A_343 = arith.constant 0 : i32
      %dma_wait3A_344 = tpu.memref_slice %arg6[%dma_wait3A_342, %dma_wait3A_343] : memref<10000x128xf32, #tpu.memory_space<vmem_shared>> -> memref<10000x128xf32, #tpu.memory_space<vmem_shared>>
      tpu.wait_indirect_dma semaphore(%arg27 : memref<!tpu.dma_semaphore, #tpu.memory_space<semaphore_mem>>) src(%arg12 : memref<40x128xf32, #tpu.memory_space<vmem>>) dst(%dma_wait3A_344 : memref<10000x128xf32, #tpu.memory_space<vmem_shared>>)
      %mul3A_345 = arith.constant 40 : i32
      %mul3A_346 = arith.muli %min3A_341, %mul3A_345 : i32
      %dma_start3A_347 = tpu.memref_slice %arg7[%mul3A_346] : memref<10000xi32, #tpu.memory_space<vmem>> -> memref<40xi32, #tpu.memory_space<vmem>>
      %dma_start3A_348 = arith.constant 0 : i32
      %dma_start3A_349 = arith.constant 0 : i32
      %dma_start3A_350 = tpu.memref_slice %arg4[%dma_start3A_348, %dma_start3A_349] : memref<10000x128xf32, #tpu.memory_space<hbm>> -> memref<10000x128xf32, #tpu.memory_space<hbm>>
      tpu.enqueue_indirect_dma source(%dma_start3A_350 : memref<10000x128xf32, #tpu.memory_space<hbm>>) target(%arg12 : memref<40x128xf32, #tpu.memory_space<vmem>>) offsets(%dma_start3A_347 : memref<40xi32, #tpu.memory_space<vmem>>) semaphore(%arg22 : memref<!tpu.dma_semaphore, #tpu.memory_space<semaphore_mem>>)
      %dma_start3A_351 = arith.constant 0 : i32
      %dma_start3A_352 = tpu.memref_slice %arg3[%add3A, %min3A_341, %dma_start3A_351] : memref<32x250x40xi32, #tpu.memory_space<hbm>> -> memref<1x1x40xi32, #tpu.memory_space<hbm>>
      %dma_start3A_353 = tpu.memref_squeeze %dma_start3A_352 : memref<1x1x40xi32, #tpu.memory_space<hbm>> -> memref<40xi32, #tpu.memory_space<hbm>>
      %dma_start3A_354 = arith.constant 0 : i32
      %dma_start3A_355 = tpu.memref_slice %arg3[%add3A, %min3A_341, %dma_start3A_354] : memref<32x250x40xi32, #tpu.memory_space<hbm>> -> memref<1x1x40xi32, #tpu.memory_space<hbm>>
      %dma_start3A_356 = tpu.memref_squeeze %dma_start3A_355 : memref<1x1x40xi32, #tpu.memory_space<hbm>> -> memref<40xi32, #tpu.memory_space<hbm>>
      tpu.enqueue_dma source(%dma_start3A_356 : memref<40xi32, #tpu.memory_space<hbm>>) target(%arg17 : memref<40xi32, #tpu.memory_space<vmem>>) target_semaphore(%arg32 : memref<!tpu.dma_semaphore, #tpu.memory_space<semaphore_mem>>)
      %mul3A_357 = arith.constant 5 : i32
      %mul3A_358 = arith.muli %scan3A_170, %mul3A_357 : i32
      %add3A_359 = arith.constant 4 : i32
      %add3A_360 = arith.addi %mul3A_358, %add3A_359 : i32
      %add3A_361 = arith.constant 5 : i32
      %add3A_362 = arith.addi %add3A_360, %add3A_361 : i32
      %min3A_363 = arith.constant 249 : i32
      %min3A_364 = arith.minsi %add3A_362, %min3A_363 : i32
      %dma_wait3A_365 = arith.constant 0 : i32
      %dma_wait3A_366 = arith.constant 0 : i32
      %dma_wait3A_367 = tpu.memref_slice %arg6[%dma_wait3A_365, %dma_wait3A_366] : memref<10000x128xf32, #tpu.memory_space<vmem_shared>> -> memref<10000x128xf32, #tpu.memory_space<vmem_shared>>
      tpu.wait_indirect_dma semaphore(%arg28 : memref<!tpu.dma_semaphore, #tpu.memory_space<semaphore_mem>>) src(%arg13 : memref<40x128xf32, #tpu.memory_space<vmem>>) dst(%dma_wait3A_367 : memref<10000x128xf32, #tpu.memory_space<vmem_shared>>)
      %mul3A_368 = arith.constant 40 : i32
      %mul3A_369 = arith.muli %min3A_364, %mul3A_368 : i32
      %dma_start3A_370 = tpu.memref_slice %arg7[%mul3A_369] : memref<10000xi32, #tpu.memory_space<vmem>> -> memref<40xi32, #tpu.memory_space<vmem>>
      %dma_start3A_371 = arith.constant 0 : i32
      %dma_start3A_372 = arith.constant 0 : i32
      %dma_start3A_373 = tpu.memref_slice %arg4[%dma_start3A_371, %dma_start3A_372] : memref<10000x128xf32, #tpu.memory_space<hbm>> -> memref<10000x128xf32, #tpu.memory_space<hbm>>
      tpu.enqueue_indirect_dma source(%dma_start3A_373 : memref<10000x128xf32, #tpu.memory_space<hbm>>) target(%arg13 : memref<40x128xf32, #tpu.memory_space<vmem>>) offsets(%dma_start3A_370 : memref<40xi32, #tpu.memory_space<vmem>>) semaphore(%arg23 : memref<!tpu.dma_semaphore, #tpu.memory_space<semaphore_mem>>)
      %dma_start3A_374 = arith.constant 0 : i32
      %dma_start3A_375 = tpu.memref_slice %arg3[%add3A, %min3A_364, %dma_start3A_374] : memref<32x250x40xi32, #tpu.memory_space<hbm>> -> memref<1x1x40xi32, #tpu.memory_space<hbm>>
      %dma_start3A_376 = tpu.memref_squeeze %dma_start3A_375 : memref<1x1x40xi32, #tpu.memory_space<hbm>> -> memref<40xi32, #tpu.memory_space<hbm>>
      %dma_start3A_377 = arith.constant 0 : i32
      %dma_start3A_378 = tpu.memref_slice %arg3[%add3A, %min3A_364, %dma_start3A_377] : memref<32x250x40xi32, #tpu.memory_space<hbm>> -> memref<1x1x40xi32, #tpu.memory_space<hbm>>
      %dma_start3A_379 = tpu.memref_squeeze %dma_start3A_378 : memref<1x1x40xi32, #tpu.memory_space<hbm>> -> memref<40xi32, #tpu.memory_space<hbm>>
      tpu.enqueue_dma source(%dma_start3A_379 : memref<40xi32, #tpu.memory_space<hbm>>) target(%arg18 : memref<40xi32, #tpu.memory_space<vmem>>) target_semaphore(%arg33 : memref<!tpu.dma_semaphore, #tpu.memory_space<semaphore_mem>>)
    }
    %scan3A_107 = arith.constant 50 : i32
    %dma_wait3A = arith.constant 0 : i32
    %dma_wait3A_108 = tpu.memref_slice %arg7[%dma_wait3A] : memref<10000xi32, #tpu.memory_space<vmem>> -> memref<40xi32, #tpu.memory_space<vmem>>
    %dma_wait3A_109 = arith.constant 0 : i32
    %dma_wait3A_110 = arith.constant 0 : i32
    %dma_wait3A_111 = tpu.memref_slice %arg4[%dma_wait3A_109, %dma_wait3A_110] : memref<10000x128xf32, #tpu.memory_space<hbm>> -> memref<10000x128xf32, #tpu.memory_space<hbm>>
    tpu.wait_indirect_dma semaphore(%arg19 : memref<!tpu.dma_semaphore, #tpu.memory_space<semaphore_mem>>) src(%dma_wait3A_111 : memref<10000x128xf32, #tpu.memory_space<hbm>>) dst(%arg9 : memref<40x128xf32, #tpu.memory_space<vmem>>)
    %dma_wait3A_112 = arith.constant 0 : i32
    %dma_wait3A_113 = arith.constant 0 : i32
    %dma_wait3A_114 = tpu.memref_slice %arg3[%add3A, %dma_wait3A_112, %dma_wait3A_113] : memref<32x250x40xi32, #tpu.memory_space<hbm>> -> memref<1x1x40xi32, #tpu.memory_space<hbm>>
    %dma_wait3A_115 = tpu.memref_squeeze %dma_wait3A_114 : memref<1x1x40xi32, #tpu.memory_space<hbm>> -> memref<40xi32, #tpu.memory_space<hbm>>
    %dma_wait3A_116 = arith.constant 0 : i32
    %dma_wait3A_117 = tpu.memref_slice %arg3[%add3A, %dma_wait3A_112, %dma_wait3A_116] : memref<32x250x40xi32, #tpu.memory_space<hbm>> -> memref<1x1x40xi32, #tpu.memory_space<hbm>>
    %dma_wait3A_118 = tpu.memref_squeeze %dma_wait3A_117 : memref<1x1x40xi32, #tpu.memory_space<hbm>> -> memref<40xi32, #tpu.memory_space<hbm>>
    tpu.wait_dma2 semaphore(%arg29 : memref<!tpu.dma_semaphore, #tpu.memory_space<semaphore_mem>>) src(%dma_wait3A_118 : memref<40xi32, #tpu.memory_space<hbm>>) dst(%arg14 : memref<40xi32, #tpu.memory_space<vmem>>)
    %dma_wait3A_119 = arith.constant 0 : i32
    %dma_wait3A_120 = tpu.memref_slice %arg7[%dma_wait3A_119] : memref<10000xi32, #tpu.memory_space<vmem>> -> memref<40xi32, #tpu.memory_space<vmem>>
    %dma_wait3A_121 = arith.constant 0 : i32
    %dma_wait3A_122 = arith.constant 0 : i32
    %dma_wait3A_123 = tpu.memref_slice %arg4[%dma_wait3A_121, %dma_wait3A_122] : memref<10000x128xf32, #tpu.memory_space<hbm>> -> memref<10000x128xf32, #tpu.memory_space<hbm>>
    tpu.wait_indirect_dma semaphore(%arg20 : memref<!tpu.dma_semaphore, #tpu.memory_space<semaphore_mem>>) src(%dma_wait3A_123 : memref<10000x128xf32, #tpu.memory_space<hbm>>) dst(%arg10 : memref<40x128xf32, #tpu.memory_space<vmem>>)
    %dma_wait3A_124 = arith.constant 0 : i32
    %dma_wait3A_125 = arith.constant 0 : i32
    %dma_wait3A_126 = tpu.memref_slice %arg3[%add3A, %dma_wait3A_124, %dma_wait3A_125] : memref<32x250x40xi32, #tpu.memory_space<hbm>> -> memref<1x1x40xi32, #tpu.memory_space<hbm>>
    %dma_wait3A_127 = tpu.memref_squeeze %dma_wait3A_126 : memref<1x1x40xi32, #tpu.memory_space<hbm>> -> memref<40xi32, #tpu.memory_space<hbm>>
    %dma_wait3A_128 = arith.constant 0 : i32
    %dma_wait3A_129 = tpu.memref_slice %arg3[%add3A, %dma_wait3A_124, %dma_wait3A_128] : memref<32x250x40xi32, #tpu.memory_space<hbm>> -> memref<1x1x40xi32, #tpu.memory_space<hbm>>
    %dma_wait3A_130 = tpu.memref_squeeze %dma_wait3A_129 : memref<1x1x40xi32, #tpu.memory_space<hbm>> -> memref<40xi32, #tpu.memory_space<hbm>>
    tpu.wait_dma2 semaphore(%arg30 : memref<!tpu.dma_semaphore, #tpu.memory_space<semaphore_mem>>) src(%dma_wait3A_130 : memref<40xi32, #tpu.memory_space<hbm>>) dst(%arg15 : memref<40xi32, #tpu.memory_space<vmem>>)
    %dma_wait3A_131 = arith.constant 0 : i32
    %dma_wait3A_132 = tpu.memref_slice %arg7[%dma_wait3A_131] : memref<10000xi32, #tpu.memory_space<vmem>> -> memref<40xi32, #tpu.memory_space<vmem>>
    %dma_wait3A_133 = arith.constant 0 : i32
    %dma_wait3A_134 = arith.constant 0 : i32
    %dma_wait3A_135 = tpu.memref_slice %arg4[%dma_wait3A_133, %dma_wait3A_134] : memref<10000x128xf32, #tpu.memory_space<hbm>> -> memref<10000x128xf32, #tpu.memory_space<hbm>>
    tpu.wait_indirect_dma semaphore(%arg21 : memref<!tpu.dma_semaphore, #tpu.memory_space<semaphore_mem>>) src(%dma_wait3A_135 : memref<10000x128xf32, #tpu.memory_space<hbm>>) dst(%arg11 : memref<40x128xf32, #tpu.memory_space<vmem>>)
    %dma_wait3A_136 = arith.constant 0 : i32
    %dma_wait3A_137 = arith.constant 0 : i32
    %dma_wait3A_138 = tpu.memref_slice %arg3[%add3A, %dma_wait3A_136, %dma_wait3A_137] : memref<32x250x40xi32, #tpu.memory_space<hbm>> -> memref<1x1x40xi32, #tpu.memory_space<hbm>>
    %dma_wait3A_139 = tpu.memref_squeeze %dma_wait3A_138 : memref<1x1x40xi32, #tpu.memory_space<hbm>> -> memref<40xi32, #tpu.memory_space<hbm>>
    %dma_wait3A_140 = arith.constant 0 : i32
    %dma_wait3A_141 = tpu.memref_slice %arg3[%add3A, %dma_wait3A_136, %dma_wait3A_140] : memref<32x250x40xi32, #tpu.memory_space<hbm>> -> memref<1x1x40xi32, #tpu.memory_space<hbm>>
    %dma_wait3A_142 = tpu.memref_squeeze %dma_wait3A_141 : memref<1x1x40xi32, #tpu.memory_space<hbm>> -> memref<40xi32, #tpu.memory_space<hbm>>
    tpu.wait_dma2 semaphore(%arg31 : memref<!tpu.dma_semaphore, #tpu.memory_space<semaphore_mem>>) src(%dma_wait3A_142 : memref<40xi32, #tpu.memory_space<hbm>>) dst(%arg16 : memref<40xi32, #tpu.memory_space<vmem>>)
    %dma_wait3A_143 = arith.constant 0 : i32
    %dma_wait3A_144 = tpu.memref_slice %arg7[%dma_wait3A_143] : memref<10000xi32, #tpu.memory_space<vmem>> -> memref<40xi32, #tpu.memory_space<vmem>>
    %dma_wait3A_145 = arith.constant 0 : i32
    %dma_wait3A_146 = arith.constant 0 : i32
    %dma_wait3A_147 = tpu.memref_slice %arg4[%dma_wait3A_145, %dma_wait3A_146] : memref<10000x128xf32, #tpu.memory_space<hbm>> -> memref<10000x128xf32, #tpu.memory_space<hbm>>
    tpu.wait_indirect_dma semaphore(%arg22 : memref<!tpu.dma_semaphore, #tpu.memory_space<semaphore_mem>>) src(%dma_wait3A_147 : memref<10000x128xf32, #tpu.memory_space<hbm>>) dst(%arg12 : memref<40x128xf32, #tpu.memory_space<vmem>>)
    %dma_wait3A_148 = arith.constant 0 : i32
    %dma_wait3A_149 = arith.constant 0 : i32
    %dma_wait3A_150 = tpu.memref_slice %arg3[%add3A, %dma_wait3A_148, %dma_wait3A_149] : memref<32x250x40xi32, #tpu.memory_space<hbm>> -> memref<1x1x40xi32, #tpu.memory_space<hbm>>
    %dma_wait3A_151 = tpu.memref_squeeze %dma_wait3A_150 : memref<1x1x40xi32, #tpu.memory_space<hbm>> -> memref<40xi32, #tpu.memory_space<hbm>>
    %dma_wait3A_152 = arith.constant 0 : i32
    %dma_wait3A_153 = tpu.memref_slice %arg3[%add3A, %dma_wait3A_148, %dma_wait3A_152] : memref<32x250x40xi32, #tpu.memory_space<hbm>> -> memref<1x1x40xi32, #tpu.memory_space<hbm>>
    %dma_wait3A_154 = tpu.memref_squeeze %dma_wait3A_153 : memref<1x1x40xi32, #tpu.memory_space<hbm>> -> memref<40xi32, #tpu.memory_space<hbm>>
    tpu.wait_dma2 semaphore(%arg32 : memref<!tpu.dma_semaphore, #tpu.memory_space<semaphore_mem>>) src(%dma_wait3A_154 : memref<40xi32, #tpu.memory_space<hbm>>) dst(%arg17 : memref<40xi32, #tpu.memory_space<vmem>>)
    %dma_wait3A_155 = arith.constant 0 : i32
    %dma_wait3A_156 = tpu.memref_slice %arg7[%dma_wait3A_155] : memref<10000xi32, #tpu.memory_space<vmem>> -> memref<40xi32, #tpu.memory_space<vmem>>
    %dma_wait3A_157 = arith.constant 0 : i32
    %dma_wait3A_158 = arith.constant 0 : i32
    %dma_wait3A_159 = tpu.memref_slice %arg4[%dma_wait3A_157, %dma_wait3A_158] : memref<10000x128xf32, #tpu.memory_space<hbm>> -> memref<10000x128xf32, #tpu.memory_space<hbm>>
    tpu.wait_indirect_dma semaphore(%arg23 : memref<!tpu.dma_semaphore, #tpu.memory_space<semaphore_mem>>) src(%dma_wait3A_159 : memref<10000x128xf32, #tpu.memory_space<hbm>>) dst(%arg13 : memref<40x128xf32, #tpu.memory_space<vmem>>)
    %dma_wait3A_160 = arith.constant 0 : i32
    %dma_wait3A_161 = arith.constant 0 : i32
    %dma_wait3A_162 = tpu.memref_slice %arg3[%add3A, %dma_wait3A_160, %dma_wait3A_161] : memref<32x250x40xi32, #tpu.memory_space<hbm>> -> memref<1x1x40xi32, #tpu.memory_space<hbm>>
    %dma_wait3A_163 = tpu.memref_squeeze %dma_wait3A_162 : memref<1x1x40xi32, #tpu.memory_space<hbm>> -> memref<40xi32, #tpu.memory_space<hbm>>
    %dma_wait3A_164 = arith.constant 0 : i32
    %dma_wait3A_165 = tpu.memref_slice %arg3[%add3A, %dma_wait3A_160, %dma_wait3A_164] : memref<32x250x40xi32, #tpu.memory_space<hbm>> -> memref<1x1x40xi32, #tpu.memory_space<hbm>>
    %dma_wait3A_166 = tpu.memref_squeeze %dma_wait3A_165 : memref<1x1x40xi32, #tpu.memory_space<hbm>> -> memref<40xi32, #tpu.memory_space<hbm>>
    tpu.wait_dma2 semaphore(%arg33 : memref<!tpu.dma_semaphore, #tpu.memory_space<semaphore_mem>>) src(%dma_wait3A_166 : memref<40xi32, #tpu.memory_space<hbm>>) dst(%arg18 : memref<40xi32, #tpu.memory_space<vmem>>)
    %barrier3A_167 = arith.constant 0 : index
    tpu.barrier barrier_id(%barrier3A_167)
    %mul3A_168 = arith.constant 625 : i32
    %mul3A_169 = arith.muli %arg1, %mul3A_168 : i32
    "tpu.region"() ({
      %run_scoped3A = tpu.sem_alloc : memref<!tpu.dma_semaphore, #tpu.memory_space<semaphore_mem>>
      %dma_start3A_170 = arith.constant 0 : i32
      %dma_start3A_171 = arith.constant 0 : i32
      %dma_start3A_172 = tpu.memref_slice %arg5[%arg0, %arg1, %dma_start3A_170, %dma_start3A_171] : memref<2x16x625x128xf32, #tpu.memory_space<hbm>> -> memref<1x1x625x128xf32, #tpu.memory_space<hbm>>
      %dma_start3A_173 = tpu.memref_squeeze %dma_start3A_172 : memref<1x1x625x128xf32, #tpu.memory_space<hbm>> -> memref<625x128xf32, #tpu.memory_space<hbm>>
      %dma_start3A_174 = arith.constant 0 : i32
      %dma_start3A_175 = tpu.memref_slice %arg6[%mul3A_169, %dma_start3A_174] : memref<10000x128xf32, #tpu.memory_space<vmem_shared>> -> memref<625x128xf32, #tpu.memory_space<vmem_shared>>
      tpu.enqueue_dma source(%dma_start3A_175 : memref<625x128xf32, #tpu.memory_space<vmem_shared>>) target(%dma_start3A_173 : memref<625x128xf32, #tpu.memory_space<hbm>>) target_semaphore(%run_scoped3A : memref<!tpu.dma_semaphore, #tpu.memory_space<semaphore_mem>>)
      %dma_wait3A_176 = arith.constant 0 : i32
      %dma_wait3A_177 = arith.constant 0 : i32
      %dma_wait3A_178 = tpu.memref_slice %arg5[%arg0, %arg1, %dma_wait3A_176, %dma_wait3A_177] : memref<2x16x625x128xf32, #tpu.memory_space<hbm>> -> memref<1x1x625x128xf32, #tpu.memory_space<hbm>>
      %dma_wait3A_179 = tpu.memref_squeeze %dma_wait3A_178 : memref<1x1x625x128xf32, #tpu.memory_space<hbm>> -> memref<625x128xf32, #tpu.memory_space<hbm>>
      %dma_wait3A_180 = arith.constant 0 : i32
      %dma_wait3A_181 = tpu.memref_slice %arg6[%mul3A_169, %dma_wait3A_180] : memref<10000x128xf32, #tpu.memory_space<vmem_shared>> -> memref<625x128xf32, #tpu.memory_space<vmem_shared>>
      tpu.wait_dma2 semaphore(%run_scoped3A : memref<!tpu.dma_semaphore, #tpu.memory_space<semaphore_mem>>) src(%dma_wait3A_181 : memref<625x128xf32, #tpu.memory_space<vmem_shared>>) dst(%dma_wait3A_179 : memref<625x128xf32, #tpu.memory_space<hbm>>)
      tpu.yield
    }) : () -> ()
    return
  }
}

module attributes {stable_mosaic.version = 14 : i64} {
  func.func @_tc_a_body(%arg0: i32, %arg1: memref<2x1000x1xf32, #tpu.memory_space<vmem>>, %arg2: memref<1000x128xf32, #tpu.memory_space<vmem>>, %arg3: memref<128x128xf32, #tpu.memory_space<vmem>>, %arg4: memref<1000x128xf32, #tpu.memory_space<vmem>>, %arg5: memref<1000x1xf32, #tpu.memory_space<vmem>>) attributes {dimension_semantics = [#tpu.dimension_semantics<arbitrary>], iteration_bounds = array<i64: 10>, scalar_prefetch = 0 : i64, scratch_operands = 0 : i64, tpu.core_type = #tpu.core_type<tc>, window_params = [{transform_indices = @transform_0, window_bounds = array<i64: 2, 1000, 1>}, {transform_indices = @transform_1, window_bounds = array<i64: 1000, 128>}, {pipeline_mode = #tpu.pipeline_mode<synchronous>, transform_indices = @transform_2, window_bounds = array<i64: 128, 128>}, {transform_indices = @transform_3, window_bounds = array<i64: 1000, 128>}, {transform_indices = @transform_4, window_bounds = array<i64: 1000, 1>}]} {
    %get3A = arith.constant 0 : index
    %get3A_0 = arith.constant 0 : index
    %get3A_1 = arith.constant 0 : index
    %get3A_2 = vector.load %arg1[%get3A, %get3A_0, %get3A_1] : memref<2x1000x1xf32, #tpu.memory_space<vmem>>, vector<1x1000x1xf32>
    %get3A_3 = vector.shape_cast %get3A_2 : vector<1x1000x1xf32> to vector<1000xf32>
    %get3A_4 = arith.constant 1 : index
    %get3A_5 = arith.constant 0 : index
    %get3A_6 = arith.constant 0 : index
    %get3A_7 = vector.load %arg1[%get3A_4, %get3A_5, %get3A_6] : memref<2x1000x1xf32, #tpu.memory_space<vmem>>, vector<1x1000x1xf32>
    %get3A_8 = vector.shape_cast %get3A_7 : vector<1x1000x1xf32> to vector<1000xf32>
    %add3A = arith.addf %get3A_3, %get3A_8 : vector<1000xf32>
    %add3A_9 = arith.constant 1.000000e+00 : f32
    %add3A_10 = vector.broadcast %add3A_9 : f32 to vector<1000xf32>
    %add3A_11 = arith.addf %add3A, %add3A_10 : vector<1000xf32>
    %max3A = arith.constant 1.000000e+00 : f32
    %max3A_12 = vector.broadcast %max3A : f32 to vector<1000xf32>
    %max3A_13 = arith.maximumf %add3A_11, %max3A_12 : vector<1000xf32>
    %rsqrt3A = math.rsqrt %max3A_13 : vector<1000xf32>
    %broadcast_in_dim3A = vector.shape_cast %rsqrt3A : vector<1000xf32> to vector<1000x1xf32>
    %get3A_14 = arith.constant 0 : index
    %get3A_15 = arith.constant 0 : index
    %get3A_16 = vector.load %arg2[%get3A_14, %get3A_15] : memref<1000x128xf32, #tpu.memory_space<vmem>>, vector<1000x128xf32>
    %get3A_17 = arith.constant 0 : index
    %get3A_18 = arith.constant 0 : index
    %get3A_19 = vector.load %arg3[%get3A_17, %get3A_18] : memref<128x128xf32, #tpu.memory_space<vmem>>, vector<128x128xf32>
    %dot_general3A = arith.constant dense<0.000000e+00> : vector<1000x128xf32>
    %dot_general3A_20 = tpu.matmul %get3A_16, %get3A_19, %dot_general3A {dimension_numbers = #tpu.dot_dimension_numbers<[1], [0], [0], [1], [0, 0, 1, 1], [], []>, precision = #tpu.contract_precision<fp32>, transpose_lhs_hint = false} : vector<1000x128xf32>, vector<128x128xf32>, vector<1000x128xf32> -> vector<1000x128xf32>
    %mul3A = vector.broadcast %broadcast_in_dim3A : vector<1000x1xf32> to vector<1000x128xf32>
    %mul3A_21 = arith.mulf %dot_general3A_20, %mul3A : vector<1000x128xf32>
    %swap3A = arith.constant 0 : index
    %swap3A_22 = arith.constant 0 : index
    %swap3A_23 = vector.load %arg4[%swap3A, %swap3A_22] : memref<1000x128xf32, #tpu.memory_space<vmem>>, vector<1000x128xf32>
    tpu.vector_store %arg4[%swap3A, %swap3A_22], %mul3A_21 {strides = array<i32>} : memref<1000x128xf32, #tpu.memory_space<vmem>>, vector<1000x128xf32>,
    %swap3A_24 = arith.constant 0 : index
    %swap3A_25 = arith.constant 0 : index
    %swap3A_26 = vector.load %arg5[%swap3A_24, %swap3A_25] : memref<1000x1xf32, #tpu.memory_space<vmem>>, vector<1000x1xf32>
    tpu.vector_store %arg5[%swap3A_24, %swap3A_25], %broadcast_in_dim3A {strides = array<i32>} : memref<1000x1xf32, #tpu.memory_space<vmem>>, vector<1000x1xf32>,
    return
  }
  func.func @transform_0(%arg0: i32) -> (i32, i32, i32) {
    %c0_i32 = arith.constant 0 : i32
    %c0_i32_0 = arith.constant 0 : i32
    %c0_i32_1 = arith.constant 0 : i32
    return %c0_i32, %arg0, %c0_i32_0 : i32, i32, i32
  }
  func.func @transform_1(%arg0: i32) -> (i32, i32) {
    %c0_i32 = arith.constant 0 : i32
    %c0_i32_0 = arith.constant 0 : i32
    return %arg0, %c0_i32 : i32, i32
  }
  func.func @transform_2(%arg0: i32) -> (i32, i32) {
    %c0_i32 = arith.constant 0 : i32
    %c0_i32_0 = arith.constant 0 : i32
    %c0_i32_1 = arith.constant 0 : i32
    return %c0_i32, %c0_i32_0 : i32, i32
  }
  func.func @transform_3(%arg0: i32) -> (i32, i32) {
    %c0_i32 = arith.constant 0 : i32
    %c0_i32_0 = arith.constant 0 : i32
    return %arg0, %c0_i32 : i32, i32
  }
  func.func @transform_4(%arg0: i32) -> (i32, i32) {
    %c0_i32 = arith.constant 0 : i32
    %c0_i32_0 = arith.constant 0 : i32
    return %arg0, %c0_i32 : i32, i32
  }
}

module attributes {stable_mosaic.version = 14 : i64} {
  func.func @_tc_b_body(%arg0: i32, %arg1: memref<2x1000x128xf32, #tpu.memory_space<vmem>>, %arg2: memref<1000x128xf32, #tpu.memory_space<vmem>>, %arg3: memref<1000x1xf32, #tpu.memory_space<vmem>>, %arg4: memref<1x128xf32, #tpu.memory_space<vmem>>, %arg5: memref<128x128xf32, #tpu.memory_space<vmem>>, %arg6: memref<1000x128xf32, #tpu.memory_space<vmem>>, %arg7: memref<1000x128xf32, #tpu.memory_space<vmem>>) attributes {dimension_semantics = [#tpu.dimension_semantics<arbitrary>], iteration_bounds = array<i64: 10>, scalar_prefetch = 0 : i64, scratch_operands = 0 : i64, tpu.core_type = #tpu.core_type<tc>, window_params = [{transform_indices = @transform_0, window_bounds = array<i64: 2, 1000, 128>}, {transform_indices = @transform_1, window_bounds = array<i64: 1000, 128>}, {transform_indices = @transform_2, window_bounds = array<i64: 1000, 1>}, {pipeline_mode = #tpu.pipeline_mode<synchronous>, transform_indices = @transform_3, window_bounds = array<i64: 1, 128>}, {pipeline_mode = #tpu.pipeline_mode<synchronous>, transform_indices = @transform_4, window_bounds = array<i64: 128, 128>}, {transform_indices = @transform_5, window_bounds = array<i64: 1000, 128>}, {transform_indices = @transform_6, window_bounds = array<i64: 1000, 128>}]} {
    %get3A = arith.constant 0 : index
    %get3A_0 = arith.constant 0 : index
    %get3A_1 = vector.load %arg3[%get3A, %get3A_0] : memref<1000x1xf32, #tpu.memory_space<vmem>>, vector<1000x1xf32>
    %get3A_2 = arith.constant 0 : index
    %get3A_3 = arith.constant 0 : index
    %get3A_4 = arith.constant 0 : index
    %get3A_5 = vector.load %arg1[%get3A_2, %get3A_3, %get3A_4] : memref<2x1000x128xf32, #tpu.memory_space<vmem>>, vector<1x1000x128xf32>
    %get3A_6 = vector.shape_cast %get3A_5 : vector<1x1000x128xf32> to vector<1000x128xf32>
    %get3A_7 = arith.constant 1 : index
    %get3A_8 = arith.constant 0 : index
    %get3A_9 = arith.constant 0 : index
    %get3A_10 = vector.load %arg1[%get3A_7, %get3A_8, %get3A_9] : memref<2x1000x128xf32, #tpu.memory_space<vmem>>, vector<1x1000x128xf32>
    %get3A_11 = vector.shape_cast %get3A_10 : vector<1x1000x128xf32> to vector<1000x128xf32>
    %add3A = arith.addf %get3A_6, %get3A_11 : vector<1000x128xf32>
    %get3A_12 = arith.constant 0 : index
    %get3A_13 = arith.constant 0 : index
    %get3A_14 = vector.load %arg2[%get3A_12, %get3A_13] : memref<1000x128xf32, #tpu.memory_space<vmem>>, vector<1000x128xf32>
    %add3A_15 = arith.addf %add3A, %get3A_14 : vector<1000x128xf32>
    %mul3A = vector.broadcast %get3A_1 : vector<1000x1xf32> to vector<1000x128xf32>
    %mul3A_16 = arith.mulf %add3A_15, %mul3A : vector<1000x128xf32>
    %get3A_17 = arith.constant 0 : index
    %get3A_18 = arith.constant 0 : index
    %get3A_19 = vector.load %arg4[%get3A_17, %get3A_18] : memref<1x128xf32, #tpu.memory_space<vmem>>, vector<1x128xf32>
    %add3A_20 = vector.broadcast %get3A_19 : vector<1x128xf32> to vector<1000x128xf32>
    %add3A_21 = arith.addf %mul3A_16, %add3A_20 : vector<1000x128xf32>
    %max3A = arith.constant 0.000000e+00 : f32
    %max3A_22 = vector.broadcast %max3A : f32 to vector<1000x128xf32>
    %max3A_23 = arith.maximumf %add3A_21, %max3A_22 : vector<1000x128xf32>
    %swap3A = arith.constant 0 : index
    %swap3A_24 = arith.constant 0 : index
    %swap3A_25 = vector.load %arg6[%swap3A, %swap3A_24] : memref<1000x128xf32, #tpu.memory_space<vmem>>, vector<1000x128xf32>
    tpu.vector_store %arg6[%swap3A, %swap3A_24], %max3A_23 {strides = array<i32>} : memref<1000x128xf32, #tpu.memory_space<vmem>>, vector<1000x128xf32>,
    %get3A_26 = arith.constant 0 : index
    %get3A_27 = arith.constant 0 : index
    %get3A_28 = vector.load %arg5[%get3A_26, %get3A_27] : memref<128x128xf32, #tpu.memory_space<vmem>>, vector<128x128xf32>
    %dot_general3A = arith.constant dense<0.000000e+00> : vector<1000x128xf32>
    %dot_general3A_29 = tpu.matmul %max3A_23, %get3A_28, %dot_general3A {dimension_numbers = #tpu.dot_dimension_numbers<[1], [0], [0], [1], [0, 0, 1, 1], [], []>, precision = #tpu.contract_precision<fp32>, transpose_lhs_hint = false} : vector<1000x128xf32>, vector<128x128xf32>, vector<1000x128xf32> -> vector<1000x128xf32>
    %mul3A_30 = vector.broadcast %get3A_1 : vector<1000x1xf32> to vector<1000x128xf32>
    %mul3A_31 = arith.mulf %dot_general3A_29, %mul3A_30 : vector<1000x128xf32>
    %swap3A_32 = arith.constant 0 : index
    %swap3A_33 = arith.constant 0 : index
    %swap3A_34 = vector.load %arg7[%swap3A_32, %swap3A_33] : memref<1000x128xf32, #tpu.memory_space<vmem>>, vector<1000x128xf32>
    tpu.vector_store %arg7[%swap3A_32, %swap3A_33], %mul3A_31 {strides = array<i32>} : memref<1000x128xf32, #tpu.memory_space<vmem>>, vector<1000x128xf32>,
    return
  }
  func.func @transform_0(%arg0: i32) -> (i32, i32, i32) {
    %c0_i32 = arith.constant 0 : i32
    %c0_i32_0 = arith.constant 0 : i32
    %c0_i32_1 = arith.constant 0 : i32
    return %c0_i32, %arg0, %c0_i32_0 : i32, i32, i32
  }
  func.func @transform_1(%arg0: i32) -> (i32, i32) {
    %c0_i32 = arith.constant 0 : i32
    %c0_i32_0 = arith.constant 0 : i32
    return %arg0, %c0_i32 : i32, i32
  }
  func.func @transform_2(%arg0: i32) -> (i32, i32) {
    %c0_i32 = arith.constant 0 : i32
    %c0_i32_0 = arith.constant 0 : i32
    return %arg0, %c0_i32 : i32, i32
  }
  func.func @transform_3(%arg0: i32) -> (i32, i32) {
    %c0_i32 = arith.constant 0 : i32
    %c0_i32_0 = arith.constant 0 : i32
    %c0_i32_1 = arith.constant 0 : i32
    return %c0_i32, %c0_i32_0 : i32, i32
  }
  func.func @transform_4(%arg0: i32) -> (i32, i32) {
    %c0_i32 = arith.constant 0 : i32
    %c0_i32_0 = arith.constant 0 : i32
    %c0_i32_1 = arith.constant 0 : i32
    return %c0_i32, %c0_i32_0 : i32, i32
  }
  func.func @transform_5(%arg0: i32) -> (i32, i32) {
    %c0_i32 = arith.constant 0 : i32
    %c0_i32_0 = arith.constant 0 : i32
    return %arg0, %c0_i32 : i32, i32
  }
  func.func @transform_6(%arg0: i32) -> (i32, i32) {
    %c0_i32 = arith.constant 0 : i32
    %c0_i32_0 = arith.constant 0 : i32
    return %arg0, %c0_i32 : i32, i32
  }
}

module attributes {stable_mosaic.version = 14 : i64} {
  func.func @_tc_c_body(%arg0: i32, %arg1: memref<2x1000x128xf32, #tpu.memory_space<vmem>>, %arg2: memref<1000x128xf32, #tpu.memory_space<vmem>>, %arg3: memref<1000x1xf32, #tpu.memory_space<vmem>>, %arg4: memref<1x128xf32, #tpu.memory_space<vmem>>, %arg5: memref<1000x128xf32, #tpu.memory_space<vmem>>, %arg6: memref<1000x128xf32, #tpu.memory_space<vmem>>, %arg7: memref<128x40xf32, #tpu.memory_space<vmem>>, %arg8: memref<1x40xf32, #tpu.memory_space<vmem>>, %arg9: memref<1000x40xf32, #tpu.memory_space<vmem>>) attributes {dimension_semantics = [#tpu.dimension_semantics<arbitrary>], iteration_bounds = array<i64: 10>, scalar_prefetch = 0 : i64, scratch_operands = 0 : i64, tpu.core_type = #tpu.core_type<tc>, window_params = [{transform_indices = @transform_0, window_bounds = array<i64: 2, 1000, 128>}, {transform_indices = @transform_1, window_bounds = array<i64: 1000, 128>}, {transform_indices = @transform_2, window_bounds = array<i64: 1000, 1>}, {pipeline_mode = #tpu.pipeline_mode<synchronous>, transform_indices = @transform_3, window_bounds = array<i64: 1, 128>}, {transform_indices = @transform_4, window_bounds = array<i64: 1000, 128>}, {transform_indices = @transform_5, window_bounds = array<i64: 1000, 128>}, {pipeline_mode = #tpu.pipeline_mode<synchronous>, transform_indices = @transform_6, window_bounds = array<i64: 128, 40>}, {pipeline_mode = #tpu.pipeline_mode<synchronous>, transform_indices = @transform_7, window_bounds = array<i64: 1, 40>}, {transform_indices = @transform_8, window_bounds = array<i64: 1000, 40>}]} {
    %get3A = arith.constant 0 : index
    %get3A_0 = arith.constant 0 : index
    %get3A_1 = vector.load %arg3[%get3A, %get3A_0] : memref<1000x1xf32, #tpu.memory_space<vmem>>, vector<1000x1xf32>
    %get3A_2 = arith.constant 0 : index
    %get3A_3 = arith.constant 0 : index
    %get3A_4 = arith.constant 0 : index
    %get3A_5 = vector.load %arg1[%get3A_2, %get3A_3, %get3A_4] : memref<2x1000x128xf32, #tpu.memory_space<vmem>>, vector<1x1000x128xf32>
    %get3A_6 = vector.shape_cast %get3A_5 : vector<1x1000x128xf32> to vector<1000x128xf32>
    %get3A_7 = arith.constant 1 : index
    %get3A_8 = arith.constant 0 : index
    %get3A_9 = arith.constant 0 : index
    %get3A_10 = vector.load %arg1[%get3A_7, %get3A_8, %get3A_9] : memref<2x1000x128xf32, #tpu.memory_space<vmem>>, vector<1x1000x128xf32>
    %get3A_11 = vector.shape_cast %get3A_10 : vector<1x1000x128xf32> to vector<1000x128xf32>
    %add3A = arith.addf %get3A_6, %get3A_11 : vector<1000x128xf32>
    %get3A_12 = arith.constant 0 : index
    %get3A_13 = arith.constant 0 : index
    %get3A_14 = vector.load %arg2[%get3A_12, %get3A_13] : memref<1000x128xf32, #tpu.memory_space<vmem>>, vector<1000x128xf32>
    %add3A_15 = arith.addf %add3A, %get3A_14 : vector<1000x128xf32>
    %mul3A = vector.broadcast %get3A_1 : vector<1000x1xf32> to vector<1000x128xf32>
    %mul3A_16 = arith.mulf %add3A_15, %mul3A : vector<1000x128xf32>
    %get3A_17 = arith.constant 0 : index
    %get3A_18 = arith.constant 0 : index
    %get3A_19 = vector.load %arg4[%get3A_17, %get3A_18] : memref<1x128xf32, #tpu.memory_space<vmem>>, vector<1x128xf32>
    %add3A_20 = vector.broadcast %get3A_19 : vector<1x128xf32> to vector<1000x128xf32>
    %add3A_21 = arith.addf %mul3A_16, %add3A_20 : vector<1000x128xf32>
    %max3A = arith.constant 0.000000e+00 : f32
    %max3A_22 = vector.broadcast %max3A : f32 to vector<1000x128xf32>
    %max3A_23 = arith.maximumf %add3A_21, %max3A_22 : vector<1000x128xf32>
    %get3A_24 = arith.constant 0 : index
    %get3A_25 = arith.constant 0 : index
    %get3A_26 = vector.load %arg5[%get3A_24, %get3A_25] : memref<1000x128xf32, #tpu.memory_space<vmem>>, vector<1000x128xf32>
    %get3A_27 = arith.constant 0 : index
    %get3A_28 = arith.constant 0 : index
    %get3A_29 = vector.load %arg6[%get3A_27, %get3A_28] : memref<1000x128xf32, #tpu.memory_space<vmem>>, vector<1000x128xf32>
    %max3A_30 = arith.maximumf %get3A_26, %get3A_29 : vector<1000x128xf32>
    %max3A_31 = arith.maximumf %max3A_30, %max3A_23 : vector<1000x128xf32>
    %get3A_32 = arith.constant 0 : index
    %get3A_33 = arith.constant 0 : index
    %get3A_34 = vector.load %arg7[%get3A_32, %get3A_33] : memref<128x40xf32, #tpu.memory_space<vmem>>, vector<128x40xf32>
    %dot_general3A = arith.constant dense<0.000000e+00> : vector<1000x40xf32>
    %dot_general3A_35 = tpu.matmul %max3A_31, %get3A_34, %dot_general3A {dimension_numbers = #tpu.dot_dimension_numbers<[1], [0], [0], [1], [0, 0, 1, 1], [], []>, precision = #tpu.contract_precision<fp32>, transpose_lhs_hint = false} : vector<1000x128xf32>, vector<128x40xf32>, vector<1000x40xf32> -> vector<1000x40xf32>
    %get3A_36 = arith.constant 0 : index
    %get3A_37 = arith.constant 0 : index
    %get3A_38 = vector.load %arg8[%get3A_36, %get3A_37] : memref<1x40xf32, #tpu.memory_space<vmem>>, vector<1x40xf32>
    %add3A_39 = vector.broadcast %get3A_38 : vector<1x40xf32> to vector<1000x40xf32>
    %add3A_40 = arith.addf %dot_general3A_35, %add3A_39 : vector<1000x40xf32>
    %swap3A = arith.constant 0 : index
    %swap3A_41 = arith.constant 0 : index
    %swap3A_42 = vector.load %arg9[%swap3A, %swap3A_41] : memref<1000x40xf32, #tpu.memory_space<vmem>>, vector<1000x40xf32>
    tpu.vector_store %arg9[%swap3A, %swap3A_41], %add3A_40 {strides = array<i32>} : memref<1000x40xf32, #tpu.memory_space<vmem>>, vector<1000x40xf32>,
    return
  }
  func.func @transform_0(%arg0: i32) -> (i32, i32, i32) {
    %c0_i32 = arith.constant 0 : i32
    %c0_i32_0 = arith.constant 0 : i32
    %c0_i32_1 = arith.constant 0 : i32
    return %c0_i32, %arg0, %c0_i32_0 : i32, i32, i32
  }
  func.func @transform_1(%arg0: i32) -> (i32, i32) {
    %c0_i32 = arith.constant 0 : i32
    %c0_i32_0 = arith.constant 0 : i32
    return %arg0, %c0_i32 : i32, i32
  }
  func.func @transform_2(%arg0: i32) -> (i32, i32) {
    %c0_i32 = arith.constant 0 : i32
    %c0_i32_0 = arith.constant 0 : i32
    return %arg0, %c0_i32 : i32, i32
  }
  func.func @transform_3(%arg0: i32) -> (i32, i32) {
    %c0_i32 = arith.constant 0 : i32
    %c0_i32_0 = arith.constant 0 : i32
    %c0_i32_1 = arith.constant 0 : i32
    return %c0_i32, %c0_i32_0 : i32, i32
  }
  func.func @transform_4(%arg0: i32) -> (i32, i32) {
    %c0_i32 = arith.constant 0 : i32
    %c0_i32_0 = arith.constant 0 : i32
    return %arg0, %c0_i32 : i32, i32
  }
  func.func @transform_5(%arg0: i32) -> (i32, i32) {
    %c0_i32 = arith.constant 0 : i32
    %c0_i32_0 = arith.constant 0 : i32
    return %arg0, %c0_i32 : i32, i32
  }
  func.func @transform_6(%arg0: i32) -> (i32, i32) {
    %c0_i32 = arith.constant 0 : i32
    %c0_i32_0 = arith.constant 0 : i32
    %c0_i32_1 = arith.constant 0 : i32
    return %c0_i32, %c0_i32_0 : i32, i32
  }
  func.func @transform_7(%arg0: i32) -> (i32, i32) {
    %c0_i32 = arith.constant 0 : i32
    %c0_i32_0 = arith.constant 0 : i32
    %c0_i32_1 = arith.constant 0 : i32
    return %c0_i32, %c0_i32_0 : i32, i32
  }
  func.func @transform_8(%arg0: i32) -> (i32, i32) {
    %c0_i32 = arith.constant 0 : i32
    %c0_i32_0 = arith.constant 0 : i32
    return %arg0, %c0_i32 : i32, i32
  }
}

</mosaic_0001>

<sc_bundles>
// kernel: kernel.10.cloned.1.call-start
scs
__scs_entry_jumppad:
0x0: {  	(pc) =	sbr.rel $0x88, $3  }
0x1: {  	(tag) =	ssettag $0x0;
	lr =	simm.s32 $0x1  }
0x2: {  	[smem:$0x3F97] =	sst lr;
	_ =	strace $0xD0000000  }
0x3: {  	_ = 	snop  }
0x4: {  	_ = 	snop  }
0x5: {  	_ = 	snop  }
0x6: {  	_ = 	snop  }
0x7: {  	_ = 	snop  }
__scs_overlays_trampoline_lowered:
0x8: {  	[smem:$0x3FA6] =	sst s0  }
0x9: {  	[smem:$0x3FA7] =	sst s1  }
0xa: {  	[smem:$0x3FA8] =	sst s2  }
0xb: {  	[smem:$0x3FA9] =	sst s3  }
0xc: {  	[smem:$0x3FAA] =	sst s4  }
0xd: {  	[smem:$0x3FAB] =	sst s5  }
0xe: {  	[smem:$0x3FAC] =	sst s6  }
0xf: {  	[smem:$0x3FAD] =	sst s7  }
0x10: {  	[smem:$0x3FAE] =	sst s8  }
0x11: {  	[smem:$0x3FAF] =	sst s9;
	s0 =	simm.s32 @!p0 $0x0  }
0x12: {  	s1 =	sld [smem:$0x3F95];
	s0 =	simm.s32 @p0 $0x1  }
0x13: {  	[smem:$0x3FB0] =	sst s0;
	s0 =	simm.s32 @!p1 $0x0  }
0x14: {  	s2 =	sld [smem:$0x3F94];
	s0 =	simm.s32 @p1 $0x1  }
0x15: {  	[smem:$0x3FB1] =	sst s0;
	s0 =	simm.s32 @!p2 $0x0  }
0x16: {  	s3 =	sld [smem:$0x3FDB];
	s0 =	simm.s32 @p2 $0x1  }
0x17: {  	s4 =	simm.s32 $0x1BF5;
	[smem:$0x3FB3] =	sst s0  }
0x18: {  	s0 =	sld [smem:$0x3F96];
	_ =	swait.ge [sflag:s4], $0x0  }
0x19: {  	s7 =	sld [smem:$0x3F97]  }
0x1a: {  	s8 =	sadd.s32 $0xFFFFE003, lr  }
0x1b: {  	s9 =	sadd.s32 $0xFFFFFEF7, lr;
	s5 =	simm.s32 $0xFFFFFFFF;
	p2 =	slt.u32 s8, $0xFFFFF086  }
0x1c: {  	p1 =	slt.u32 s9, $0xF7A;
	s5 =	simm.s32 @!p2 $0x0  }
0x1d: {  	s5 =	simm.s32 @p1 $0x1;
	p0 =	seq.s32 s7, s2  }
0x1e: {  	s7 =	smul.u32 @!p0 $0xF7A, s2;
	p2 =	seq.s32 @!p0 s5, $0x0  }
0x1f: {  	s9 =	smul.u32 $0xF7A, s1;
	s8 =	simm.s32 @!p0 $0x1BF5;
	p2 =	por !p2, p0  }
0x20: {  	[sflag:s8] =	ssyncset.s32 @!p0 $0xFFFFF086;
	s6 =	sadd.s32 @!p0 s3, s7;
	s7 =	simm.s32 @!p0 $0x108  }
0x21: {  	s3 =	sadd.s32 s3, s9;
	s6 =	sadd.s32 @!p0 $0x88, s6;
	s7 =	simm.s32 @p2 $0x1082  }
0x22: {  	[simem:s7], [sflag:s8] =	dma.local @!p0 [hbm:s6], $0xF7A  }
0x23: {  	s9 =	sor.u32 $0xD0000000, s2;
	s6 =	simm.s32 $0x108;
	_ =	swait.ge @!p0 [sflag:s8], $0x0  }
0x24: {  	s3 =	sadd.s32 $0x88, s3;
	s6 =	simm.s32 @!p1 $0x1082;
	[sflag:s4] =	ssyncset.s32 $0xFFFFF086  }
0x25: {  	[simem:s6], [sflag:s4] =	dma.local [hbm:s3], $0xF7A  }
0x26: {  	[smem:$0x3F97] =	sst s1;
	(tag) =	ssettag s2;
	_ =	strace s9  }
0x27: {  	s1 =	sld [smem:$0x3FA7]  }
0x28: {  	s2 =	sld [smem:$0x3FA8]  }
0x29: {  	s4 =	sld [smem:$0x3FAA]  }
0x2a: {  	p0 =	seq.s32 s5, $0x0;
	s5 =	sld [smem:$0x3FAB]  }
0x2b: {  	s6 =	sld [smem:$0x3FAC]  }
0x2c: {  	s7 =	sld [smem:$0x3FAD]  }
0x2d: {  	s3 =	simm.s32 $0x108;
	s8 =	sld [smem:$0x3FAE]  }
0x2e: {  	s3 =	simm.s32 @!p0 $0x1082;
	s9 =	sld [smem:$0x3FAF]  }
0x2f: {  	lr =	sadd.s32 s0, s3;
	s0 =	sld [smem:$0x3FA6]  }
0x30: {  	s3 =	sld [smem:$0x3FA9]  }
0x31: {  	[smem:$0x3FB2] =	sst s10  }
0x32: {  	s10 =	sld [smem:$0x3FB0];
	_ =	sdelay $0x3  }
0x33: {  	p0 =	seq.s32 s10, $0x1;
	s10 =	sld [smem:$0x3FB2];
	_ =	sdelay $0x3  }
0x34: {  	[smem:$0x3FB2] =	sst s10  }
0x35: {  	s10 =	sld [smem:$0x3FB1];
	_ =	sdelay $0x3  }
0x36: {  	p1 =	seq.s32 s10, $0x1;
	s10 =	sld [smem:$0x3FB2];
	_ =	sdelay $0x3  }
0x37: {  	[smem:$0x3FB2] =	sst s10  }
0x38: {  	s10 =	sld [smem:$0x3FB3]  }
0x39: {  	_ = 	snop;
	(pc) =	sbr.ind lr, $3  }
0x3a: {  	_ = 	snop  }
0x3b: {  	_ = 	snop  }
0x3c: {  	p2 =	seq.s32 s10, $0x1;
	s10 =	sld [smem:$0x3FB2]  }
0x3d: {  	_ =	shalt  }
0x3e: {  	_ =	shalt  }
0x3f: {  	_ =	shalt  }
0x40: {  	_ =	shalt  }
0x41: {  	_ =	shalt  }
0x42: {  	_ =	shalt  }
0x43: {  	_ =	shalt  }
0x44: {  	_ =	shalt  }
0x45: {  	_ =	shalt  }
0x46: {  	_ =	shalt  }
0x47: {  	_ =	shalt  }
0x48: {  	_ =	shalt  }
0x49: {  	_ =	shalt  }
0x4a: {  	_ =	shalt  }
0x4b: {  	_ =	shalt  }
0x4c: {  	_ =	shalt  }
0x4d: {  	_ =	shalt  }
0x4e: {  	_ =	shalt  }
0x4f: {  	_ =	shalt  }
0x50: {  	_ =	shalt  }
0x51: {  	_ =	shalt  }
0x52: {  	_ =	shalt  }
0x53: {  	_ =	shalt  }
0x54: {  	_ =	shalt  }
0x55: {  	_ =	shalt  }
0x56: {  	_ =	shalt  }
0x57: {  	_ =	shalt  }
0x58: {  	_ =	shalt  }
0x59: {  	_ =	shalt  }
0x5a: {  	_ =	shalt  }
0x5b: {  	_ =	shalt  }
0x5c: {  	_ =	shalt  }
0x5d: {  	_ =	shalt  }
0x5e: {  	_ =	shalt  }
0x5f: {  	_ =	shalt  }
0x60: {  	_ =	shalt  }
0x61: {  	_ =	shalt  }
0x62: {  	_ =	shalt  }
0x63: {  	_ =	shalt  }
0x64: {  	_ =	shalt  }
0x65: {  	_ =	shalt  }
0x66: {  	_ =	shalt  }
0x67: {  	_ =	shalt  }
0x68: {  	_ =	shalt  }
0x69: {  	_ =	shalt  }
0x6a: {  	_ =	shalt  }
0x6b: {  	_ =	shalt  }
0x6c: {  	_ =	shalt  }
0x6d: {  	_ =	shalt  }
0x6e: {  	_ =	shalt  }
0x6f: {  	_ =	shalt  }
0x70: {  	_ =	shalt  }
0x71: {  	_ =	shalt  }
0x72: {  	_ =	shalt  }
0x73: {  	_ =	shalt  }
0x74: {  	_ =	shalt  }
0x75: {  	_ =	shalt  }
0x76: {  	_ =	shalt  }
0x77: {  	_ =	shalt  }
0x78: {  	_ =	shalt  }
0x79: {  	_ =	shalt  }
0x7a: {  	_ =	shalt  }
0x7b: {  	_ =	shalt  }
0x7c: {  	_ =	shalt  }
0x7d: {  	_ =	shalt  }
0x7e: {  	_ =	shalt  }
0x7f: {  	_ =	shalt  }
0x80: {  	_ =	shalt  }
0x81: {  	_ =	shalt  }
0x82: {  	_ =	shalt  }
0x83: {  	_ =	shalt  }
0x84: {  	_ =	shalt  }
0x85: {  	_ =	shalt  }
0x86: {  	_ =	shalt  }
0x87: {  	_ =	shalt  }
.Lfunc_end0:
.L_simem_size_0:
called_computation_lowered:
.L_overlay_start_0:
0x88: {  	s2 =	sld [smem:$0x3FD9]  }
0x89: {  	s3 =	sld [smem:$0x3FFE];
	_ =	sdelay $0x1  }
0x8a: {  	s1 =	srdreg.scid  }
0x8b: {  	s0 =	sand.u32 $0x1, s1  }
0x8c: {  	s16 =	sshll.u32 s0, $0xA;
	s2 =	sadd.s32 s3, s2  }
0x8d: {  	s2 =	sadd.s32 s2, s16  }
0x8e: {  	[smem:$0x3FBE] =	sst s2  }
0x8f: {  	_ = 	snop  }
0x90: {  	(tm) =	ssettm $0x1  }
0x91: {  	s17 =	sld [smem:$0x3FFB];
	_ =	sdelay $0x3  }
0x92: {  	_ =	strace s17  }
0x93: {  	s2 =	sld [smem:$0x3FFC];
	_ =	sdelay $0x3  }
0x94: {  	_ =	strace s2  }
0x95: {  	s2 =	sld [smem:$0x3FFD];
	_ =	sdelay $0x3  }
0x96: {  	_ =	strace s2  }
0x97: {  	_ =	strace $0x8FFFFFFF  }
0x98: {  	s18 =	sld [smem:$0x3FDB];
	_ =	sdelay $0x1  }
0x99: {  	s19 =	simm.s32 $_scs_section_size  }
0x9a: {  	s4 =	simm.s32 $_size__tile_overlayer_lowered;
	s5 =	simm.s32 $_tile_overlayer_lowered  }
0x9b: {  	s22 =	simm.s32 $0x1BFF;
	s21 =	sshll.u32 s5, $0x1;
	s2 =	sadd.s32 s19, s18  }
0x9c: {  	s6 =	simm.s32 $0x0;
	s20 =	sshll.u32 s4, $0x1;
	s4 =	sadd.s32 s21, s2  }
0x9d: {  	[timem:s6], [sflag:s22] =	dma.local [hbm:s4], s20  }
0x9e: {  	_ =	swait.ge [sflag:s22], s20  }
0x9f: {  	s3 =	ssub.s32 $0x0, s20;
	[sflag:s22] =	ssyncset.done $0x0  }
0xa0: {  	[sflag:s22] =	ssyncadd.s32 s3;
	_ =	sdelay $0x1  }
0xa1: {  	s23 =	simm.s32 $0x1B8B  }
0xa2: {  	_ =	swait.ge [sflag:s23], $0x1  }
0xa3: {  	[sflag:s23] =	ssyncset.done $0x0  }
0xa4: {  	s25 =	simm.s32 $0x1B8E;
	s24 =	sld [smem:$0x3FFE];
	[sflag:s23] =	ssyncadd.s32 $0xFFFFFFFF  }
0xa5: {  	s26 =	simm.s32 $execute0_lowered;
	[smem:$0x3FD2] =	sst s25  }
0xa6: {  	s4 =	sshll.u32 s26, $0x1;
	_ =	strace $0x80000046;
	[dreg:$0x1] =	wrdreg $0xFFFFFFFF  }
0xa7: {  	s28 =	simm.s32 $_size_execute0_lowered;
	s2 =	sadd.s32 s2, s4;
	[dreg:$0x0] =	wrdreg $0x0  }
0xa8: {  	s4 =	sshll.u32 s28, $0x1;
	[dreg:$0x2] =	wrdreg s2  }
0xa9: {  	[dreg:$0x3] =	wrdreg s4  }
0xaa: {  	[dreg:$0x4] =	wrdreg $0xC0  }
0xab: {  	_ =	task [dreg:s6], $0x5FFFF  }
0xac: {  	[dreg:$0x1] =	wrdreg $0xFFFFFFFF  }
0xad: {  	[dreg:$0x0] =	wrdreg $0x60  }
0xae: {  	[dreg:$0x2] =	wrdreg s24  }
0xaf: {  	[dreg:$0x3] =	wrdreg $0x0  }
0xb0: {  	[dreg:$0x4] =	wrdreg $0x9  }
0xb1: {  	_ =	task.clear_ibuf [dreg:s6], $0x5FFFF;
	_ =	strace $0x90000046  }
0xb2: {  	s29 =	simm.s32 $0x9;
	_ =	strace $0x80000048  }
0xb3: {  	_ =	swait.ge [sflag:s29], $0x1  }
0xb4: {  	[sflag:s29] =	ssyncadd.s32 $0xFFFFFFFF  }
0xb5: {  	_ =	strace $0x90000048  }
0xb6: {  	_ =	sfence  }
0xb7: {  	s30 =	sld [smem:$0x0];
	_ =	sdelay $0x2  }
0xb8: {  	s31 =	sshll.u32 s1, $0xD;
	s1 =	sshrl.u32 s1, $0x2  }
0xb9: {  	s3 =	sand.u32 $0x4000, s31;
	s1 =	sadd.s32 s1, s30  }
0xba: {  	s0 =	sor.u32 s3, s0;
	s1 =	sshll.u32 s1, $0x11  }
0xbb: {  	s0 =	sor.u32 s1, s0  }
0xbc: {  	s0 =	sadd.s32 $0x8F2B, s0  }
0xbd: {  	[sflag:s0] =	ssyncadd.remote.s32 $0x1  }
0xbe: {  	_ =	sfence.sel $0xFFFF  }
0xbf: {  	[dreg:$0x0] =	wrdreg $0xFFFFFFFF;
	(pc) =	sbr.abs _section_cstart, $3  }
0xc0: {  	[dreg:$0x1] =	wrdreg $0xFFFFFFFF  }
0xc1: {  	_ =	task.clear_ibuf [dreg:s6], $0x2FFFF;
	_ =	strace $0x9FFFFFFF  }
0xc2: {  	(tm) =	ssettm $0x7FFFFFFF  }
0xc3: {  	_ =	shalt  }
tec
execute0_lowered:
.L_overlay_start_1:
0x0: {  	(tag) =	ssettag $0x1  }
0x1: {  	s1 =	srdreg.scid  }
0x2: {  	s4 =	rddreg [dreg:$0x0];
	s0 =	stileid.u32  }
0x3: {  	s2 =	rddreg [dreg:$0x1];
	s3 =	simm.s32 $0x0;
	s10 =	simm.s32 $0x4300  }
0x4: {  	s11 =	simm.s32 $0x50;
	s12 =	simm.s32 $0x4280;
	s13 =	simm.s32 $0x300  }
0x5: {  	s14 =	simm.s32 $0x380;
	s15 =	simm.s32 $0x400;
	s16 =	simm.s32 $0x480  }
0x6: {  	s17 =	simm.s32 $0x1;
	s18 =	simm.s32 $0x2;
	s19 =	simm.s32 $0x3  }
0x7: {  	s20 =	simm.s32 $0x4;
	s21 =	simm.s32 $0x5;
	s5 =	sand.u32 $0x1, s1  }
0x8: {  	s7 =	sshrl.u32 s0, $0x3;
	s1 =	rddreg [dreg:$0x2];
	s28 =	smul.u32 $0xA00, s0  }
0x9: {  	[smem:$0x7FF] =	sst s3;
	s8 =	sshll.u32 s0, $0x7;
	s6 =	smul.u32 $0x2800, s5  }
0xa: {  	s9 =	sshll.u32 s0, $0xB;
	s22 =	sshll.u32 s0, $0x6;
	s7 =	smul.u32 $0x1400, s7  }
0xb: {  	s24 =	sand.u32 $0x380, s8;
	_ =	strace $0x80000047;
	s25 =	sadd.s32 s9, s4  }
0xc: {  	s26 =	ssub.s32 $0x2, s5;
	s5 =	sshll.u32 s5, $0xF;
	s8 =	simm.s32 $0x280  }
0xd: {  	s9 =	simm.s32 $0x6;
	s22 =	sor.u32 $0x1C06, s22;
	s29 =	sshrl.u32 s26, $0x1  }
0xe: {  	s30 =	sadd.s32 s5, s25;
	s31 =	sshrl.u32 s28, $0x2;
	s6 =	sadd.s32 s6, s7  }
0xf: {  	s25 =	simm.s32 $0x10;
	s7 =	ssub.s32 s26, s29;
	s6 =	sor.u32 s24, s6  }
0x10: {  	s5 =	sadd.s32 s31, s2;
	s26 =	simm.s32 $0x0;
	s6 =	sshrl.u32 s6, $0x3  }
0x11: {  	s7 =	smax.u32 s7, $0x1;
	s23 =	sshrl.u32 s5, $0x3;
	s6 =	sadd.s32 s6, s4  }
0x12: {  	v0 =	vimm.f32 $0.0e+00;
	v1 =	vimm.f32 $1.000000000e+00;
	s24 =	simm.s32 $0x80;
	s4 =	sadd.s32 $0x4600, s30;
	s6 =	sadd.s32 $0x14600, s6  }
.LBB2_1:
0x13: {  	[tilespmem:$0x4300] =	vst v0  }
0x14: {  	[tilespmem:$0x4310] =	vst v0  }
0x15: {  	[tilespmem:$0x4320] =	vst v0  }
0x16: {  	[tilespmem:$0x4330] =	vst v0  }
0x17: {  	[tilespmem:$0x4340] =	vst v0  }
0x18: {  	[tilespmem:$0x4350] =	vst v0  }
0x19: {  	[tilespmem:$0x4360] =	vst v0  }
0x1a: {  	[tilespmem:$0x4370] =	vst v0  }
0x1b: {  	[tilespmem:$0x4380] =	vst v0  }
0x1c: {  	[tilespmem:$0x4390] =	vst v0  }
0x1d: {  	[tilespmem:$0x43A0] =	vst v0  }
0x1e: {  	[tilespmem:$0x43B0] =	vst v0  }
0x1f: {  	[tilespmem:$0x43C0] =	vst v0  }
0x20: {  	[tilespmem:$0x43D0] =	vst v0  }
0x21: {  	[tilespmem:$0x43E0] =	vst v0  }
0x22: {  	[tilespmem:$0x43F0] =	vst v0  }
0x23: {  	[tilespmem:$0x4400] =	vst v0  }
0x24: {  	[tilespmem:$0x4410] =	vst v0  }
0x25: {  	[tilespmem:$0x4420] =	vst v0  }
0x26: {  	[tilespmem:$0x4430] =	vst v0  }
0x27: {  	[tilespmem:$0x4440] =	vst v0  }
0x28: {  	[tilespmem:$0x4450] =	vst v0  }
0x29: {  	[tilespmem:$0x4460] =	vst v0  }
0x2a: {  	[tilespmem:$0x4470] =	vst v0  }
0x2b: {  	[tilespmem:$0x4480] =	vst v0  }
0x2c: {  	[tilespmem:$0x4490] =	vst v0  }
0x2d: {  	[tilespmem:$0x44A0] =	vst v0  }
0x2e: {  	[tilespmem:$0x44B0] =	vst v0  }
0x2f: {  	[tilespmem:$0x44C0] =	vst v0  }
0x30: {  	[tilespmem:$0x44D0] =	vst v0  }
0x31: {  	[tilespmem:$0x44E0] =	vst v0  }
0x32: {  	[tilespmem:$0x44F0] =	vst v0  }
0x33: {  	[tilespmem:$0x4500] =	vst v0  }
0x34: {  	[tilespmem:$0x4510] =	vst v0  }
0x35: {  	[tilespmem:$0x4520] =	vst v0  }
0x36: {  	[tilespmem:$0x4530] =	vst v0  }
0x37: {  	[tilespmem:$0x4540] =	vst v0  }
0x38: {  	[tilespmem:$0x4550] =	vst v0  }
0x39: {  	[tilespmem:$0x4560] =	vst v0  }
0x3a: {  	[tilespmem:$0x4570] =	vst v0  }
0x3b: {  	[tilespmem:$0x4280] =	vst v1  }
0x3c: {  	[tilespmem:$0x4290] =	vst v1  }
0x3d: {  	[tilespmem:$0x42A0] =	vst v1  }
0x3e: {  	[tilespmem:$0x42B0] =	vst v1  }
0x3f: {  	[tilespmem:$0x42C0] =	vst v1  }
0x40: {  	[tilespmem:s8], [sflag:$0x6] =	stream.linear.gather [hbm4b:s4+s3], $0x3E80, $0x38;
	[tilespmem:$0x4580] =	vst v63  }
0x41: {  	_ =	swait.ge [sflag:s9], $0x3E80  }
0x42: {  	[sflag:s9] =	ssyncset.done $0x0  }
0x43: {  	[sflag:s9] =	ssyncadd.s32 $0xFFFFC180  }
0x44: {  	[spmem:s5] =	stream.linear.scatter [tilespmem:s10], [sflag:$0x6], $0x280, $0x38;
	[tilespmem:$0x4580] =	vst v63  }
0x45: {  	_ =	swait.ge [sflag:s9], $0x280  }
0x46: {  	[sflag:s9] =	ssyncset.done $0x0  }
0x47: {  	[sflag:s9] =	ssyncadd.s32 $0xFFFFFD80  }
0x48: {  	[bflag:$0x0] =	sbarrier.arrive $0xFFFF  }
0x49: {  	[spmem:s2] =	stream.indirect.scatter.add.f32 [tilespmem:s12], [sflag:$0x1], $0x1, s8, s11, $0xb8;
	[tilespmem:$0x4580] =	vst v63  }
0x4a: {  	_ = 	snop  }
0x4b: {  	[spmem:s2] =	stream.indirect.scatter.add.f32 [tilespmem:s12], [sflag:$0x2], $0x1, s13, s11, $0xb8;
	[tilespmem:$0x4580] =	vst v63  }
0x4c: {  	_ = 	snop  }
0x4d: {  	[spmem:s2] =	stream.indirect.scatter.add.f32 [tilespmem:s12], [sflag:$0x3], $0x1, s14, s11, $0xb8;
	[tilespmem:$0x4580] =	vst v63  }
0x4e: {  	_ = 	snop  }
0x4f: {  	[spmem:s2] =	stream.indirect.scatter.add.f32 [tilespmem:s12], [sflag:$0x4], $0x1, s15, s11, $0xb8;
	[tilespmem:$0x4580] =	vst v63  }
0x50: {  	_ = 	snop  }
0x51: {  	[spmem:s2] =	stream.indirect.scatter.add.f32 [tilespmem:s12], [sflag:$0x5], $0x1, s16, s11, $0xb8;
	[tilespmem:$0x4580] =	vst v63  }
0x52: {  	_ =	swait.ge [sflag:s17], $0x50  }
0x53: {  	[sflag:s17] =	ssyncset.done $0x0  }
0x54: {  	s28 =	simm.s32 $0x500;
	[sflag:s17] =	ssyncadd.s32 $0xFFFFFFB0  }
0x55: {  	[spmem:s2] =	stream.indirect.scatter.add.f32 [tilespmem:s12], [sflag:$0x1], $0x1, s28, s11, $0xb8;
	[tilespmem:$0x4580] =	vst v63  }
0x56: {  	_ =	swait.ge [sflag:s18], $0x50  }
0x57: {  	[sflag:s18] =	ssyncset.done $0x0  }
0x58: {  	s28 =	simm.s32 $0x580;
	[sflag:s18] =	ssyncadd.s32 $0xFFFFFFB0  }
0x59: {  	[spmem:s2] =	stream.indirect.scatter.add.f32 [tilespmem:s12], [sflag:$0x2], $0x1, s28, s11, $0xb8;
	[tilespmem:$0x4580] =	vst v63  }
0x5a: {  	_ =	swait.ge [sflag:s19], $0x50  }
0x5b: {  	[sflag:s19] =	ssyncset.done $0x0  }
0x5c: {  	s28 =	simm.s32 $0x600;
	[sflag:s19] =	ssyncadd.s32 $0xFFFFFFB0  }
0x5d: {  	[spmem:s2] =	stream.indirect.scatter.add.f32 [tilespmem:s12], [sflag:$0x3], $0x1, s28, s11, $0xb8;
	[tilespmem:$0x4580] =	vst v63  }
0x5e: {  	_ =	swait.ge [sflag:s20], $0x50  }
0x5f: {  	[sflag:s20] =	ssyncset.done $0x0  }
0x60: {  	s28 =	simm.s32 $0x680;
	[sflag:s20] =	ssyncadd.s32 $0xFFFFFFB0  }
0x61: {  	[spmem:s2] =	stream.indirect.scatter.add.f32 [tilespmem:s12], [sflag:$0x4], $0x1, s28, s11, $0xb8;
	[tilespmem:$0x4580] =	vst v63  }
0x62: {  	_ =	swait.ge [sflag:s21], $0x50  }
0x63: {  	[sflag:s21] =	ssyncset.done $0x0  }
0x64: {  	s29 =	simm.s32 $0x700;
	s28 =	simm.s32 $0xFFFF1A00;
	[sflag:s21] =	ssyncadd.s32 $0xFFFFFFB0  }
.LBB2_2:
0x65: {  	[spmem:s2] =	stream.indirect.scatter.add.f32 [tilespmem:s12], [sflag:$0x5], $0x1, s29, s11, $0xb8;
	[tilespmem:$0x4580] =	vst v63  }
0x66: {  	s29 =	smov.u32 s28  }
0x67: {  	p0 =	sne.s32 s28, $0xFFFFF600;
	s28 =	sadd.s32 $0xA00, s28;
	_ =	swait.ge [sflag:s17], $0x50  }
0x68: {  	s29 =	sshra.s32 s29, $0x2;
	[sflag:s17] =	ssyncset.done $0x0  }
0x69: {  	s30 =	sadd.s32 $0x4100, s29;
	[sflag:s17] =	ssyncadd.s32 $0xFFFFFFB0  }
0x6a: {  	[spmem:s2] =	stream.indirect.scatter.add.f32 [tilespmem:s12], [sflag:$0x1], $0x1, s30, s11, $0xb8;
	[tilespmem:$0x4580] =	vst v63  }
0x6b: {  	_ =	swait.ge [sflag:s18], $0x50  }
0x6c: {  	[sflag:s18] =	ssyncset.done $0x0  }
0x6d: {  	s30 =	sadd.s32 $0x4180, s29;
	[sflag:s18] =	ssyncadd.s32 $0xFFFFFFB0  }
0x6e: {  	[spmem:s2] =	stream.indirect.scatter.add.f32 [tilespmem:s12], [sflag:$0x2], $0x1, s30, s11, $0xb8;
	[tilespmem:$0x4580] =	vst v63  }
0x6f: {  	_ =	swait.ge [sflag:s19], $0x50  }
0x70: {  	[sflag:s19] =	ssyncset.done $0x0  }
0x71: {  	s30 =	sadd.s32 $0x4200, s29;
	[sflag:s19] =	ssyncadd.s32 $0xFFFFFFB0  }
0x72: {  	[spmem:s2] =	stream.indirect.scatter.add.f32 [tilespmem:s12], [sflag:$0x3], $0x1, s30, s11, $0xb8;
	[tilespmem:$0x4580] =	vst v63  }
0x73: {  	_ =	swait.ge [sflag:s20], $0x50  }
0x74: {  	[sflag:s20] =	ssyncset.done $0x0  }
.Ltmp0:
0x75: {  	s30 =	sadd.s32 $0x4280, s29;
	[sflag:s20] =	ssyncadd.s32 $0xFFFFFFB0;
	(pc) =	sbr.rel @p0 .LBB2_2-.Ltmp0, $4  }
0x76: {  	[spmem:s2] =	stream.indirect.scatter.add.f32 [tilespmem:s12], [sflag:$0x4], $0x1, s30, s11, $0xb8;
	[tilespmem:$0x4580] =	vst v63  }
0x77: {  	_ =	swait.ge [sflag:s21], $0x50  }
0x78: {  	[sflag:s21] =	ssyncset.done $0x0  }
0x79: {  	s29 =	sadd.s32 $0x4300, s29;
	[sflag:s21] =	ssyncadd.s32 $0xFFFFFFB0  }
0x7a: {  	[spmem:s2] =	stream.indirect.scatter.add.f32 [tilespmem:s12], [sflag:$0x5], $0x1, s29, s11, $0xb8;
	[tilespmem:$0x4580] =	vst v63  }
0x7b: {  	_ =	swait.ge [sflag:s17], $0x50  }
0x7c: {  	[sflag:s17] =	ssyncset.done $0x0  }
0x7d: {  	[sflag:s17] =	ssyncadd.s32 $0xFFFFFFB0  }
0x7e: {  	_ =	swait.ge [sflag:s18], $0x50  }
0x7f: {  	[sflag:s18] =	ssyncset.done $0x0  }
0x80: {  	[sflag:s18] =	ssyncadd.s32 $0xFFFFFFB0  }
0x81: {  	_ =	swait.ge [sflag:s19], $0x50  }
0x82: {  	[sflag:s19] =	ssyncset.done $0x0  }
0x83: {  	[sflag:s19] =	ssyncadd.s32 $0xFFFFFFB0  }
0x84: {  	_ =	swait.ge [sflag:s20], $0x50  }
0x85: {  	[sflag:s20] =	ssyncset.done $0x0  }
0x86: {  	[sflag:s20] =	ssyncadd.s32 $0xFFFFFFB0  }
0x87: {  	_ =	swait.ge [sflag:s21], $0x50  }
0x88: {  	s26 =	sadd.s32 $0x1, s26;
	[sflag:s21] =	ssyncset.done $0x0  }
0x89: {  	p0 =	sne.s32 s26, s7;
	[sflag:s21] =	ssyncadd.s32 $0xFFFFFFB0  }
.Ltmp1:
0x8a: {  	[bflag:$0x0] =	sbarrier.arrive $0xFFFF;
	(pc) =	sbr.rel @p0 .LBB2_1-.Ltmp1, $4  }
0x8b: {  	[hbm:s6@s24], [sflag:s22] =	dma.strided [spmem:s23@s25], $0x50, s17, $0x10   }
0x8c: {  	_ =	swait.ge [sflag:s9], $0x50  }
0x8d: {  	[sflag:s9] =	ssyncset.done $0x0  }
0x8e: {  	[sflag:s9] =	ssyncadd.s32 $0xFFFFFFB0  }
0x8f: {  	_ =	sfence.sel $0x180000  }
0x90: {  	[bflag:$0x0] =	sbarrier.arrive $0xFFFF  }
0x91: {  	p0 =	sne.s32 s0, $0x0;
	_ =	strace $0x90000047  }
0x92: {  	s0 =	sadd.s32 @!p0 $0x100000, s1;
	[bflag:$0x2] =	sbarrier.arrive $0xFFFF  }
0x93: {  	[sflag:s0] =	ssyncadd.tile.s32 @!p0 $0x1;
	_ =	shalt  }
.Lfunc_end2:
_tile_overlayer_lowered:
.L_overlay_start_2:
0x94: {  	(tag) =	ssettag $0x2  }
0x95: {  	s0 =	rddreg [dreg:$0x0];
	s2 =	stileid.u32  }
0x96: {  	s1 =	rddreg [dreg:$0x1];
	p0 =	sne.s32 s2, $0x0  }
0x97: {  	s3 =	rddreg [dreg:$0x2];
	[bflag:$0x3] =	sbarrier.arrive $0xFFFF;
	s2 =	simm.s32 @!p0 $0x1C06  }
0x98: {  	[timem:s3], [sflag:s2] =	dma.local @!p0 [hbm:s0], s1  }
0x99: {  	s0 =	simm.s32 @!p0 $0x6  }
0x9a: {  	_ =	swait.ge @!p0 [sflag:s0], s1  }
0x9b: {  	s1 =	ssub.s32 @!p0 $0x0, s1;
	[sflag:s0] =	ssyncset.done @!p0 $0x0  }
0x9c: {  	[sflag:s0] =	ssyncadd.s32 @!p0 s1  }
0x9d: {  	[bflag:$0x3] =	sbarrier.arrive $0xFFFF  }
0x9e: {  	_ =	shalt  }

// kernel: kernel.13.cloned.1.call-start
scs
__scs_entry_jumppad:
0x0: {  	(pc) =	sbr.rel $0x88, $3  }
0x1: {  	(tag) =	ssettag $0x0;
	lr =	simm.s32 $0x1  }
0x2: {  	[smem:$0x3F97] =	sst lr;
	_ =	strace $0xD0000000  }
0x3: {  	_ = 	snop  }
0x4: {  	_ = 	snop  }
0x5: {  	_ = 	snop  }
0x6: {  	_ = 	snop  }
0x7: {  	_ = 	snop  }
__scs_overlays_trampoline_lowered:
0x8: {  	[smem:$0x3FA6] =	sst s0  }
0x9: {  	[smem:$0x3FA7] =	sst s1  }
0xa: {  	[smem:$0x3FA8] =	sst s2  }
0xb: {  	[smem:$0x3FA9] =	sst s3  }
0xc: {  	[smem:$0x3FAA] =	sst s4  }
0xd: {  	[smem:$0x3FAB] =	sst s5  }
0xe: {  	[smem:$0x3FAC] =	sst s6  }
0xf: {  	[smem:$0x3FAD] =	sst s7  }
0x10: {  	[smem:$0x3FAE] =	sst s8  }
0x11: {  	[smem:$0x3FAF] =	sst s9;
	s0 =	simm.s32 @!p0 $0x0  }
0x12: {  	s1 =	sld [smem:$0x3F95];
	s0 =	simm.s32 @p0 $0x1  }
0x13: {  	[smem:$0x3FB0] =	sst s0;
	s0 =	simm.s32 @!p1 $0x0  }
0x14: {  	s2 =	sld [smem:$0x3F94];
	s0 =	simm.s32 @p1 $0x1  }
0x15: {  	[smem:$0x3FB1] =	sst s0;
	s0 =	simm.s32 @!p2 $0x0  }
0x16: {  	s3 =	sld [smem:$0x3FDB];
	s0 =	simm.s32 @p2 $0x1  }
0x17: {  	s4 =	simm.s32 $0x1BF5;
	[smem:$0x3FB3] =	sst s0  }
0x18: {  	s0 =	sld [smem:$0x3F96];
	_ =	swait.ge [sflag:s4], $0x0  }
0x19: {  	s7 =	sld [smem:$0x3F97]  }
0x1a: {  	s8 =	sadd.s32 $0xFFFFE003, lr  }
0x1b: {  	s9 =	sadd.s32 $0xFFFFFEF7, lr;
	s5 =	simm.s32 $0xFFFFFFFF;
	p2 =	slt.u32 s8, $0xFFFFF086  }
0x1c: {  	p1 =	slt.u32 s9, $0xF7A;
	s5 =	simm.s32 @!p2 $0x0  }
0x1d: {  	s5 =	simm.s32 @p1 $0x1;
	p0 =	seq.s32 s7, s2  }
0x1e: {  	s7 =	smul.u32 @!p0 $0xF7A, s2;
	p2 =	seq.s32 @!p0 s5, $0x0  }
0x1f: {  	s9 =	smul.u32 $0xF7A, s1;
	s8 =	simm.s32 @!p0 $0x1BF5;
	p2 =	por !p2, p0  }
0x20: {  	[sflag:s8] =	ssyncset.s32 @!p0 $0xFFFFF086;
	s6 =	sadd.s32 @!p0 s3, s7;
	s7 =	simm.s32 @!p0 $0x108  }
0x21: {  	s3 =	sadd.s32 s3, s9;
	s6 =	sadd.s32 @!p0 $0x88, s6;
	s7 =	simm.s32 @p2 $0x1082  }
0x22: {  	[simem:s7], [sflag:s8] =	dma.local @!p0 [hbm:s6], $0xF7A  }
0x23: {  	s9 =	sor.u32 $0xD0000000, s2;
	s6 =	simm.s32 $0x108;
	_ =	swait.ge @!p0 [sflag:s8], $0x0  }
0x24: {  	s3 =	sadd.s32 $0x88, s3;
	s6 =	simm.s32 @!p1 $0x1082;
	[sflag:s4] =	ssyncset.s32 $0xFFFFF086  }
0x25: {  	[simem:s6], [sflag:s4] =	dma.local [hbm:s3], $0xF7A  }
0x26: {  	[smem:$0x3F97] =	sst s1;
	(tag) =	ssettag s2;
	_ =	strace s9  }
0x27: {  	s1 =	sld [smem:$0x3FA7]  }
0x28: {  	s2 =	sld [smem:$0x3FA8]  }
0x29: {  	s4 =	sld [smem:$0x3FAA]  }
0x2a: {  	p0 =	seq.s32 s5, $0x0;
	s5 =	sld [smem:$0x3FAB]  }
0x2b: {  	s6 =	sld [smem:$0x3FAC]  }
0x2c: {  	s7 =	sld [smem:$0x3FAD]  }
0x2d: {  	s3 =	simm.s32 $0x108;
	s8 =	sld [smem:$0x3FAE]  }
0x2e: {  	s3 =	simm.s32 @!p0 $0x1082;
	s9 =	sld [smem:$0x3FAF]  }
0x2f: {  	lr =	sadd.s32 s0, s3;
	s0 =	sld [smem:$0x3FA6]  }
0x30: {  	s3 =	sld [smem:$0x3FA9]  }
0x31: {  	[smem:$0x3FB2] =	sst s10  }
0x32: {  	s10 =	sld [smem:$0x3FB0];
	_ =	sdelay $0x3  }
0x33: {  	p0 =	seq.s32 s10, $0x1;
	s10 =	sld [smem:$0x3FB2];
	_ =	sdelay $0x3  }
0x34: {  	[smem:$0x3FB2] =	sst s10  }
0x35: {  	s10 =	sld [smem:$0x3FB1];
	_ =	sdelay $0x3  }
0x36: {  	p1 =	seq.s32 s10, $0x1;
	s10 =	sld [smem:$0x3FB2];
	_ =	sdelay $0x3  }
0x37: {  	[smem:$0x3FB2] =	sst s10  }
0x38: {  	s10 =	sld [smem:$0x3FB3]  }
0x39: {  	_ = 	snop;
	(pc) =	sbr.ind lr, $3  }
0x3a: {  	_ = 	snop  }
0x3b: {  	_ = 	snop  }
0x3c: {  	p2 =	seq.s32 s10, $0x1;
	s10 =	sld [smem:$0x3FB2]  }
0x3d: {  	_ =	shalt  }
0x3e: {  	_ =	shalt  }
0x3f: {  	_ =	shalt  }
0x40: {  	_ =	shalt  }
0x41: {  	_ =	shalt  }
0x42: {  	_ =	shalt  }
0x43: {  	_ =	shalt  }
0x44: {  	_ =	shalt  }
0x45: {  	_ =	shalt  }
0x46: {  	_ =	shalt  }
0x47: {  	_ =	shalt  }
0x48: {  	_ =	shalt  }
0x49: {  	_ =	shalt  }
0x4a: {  	_ =	shalt  }
0x4b: {  	_ =	shalt  }
0x4c: {  	_ =	shalt  }
0x4d: {  	_ =	shalt  }
0x4e: {  	_ =	shalt  }
0x4f: {  	_ =	shalt  }
0x50: {  	_ =	shalt  }
0x51: {  	_ =	shalt  }
0x52: {  	_ =	shalt  }
0x53: {  	_ =	shalt  }
0x54: {  	_ =	shalt  }
0x55: {  	_ =	shalt  }
0x56: {  	_ =	shalt  }
0x57: {  	_ =	shalt  }
0x58: {  	_ =	shalt  }
0x59: {  	_ =	shalt  }
0x5a: {  	_ =	shalt  }
0x5b: {  	_ =	shalt  }
0x5c: {  	_ =	shalt  }
0x5d: {  	_ =	shalt  }
0x5e: {  	_ =	shalt  }
0x5f: {  	_ =	shalt  }
0x60: {  	_ =	shalt  }
0x61: {  	_ =	shalt  }
0x62: {  	_ =	shalt  }
0x63: {  	_ =	shalt  }
0x64: {  	_ =	shalt  }
0x65: {  	_ =	shalt  }
0x66: {  	_ =	shalt  }
0x67: {  	_ =	shalt  }
0x68: {  	_ =	shalt  }
0x69: {  	_ =	shalt  }
0x6a: {  	_ =	shalt  }
0x6b: {  	_ =	shalt  }
0x6c: {  	_ =	shalt  }
0x6d: {  	_ =	shalt  }
0x6e: {  	_ =	shalt  }
0x6f: {  	_ =	shalt  }
0x70: {  	_ =	shalt  }
0x71: {  	_ =	shalt  }
0x72: {  	_ =	shalt  }
0x73: {  	_ =	shalt  }
0x74: {  	_ =	shalt  }
0x75: {  	_ =	shalt  }
0x76: {  	_ =	shalt  }
0x77: {  	_ =	shalt  }
0x78: {  	_ =	shalt  }
0x79: {  	_ =	shalt  }
0x7a: {  	_ =	shalt  }
0x7b: {  	_ =	shalt  }
0x7c: {  	_ =	shalt  }
0x7d: {  	_ =	shalt  }
0x7e: {  	_ =	shalt  }
0x7f: {  	_ =	shalt  }
0x80: {  	_ =	shalt  }
0x81: {  	_ =	shalt  }
0x82: {  	_ =	shalt  }
0x83: {  	_ =	shalt  }
0x84: {  	_ =	shalt  }
0x85: {  	_ =	shalt  }
0x86: {  	_ =	shalt  }
0x87: {  	_ =	shalt  }
.Lfunc_end0:
.L_simem_size_0:
called_computation.1_lowered:
.L_overlay_start_0:
0x88: {  	s2 =	sld [smem:$0x3FD9]  }
0x89: {  	s3 =	sld [smem:$0x3FFE];
	_ =	sdelay $0x1  }
0x8a: {  	s1 =	srdreg.scid  }
0x8b: {  	s0 =	sand.u32 $0x1, s1  }
0x8c: {  	s17 =	sshll.u32 s0, $0xA;
	s2 =	sadd.s32 s3, s2  }
0x8d: {  	s2 =	sadd.s32 s2, s17  }
0x8e: {  	[smem:$0x3FBE] =	sst s2  }
0x8f: {  	_ = 	snop  }
0x90: {  	s2 =	sld [smem:$0x3FD0];
	(tm) =	ssettm $0x1  }
0x91: {  	s18 =	sld [smem:$0x3FFB];
	_ =	sdelay $0x3  }
0x92: {  	_ =	strace s18  }
0x93: {  	s3 =	sld [smem:$0x3FFC];
	_ =	sdelay $0x3  }
0x94: {  	_ =	strace s3  }
0x95: {  	s3 =	sld [smem:$0x3FFD];
	_ =	sdelay $0x3  }
0x96: {  	_ =	strace s3  }
0x97: {  	_ =	strace $0x8FFFFFFF  }
0x98: {  	s19 =	sld [smem:$0x3FDB];
	_ =	sdelay $0x1  }
0x99: {  	s4 =	simm.s32 $_scs_section_size  }
0x9a: {  	s5 =	simm.s32 $_size__tile_overlayer_lowered;
	s6 =	simm.s32 $_tile_overlayer_lowered  }
0x9b: {  	s22 =	simm.s32 $0x1BFF;
	s21 =	sshll.u32 s6, $0x1;
	s3 =	sadd.s32 s4, s19  }
0x9c: {  	s7 =	simm.s32 $0x0;
	s20 =	sshll.u32 s5, $0x1;
	s5 =	sadd.s32 s21, s3  }
0x9d: {  	[timem:s7], [sflag:s22] =	dma.local [hbm:s5], s20  }
0x9e: {  	_ =	swait.ge [sflag:s22], s20  }
0x9f: {  	s4 =	ssub.s32 $0x0, s20;
	[sflag:s22] =	ssyncset.done $0x0  }
0xa0: {  	[sflag:s22] =	ssyncadd.s32 s4;
	_ =	sdelay $0x1  }
0xa1: {  	s23 =	simm.s32 $0x1B8B  }
0xa2: {  	_ =	swait.ge [sflag:s23], $0x1  }
0xa3: {  	[sflag:s23] =	ssyncset.done $0x0  }
0xa4: {  	s25 =	simm.s32 $0x1B8E;
	s24 =	sld [smem:$0x3FFE];
	[sflag:s23] =	ssyncadd.s32 $0xFFFFFFFF  }
0xa5: {  	s26 =	simm.s32 $execute0_lowered;
	[smem:$0x3FD2] =	sst s25  }
0xa6: {  	s5 =	sshll.u32 s26, $0x1;
	_ =	strace $0x80000049;
	[dreg:$0x1] =	wrdreg $0xFFFFFFFF  }
0xa7: {  	s28 =	simm.s32 $_size_execute0_lowered;
	s3 =	sadd.s32 s3, s5;
	[dreg:$0x0] =	wrdreg $0x0  }
0xa8: {  	s5 =	sshll.u32 s28, $0x1;
	[dreg:$0x2] =	wrdreg s3  }
0xa9: {  	[dreg:$0x3] =	wrdreg s5  }
0xaa: {  	[dreg:$0x4] =	wrdreg $0xC0  }
0xab: {  	_ =	task [dreg:s7], $0x5FFFF  }
0xac: {  	[dreg:$0x1] =	wrdreg $0xFFFFFFFF  }
0xad: {  	[dreg:$0x0] =	wrdreg $0x60  }
0xae: {  	[dreg:$0x2] =	wrdreg s2  }
0xaf: {  	[dreg:$0x3] =	wrdreg s24  }
0xb0: {  	[dreg:$0x4] =	wrdreg $0x0  }
0xb1: {  	[dreg:$0x5] =	wrdreg $0x9  }
0xb2: {  	_ =	task.clear_ibuf [dreg:s7], $0x6FFFF;
	_ =	strace $0x90000049  }
0xb3: {  	s29 =	simm.s32 $0x9;
	_ =	strace $0x8000004B  }
0xb4: {  	_ =	swait.ge [sflag:s29], $0x1  }
0xb5: {  	[sflag:s29] =	ssyncadd.s32 $0xFFFFFFFF  }
0xb6: {  	_ =	strace $0x9000004B  }
0xb7: {  	_ =	sfence  }
0xb8: {  	s30 =	sld [smem:$0x0];
	_ =	sdelay $0x2  }
0xb9: {  	s31 =	sshll.u32 s1, $0xD;
	s1 =	sshrl.u32 s1, $0x2  }
0xba: {  	s3 =	sand.u32 $0x4000, s31;
	s1 =	sadd.s32 s1, s30  }
0xbb: {  	s0 =	sor.u32 s3, s0;
	s1 =	sshll.u32 s1, $0x11  }
0xbc: {  	s0 =	sor.u32 s1, s0  }
0xbd: {  	s0 =	sadd.s32 $0x8F2B, s0  }
0xbe: {  	[sflag:s0] =	ssyncadd.remote.s32 $0x1  }
0xbf: {  	_ =	sfence.sel $0xFFFF  }
0xc0: {  	[dreg:$0x0] =	wrdreg $0xFFFFFFFF;
	(pc) =	sbr.abs _section_cstart, $3  }
0xc1: {  	[dreg:$0x1] =	wrdreg $0xFFFFFFFF  }
0xc2: {  	_ =	task.clear_ibuf [dreg:s7], $0x2FFFF;
	_ =	strace $0x9FFFFFFF  }
0xc3: {  	(tm) =	ssettm $0x7FFFFFFF  }
tec
execute0_lowered:
.L_overlay_start_1:
0x0: {  	(tag) =	ssettag $0x1  }
0x1: {  	s0 =	rddreg [dreg:$0x0]  }
0x2: {  	s2 =	rddreg [dreg:$0x1]  }
0x3: {  	s1 =	rddreg [dreg:$0x2]  }
0x4: {  	s4 =	srdreg.scid;
	s3 =	simm.s32 $0x0;
	s11 =	stileid.u32  }
0x5: {  	s30 =	simm.s32 $0x28;
	s6 =	sand.u32 $0x1, s4;
	[smem:$0x7FF] =	sst s3  }
0x6: {  	s8 =	smul.u32 $0x13C00, s11;
	s5 =	sadd.s32 $0x35000, s2;
	s12 =	sshll.u32 s11, $0x7  }
0x7: {  	s7 =	smul.u32 $0x13C000, s6;
	s4 =	sshll.u32 s6, $0x4;
	_ =	strace $0x8000004A  }
0x8: {  	s6 =	ssub.s32 $0x2, s6;
	s13 =	sand.u32 $0x380, s12;
	s12 =	simm.s32 $0x1EC80  }
0x9: {  	s9 =	sor.u32 s11, s4;
	s4 =	sadd.s32 $0x15000, s2;
	s11 =	smul.u32 $0x4E200, s11  }
0xa: {  	s14 =	sshrl.u32 s6, $0x1;
	s10 =	sshrl.u32 s9, $0x3;
	s7 =	sadd.s32 s8, s7  }
0xb: {  	s6 =	ssub.s32 s6, s14;
	s23 =	sshll.u32 s9, $0xC;
	s14 =	simm.s32 $0x18800  }
0xc: {  	s3 =	smul.u32 $0x13C00, s10;
	s15 =	sshrl.u32 s11, $0x2;
	s31 =	smax.u32 s6, $0x1  }
0xd: {  	s7 =	sshrl.u32 s7, $0x3;
	s8 =	sadd.s32 s15, s1;
	[dreg:$0x14] =	wrdreg s31  }
0xe: {  	s10 =	simm.s32 $0x10;
	s16 =	sadd.s32 $0x2580, s8;
	[dreg:$0x4] =	wrdreg s8  }
0xf: {  	s11 =	simm.s32 $0x1EC00;
	s17 =	sadd.s32 $0x4B00, s8;
	[dreg:$0x6] =	wrdreg s16  }
0x10: {  	s6 =	simm.s32 $0xB;
	s18 =	sadd.s32 $0x7080, s8;
	[dreg:$0x7] =	wrdreg s17  }
0x11: {  	s2 =	sadd.s32 s7, s2;
	s19 =	sadd.s32 $0x9600, s8;
	[dreg:$0x8] =	wrdreg s18  }
0x12: {  	s15 =	simm.s32 $0x19C00;
	s20 =	sadd.s32 $0xBB80, s8;
	[dreg:$0x9] =	wrdreg s19  }
0x13: {  	s1 =	simm.s32 $0x0;
	s21 =	sadd.s32 $0xE100, s8;
	[dreg:$0xa] =	wrdreg s20  }
0x14: {  	s7 =	sor.u32 s13, s3;
	s22 =	sadd.s32 $0x10680, s8;
	[dreg:$0xb] =	wrdreg s21  }
0x15: {  	s24 =	sadd.s32 $0x12C00, s8;
	s29 =	sadd.s32 $0x5C200, s2;
	[dreg:$0xc] =	wrdreg s22  }
0x16: {  	s13 =	simm.s32 $0x1B000;
	s3 =	simm.s32 $0xA;
	[dreg:$0xd] =	wrdreg s24  }
0x17: {  	s7 =	sshrl.u32 s7, $0x3;
	s16 =	sshll.u32 s9, $0xF;
	[dreg:$0x13] =	wrdreg s29  }
0x18: {  	s18 =	simm.s32 $0x1ED00;
	s19 =	simm.s32 $0x1C400;
	s0 =	sadd.s32 s0, s7  }
0x19: {  	s20 =	simm.s32 $0x1ED80;
	[dreg:$0x5] =	wrdreg s0;
	s0 =	sadd.s32 s4, s23  }
0x1a: {  	s21 =	simm.s32 $0x1D800;
	s25 =	sadd.s32 $0x10, s0;
	[dreg:$0xe] =	wrdreg s0  }
0x1b: {  	s22 =	simm.s32 $0x1EE00;
	s26 =	sadd.s32 $0x20, s0;
	[dreg:$0xf] =	wrdreg s25  }
0x1c: {  	s17 =	simm.s32 $0x1;
	s28 =	sadd.s32 $0x30, s0;
	[dreg:$0x10] =	wrdreg s26  }
0x1d: {  	s24 =	simm.s32 $0xC;
	s0 =	sadd.s32 $0x40, s0;
	[dreg:$0x11] =	wrdreg s28  }
0x1e: {  	v0 =	vimm.f32 $0.0e+00;
	s23 =	simm.s32 $0x2;
	[dreg:$0x12] =	wrdreg s0;
	s26 =	simm.s32 $0x6  }
.LBB2_1:
0x1f: {  	[dreg:$0x15] =	wrdreg s1;
	s0 =	simm.s32 $0x0;
	s2 =	simm.s32 $0x200  }
.LBB2_2:
0x20: {  	p0 =	sne.s32 s2, $0x9400;
	[tilespmem:s0+$0x16070] =	vst v0  }
0x21: {  	[tilespmem:s0+$0x16000] =	vst v0  }
0x22: {  	[tilespmem:s0+$0x16010] =	vst v0  }
.Ltmp0:
0x23: {  	[tilespmem:s0+$0x16020] =	vst v0;
	(pc) =	sbr.rel @p0 .LBB2_2-.Ltmp0, $4  }
0x24: {  	[tilespmem:s0+$0x16030] =	vst v0  }
0x25: {  	[tilespmem:s0+$0x16040] =	vst v0  }
0x26: {  	[tilespmem:s0+$0x16050] =	vst v0  }
0x27: {  	[tilespmem:s0+$0x16060] =	vst v0;
	s0 =	sshra.s32 s2, $0x2;
	s2 =	sadd.s32 $0x200, s2  }
0x28: {  	[tilespmem:s0+$0x16070] =	vst v0  }
0x29: {  	[tilespmem:s0+$0x16000] =	vst v0  }
0x2a: {  	[tilespmem:s0+$0x16010] =	vst v0  }
0x2b: {  	[tilespmem:s0+$0x16020] =	vst v0  }
0x2c: {  	[tilespmem:s0+$0x16030] =	vst v0  }
0x2d: {  	[tilespmem:s0+$0x16040] =	vst v0  }
0x2e: {  	[tilespmem:s0+$0x16050] =	vst v0;
	s25 =	rddreg [dreg:$0x5]  }
0x2f: {  	[tilespmem:s0+$0x16060] =	vst v0;
	s2 =	simm.s32 $0x80;
	s7 =	simm.s32 $0x400;
	s9 =	simm.s32 $0x13880  }
0x30: {  	[tilespmem:s9], [sflag:$0x10] =	stream.strided.gather [hbm4b:s25+s2], $0x2780, s7, s2, $0x38;
	[tilespmem:$0x1EE80] =	vst v63  }
0x31: {  	_ =	swait.ge [sflag:s10], $0x2780  }
0x32: {  	[sflag:s10] =	ssyncset.done $0x0  }
0x33: {  	s2 =	simm.s32 $0x16000;
	[sflag:s10] =	ssyncadd.s32 $0xFFFFD880  }
0x34: {  	[spmem:s8] =	stream.linear.scatter [tilespmem:s2], [sflag:$0x10], $0x2580, $0x38;
	[tilespmem:$0x1EE80] =	vst v63  }
0x35: {  	_ =	swait.ge [sflag:s10], $0x2580  }
0x36: {  	[sflag:s10] =	ssyncset.done $0x0  }
0x37: {  	s28 =	rddreg [dreg:$0x6];
	[sflag:s10] =	ssyncadd.s32 $0xFFFFDA80  }
0x38: {  	[spmem:s28] =	stream.linear.scatter [tilespmem:s2], [sflag:$0x10], $0x2580, $0x38;
	[tilespmem:$0x1EE80] =	vst v63  }
0x39: {  	_ =	swait.ge [sflag:s10], $0x2580  }
0x3a: {  	[sflag:s10] =	ssyncset.done $0x0  }
0x3b: {  	s29 =	rddreg [dreg:$0x7];
	[sflag:s10] =	ssyncadd.s32 $0xFFFFDA80  }
0x3c: {  	[spmem:s29] =	stream.linear.scatter [tilespmem:s2], [sflag:$0x10], $0x2580, $0x38;
	[tilespmem:$0x1EE80] =	vst v63  }
0x3d: {  	_ =	swait.ge [sflag:s10], $0x2580  }
0x3e: {  	[sflag:s10] =	ssyncset.done $0x0  }
0x3f: {  	s1 =	rddreg [dreg:$0x8];
	[sflag:s10] =	ssyncadd.s32 $0xFFFFDA80  }
0x40: {  	[spmem:s1] =	stream.linear.scatter [tilespmem:s2], [sflag:$0x10], $0x2580, $0x38;
	[tilespmem:$0x1EE80] =	vst v63  }
0x41: {  	_ =	swait.ge [sflag:s10], $0x2580  }
0x42: {  	[sflag:s10] =	ssyncset.done $0x0  }
0x43: {  	s7 =	rddreg [dreg:$0x9];
	[sflag:s10] =	ssyncadd.s32 $0xFFFFDA80  }
0x44: {  	[spmem:s7] =	stream.linear.scatter [tilespmem:s2], [sflag:$0x10], $0x2580, $0x38;
	[tilespmem:$0x1EE80] =	vst v63  }
0x45: {  	_ =	swait.ge [sflag:s10], $0x2580  }
0x46: {  	[sflag:s10] =	ssyncset.done $0x0  }
0x47: {  	s8 =	rddreg [dreg:$0xa];
	[sflag:s10] =	ssyncadd.s32 $0xFFFFDA80  }
0x48: {  	[spmem:s8] =	stream.linear.scatter [tilespmem:s2], [sflag:$0x10], $0x2580, $0x38;
	[tilespmem:$0x1EE80] =	vst v63  }
0x49: {  	_ =	swait.ge [sflag:s10], $0x2580  }
0x4a: {  	[sflag:s10] =	ssyncset.done $0x0  }
0x4b: {  	s25 =	rddreg [dreg:$0xb];
	[sflag:s10] =	ssyncadd.s32 $0xFFFFDA80  }
0x4c: {  	[spmem:s25] =	stream.linear.scatter [tilespmem:s2], [sflag:$0x10], $0x2580, $0x38;
	[tilespmem:$0x1EE80] =	vst v63  }
0x4d: {  	_ =	swait.ge [sflag:s10], $0x2580  }
0x4e: {  	[sflag:s10] =	ssyncset.done $0x0  }
0x4f: {  	s28 =	rddreg [dreg:$0xc];
	[sflag:s10] =	ssyncadd.s32 $0xFFFFDA80  }
0x50: {  	[spmem:s28] =	stream.linear.scatter [tilespmem:s2], [sflag:$0x10], $0x2580, $0x38;
	[tilespmem:$0x1EE80] =	vst v63  }
0x51: {  	_ =	swait.ge [sflag:s10], $0x2580  }
0x52: {  	[sflag:s10] =	ssyncset.done $0x0  }
0x53: {  	s29 =	rddreg [dreg:$0xd];
	[sflag:s10] =	ssyncadd.s32 $0xFFFFDA80  }
0x54: {  	[spmem:s29] =	stream.linear.scatter [tilespmem:s2], [sflag:$0x10], $0xC80, $0x38;
	[tilespmem:$0x1EE80] =	vst v63  }
0x55: {  	_ =	swait.ge [sflag:s10], $0xC80  }
0x56: {  	[sflag:s10] =	ssyncset.done $0x0  }
0x57: {  	[sflag:s10] =	ssyncadd.s32 $0xFFFFF380  }
0x58: {  	[bflag:$0x0] =	sbarrier.arrive $0xFFFF  }
0x59: {  	[tilespmem:s14], [sflag:$0x1] =	stream.indirect.gather [hbm4b:s5+s30], $0x80, s9, s30, $0xb8;
	[tilespmem:$0x1EE80] =	vst v63  }
0x5a: {  	s31 =	simm.s32 $0x0;
	s1 =	rddreg [dreg:$0xe]  }
0x5b: {  	[tilespmem:s11], [sflag:$0xB] =	stream.linear.gather [hbm4b:s1+s31], $0x80, $0x38;
	[tilespmem:$0x1EE80] =	vst v63  }
0x5c: {  	s2 =	simm.s32 $0x138A8  }
0x5d: {  	[tilespmem:s15], [sflag:$0x2] =	stream.indirect.gather [hbm4b:s5+s30], $0x80, s2, s30, $0xb8;
	[tilespmem:$0x1EE80] =	vst v63  }
0x5e: {  	s7 =	rddreg [dreg:$0xf]  }
0x5f: {  	[tilespmem:s12], [sflag:$0xC] =	stream.linear.gather [hbm4b:s7+s31], $0x80, $0x38;
	[tilespmem:$0x1EE80] =	vst v63  }
0x60: {  	s8 =	simm.s32 $0x138D0  }
0x61: {  	[tilespmem:s13], [sflag:$0x3] =	stream.indirect.gather [hbm4b:s5+s30], $0x80, s8, s30, $0xb8;
	[tilespmem:$0x1EE80] =	vst v63  }
0x62: {  	s9 =	rddreg [dreg:$0x10]  }
0x63: {  	[tilespmem:s18], [sflag:$0xD] =	stream.linear.gather [hbm4b:s9+s31], $0x80, $0x38;
	[tilespmem:$0x1EE80] =	vst v63  }
0x64: {  	s10 =	simm.s32 $0x138F8  }
0x65: {  	[tilespmem:s19], [sflag:$0x4] =	stream.indirect.gather [hbm4b:s5+s30], $0x80, s10, s30, $0xb8;
	[tilespmem:$0x1EE80] =	vst v63  }
0x66: {  	s13 =	rddreg [dreg:$0x11]  }
0x67: {  	[tilespmem:s20], [sflag:$0xE] =	stream.linear.gather [hbm4b:s13+s31], $0x80, $0x38;
	[tilespmem:$0x1EE80] =	vst v63  }
0x68: {  	s18 =	simm.s32 $0x13920  }
0x69: {  	[tilespmem:s21], [sflag:$0x5] =	stream.indirect.gather [hbm4b:s5+s30], $0x80, s18, s30, $0xb8;
	[tilespmem:$0x1EE80] =	vst v63  }
0x6a: {  	s19 =	rddreg [dreg:$0x12]  }
0x6b: {  	[tilespmem:s22], [sflag:$0xF] =	stream.linear.gather [hbm4b:s19+s31], $0x80, $0x38;
	[tilespmem:$0x1EE80] =	vst v63  }
0x6c: {  	_ =	swait.ge [sflag:s17], $0x1400  }
0x6d: {  	[sflag:s17] =	ssyncset.done $0x0  }
0x6e: {  	[sflag:s17] =	ssyncadd.s32 $0xFFFFEC00  }
0x6f: {  	s1 =	simm.s32 $0x8;
	s20 =	smin.u32 s31, $0xF4;
	_ =	swait.ge [sflag:s6], $0x80  }
0x70: {  	s21 =	sadd.s32 $0x5, s20;
	s18 =	simm.s32 $0x7;
	[sflag:s6] =	ssyncset.done $0x0  }
0x71: {  	s20 =	simm.s32 $0x0;
	s0 =	sshll.u32 s21, $0x7;
	[sflag:s6] =	ssyncadd.s32 $0xFFFFFF80  }
0x72: {  	s7 =	smul.u32 $0xA0, s21;
	s22 =	smin.u32 s31, $0xF3;
	s13 =	rddreg [dreg:$0x2]  }
0x73: {  	[spmem:s13] =	stream.indirect.scatter.add.f32 [tilespmem:s14], [sflag:$0x6], $0x80, s11, s30, $0xb8;
	[tilespmem:$0x1EE80] =	vst v63  }
0x74: {  	s25 =	sand.u32 $0xFC00, s0;
	s0 =	sand.u32 $0x380, s0;
	_ =	swait.ge [sflag:s23], $0x1400  }
0x75: {  	s2 =	sadd.s32 $0x6, s22;
	s8 =	sadd.s32 s16, s25;
	[sflag:s23] =	ssyncset.done $0x0  }
0x76: {  	s28 =	sshll.u32 s2, $0x7;
	s8 =	sor.u32 s0, s8;
	[sflag:s23] =	ssyncadd.s32 $0xFFFFEC00  }
0x77: {  	s25 =	smul.u32 $0xA0, s2;
	s29 =	sand.u32 $0xFC00, s28;
	_ =	swait.ge [sflag:s24], $0x80  }
0x78: {  	s9 =	sand.u32 $0x380, s28;
	s2 =	sshrl.u32 s8, $0x3;
	[sflag:s24] =	ssyncset.done $0x0  }
0x79: {  	s8 =	simm.s32 $0x3;
	s0 =	sadd.s32 s16, s29;
	[sflag:s24] =	ssyncadd.s32 $0xFFFFFF80  }
0x7a: {  	[spmem:s13] =	stream.indirect.scatter.add.f32 [tilespmem:s15], [sflag:$0x7], $0x80, s12, s30, $0xb8;
	[tilespmem:$0x1EE80] =	vst v63  }
0x7b: {  	s19 =	simm.s32 $0x9;
	s9 =	sor.u32 s9, s0;
	_ =	swait.ge [sflag:s8], $0x1400  }
0x7c: {  	s0 =	simm.s32 $0x5;
	s24 =	sshrl.u32 s9, $0x3;
	[sflag:s8] =	ssyncset.done $0x0  }
.LBB2_4:
0x7d: {  	[sflag:s8] =	ssyncadd.s32 $0xFFFFEC00;
	s10 =	simm.s32 $0xD  }
0x7e: {  	_ =	swait.ge [sflag:s10], $0x80  }
0x7f: {  	s17 =	smin.u32 s31, $0xF2;
	s29 =	simm.s32 $0x1B000;
	[sflag:s10] =	ssyncset.done $0x0  }
0x80: {  	s6 =	simm.s32 $0x1ED00;
	s22 =	simm.s32 $0x4;
	[sflag:s10] =	ssyncadd.s32 $0xFFFFFF80  }
0x81: {  	[spmem:s13] =	stream.indirect.scatter.add.f32 [tilespmem:s29], [sflag:$0x8], $0x80, s6, s30, $0xb8;
	[tilespmem:$0x1EE80] =	vst v63  }
0x82: {  	s21 =	smin.u32 s31, $0xF1;
	s14 =	simm.s32 $0xE;
	_ =	swait.ge [sflag:s22], $0x1400  }
0x83: {  	s7 =	sshrl.u32 s7, $0x2;
	s8 =	sadd.s32 $0x7, s17;
	[sflag:s22] =	ssyncset.done $0x0  }
0x84: {  	s12 =	sadd.s32 $0x8, s21;
	s21 =	simm.s32 $0x5;
	[sflag:s22] =	ssyncadd.s32 $0xFFFFEC00  }
0x85: {  	s23 =	smul.u32 $0xA0, s8;
	s8 =	sshll.u32 s8, $0x7;
	_ =	swait.ge [sflag:s14], $0x80  }
0x86: {  	s11 =	sadd.s32 $0x13880, s7;
	s28 =	sand.u32 $0xFC00, s8;
	[sflag:s14] =	ssyncset.done $0x0  }
0x87: {  	s7 =	sshrl.u32 s23, $0x2;
	s10 =	sadd.s32 s16, s28;
	[sflag:s14] =	ssyncadd.s32 $0xFFFFFF80  }
0x88: {  	s23 =	simm.s32 $0x1ED80;
	s28 =	simm.s32 $0x1C400;
	s22 =	rddreg [dreg:$0x2]  }
0x89: {  	[spmem:s22] =	stream.indirect.scatter.add.f32 [tilespmem:s28], [sflag:$0x9], $0x80, s23, s30, $0xb8;
	[tilespmem:$0x1EE80] =	vst v63  }
0x8a: {  	_ =	swait.ge [sflag:s21], $0x1400  }
0x8b: {  	s8 =	sand.u32 $0x380, s8;
	[sflag:s21] =	ssyncset.done $0x0  }
0x8c: {  	s13 =	sshll.u32 s12, $0x7;
	s22 =	simm.s32 $0xF;
	[sflag:s21] =	ssyncadd.s32 $0xFFFFEC00  }
0x8d: {  	s8 =	sor.u32 s8, s10;
	s17 =	sand.u32 $0xFC00, s13;
	_ =	swait.ge [sflag:s22], $0x80  }
0x8e: {  	s13 =	sand.u32 $0x380, s13;
	s17 =	sadd.s32 s16, s17;
	[sflag:s22] =	ssyncset.done $0x0  }
0x8f: {  	s10 =	sshrl.u32 s8, $0x3;
	s8 =	sor.u32 s13, s17;
	[sflag:s22] =	ssyncadd.s32 $0xFFFFFF80  }
0x90: {  	s21 =	simm.s32 $0x1EE00;
	s22 =	simm.s32 $0x1D800;
	s13 =	rddreg [dreg:$0x2]  }
0x91: {  	[spmem:s13] =	stream.indirect.scatter.add.f32 [tilespmem:s22], [sflag:$0xA], $0x80, s21, s30, $0xb8;
	[tilespmem:$0x1EE80] =	vst v63  }
0x92: {  	_ =	swait.ge [sflag:s26], $0x1400  }
0x93: {  	[sflag:s26] =	ssyncset.done $0x0  }
0x94: {  	s14 =	simm.s32 $0x18800;
	[sflag:s26] =	ssyncadd.s32 $0xFFFFEC00  }
0x95: {  	[tilespmem:s14], [sflag:$0x1] =	stream.indirect.gather [hbm4b:s5+s30], $0x80, s11, s30, $0xb8;
	[tilespmem:$0x1EE80] =	vst v63  }
0x96: {  	s15 =	simm.s32 $0x1EC00;
	s2 =	sadd.s32 s4, s2  }
0x97: {  	[tilespmem:s15], [sflag:$0xB] =	stream.linear.gather [hbm4b:s2+s20], $0x80, $0x38;
	[tilespmem:$0x1EE80] =	vst v63  }
0x98: {  	s9 =	smov.u32 s0;
	s12 =	smul.u32 $0xA0, s12;
	_ =	swait.ge [sflag:s18], $0x1400  }
0x99: {  	s17 =	sshrl.u32 s25, $0x2;
	s25 =	smin.u32 s31, $0xF0;
	[sflag:s18] =	ssyncset.done $0x0  }
0x9a: {  	s11 =	sadd.s32 $0x13880, s17;
	s15 =	simm.s32 $0x19C00;
	[sflag:s18] =	ssyncadd.s32 $0xFFFFEC00  }
0x9b: {  	[tilespmem:s15], [sflag:$0x2] =	stream.indirect.gather [hbm4b:s5+s30], $0x80, s11, s30, $0xb8;
	[tilespmem:$0x1EE80] =	vst v63  }
0x9c: {  	s13 =	sadd.s32 s4, s24;
	s17 =	simm.s32 $0x1EC80;
	s2 =	sadd.s32 $0x9, s25  }
0x9d: {  	[tilespmem:s17], [sflag:$0xC] =	stream.linear.gather [hbm4b:s13+s20], $0x80, $0x38;
	[tilespmem:$0x1EE80] =	vst v63  }
0x9e: {  	s24 =	smul.u32 $0xA0, s2;
	s2 =	sshll.u32 s2, $0x7;
	_ =	swait.ge [sflag:s1], $0x1400  }
0x9f: {  	s7 =	sadd.s32 $0x13880, s7;
	s25 =	sand.u32 $0xFC00, s2;
	[sflag:s1] =	ssyncset.done $0x0  }
0xa0: {  	s2 =	sand.u32 $0x380, s2;
	s11 =	sadd.s32 s16, s25;
	[sflag:s1] =	ssyncadd.s32 $0xFFFFEC00  }
0xa1: {  	[tilespmem:s29], [sflag:$0x3] =	stream.indirect.gather [hbm4b:s5+s30], $0x80, s7, s30, $0xb8;
	[tilespmem:$0x1EE80] =	vst v63  }
0xa2: {  	s12 =	sshrl.u32 s12, $0x2;
	s2 =	sor.u32 s2, s11;
	s11 =	sadd.s32 s4, s10  }
0xa3: {  	[tilespmem:s6], [sflag:$0xD] =	stream.linear.gather [hbm4b:s11+s20], $0x80, $0x38;
	[tilespmem:$0x1EE80] =	vst v63  }
0xa4: {  	s31 =	smov.u32 s9;
	s8 =	sshrl.u32 s8, $0x3;
	_ =	swait.ge [sflag:s19], $0x1400  }
0xa5: {  	s9 =	smin.u32 s31, $0xF4;
	s25 =	sadd.s32 $0x13880, s12;
	[sflag:s19] =	ssyncset.done $0x0  }
0xa6: {  	s13 =	sshrl.u32 s24, $0x2;
	s7 =	sadd.s32 $0x5, s9;
	[sflag:s19] =	ssyncadd.s32 $0xFFFFEC00  }
0xa7: {  	[tilespmem:s28], [sflag:$0x4] =	stream.indirect.gather [hbm4b:s5+s30], $0x80, s25, s30, $0xb8;
	[tilespmem:$0x1EE80] =	vst v63  }
0xa8: {  	s10 =	sshrl.u32 s2, $0x3;
	s29 =	sshll.u32 s7, $0x7;
	s28 =	sadd.s32 s4, s8  }
0xa9: {  	[tilespmem:s23], [sflag:$0xE] =	stream.linear.gather [hbm4b:s28+s20], $0x80, $0x38;
	[tilespmem:$0x1EE80] =	vst v63  }
0xaa: {  	s12 =	sadd.s32 $0x13880, s13;
	s6 =	sand.u32 $0xFC00, s29;
	_ =	swait.ge [sflag:s3], $0x1400  }
0xab: {  	s11 =	sand.u32 $0x380, s29;
	s13 =	sadd.s32 s16, s6;
	[sflag:s3] =	ssyncset.done $0x0  }
0xac: {  	s29 =	sor.u32 s11, s13;
	s13 =	rddreg [dreg:$0x2];
	[sflag:s3] =	ssyncadd.s32 $0xFFFFEC00  }
0xad: {  	[tilespmem:s22], [sflag:$0x5] =	stream.indirect.gather [hbm4b:s5+s30], $0x80, s12, s30, $0xb8;
	[tilespmem:$0x1EE80] =	vst v63  }
0xae: {  	s10 =	sadd.s32 s4, s10;
	s22 =	simm.s32 $0x1  }
0xaf: {  	[tilespmem:s21], [sflag:$0xF] =	stream.linear.gather [hbm4b:s10+s20], $0x80, $0x38;
	[tilespmem:$0x1EE80] =	vst v63  }
0xb0: {  	_ =	swait.ge [sflag:s22], $0x1400  }
0xb1: {  	[sflag:s22] =	ssyncset.done $0x0  }
0xb2: {  	s23 =	simm.s32 $0xB;
	[sflag:s22] =	ssyncadd.s32 $0xFFFFEC00  }
0xb3: {  	s24 =	smin.u32 s31, $0xF3;
	_ =	swait.ge [sflag:s23], $0x80  }
0xb4: {  	s24 =	sadd.s32 $0x6, s24;
	[sflag:s23] =	ssyncset.done $0x0  }
0xb5: {  	s11 =	simm.s32 $0x1EC00;
	s28 =	simm.s32 $0x2;
	[sflag:s23] =	ssyncadd.s32 $0xFFFFFF80  }
0xb6: {  	[spmem:s13] =	stream.indirect.scatter.add.f32 [tilespmem:s14], [sflag:$0x6], $0x80, s11, s30, $0xb8;
	[tilespmem:$0x1EE80] =	vst v63  }
0xb7: {  	p0 =	sne.s32 s0, $0xF5;
	s6 =	sshll.u32 s24, $0x7;
	_ =	swait.ge [sflag:s28], $0x1400  }
0xb8: {  	s2 =	sshrl.u32 s29, $0x3;
	s29 =	simm.s32 $0xC;
	[sflag:s28] =	ssyncset.done $0x0  }
0xb9: {  	s25 =	smul.u32 $0xA0, s24;
	s12 =	sand.u32 $0xFC00, s6;
	[sflag:s28] =	ssyncadd.s32 $0xFFFFEC00  }
0xba: {  	s8 =	sand.u32 $0x380, s6;
	s9 =	sadd.s32 s16, s12;
	_ =	swait.ge [sflag:s29], $0x80  }
.Ltmp1:
0xbb: {  	s8 =	sor.u32 s8, s9;
	[sflag:s29] =	ssyncset.done $0x0;
	(pc) =	sbr.rel @p0 .LBB2_4-.Ltmp1, $4  }
0xbc: {  	s24 =	sshrl.u32 s8, $0x3;
	s8 =	simm.s32 $0x3;
	[sflag:s29] =	ssyncadd.s32 $0xFFFFFF80  }
0xbd: {  	[spmem:s13] =	stream.indirect.scatter.add.f32 [tilespmem:s15], [sflag:$0x7], $0x80, s17, s30, $0xb8;
	[tilespmem:$0x1EE80] =	vst v63  }
0xbe: {  	s0 =	sadd.s32 $0x5, s0;
	_ =	swait.ge [sflag:s8], $0x1400  }
0xbf: {  	s7 =	smul.u32 $0xA0, s7;
	s23 =	simm.s32 $0x1EC80;
	[sflag:s8] =	ssyncset.done $0x0  }
0xc0: {  	[sflag:s8] =	ssyncadd.s32 $0xFFFFEC00;
	s22 =	simm.s32 $0xD  }
0xc1: {  	_ =	swait.ge [sflag:s22], $0x80  }
0xc2: {  	s29 =	simm.s32 $0x1B000;
	[sflag:s22] =	ssyncset.done $0x0  }
0xc3: {  	s6 =	simm.s32 $0x1ED00;
	s21 =	simm.s32 $0x4;
	[sflag:s22] =	ssyncadd.s32 $0xFFFFFF80  }
0xc4: {  	[spmem:s13] =	stream.indirect.scatter.add.f32 [tilespmem:s29], [sflag:$0x8], $0x80, s6, s30, $0xb8;
	[tilespmem:$0x1EE80] =	vst v63  }
0xc5: {  	_ =	swait.ge [sflag:s21], $0x1400  }
0xc6: {  	[sflag:s21] =	ssyncset.done $0x0  }
0xc7: {  	s12 =	simm.s32 $0xE;
	[sflag:s21] =	ssyncadd.s32 $0xFFFFEC00  }
0xc8: {  	_ =	swait.ge [sflag:s12], $0x80  }
0xc9: {  	s0 =	simm.s32 $0x1ED80;
	[sflag:s12] =	ssyncset.done $0x0  }
0xca: {  	s28 =	simm.s32 $0x1C400;
	s10 =	simm.s32 $0x5;
	[sflag:s12] =	ssyncadd.s32 $0xFFFFFF80  }
0xcb: {  	[spmem:s13] =	stream.indirect.scatter.add.f32 [tilespmem:s28], [sflag:$0x9], $0x80, s0, s30, $0xb8;
	[tilespmem:$0x1EE80] =	vst v63  }
0xcc: {  	_ =	swait.ge [sflag:s10], $0x1400  }
0xcd: {  	[sflag:s10] =	ssyncset.done $0x0  }
0xce: {  	s9 =	simm.s32 $0xF;
	[sflag:s10] =	ssyncadd.s32 $0xFFFFEC00  }
0xcf: {  	_ =	swait.ge [sflag:s9], $0x80  }
0xd0: {  	[sflag:s9] =	ssyncset.done $0x0  }
0xd1: {  	s17 =	simm.s32 $0x1D800;
	s0 =	simm.s32 $0x1EE00;
	[sflag:s9] =	ssyncadd.s32 $0xFFFFFF80  }
0xd2: {  	[spmem:s13] =	stream.indirect.scatter.add.f32 [tilespmem:s17], [sflag:$0xA], $0x80, s0, s30, $0xb8;
	[tilespmem:$0x1EE80] =	vst v63  }
0xd3: {  	s7 =	sshrl.u32 s7, $0x2;
	_ =	swait.ge [sflag:s26], $0x1400  }
0xd4: {  	s0 =	sadd.s32 $0x13880, s7;
	[sflag:s26] =	ssyncset.done $0x0  }
0xd5: {  	s7 =	sadd.s32 s4, s2;
	s2 =	smin.u32 s31, $0xF2;
	[sflag:s26] =	ssyncadd.s32 $0xFFFFEC00  }
0xd6: {  	[tilespmem:s14], [sflag:$0x1] =	stream.indirect.gather [hbm4b:s5+s30], $0x80, s0, s30, $0xb8;
	[tilespmem:$0x1EE80] =	vst v63  }
0xd7: {  	s0 =	sadd.s32 $0x7, s2  }
0xd8: {  	[tilespmem:s11], [sflag:$0xB] =	stream.linear.gather [hbm4b:s7+s20], $0x80, $0x38;
	[tilespmem:$0x1EE80] =	vst v63  }
0xd9: {  	s7 =	sshrl.u32 s25, $0x2;
	s25 =	sshll.u32 s0, $0x7;
	s0 =	smul.u32 $0xA0, s0  }
0xda: {  	s13 =	simm.s32 $0x1D800;
	_ =	swait.ge [sflag:s18], $0x1400  }
0xdb: {  	s2 =	sadd.s32 $0x13880, s7;
	[sflag:s18] =	ssyncset.done $0x0;
	s0 =	sshrl.u32 s0, $0x2  }
0xdc: {  	[sflag:s18] =	ssyncadd.s32 $0xFFFFEC00;
	s18 =	sadd.s32 s4, s24;
	s24 =	sand.u32 $0xFC00, s25  }
0xdd: {  	[tilespmem:s15], [sflag:$0x2] =	stream.indirect.gather [hbm4b:s5+s30], $0x80, s2, s30, $0xb8;
	[tilespmem:$0x1EE80] =	vst v63  }
0xde: {  	s7 =	sadd.s32 s16, s24;
	s2 =	sand.u32 $0x380, s25;
	s25 =	smin.u32 s31, $0xF1  }
0xdf: {  	s0 =	sadd.s32 $0x13880, s0;
	s2 =	sor.u32 s2, s7;
	s7 =	sadd.s32 $0x8, s25  }
0xe0: {  	[tilespmem:s23], [sflag:$0xC] =	stream.linear.gather [hbm4b:s18+s20], $0x80, $0x38;
	[tilespmem:$0x1EE80] =	vst v63  }
0xe1: {  	s25 =	smin.u32 s31, $0xF0;
	s31 =	simm.s32 $0x1ED80;
	_ =	swait.ge [sflag:s1], $0x1400  }
0xe2: {  	s2 =	sshrl.u32 s2, $0x3;
	s18 =	sshll.u32 s7, $0x7;
	[sflag:s1] =	ssyncset.done $0x0  }
0xe3: {  	s24 =	smul.u32 $0xA0, s7;
	s7 =	sadd.s32 $0x9, s25;
	[sflag:s1] =	ssyncadd.s32 $0xFFFFEC00  }
0xe4: {  	[tilespmem:s29], [sflag:$0x3] =	stream.indirect.gather [hbm4b:s5+s30], $0x80, s0, s30, $0xb8;
	[tilespmem:$0x1EE80] =	vst v63  }
0xe5: {  	s2 =	sadd.s32 s4, s2;
	s23 =	sand.u32 $0xFC00, s18;
	s0 =	sand.u32 $0x380, s18  }
0xe6: {  	[tilespmem:s6], [sflag:$0xD] =	stream.linear.gather [hbm4b:s2+s20], $0x80, $0x38;
	[tilespmem:$0x1EE80] =	vst v63  }
0xe7: {  	s29 =	sshll.u32 s7, $0x7;
	s2 =	sadd.s32 s16, s23;
	_ =	swait.ge [sflag:s19], $0x1400  }
0xe8: {  	s0 =	sor.u32 s0, s2;
	s2 =	sshrl.u32 s24, $0x2;
	[sflag:s19] =	ssyncset.done $0x0  }
0xe9: {  	s0 =	sshrl.u32 s0, $0x3;
	s2 =	sadd.s32 $0x13880, s2;
	[sflag:s19] =	ssyncadd.s32 $0xFFFFEC00  }
0xea: {  	[tilespmem:s28], [sflag:$0x4] =	stream.indirect.gather [hbm4b:s5+s30], $0x80, s2, s30, $0xb8;
	[tilespmem:$0x1EE80] =	vst v63  }
0xeb: {  	s1 =	smul.u32 $0xA0, s7;
	s6 =	sand.u32 $0xFC00, s29;
	s0 =	sadd.s32 s4, s0  }
0xec: {  	[tilespmem:s31], [sflag:$0xE] =	stream.linear.gather [hbm4b:s0+s20], $0x80, $0x38;
	[tilespmem:$0x1EE80] =	vst v63  }
0xed: {  	s7 =	sadd.s32 s16, s6;
	s2 =	sand.u32 $0x380, s29;
	_ =	swait.ge [sflag:s3], $0x1400  }
0xee: {  	s2 =	sor.u32 s2, s7;
	s0 =	sshrl.u32 s1, $0x2;
	[sflag:s3] =	ssyncset.done $0x0  }
0xef: {  	s2 =	sshrl.u32 s2, $0x3;
	s0 =	sadd.s32 $0x13880, s0;
	[sflag:s3] =	ssyncadd.s32 $0xFFFFEC00  }
0xf0: {  	[tilespmem:s13], [sflag:$0x5] =	stream.indirect.gather [hbm4b:s5+s30], $0x80, s0, s30, $0xb8;
	[tilespmem:$0x1EE80] =	vst v63  }
0xf1: {  	s17 =	simm.s32 $0x1EE00;
	s18 =	simm.s32 $0x1;
	s13 =	sadd.s32 s4, s2  }
0xf2: {  	[tilespmem:s17], [sflag:$0xF] =	stream.linear.gather [hbm4b:s13+s20], $0x80, $0x38;
	[tilespmem:$0x1EE80] =	vst v63  }
0xf3: {  	_ =	swait.ge [sflag:s18], $0x1400  }
0xf4: {  	[sflag:s18] =	ssyncset.done $0x0  }
0xf5: {  	s19 =	simm.s32 $0xB;
	[sflag:s18] =	ssyncadd.s32 $0xFFFFEC00  }
0xf6: {  	_ =	swait.ge [sflag:s19], $0x80  }
0xf7: {  	[sflag:s19] =	ssyncset.done $0x0  }
0xf8: {  	s20 =	simm.s32 $0x2;
	[sflag:s19] =	ssyncadd.s32 $0xFFFFFF80  }
0xf9: {  	_ =	swait.ge [sflag:s20], $0x1400  }
0xfa: {  	[sflag:s20] =	ssyncset.done $0x0  }
0xfb: {  	s23 =	simm.s32 $0xC;
	[sflag:s20] =	ssyncadd.s32 $0xFFFFEC00  }
0xfc: {  	_ =	swait.ge [sflag:s23], $0x80  }
0xfd: {  	[sflag:s23] =	ssyncset.done $0x0  }
0xfe: {  	[sflag:s23] =	ssyncadd.s32 $0xFFFFFF80  }
0xff: {  	_ =	swait.ge [sflag:s8], $0x1400  }
0x100: {  	[sflag:s8] =	ssyncset.done $0x0  }
0x101: {  	[sflag:s8] =	ssyncadd.s32 $0xFFFFEC00  }
0x102: {  	_ =	swait.ge [sflag:s22], $0x80  }
0x103: {  	[sflag:s22] =	ssyncset.done $0x0  }
0x104: {  	[sflag:s22] =	ssyncadd.s32 $0xFFFFFF80  }
0x105: {  	_ =	swait.ge [sflag:s21], $0x1400  }
0x106: {  	[sflag:s21] =	ssyncset.done $0x0  }
0x107: {  	[sflag:s21] =	ssyncadd.s32 $0xFFFFEC00  }
0x108: {  	_ =	swait.ge [sflag:s12], $0x80  }
0x109: {  	[sflag:s12] =	ssyncset.done $0x0  }
0x10a: {  	[sflag:s12] =	ssyncadd.s32 $0xFFFFFF80  }
0x10b: {  	_ =	swait.ge [sflag:s10], $0x1400  }
0x10c: {  	[sflag:s10] =	ssyncset.done $0x0  }
0x10d: {  	[sflag:s10] =	ssyncadd.s32 $0xFFFFEC00  }
0x10e: {  	_ =	swait.ge [sflag:s9], $0x80  }
0x10f: {  	[sflag:s9] =	ssyncset.done $0x0  }
0x110: {  	s24 =	stileid.u32;
	[sflag:s9] =	ssyncadd.s32 $0xFFFFFF80  }
0x111: {  	s0 =	sshll.u32 s24, $0x6;
	[bflag:$0x0] =	sbarrier.arrive $0xFFFF  }
0x112: {  	s0 =	sor.u32 $0x1C10, s0;
	s8 =	rddreg [dreg:$0x4]  }
0x113: {  	s10 =	simm.s32 $0x10;
	s28 =	rddreg [dreg:$0x13];
	s25 =	sshrl.u32 s8, $0x3  }
0x114: {  	[hbm:s28], [sflag:s0] =	dma.local [spmem:s25], $0x2710  }
0x115: {  	_ =	swait.ge [sflag:s10], $0x2710  }
0x116: {  	s29 =	rddreg [dreg:$0x15]  }
0x117: {  	s31 =	rddreg [dreg:$0x14];
	s1 =	sadd.s32 $0x1, s29  }
0x118: {  	p0 =	sne.s32 s1, s31  }
.Ltmp2:
0x119: {  	s6 =	simm.s32 $0xB;
	(pc) =	sbr.rel @p0 .LBB2_1-.Ltmp2, $4  }
0x11a: {  	s24 =	simm.s32 $0xC;
	s13 =	simm.s32 $0x1B000;
	s17 =	simm.s32 $0x1  }
0x11b: {  	s18 =	simm.s32 $0x1ED00;
	s19 =	simm.s32 $0x1C400;
	s20 =	simm.s32 $0x1ED80  }
0x11c: {  	s23 =	simm.s32 $0x2;
	s22 =	simm.s32 $0x1EE00;
	[sflag:s10] =	ssyncset.done $0x0  }
0x11d: {  	s21 =	simm.s32 $0x1D800;
	s12 =	simm.s32 $0x1EC80;
	[sflag:s10] =	ssyncadd.s32 $0xFFFFD8F0  }
0x11e: {  	_ =	sfence.sel $0x180000  }
0x11f: {  	[bflag:$0x0] =	sbarrier.arrive $0xFFFF  }
0x120: {  	_ =	strace $0x9000004A  }
0x121: {  	s0 =	stileid.u32;
	[bflag:$0x2] =	sbarrier.arrive $0xFFFF  }
0x122: {  	p0 =	sne.s32 s0, $0x0;
	s0 =	rddreg [dreg:$0x3]  }
0x123: {  	s0 =	sadd.s32 @!p0 $0x100000, s0  }
0x124: {  	[sflag:s0] =	ssyncadd.tile.s32 @!p0 $0x1;
	_ =	shalt  }
.Lfunc_end2:
_tile_overlayer_lowered:
.L_overlay_start_2:
0x125: {  	(tag) =	ssettag $0x2  }
0x126: {  	s0 =	rddreg [dreg:$0x0];
	s2 =	stileid.u32  }
0x127: {  	s1 =	rddreg [dreg:$0x1];
	p0 =	sne.s32 s2, $0x0  }
0x128: {  	s3 =	rddreg [dreg:$0x2];
	[bflag:$0x3] =	sbarrier.arrive $0xFFFF;
	s2 =	simm.s32 @!p0 $0x1C10  }
0x129: {  	[timem:s3], [sflag:s2] =	dma.local @!p0 [hbm:s0], s1  }
0x12a: {  	s0 =	simm.s32 @!p0 $0x10  }
0x12b: {  	_ =	swait.ge @!p0 [sflag:s0], s1  }
0x12c: {  	s1 =	ssub.s32 @!p0 $0x0, s1;
	[sflag:s0] =	ssyncset.done @!p0 $0x0  }
0x12d: {  	[sflag:s0] =	ssyncadd.s32 @!p0 s1  }
0x12e: {  	[bflag:$0x3] =	sbarrier.arrive $0xFFFF  }
0x12f: {  	_ =	shalt  }

// kernel: kernel.16.cloned.1.call-start
scs
__scs_entry_jumppad:
0x0: {  	(pc) =	sbr.rel $0x88, $3  }
0x1: {  	(tag) =	ssettag $0x0;
	lr =	simm.s32 $0x1  }
0x2: {  	[smem:$0x3F97] =	sst lr;
	_ =	strace $0xD0000000  }
0x3: {  	_ = 	snop  }
0x4: {  	_ = 	snop  }
0x5: {  	_ = 	snop  }
0x6: {  	_ = 	snop  }
0x7: {  	_ = 	snop  }
__scs_overlays_trampoline_lowered:
0x8: {  	[smem:$0x3FA6] =	sst s0  }
0x9: {  	[smem:$0x3FA7] =	sst s1  }
0xa: {  	[smem:$0x3FA8] =	sst s2  }
0xb: {  	[smem:$0x3FA9] =	sst s3  }
0xc: {  	[smem:$0x3FAA] =	sst s4  }
0xd: {  	[smem:$0x3FAB] =	sst s5  }
0xe: {  	[smem:$0x3FAC] =	sst s6  }
0xf: {  	[smem:$0x3FAD] =	sst s7  }
0x10: {  	[smem:$0x3FAE] =	sst s8  }
0x11: {  	[smem:$0x3FAF] =	sst s9;
	s0 =	simm.s32 @!p0 $0x0  }
0x12: {  	s1 =	sld [smem:$0x3F95];
	s0 =	simm.s32 @p0 $0x1  }
0x13: {  	[smem:$0x3FB0] =	sst s0;
	s0 =	simm.s32 @!p1 $0x0  }
0x14: {  	s2 =	sld [smem:$0x3F94];
	s0 =	simm.s32 @p1 $0x1  }
0x15: {  	[smem:$0x3FB1] =	sst s0;
	s0 =	simm.s32 @!p2 $0x0  }
0x16: {  	s3 =	sld [smem:$0x3FDB];
	s0 =	simm.s32 @p2 $0x1  }
0x17: {  	s4 =	simm.s32 $0x1BF5;
	[smem:$0x3FB3] =	sst s0  }
0x18: {  	s0 =	sld [smem:$0x3F96];
	_ =	swait.ge [sflag:s4], $0x0  }
0x19: {  	s7 =	sld [smem:$0x3F97]  }
0x1a: {  	s8 =	sadd.s32 $0xFFFFE003, lr  }
0x1b: {  	s9 =	sadd.s32 $0xFFFFFEF7, lr;
	s5 =	simm.s32 $0xFFFFFFFF;
	p2 =	slt.u32 s8, $0xFFFFF086  }
0x1c: {  	p1 =	slt.u32 s9, $0xF7A;
	s5 =	simm.s32 @!p2 $0x0  }
0x1d: {  	s5 =	simm.s32 @p1 $0x1;
	p0 =	seq.s32 s7, s2  }
0x1e: {  	s7 =	smul.u32 @!p0 $0xF7A, s2;
	p2 =	seq.s32 @!p0 s5, $0x0  }
0x1f: {  	s9 =	smul.u32 $0xF7A, s1;
	s8 =	simm.s32 @!p0 $0x1BF5;
	p2 =	por !p2, p0  }
0x20: {  	[sflag:s8] =	ssyncset.s32 @!p0 $0xFFFFF086;
	s6 =	sadd.s32 @!p0 s3, s7;
	s7 =	simm.s32 @!p0 $0x108  }
0x21: {  	s3 =	sadd.s32 s3, s9;
	s6 =	sadd.s32 @!p0 $0x88, s6;
	s7 =	simm.s32 @p2 $0x1082  }
0x22: {  	[simem:s7], [sflag:s8] =	dma.local @!p0 [hbm:s6], $0xF7A  }
0x23: {  	s9 =	sor.u32 $0xD0000000, s2;
	s6 =	simm.s32 $0x108;
	_ =	swait.ge @!p0 [sflag:s8], $0x0  }
0x24: {  	s3 =	sadd.s32 $0x88, s3;
	s6 =	simm.s32 @!p1 $0x1082;
	[sflag:s4] =	ssyncset.s32 $0xFFFFF086  }
0x25: {  	[simem:s6], [sflag:s4] =	dma.local [hbm:s3], $0xF7A  }
0x26: {  	[smem:$0x3F97] =	sst s1;
	(tag) =	ssettag s2;
	_ =	strace s9  }
0x27: {  	s1 =	sld [smem:$0x3FA7]  }
0x28: {  	s2 =	sld [smem:$0x3FA8]  }
0x29: {  	s4 =	sld [smem:$0x3FAA]  }
0x2a: {  	p0 =	seq.s32 s5, $0x0;
	s5 =	sld [smem:$0x3FAB]  }
0x2b: {  	s6 =	sld [smem:$0x3FAC]  }
0x2c: {  	s7 =	sld [smem:$0x3FAD]  }
0x2d: {  	s3 =	simm.s32 $0x108;
	s8 =	sld [smem:$0x3FAE]  }
0x2e: {  	s3 =	simm.s32 @!p0 $0x1082;
	s9 =	sld [smem:$0x3FAF]  }
0x2f: {  	lr =	sadd.s32 s0, s3;
	s0 =	sld [smem:$0x3FA6]  }
0x30: {  	s3 =	sld [smem:$0x3FA9]  }
0x31: {  	[smem:$0x3FB2] =	sst s10  }
0x32: {  	s10 =	sld [smem:$0x3FB0];
	_ =	sdelay $0x3  }
0x33: {  	p0 =	seq.s32 s10, $0x1;
	s10 =	sld [smem:$0x3FB2];
	_ =	sdelay $0x3  }
0x34: {  	[smem:$0x3FB2] =	sst s10  }
0x35: {  	s10 =	sld [smem:$0x3FB1];
	_ =	sdelay $0x3  }
0x36: {  	p1 =	seq.s32 s10, $0x1;
	s10 =	sld [smem:$0x3FB2];
	_ =	sdelay $0x3  }
0x37: {  	[smem:$0x3FB2] =	sst s10  }
0x38: {  	s10 =	sld [smem:$0x3FB3]  }
0x39: {  	_ = 	snop;
	(pc) =	sbr.ind lr, $3  }
0x3a: {  	_ = 	snop  }
0x3b: {  	_ = 	snop  }
0x3c: {  	p2 =	seq.s32 s10, $0x1;
	s10 =	sld [smem:$0x3FB2]  }
0x3d: {  	_ =	shalt  }
0x3e: {  	_ =	shalt  }
0x3f: {  	_ =	shalt  }
0x40: {  	_ =	shalt  }
0x41: {  	_ =	shalt  }
0x42: {  	_ =	shalt  }
0x43: {  	_ =	shalt  }
0x44: {  	_ =	shalt  }
0x45: {  	_ =	shalt  }
0x46: {  	_ =	shalt  }
0x47: {  	_ =	shalt  }
0x48: {  	_ =	shalt  }
0x49: {  	_ =	shalt  }
0x4a: {  	_ =	shalt  }
0x4b: {  	_ =	shalt  }
0x4c: {  	_ =	shalt  }
0x4d: {  	_ =	shalt  }
0x4e: {  	_ =	shalt  }
0x4f: {  	_ =	shalt  }
0x50: {  	_ =	shalt  }
0x51: {  	_ =	shalt  }
0x52: {  	_ =	shalt  }
0x53: {  	_ =	shalt  }
0x54: {  	_ =	shalt  }
0x55: {  	_ =	shalt  }
0x56: {  	_ =	shalt  }
0x57: {  	_ =	shalt  }
0x58: {  	_ =	shalt  }
0x59: {  	_ =	shalt  }
0x5a: {  	_ =	shalt  }
0x5b: {  	_ =	shalt  }
0x5c: {  	_ =	shalt  }
0x5d: {  	_ =	shalt  }
0x5e: {  	_ =	shalt  }
0x5f: {  	_ =	shalt  }
0x60: {  	_ =	shalt  }
0x61: {  	_ =	shalt  }
0x62: {  	_ =	shalt  }
0x63: {  	_ =	shalt  }
0x64: {  	_ =	shalt  }
0x65: {  	_ =	shalt  }
0x66: {  	_ =	shalt  }
0x67: {  	_ =	shalt  }
0x68: {  	_ =	shalt  }
0x69: {  	_ =	shalt  }
0x6a: {  	_ =	shalt  }
0x6b: {  	_ =	shalt  }
0x6c: {  	_ =	shalt  }
0x6d: {  	_ =	shalt  }
0x6e: {  	_ =	shalt  }
0x6f: {  	_ =	shalt  }
0x70: {  	_ =	shalt  }
0x71: {  	_ =	shalt  }
0x72: {  	_ =	shalt  }
0x73: {  	_ =	shalt  }
0x74: {  	_ =	shalt  }
0x75: {  	_ =	shalt  }
0x76: {  	_ =	shalt  }
0x77: {  	_ =	shalt  }
0x78: {  	_ =	shalt  }
0x79: {  	_ =	shalt  }
0x7a: {  	_ =	shalt  }
0x7b: {  	_ =	shalt  }
0x7c: {  	_ =	shalt  }
0x7d: {  	_ =	shalt  }
0x7e: {  	_ =	shalt  }
0x7f: {  	_ =	shalt  }
0x80: {  	_ =	shalt  }
0x81: {  	_ =	shalt  }
0x82: {  	_ =	shalt  }
0x83: {  	_ =	shalt  }
0x84: {  	_ =	shalt  }
0x85: {  	_ =	shalt  }
0x86: {  	_ =	shalt  }
0x87: {  	_ =	shalt  }
.Lfunc_end0:
.L_simem_size_0:
called_computation.2_lowered:
.L_overlay_start_0:
0x88: {  	s2 =	sld [smem:$0x3FD9]  }
0x89: {  	s3 =	sld [smem:$0x3FFE];
	_ =	sdelay $0x1  }
0x8a: {  	s1 =	srdreg.scid  }
0x8b: {  	s0 =	sand.u32 $0x1, s1  }
0x8c: {  	s17 =	sshll.u32 s0, $0xA;
	s2 =	sadd.s32 s3, s2  }
0x8d: {  	s2 =	sadd.s32 s2, s17  }
0x8e: {  	[smem:$0x3FBE] =	sst s2  }
0x8f: {  	_ = 	snop  }
0x90: {  	s2 =	sld [smem:$0x3FD0];
	(tm) =	ssettm $0x1  }
0x91: {  	s18 =	sld [smem:$0x3FFB];
	_ =	sdelay $0x3  }
0x92: {  	_ =	strace s18  }
0x93: {  	s3 =	sld [smem:$0x3FFC];
	_ =	sdelay $0x3  }
0x94: {  	_ =	strace s3  }
0x95: {  	s3 =	sld [smem:$0x3FFD];
	_ =	sdelay $0x3  }
0x96: {  	_ =	strace s3  }
0x97: {  	_ =	strace $0x8FFFFFFF  }
0x98: {  	s19 =	sld [smem:$0x3FDB];
	_ =	sdelay $0x1  }
0x99: {  	s4 =	simm.s32 $_scs_section_size  }
0x9a: {  	s5 =	simm.s32 $_size__tile_overlayer_lowered;
	s6 =	simm.s32 $_tile_overlayer_lowered  }
0x9b: {  	s22 =	simm.s32 $0x1BFF;
	s21 =	sshll.u32 s6, $0x1;
	s3 =	sadd.s32 s4, s19  }
0x9c: {  	s7 =	simm.s32 $0x0;
	s20 =	sshll.u32 s5, $0x1;
	s5 =	sadd.s32 s21, s3  }
0x9d: {  	[timem:s7], [sflag:s22] =	dma.local [hbm:s5], s20  }
0x9e: {  	_ =	swait.ge [sflag:s22], s20  }
0x9f: {  	s4 =	ssub.s32 $0x0, s20;
	[sflag:s22] =	ssyncset.done $0x0  }
0xa0: {  	[sflag:s22] =	ssyncadd.s32 s4;
	_ =	sdelay $0x1  }
0xa1: {  	s23 =	simm.s32 $0x1B8B  }
0xa2: {  	_ =	swait.ge [sflag:s23], $0x1  }
0xa3: {  	[sflag:s23] =	ssyncset.done $0x0  }
0xa4: {  	s25 =	simm.s32 $0x1B8E;
	s24 =	sld [smem:$0x3FFE];
	[sflag:s23] =	ssyncadd.s32 $0xFFFFFFFF  }
0xa5: {  	s26 =	simm.s32 $execute0_lowered;
	[smem:$0x3FD2] =	sst s25  }
0xa6: {  	s5 =	sshll.u32 s26, $0x1;
	_ =	strace $0x8000004C;
	[dreg:$0x1] =	wrdreg $0xFFFFFFFF  }
0xa7: {  	s28 =	simm.s32 $_size_execute0_lowered;
	s3 =	sadd.s32 s3, s5;
	[dreg:$0x0] =	wrdreg $0x0  }
0xa8: {  	s5 =	sshll.u32 s28, $0x1;
	[dreg:$0x2] =	wrdreg s3  }
0xa9: {  	[dreg:$0x3] =	wrdreg s5  }
0xaa: {  	[dreg:$0x4] =	wrdreg $0xC0  }
0xab: {  	_ =	task [dreg:s7], $0x5FFFF  }
0xac: {  	[dreg:$0x1] =	wrdreg $0xFFFFFFFF  }
0xad: {  	[dreg:$0x0] =	wrdreg $0x60  }
0xae: {  	[dreg:$0x2] =	wrdreg s2  }
0xaf: {  	[dreg:$0x3] =	wrdreg s24  }
0xb0: {  	[dreg:$0x4] =	wrdreg $0x0  }
0xb1: {  	[dreg:$0x5] =	wrdreg $0x9  }
0xb2: {  	_ =	task.clear_ibuf [dreg:s7], $0x6FFFF;
	_ =	strace $0x9000004C  }
0xb3: {  	s29 =	simm.s32 $0x9;
	_ =	strace $0x8000004E  }
0xb4: {  	_ =	swait.ge [sflag:s29], $0x1  }
0xb5: {  	[sflag:s29] =	ssyncadd.s32 $0xFFFFFFFF  }
0xb6: {  	_ =	strace $0x9000004E  }
0xb7: {  	_ =	sfence  }
0xb8: {  	s30 =	sld [smem:$0x0];
	_ =	sdelay $0x2  }
0xb9: {  	s31 =	sshll.u32 s1, $0xD;
	s1 =	sshrl.u32 s1, $0x2  }
0xba: {  	s3 =	sand.u32 $0x4000, s31;
	s1 =	sadd.s32 s1, s30  }
0xbb: {  	s0 =	sor.u32 s3, s0;
	s1 =	sshll.u32 s1, $0x11  }
0xbc: {  	s0 =	sor.u32 s1, s0  }
0xbd: {  	s0 =	sadd.s32 $0x8F2B, s0  }
0xbe: {  	[sflag:s0] =	ssyncadd.remote.s32 $0x1  }
0xbf: {  	_ =	sfence.sel $0xFFFF  }
0xc0: {  	[dreg:$0x0] =	wrdreg $0xFFFFFFFF;
	(pc) =	sbr.abs _section_cstart, $3  }
0xc1: {  	[dreg:$0x1] =	wrdreg $0xFFFFFFFF  }
0xc2: {  	_ =	task.clear_ibuf [dreg:s7], $0x2FFFF;
	_ =	strace $0x9FFFFFFF  }
0xc3: {  	(tm) =	ssettm $0x7FFFFFFF  }
tec
execute0_lowered:
.L_overlay_start_1:
0x0: {  	(tag) =	ssettag $0x1  }
0x1: {  	s0 =	rddreg [dreg:$0x0]  }
0x2: {  	s2 =	rddreg [dreg:$0x1]  }
0x3: {  	s1 =	rddreg [dreg:$0x2]  }
0x4: {  	s4 =	srdreg.scid;
	s3 =	simm.s32 $0x0;
	s11 =	stileid.u32  }
0x5: {  	s30 =	simm.s32 $0x28;
	s6 =	sand.u32 $0x1, s4;
	[smem:$0x7FF] =	sst s3  }
0x6: {  	s8 =	smul.u32 $0x13C00, s11;
	s5 =	sadd.s32 $0x35000, s2;
	s12 =	sshll.u32 s11, $0x7  }
0x7: {  	s7 =	smul.u32 $0x13C000, s6;
	s4 =	sshll.u32 s6, $0x4;
	_ =	strace $0x8000004D  }
0x8: {  	s6 =	ssub.s32 $0x2, s6;
	s13 =	sand.u32 $0x380, s12;
	s12 =	simm.s32 $0x1EC80  }
0x9: {  	s9 =	sor.u32 s11, s4;
	s4 =	sadd.s32 $0x15000, s2;
	s11 =	smul.u32 $0x4E200, s11  }
0xa: {  	s14 =	sshrl.u32 s6, $0x1;
	s10 =	sshrl.u32 s9, $0x3;
	s7 =	sadd.s32 s8, s7  }
0xb: {  	s6 =	ssub.s32 s6, s14;
	s23 =	sshll.u32 s9, $0xC;
	s14 =	simm.s32 $0x18800  }
0xc: {  	s3 =	smul.u32 $0x13C00, s10;
	s15 =	sshrl.u32 s11, $0x2;
	s31 =	smax.u32 s6, $0x1  }
0xd: {  	s7 =	sshrl.u32 s7, $0x3;
	s8 =	sadd.s32 s15, s1;
	[dreg:$0x14] =	wrdreg s31  }
0xe: {  	s10 =	simm.s32 $0x10;
	s16 =	sadd.s32 $0x2580, s8;
	[dreg:$0x4] =	wrdreg s8  }
0xf: {  	s11 =	simm.s32 $0x1EC00;
	s17 =	sadd.s32 $0x4B00, s8;
	[dreg:$0x6] =	wrdreg s16  }
0x10: {  	s6 =	simm.s32 $0xB;
	s18 =	sadd.s32 $0x7080, s8;
	[dreg:$0x7] =	wrdreg s17  }
0x11: {  	s2 =	sadd.s32 s7, s2;
	s19 =	sadd.s32 $0x9600, s8;
	[dreg:$0x8] =	wrdreg s18  }
0x12: {  	s15 =	simm.s32 $0x19C00;
	s20 =	sadd.s32 $0xBB80, s8;
	[dreg:$0x9] =	wrdreg s19  }
0x13: {  	s1 =	simm.s32 $0x0;
	s21 =	sadd.s32 $0xE100, s8;
	[dreg:$0xa] =	wrdreg s20  }
0x14: {  	s7 =	sor.u32 s13, s3;
	s22 =	sadd.s32 $0x10680, s8;
	[dreg:$0xb] =	wrdreg s21  }
0x15: {  	s24 =	sadd.s32 $0x12C00, s8;
	s29 =	sadd.s32 $0x5C200, s2;
	[dreg:$0xc] =	wrdreg s22  }
0x16: {  	s13 =	simm.s32 $0x1B000;
	s3 =	simm.s32 $0xA;
	[dreg:$0xd] =	wrdreg s24  }
0x17: {  	s7 =	sshrl.u32 s7, $0x3;
	s16 =	sshll.u32 s9, $0xF;
	[dreg:$0x13] =	wrdreg s29  }
0x18: {  	s18 =	simm.s32 $0x1ED00;
	s19 =	simm.s32 $0x1C400;
	s0 =	sadd.s32 s0, s7  }
0x19: {  	s20 =	simm.s32 $0x1ED80;
	[dreg:$0x5] =	wrdreg s0;
	s0 =	sadd.s32 s4, s23  }
0x1a: {  	s21 =	simm.s32 $0x1D800;
	s25 =	sadd.s32 $0x10, s0;
	[dreg:$0xe] =	wrdreg s0  }
0x1b: {  	s22 =	simm.s32 $0x1EE00;
	s26 =	sadd.s32 $0x20, s0;
	[dreg:$0xf] =	wrdreg s25  }
0x1c: {  	s17 =	simm.s32 $0x1;
	s28 =	sadd.s32 $0x30, s0;
	[dreg:$0x10] =	wrdreg s26  }
0x1d: {  	s24 =	simm.s32 $0xC;
	s0 =	sadd.s32 $0x40, s0;
	[dreg:$0x11] =	wrdreg s28  }
0x1e: {  	v0 =	vimm.f32 $0.0e+00;
	s23 =	simm.s32 $0x2;
	[dreg:$0x12] =	wrdreg s0;
	s26 =	simm.s32 $0x6  }
.LBB2_1:
0x1f: {  	[dreg:$0x15] =	wrdreg s1;
	s0 =	simm.s32 $0x0;
	s2 =	simm.s32 $0x200  }
.LBB2_2:
0x20: {  	p0 =	sne.s32 s2, $0x9400;
	[tilespmem:s0+$0x16070] =	vst v0  }
0x21: {  	[tilespmem:s0+$0x16000] =	vst v0  }
0x22: {  	[tilespmem:s0+$0x16010] =	vst v0  }
.Ltmp0:
0x23: {  	[tilespmem:s0+$0x16020] =	vst v0;
	(pc) =	sbr.rel @p0 .LBB2_2-.Ltmp0, $4  }
0x24: {  	[tilespmem:s0+$0x16030] =	vst v0  }
0x25: {  	[tilespmem:s0+$0x16040] =	vst v0  }
0x26: {  	[tilespmem:s0+$0x16050] =	vst v0  }
0x27: {  	[tilespmem:s0+$0x16060] =	vst v0;
	s0 =	sshra.s32 s2, $0x2;
	s2 =	sadd.s32 $0x200, s2  }
0x28: {  	[tilespmem:s0+$0x16070] =	vst v0  }
0x29: {  	[tilespmem:s0+$0x16000] =	vst v0  }
0x2a: {  	[tilespmem:s0+$0x16010] =	vst v0  }
0x2b: {  	[tilespmem:s0+$0x16020] =	vst v0  }
0x2c: {  	[tilespmem:s0+$0x16030] =	vst v0  }
0x2d: {  	[tilespmem:s0+$0x16040] =	vst v0  }
0x2e: {  	[tilespmem:s0+$0x16050] =	vst v0;
	s25 =	rddreg [dreg:$0x5]  }
0x2f: {  	[tilespmem:s0+$0x16060] =	vst v0;
	s2 =	simm.s32 $0x80;
	s7 =	simm.s32 $0x400;
	s9 =	simm.s32 $0x13880  }
0x30: {  	[tilespmem:s9], [sflag:$0x10] =	stream.strided.gather [hbm4b:s25+s2], $0x2780, s7, s2, $0x38;
	[tilespmem:$0x1EE80] =	vst v63  }
0x31: {  	_ =	swait.ge [sflag:s10], $0x2780  }
0x32: {  	[sflag:s10] =	ssyncset.done $0x0  }
0x33: {  	s2 =	simm.s32 $0x16000;
	[sflag:s10] =	ssyncadd.s32 $0xFFFFD880  }
0x34: {  	[spmem:s8] =	stream.linear.scatter [tilespmem:s2], [sflag:$0x10], $0x2580, $0x38;
	[tilespmem:$0x1EE80] =	vst v63  }
0x35: {  	_ =	swait.ge [sflag:s10], $0x2580  }
0x36: {  	[sflag:s10] =	ssyncset.done $0x0  }
0x37: {  	s28 =	rddreg [dreg:$0x6];
	[sflag:s10] =	ssyncadd.s32 $0xFFFFDA80  }
0x38: {  	[spmem:s28] =	stream.linear.scatter [tilespmem:s2], [sflag:$0x10], $0x2580, $0x38;
	[tilespmem:$0x1EE80] =	vst v63  }
0x39: {  	_ =	swait.ge [sflag:s10], $0x2580  }
0x3a: {  	[sflag:s10] =	ssyncset.done $0x0  }
0x3b: {  	s29 =	rddreg [dreg:$0x7];
	[sflag:s10] =	ssyncadd.s32 $0xFFFFDA80  }
0x3c: {  	[spmem:s29] =	stream.linear.scatter [tilespmem:s2], [sflag:$0x10], $0x2580, $0x38;
	[tilespmem:$0x1EE80] =	vst v63  }
0x3d: {  	_ =	swait.ge [sflag:s10], $0x2580  }
0x3e: {  	[sflag:s10] =	ssyncset.done $0x0  }
0x3f: {  	s1 =	rddreg [dreg:$0x8];
	[sflag:s10] =	ssyncadd.s32 $0xFFFFDA80  }
0x40: {  	[spmem:s1] =	stream.linear.scatter [tilespmem:s2], [sflag:$0x10], $0x2580, $0x38;
	[tilespmem:$0x1EE80] =	vst v63  }
0x41: {  	_ =	swait.ge [sflag:s10], $0x2580  }
0x42: {  	[sflag:s10] =	ssyncset.done $0x0  }
0x43: {  	s7 =	rddreg [dreg:$0x9];
	[sflag:s10] =	ssyncadd.s32 $0xFFFFDA80  }
0x44: {  	[spmem:s7] =	stream.linear.scatter [tilespmem:s2], [sflag:$0x10], $0x2580, $0x38;
	[tilespmem:$0x1EE80] =	vst v63  }
0x45: {  	_ =	swait.ge [sflag:s10], $0x2580  }
0x46: {  	[sflag:s10] =	ssyncset.done $0x0  }
0x47: {  	s8 =	rddreg [dreg:$0xa];
	[sflag:s10] =	ssyncadd.s32 $0xFFFFDA80  }
0x48: {  	[spmem:s8] =	stream.linear.scatter [tilespmem:s2], [sflag:$0x10], $0x2580, $0x38;
	[tilespmem:$0x1EE80] =	vst v63  }
0x49: {  	_ =	swait.ge [sflag:s10], $0x2580  }
0x4a: {  	[sflag:s10] =	ssyncset.done $0x0  }
0x4b: {  	s25 =	rddreg [dreg:$0xb];
	[sflag:s10] =	ssyncadd.s32 $0xFFFFDA80  }
0x4c: {  	[spmem:s25] =	stream.linear.scatter [tilespmem:s2], [sflag:$0x10], $0x2580, $0x38;
	[tilespmem:$0x1EE80] =	vst v63  }
0x4d: {  	_ =	swait.ge [sflag:s10], $0x2580  }
0x4e: {  	[sflag:s10] =	ssyncset.done $0x0  }
0x4f: {  	s28 =	rddreg [dreg:$0xc];
	[sflag:s10] =	ssyncadd.s32 $0xFFFFDA80  }
0x50: {  	[spmem:s28] =	stream.linear.scatter [tilespmem:s2], [sflag:$0x10], $0x2580, $0x38;
	[tilespmem:$0x1EE80] =	vst v63  }
0x51: {  	_ =	swait.ge [sflag:s10], $0x2580  }
0x52: {  	[sflag:s10] =	ssyncset.done $0x0  }
0x53: {  	s29 =	rddreg [dreg:$0xd];
	[sflag:s10] =	ssyncadd.s32 $0xFFFFDA80  }
0x54: {  	[spmem:s29] =	stream.linear.scatter [tilespmem:s2], [sflag:$0x10], $0xC80, $0x38;
	[tilespmem:$0x1EE80] =	vst v63  }
0x55: {  	_ =	swait.ge [sflag:s10], $0xC80  }
0x56: {  	[sflag:s10] =	ssyncset.done $0x0  }
0x57: {  	[sflag:s10] =	ssyncadd.s32 $0xFFFFF380  }
0x58: {  	[bflag:$0x0] =	sbarrier.arrive $0xFFFF  }
0x59: {  	[tilespmem:s14], [sflag:$0x1] =	stream.indirect.gather [hbm4b:s5+s30], $0x80, s9, s30, $0xb8;
	[tilespmem:$0x1EE80] =	vst v63  }
0x5a: {  	s31 =	simm.s32 $0x0;
	s1 =	rddreg [dreg:$0xe]  }
0x5b: {  	[tilespmem:s11], [sflag:$0xB] =	stream.linear.gather [hbm4b:s1+s31], $0x80, $0x38;
	[tilespmem:$0x1EE80] =	vst v63  }
0x5c: {  	s2 =	simm.s32 $0x138A8  }
0x5d: {  	[tilespmem:s15], [sflag:$0x2] =	stream.indirect.gather [hbm4b:s5+s30], $0x80, s2, s30, $0xb8;
	[tilespmem:$0x1EE80] =	vst v63  }
0x5e: {  	s7 =	rddreg [dreg:$0xf]  }
0x5f: {  	[tilespmem:s12], [sflag:$0xC] =	stream.linear.gather [hbm4b:s7+s31], $0x80, $0x38;
	[tilespmem:$0x1EE80] =	vst v63  }
0x60: {  	s8 =	simm.s32 $0x138D0  }
0x61: {  	[tilespmem:s13], [sflag:$0x3] =	stream.indirect.gather [hbm4b:s5+s30], $0x80, s8, s30, $0xb8;
	[tilespmem:$0x1EE80] =	vst v63  }
0x62: {  	s9 =	rddreg [dreg:$0x10]  }
0x63: {  	[tilespmem:s18], [sflag:$0xD] =	stream.linear.gather [hbm4b:s9+s31], $0x80, $0x38;
	[tilespmem:$0x1EE80] =	vst v63  }
0x64: {  	s10 =	simm.s32 $0x138F8  }
0x65: {  	[tilespmem:s19], [sflag:$0x4] =	stream.indirect.gather [hbm4b:s5+s30], $0x80, s10, s30, $0xb8;
	[tilespmem:$0x1EE80] =	vst v63  }
0x66: {  	s13 =	rddreg [dreg:$0x11]  }
0x67: {  	[tilespmem:s20], [sflag:$0xE] =	stream.linear.gather [hbm4b:s13+s31], $0x80, $0x38;
	[tilespmem:$0x1EE80] =	vst v63  }
0x68: {  	s18 =	simm.s32 $0x13920  }
0x69: {  	[tilespmem:s21], [sflag:$0x5] =	stream.indirect.gather [hbm4b:s5+s30], $0x80, s18, s30, $0xb8;
	[tilespmem:$0x1EE80] =	vst v63  }
0x6a: {  	s19 =	rddreg [dreg:$0x12]  }
0x6b: {  	[tilespmem:s22], [sflag:$0xF] =	stream.linear.gather [hbm4b:s19+s31], $0x80, $0x38;
	[tilespmem:$0x1EE80] =	vst v63  }
0x6c: {  	_ =	swait.ge [sflag:s17], $0x1400  }
0x6d: {  	[sflag:s17] =	ssyncset.done $0x0  }
0x6e: {  	[sflag:s17] =	ssyncadd.s32 $0xFFFFEC00  }
0x6f: {  	s1 =	simm.s32 $0x8;
	s20 =	smin.u32 s31, $0xF4;
	_ =	swait.ge [sflag:s6], $0x80  }
0x70: {  	s21 =	sadd.s32 $0x5, s20;
	s18 =	simm.s32 $0x7;
	[sflag:s6] =	ssyncset.done $0x0  }
0x71: {  	s20 =	simm.s32 $0x0;
	s0 =	sshll.u32 s21, $0x7;
	[sflag:s6] =	ssyncadd.s32 $0xFFFFFF80  }
0x72: {  	s7 =	smul.u32 $0xA0, s21;
	s22 =	smin.u32 s31, $0xF3;
	s13 =	rddreg [dreg:$0x2]  }
0x73: {  	[spmem:s13] =	stream.indirect.scatter.add.f32 [tilespmem:s14], [sflag:$0x6], $0x80, s11, s30, $0xb8;
	[tilespmem:$0x1EE80] =	vst v63  }
0x74: {  	s25 =	sand.u32 $0xFC00, s0;
	s0 =	sand.u32 $0x380, s0;
	_ =	swait.ge [sflag:s23], $0x1400  }
0x75: {  	s2 =	sadd.s32 $0x6, s22;
	s8 =	sadd.s32 s16, s25;
	[sflag:s23] =	ssyncset.done $0x0  }
0x76: {  	s28 =	sshll.u32 s2, $0x7;
	s8 =	sor.u32 s0, s8;
	[sflag:s23] =	ssyncadd.s32 $0xFFFFEC00  }
0x77: {  	s25 =	smul.u32 $0xA0, s2;
	s29 =	sand.u32 $0xFC00, s28;
	_ =	swait.ge [sflag:s24], $0x80  }
0x78: {  	s9 =	sand.u32 $0x380, s28;
	s2 =	sshrl.u32 s8, $0x3;
	[sflag:s24] =	ssyncset.done $0x0  }
0x79: {  	s8 =	simm.s32 $0x3;
	s0 =	sadd.s32 s16, s29;
	[sflag:s24] =	ssyncadd.s32 $0xFFFFFF80  }
0x7a: {  	[spmem:s13] =	stream.indirect.scatter.add.f32 [tilespmem:s15], [sflag:$0x7], $0x80, s12, s30, $0xb8;
	[tilespmem:$0x1EE80] =	vst v63  }
0x7b: {  	s19 =	simm.s32 $0x9;
	s9 =	sor.u32 s9, s0;
	_ =	swait.ge [sflag:s8], $0x1400  }
0x7c: {  	s0 =	simm.s32 $0x5;
	s24 =	sshrl.u32 s9, $0x3;
	[sflag:s8] =	ssyncset.done $0x0  }
.LBB2_4:
0x7d: {  	[sflag:s8] =	ssyncadd.s32 $0xFFFFEC00;
	s10 =	simm.s32 $0xD  }
0x7e: {  	_ =	swait.ge [sflag:s10], $0x80  }
0x7f: {  	s17 =	smin.u32 s31, $0xF2;
	s29 =	simm.s32 $0x1B000;
	[sflag:s10] =	ssyncset.done $0x0  }
0x80: {  	s6 =	simm.s32 $0x1ED00;
	s22 =	simm.s32 $0x4;
	[sflag:s10] =	ssyncadd.s32 $0xFFFFFF80  }
0x81: {  	[spmem:s13] =	stream.indirect.scatter.add.f32 [tilespmem:s29], [sflag:$0x8], $0x80, s6, s30, $0xb8;
	[tilespmem:$0x1EE80] =	vst v63  }
0x82: {  	s21 =	smin.u32 s31, $0xF1;
	s14 =	simm.s32 $0xE;
	_ =	swait.ge [sflag:s22], $0x1400  }
0x83: {  	s7 =	sshrl.u32 s7, $0x2;
	s8 =	sadd.s32 $0x7, s17;
	[sflag:s22] =	ssyncset.done $0x0  }
0x84: {  	s12 =	sadd.s32 $0x8, s21;
	s21 =	simm.s32 $0x5;
	[sflag:s22] =	ssyncadd.s32 $0xFFFFEC00  }
0x85: {  	s23 =	smul.u32 $0xA0, s8;
	s8 =	sshll.u32 s8, $0x7;
	_ =	swait.ge [sflag:s14], $0x80  }
0x86: {  	s11 =	sadd.s32 $0x13880, s7;
	s28 =	sand.u32 $0xFC00, s8;
	[sflag:s14] =	ssyncset.done $0x0  }
0x87: {  	s7 =	sshrl.u32 s23, $0x2;
	s10 =	sadd.s32 s16, s28;
	[sflag:s14] =	ssyncadd.s32 $0xFFFFFF80  }
0x88: {  	s23 =	simm.s32 $0x1ED80;
	s28 =	simm.s32 $0x1C400;
	s22 =	rddreg [dreg:$0x2]  }
0x89: {  	[spmem:s22] =	stream.indirect.scatter.add.f32 [tilespmem:s28], [sflag:$0x9], $0x80, s23, s30, $0xb8;
	[tilespmem:$0x1EE80] =	vst v63  }
0x8a: {  	_ =	swait.ge [sflag:s21], $0x1400  }
0x8b: {  	s8 =	sand.u32 $0x380, s8;
	[sflag:s21] =	ssyncset.done $0x0  }
0x8c: {  	s13 =	sshll.u32 s12, $0x7;
	s22 =	simm.s32 $0xF;
	[sflag:s21] =	ssyncadd.s32 $0xFFFFEC00  }
0x8d: {  	s8 =	sor.u32 s8, s10;
	s17 =	sand.u32 $0xFC00, s13;
	_ =	swait.ge [sflag:s22], $0x80  }
0x8e: {  	s13 =	sand.u32 $0x380, s13;
	s17 =	sadd.s32 s16, s17;
	[sflag:s22] =	ssyncset.done $0x0  }
0x8f: {  	s10 =	sshrl.u32 s8, $0x3;
	s8 =	sor.u32 s13, s17;
	[sflag:s22] =	ssyncadd.s32 $0xFFFFFF80  }
0x90: {  	s21 =	simm.s32 $0x1EE00;
	s22 =	simm.s32 $0x1D800;
	s13 =	rddreg [dreg:$0x2]  }
0x91: {  	[spmem:s13] =	stream.indirect.scatter.add.f32 [tilespmem:s22], [sflag:$0xA], $0x80, s21, s30, $0xb8;
	[tilespmem:$0x1EE80] =	vst v63  }
0x92: {  	_ =	swait.ge [sflag:s26], $0x1400  }
0x93: {  	[sflag:s26] =	ssyncset.done $0x0  }
0x94: {  	s14 =	simm.s32 $0x18800;
	[sflag:s26] =	ssyncadd.s32 $0xFFFFEC00  }
0x95: {  	[tilespmem:s14], [sflag:$0x1] =	stream.indirect.gather [hbm4b:s5+s30], $0x80, s11, s30, $0xb8;
	[tilespmem:$0x1EE80] =	vst v63  }
0x96: {  	s15 =	simm.s32 $0x1EC00;
	s2 =	sadd.s32 s4, s2  }
0x97: {  	[tilespmem:s15], [sflag:$0xB] =	stream.linear.gather [hbm4b:s2+s20], $0x80, $0x38;
	[tilespmem:$0x1EE80] =	vst v63  }
0x98: {  	s9 =	smov.u32 s0;
	s12 =	smul.u32 $0xA0, s12;
	_ =	swait.ge [sflag:s18], $0x1400  }
0x99: {  	s17 =	sshrl.u32 s25, $0x2;
	s25 =	smin.u32 s31, $0xF0;
	[sflag:s18] =	ssyncset.done $0x0  }
0x9a: {  	s11 =	sadd.s32 $0x13880, s17;
	s15 =	simm.s32 $0x19C00;
	[sflag:s18] =	ssyncadd.s32 $0xFFFFEC00  }
0x9b: {  	[tilespmem:s15], [sflag:$0x2] =	stream.indirect.gather [hbm4b:s5+s30], $0x80, s11, s30, $0xb8;
	[tilespmem:$0x1EE80] =	vst v63  }
0x9c: {  	s13 =	sadd.s32 s4, s24;
	s17 =	simm.s32 $0x1EC80;
	s2 =	sadd.s32 $0x9, s25  }
0x9d: {  	[tilespmem:s17], [sflag:$0xC] =	stream.linear.gather [hbm4b:s13+s20], $0x80, $0x38;
	[tilespmem:$0x1EE80] =	vst v63  }
0x9e: {  	s24 =	smul.u32 $0xA0, s2;
	s2 =	sshll.u32 s2, $0x7;
	_ =	swait.ge [sflag:s1], $0x1400  }
0x9f: {  	s7 =	sadd.s32 $0x13880, s7;
	s25 =	sand.u32 $0xFC00, s2;
	[sflag:s1] =	ssyncset.done $0x0  }
0xa0: {  	s2 =	sand.u32 $0x380, s2;
	s11 =	sadd.s32 s16, s25;
	[sflag:s1] =	ssyncadd.s32 $0xFFFFEC00  }
0xa1: {  	[tilespmem:s29], [sflag:$0x3] =	stream.indirect.gather [hbm4b:s5+s30], $0x80, s7, s30, $0xb8;
	[tilespmem:$0x1EE80] =	vst v63  }
0xa2: {  	s12 =	sshrl.u32 s12, $0x2;
	s2 =	sor.u32 s2, s11;
	s11 =	sadd.s32 s4, s10  }
0xa3: {  	[tilespmem:s6], [sflag:$0xD] =	stream.linear.gather [hbm4b:s11+s20], $0x80, $0x38;
	[tilespmem:$0x1EE80] =	vst v63  }
0xa4: {  	s31 =	smov.u32 s9;
	s8 =	sshrl.u32 s8, $0x3;
	_ =	swait.ge [sflag:s19], $0x1400  }
0xa5: {  	s9 =	smin.u32 s31, $0xF4;
	s25 =	sadd.s32 $0x13880, s12;
	[sflag:s19] =	ssyncset.done $0x0  }
0xa6: {  	s13 =	sshrl.u32 s24, $0x2;
	s7 =	sadd.s32 $0x5, s9;
	[sflag:s19] =	ssyncadd.s32 $0xFFFFEC00  }
0xa7: {  	[tilespmem:s28], [sflag:$0x4] =	stream.indirect.gather [hbm4b:s5+s30], $0x80, s25, s30, $0xb8;
	[tilespmem:$0x1EE80] =	vst v63  }
0xa8: {  	s10 =	sshrl.u32 s2, $0x3;
	s29 =	sshll.u32 s7, $0x7;
	s28 =	sadd.s32 s4, s8  }
0xa9: {  	[tilespmem:s23], [sflag:$0xE] =	stream.linear.gather [hbm4b:s28+s20], $0x80, $0x38;
	[tilespmem:$0x1EE80] =	vst v63  }
0xaa: {  	s12 =	sadd.s32 $0x13880, s13;
	s6 =	sand.u32 $0xFC00, s29;
	_ =	swait.ge [sflag:s3], $0x1400  }
0xab: {  	s11 =	sand.u32 $0x380, s29;
	s13 =	sadd.s32 s16, s6;
	[sflag:s3] =	ssyncset.done $0x0  }
0xac: {  	s29 =	sor.u32 s11, s13;
	s13 =	rddreg [dreg:$0x2];
	[sflag:s3] =	ssyncadd.s32 $0xFFFFEC00  }
0xad: {  	[tilespmem:s22], [sflag:$0x5] =	stream.indirect.gather [hbm4b:s5+s30], $0x80, s12, s30, $0xb8;
	[tilespmem:$0x1EE80] =	vst v63  }
0xae: {  	s10 =	sadd.s32 s4, s10;
	s22 =	simm.s32 $0x1  }
0xaf: {  	[tilespmem:s21], [sflag:$0xF] =	stream.linear.gather [hbm4b:s10+s20], $0x80, $0x38;
	[tilespmem:$0x1EE80] =	vst v63  }
0xb0: {  	_ =	swait.ge [sflag:s22], $0x1400  }
0xb1: {  	[sflag:s22] =	ssyncset.done $0x0  }
0xb2: {  	s23 =	simm.s32 $0xB;
	[sflag:s22] =	ssyncadd.s32 $0xFFFFEC00  }
0xb3: {  	s24 =	smin.u32 s31, $0xF3;
	_ =	swait.ge [sflag:s23], $0x80  }
0xb4: {  	s24 =	sadd.s32 $0x6, s24;
	[sflag:s23] =	ssyncset.done $0x0  }
0xb5: {  	s11 =	simm.s32 $0x1EC00;
	s28 =	simm.s32 $0x2;
	[sflag:s23] =	ssyncadd.s32 $0xFFFFFF80  }
0xb6: {  	[spmem:s13] =	stream.indirect.scatter.add.f32 [tilespmem:s14], [sflag:$0x6], $0x80, s11, s30, $0xb8;
	[tilespmem:$0x1EE80] =	vst v63  }
0xb7: {  	p0 =	sne.s32 s0, $0xF5;
	s6 =	sshll.u32 s24, $0x7;
	_ =	swait.ge [sflag:s28], $0x1400  }
0xb8: {  	s2 =	sshrl.u32 s29, $0x3;
	s29 =	simm.s32 $0xC;
	[sflag:s28] =	ssyncset.done $0x0  }
0xb9: {  	s25 =	smul.u32 $0xA0, s24;
	s12 =	sand.u32 $0xFC00, s6;
	[sflag:s28] =	ssyncadd.s32 $0xFFFFEC00  }
0xba: {  	s8 =	sand.u32 $0x380, s6;
	s9 =	sadd.s32 s16, s12;
	_ =	swait.ge [sflag:s29], $0x80  }
.Ltmp1:
0xbb: {  	s8 =	sor.u32 s8, s9;
	[sflag:s29] =	ssyncset.done $0x0;
	(pc) =	sbr.rel @p0 .LBB2_4-.Ltmp1, $4  }
0xbc: {  	s24 =	sshrl.u32 s8, $0x3;
	s8 =	simm.s32 $0x3;
	[sflag:s29] =	ssyncadd.s32 $0xFFFFFF80  }
0xbd: {  	[spmem:s13] =	stream.indirect.scatter.add.f32 [tilespmem:s15], [sflag:$0x7], $0x80, s17, s30, $0xb8;
	[tilespmem:$0x1EE80] =	vst v63  }
0xbe: {  	s0 =	sadd.s32 $0x5, s0;
	_ =	swait.ge [sflag:s8], $0x1400  }
0xbf: {  	s7 =	smul.u32 $0xA0, s7;
	s23 =	simm.s32 $0x1EC80;
	[sflag:s8] =	ssyncset.done $0x0  }
0xc0: {  	[sflag:s8] =	ssyncadd.s32 $0xFFFFEC00;
	s22 =	simm.s32 $0xD  }
0xc1: {  	_ =	swait.ge [sflag:s22], $0x80  }
0xc2: {  	s29 =	simm.s32 $0x1B000;
	[sflag:s22] =	ssyncset.done $0x0  }
0xc3: {  	s6 =	simm.s32 $0x1ED00;
	s21 =	simm.s32 $0x4;
	[sflag:s22] =	ssyncadd.s32 $0xFFFFFF80  }
0xc4: {  	[spmem:s13] =	stream.indirect.scatter.add.f32 [tilespmem:s29], [sflag:$0x8], $0x80, s6, s30, $0xb8;
	[tilespmem:$0x1EE80] =	vst v63  }
0xc5: {  	_ =	swait.ge [sflag:s21], $0x1400  }
0xc6: {  	[sflag:s21] =	ssyncset.done $0x0  }
0xc7: {  	s12 =	simm.s32 $0xE;
	[sflag:s21] =	ssyncadd.s32 $0xFFFFEC00  }
0xc8: {  	_ =	swait.ge [sflag:s12], $0x80  }
0xc9: {  	s0 =	simm.s32 $0x1ED80;
	[sflag:s12] =	ssyncset.done $0x0  }
0xca: {  	s28 =	simm.s32 $0x1C400;
	s10 =	simm.s32 $0x5;
	[sflag:s12] =	ssyncadd.s32 $0xFFFFFF80  }
0xcb: {  	[spmem:s13] =	stream.indirect.scatter.add.f32 [tilespmem:s28], [sflag:$0x9], $0x80, s0, s30, $0xb8;
	[tilespmem:$0x1EE80] =	vst v63  }
0xcc: {  	_ =	swait.ge [sflag:s10], $0x1400  }
0xcd: {  	[sflag:s10] =	ssyncset.done $0x0  }
0xce: {  	s9 =	simm.s32 $0xF;
	[sflag:s10] =	ssyncadd.s32 $0xFFFFEC00  }
0xcf: {  	_ =	swait.ge [sflag:s9], $0x80  }
0xd0: {  	[sflag:s9] =	ssyncset.done $0x0  }
0xd1: {  	s17 =	simm.s32 $0x1D800;
	s0 =	simm.s32 $0x1EE00;
	[sflag:s9] =	ssyncadd.s32 $0xFFFFFF80  }
0xd2: {  	[spmem:s13] =	stream.indirect.scatter.add.f32 [tilespmem:s17], [sflag:$0xA], $0x80, s0, s30, $0xb8;
	[tilespmem:$0x1EE80] =	vst v63  }
0xd3: {  	s7 =	sshrl.u32 s7, $0x2;
	_ =	swait.ge [sflag:s26], $0x1400  }
0xd4: {  	s0 =	sadd.s32 $0x13880, s7;
	[sflag:s26] =	ssyncset.done $0x0  }
0xd5: {  	s7 =	sadd.s32 s4, s2;
	s2 =	smin.u32 s31, $0xF2;
	[sflag:s26] =	ssyncadd.s32 $0xFFFFEC00  }
0xd6: {  	[tilespmem:s14], [sflag:$0x1] =	stream.indirect.gather [hbm4b:s5+s30], $0x80, s0, s30, $0xb8;
	[tilespmem:$0x1EE80] =	vst v63  }
0xd7: {  	s0 =	sadd.s32 $0x7, s2  }
0xd8: {  	[tilespmem:s11], [sflag:$0xB] =	stream.linear.gather [hbm4b:s7+s20], $0x80, $0x38;
	[tilespmem:$0x1EE80] =	vst v63  }
0xd9: {  	s7 =	sshrl.u32 s25, $0x2;
	s25 =	sshll.u32 s0, $0x7;
	s0 =	smul.u32 $0xA0, s0  }
0xda: {  	s13 =	simm.s32 $0x1D800;
	_ =	swait.ge [sflag:s18], $0x1400  }
0xdb: {  	s2 =	sadd.s32 $0x13880, s7;
	[sflag:s18] =	ssyncset.done $0x0;
	s0 =	sshrl.u32 s0, $0x2  }
0xdc: {  	[sflag:s18] =	ssyncadd.s32 $0xFFFFEC00;
	s18 =	sadd.s32 s4, s24;
	s24 =	sand.u32 $0xFC00, s25  }
0xdd: {  	[tilespmem:s15], [sflag:$0x2] =	stream.indirect.gather [hbm4b:s5+s30], $0x80, s2, s30, $0xb8;
	[tilespmem:$0x1EE80] =	vst v63  }
0xde: {  	s7 =	sadd.s32 s16, s24;
	s2 =	sand.u32 $0x380, s25;
	s25 =	smin.u32 s31, $0xF1  }
0xdf: {  	s0 =	sadd.s32 $0x13880, s0;
	s2 =	sor.u32 s2, s7;
	s7 =	sadd.s32 $0x8, s25  }
0xe0: {  	[tilespmem:s23], [sflag:$0xC] =	stream.linear.gather [hbm4b:s18+s20], $0x80, $0x38;
	[tilespmem:$0x1EE80] =	vst v63  }
0xe1: {  	s25 =	smin.u32 s31, $0xF0;
	s31 =	simm.s32 $0x1ED80;
	_ =	swait.ge [sflag:s1], $0x1400  }
0xe2: {  	s2 =	sshrl.u32 s2, $0x3;
	s18 =	sshll.u32 s7, $0x7;
	[sflag:s1] =	ssyncset.done $0x0  }
0xe3: {  	s24 =	smul.u32 $0xA0, s7;
	s7 =	sadd.s32 $0x9, s25;
	[sflag:s1] =	ssyncadd.s32 $0xFFFFEC00  }
0xe4: {  	[tilespmem:s29], [sflag:$0x3] =	stream.indirect.gather [hbm4b:s5+s30], $0x80, s0, s30, $0xb8;
	[tilespmem:$0x1EE80] =	vst v63  }
0xe5: {  	s2 =	sadd.s32 s4, s2;
	s23 =	sand.u32 $0xFC00, s18;
	s0 =	sand.u32 $0x380, s18  }
0xe6: {  	[tilespmem:s6], [sflag:$0xD] =	stream.linear.gather [hbm4b:s2+s20], $0x80, $0x38;
	[tilespmem:$0x1EE80] =	vst v63  }
0xe7: {  	s29 =	sshll.u32 s7, $0x7;
	s2 =	sadd.s32 s16, s23;
	_ =	swait.ge [sflag:s19], $0x1400  }
0xe8: {  	s0 =	sor.u32 s0, s2;
	s2 =	sshrl.u32 s24, $0x2;
	[sflag:s19] =	ssyncset.done $0x0  }
0xe9: {  	s0 =	sshrl.u32 s0, $0x3;
	s2 =	sadd.s32 $0x13880, s2;
	[sflag:s19] =	ssyncadd.s32 $0xFFFFEC00  }
0xea: {  	[tilespmem:s28], [sflag:$0x4] =	stream.indirect.gather [hbm4b:s5+s30], $0x80, s2, s30, $0xb8;
	[tilespmem:$0x1EE80] =	vst v63  }
0xeb: {  	s1 =	smul.u32 $0xA0, s7;
	s6 =	sand.u32 $0xFC00, s29;
	s0 =	sadd.s32 s4, s0  }
0xec: {  	[tilespmem:s31], [sflag:$0xE] =	stream.linear.gather [hbm4b:s0+s20], $0x80, $0x38;
	[tilespmem:$0x1EE80] =	vst v63  }
0xed: {  	s7 =	sadd.s32 s16, s6;
	s2 =	sand.u32 $0x380, s29;
	_ =	swait.ge [sflag:s3], $0x1400  }
0xee: {  	s2 =	sor.u32 s2, s7;
	s0 =	sshrl.u32 s1, $0x2;
	[sflag:s3] =	ssyncset.done $0x0  }
0xef: {  	s2 =	sshrl.u32 s2, $0x3;
	s0 =	sadd.s32 $0x13880, s0;
	[sflag:s3] =	ssyncadd.s32 $0xFFFFEC00  }
0xf0: {  	[tilespmem:s13], [sflag:$0x5] =	stream.indirect.gather [hbm4b:s5+s30], $0x80, s0, s30, $0xb8;
	[tilespmem:$0x1EE80] =	vst v63  }
0xf1: {  	s17 =	simm.s32 $0x1EE00;
	s18 =	simm.s32 $0x1;
	s13 =	sadd.s32 s4, s2  }
0xf2: {  	[tilespmem:s17], [sflag:$0xF] =	stream.linear.gather [hbm4b:s13+s20], $0x80, $0x38;
	[tilespmem:$0x1EE80] =	vst v63  }
0xf3: {  	_ =	swait.ge [sflag:s18], $0x1400  }
0xf4: {  	[sflag:s18] =	ssyncset.done $0x0  }
0xf5: {  	s19 =	simm.s32 $0xB;
	[sflag:s18] =	ssyncadd.s32 $0xFFFFEC00  }
0xf6: {  	_ =	swait.ge [sflag:s19], $0x80  }
0xf7: {  	[sflag:s19] =	ssyncset.done $0x0  }
0xf8: {  	s20 =	simm.s32 $0x2;
	[sflag:s19] =	ssyncadd.s32 $0xFFFFFF80  }
0xf9: {  	_ =	swait.ge [sflag:s20], $0x1400  }
0xfa: {  	[sflag:s20] =	ssyncset.done $0x0  }
0xfb: {  	s23 =	simm.s32 $0xC;
	[sflag:s20] =	ssyncadd.s32 $0xFFFFEC00  }
0xfc: {  	_ =	swait.ge [sflag:s23], $0x80  }
0xfd: {  	[sflag:s23] =	ssyncset.done $0x0  }
0xfe: {  	[sflag:s23] =	ssyncadd.s32 $0xFFFFFF80  }
0xff: {  	_ =	swait.ge [sflag:s8], $0x1400  }
0x100: {  	[sflag:s8] =	ssyncset.done $0x0  }
0x101: {  	[sflag:s8] =	ssyncadd.s32 $0xFFFFEC00  }
0x102: {  	_ =	swait.ge [sflag:s22], $0x80  }
0x103: {  	[sflag:s22] =	ssyncset.done $0x0  }
0x104: {  	[sflag:s22] =	ssyncadd.s32 $0xFFFFFF80  }
0x105: {  	_ =	swait.ge [sflag:s21], $0x1400  }
0x106: {  	[sflag:s21] =	ssyncset.done $0x0  }
0x107: {  	[sflag:s21] =	ssyncadd.s32 $0xFFFFEC00  }
0x108: {  	_ =	swait.ge [sflag:s12], $0x80  }
0x109: {  	[sflag:s12] =	ssyncset.done $0x0  }
0x10a: {  	[sflag:s12] =	ssyncadd.s32 $0xFFFFFF80  }
0x10b: {  	_ =	swait.ge [sflag:s10], $0x1400  }
0x10c: {  	[sflag:s10] =	ssyncset.done $0x0  }
0x10d: {  	[sflag:s10] =	ssyncadd.s32 $0xFFFFEC00  }
0x10e: {  	_ =	swait.ge [sflag:s9], $0x80  }
0x10f: {  	[sflag:s9] =	ssyncset.done $0x0  }
0x110: {  	s24 =	stileid.u32;
	[sflag:s9] =	ssyncadd.s32 $0xFFFFFF80  }
0x111: {  	s0 =	sshll.u32 s24, $0x6;
	[bflag:$0x0] =	sbarrier.arrive $0xFFFF  }
0x112: {  	s0 =	sor.u32 $0x1C10, s0;
	s8 =	rddreg [dreg:$0x4]  }
0x113: {  	s10 =	simm.s32 $0x10;
	s28 =	rddreg [dreg:$0x13];
	s25 =	sshrl.u32 s8, $0x3  }
0x114: {  	[hbm:s28], [sflag:s0] =	dma.local [spmem:s25], $0x2710  }
0x115: {  	_ =	swait.ge [sflag:s10], $0x2710  }
0x116: {  	s29 =	rddreg [dreg:$0x15]  }
0x117: {  	s31 =	rddreg [dreg:$0x14];
	s1 =	sadd.s32 $0x1, s29  }
0x118: {  	p0 =	sne.s32 s1, s31  }
.Ltmp2:
0x119: {  	s6 =	simm.s32 $0xB;
	(pc) =	sbr.rel @p0 .LBB2_1-.Ltmp2, $4  }
0x11a: {  	s24 =	simm.s32 $0xC;
	s13 =	simm.s32 $0x1B000;
	s17 =	simm.s32 $0x1  }
0x11b: {  	s18 =	simm.s32 $0x1ED00;
	s19 =	simm.s32 $0x1C400;
	s20 =	simm.s32 $0x1ED80  }
0x11c: {  	s23 =	simm.s32 $0x2;
	s22 =	simm.s32 $0x1EE00;
	[sflag:s10] =	ssyncset.done $0x0  }
0x11d: {  	s21 =	simm.s32 $0x1D800;
	s12 =	simm.s32 $0x1EC80;
	[sflag:s10] =	ssyncadd.s32 $0xFFFFD8F0  }
0x11e: {  	_ =	sfence.sel $0x180000  }
0x11f: {  	[bflag:$0x0] =	sbarrier.arrive $0xFFFF  }
0x120: {  	_ =	strace $0x9000004D  }
0x121: {  	s0 =	stileid.u32;
	[bflag:$0x2] =	sbarrier.arrive $0xFFFF  }
0x122: {  	p0 =	sne.s32 s0, $0x0;
	s0 =	rddreg [dreg:$0x3]  }
0x123: {  	s0 =	sadd.s32 @!p0 $0x100000, s0  }
0x124: {  	[sflag:s0] =	ssyncadd.tile.s32 @!p0 $0x1;
	_ =	shalt  }
.Lfunc_end2:
_tile_overlayer_lowered:
.L_overlay_start_2:
0x125: {  	(tag) =	ssettag $0x2  }
0x126: {  	s0 =	rddreg [dreg:$0x0];
	s2 =	stileid.u32  }
0x127: {  	s1 =	rddreg [dreg:$0x1];
	p0 =	sne.s32 s2, $0x0  }
0x128: {  	s3 =	rddreg [dreg:$0x2];
	[bflag:$0x3] =	sbarrier.arrive $0xFFFF;
	s2 =	simm.s32 @!p0 $0x1C10  }
0x129: {  	[timem:s3], [sflag:s2] =	dma.local @!p0 [hbm:s0], s1  }
0x12a: {  	s0 =	simm.s32 @!p0 $0x10  }
0x12b: {  	_ =	swait.ge @!p0 [sflag:s0], s1  }
0x12c: {  	s1 =	ssub.s32 @!p0 $0x0, s1;
	[sflag:s0] =	ssyncset.done @!p0 $0x0  }
0x12d: {  	[sflag:s0] =	ssyncadd.s32 @!p0 s1  }
0x12e: {  	[bflag:$0x3] =	sbarrier.arrive $0xFFFF  }
0x12f: {  	_ =	shalt  }

// kernel: kernel.19.cloned.1.call-start
scs
__scs_entry_jumppad:
0x0: {  	(pc) =	sbr.rel $0x88, $3  }
0x1: {  	(tag) =	ssettag $0x0;
	lr =	simm.s32 $0x1  }
0x2: {  	[smem:$0x3F97] =	sst lr;
	_ =	strace $0xD0000000  }
0x3: {  	_ = 	snop  }
0x4: {  	_ = 	snop  }
0x5: {  	_ = 	snop  }
0x6: {  	_ = 	snop  }
0x7: {  	_ = 	snop  }
__scs_overlays_trampoline_lowered:
0x8: {  	[smem:$0x3FA6] =	sst s0  }
0x9: {  	[smem:$0x3FA7] =	sst s1  }
0xa: {  	[smem:$0x3FA8] =	sst s2  }
0xb: {  	[smem:$0x3FA9] =	sst s3  }
0xc: {  	[smem:$0x3FAA] =	sst s4  }
0xd: {  	[smem:$0x3FAB] =	sst s5  }
0xe: {  	[smem:$0x3FAC] =	sst s6  }
0xf: {  	[smem:$0x3FAD] =	sst s7  }
0x10: {  	[smem:$0x3FAE] =	sst s8  }
0x11: {  	[smem:$0x3FAF] =	sst s9;
	s0 =	simm.s32 @!p0 $0x0  }
0x12: {  	s1 =	sld [smem:$0x3F95];
	s0 =	simm.s32 @p0 $0x1  }
0x13: {  	[smem:$0x3FB0] =	sst s0;
	s0 =	simm.s32 @!p1 $0x0  }
0x14: {  	s2 =	sld [smem:$0x3F94];
	s0 =	simm.s32 @p1 $0x1  }
0x15: {  	[smem:$0x3FB1] =	sst s0;
	s0 =	simm.s32 @!p2 $0x0  }
0x16: {  	s3 =	sld [smem:$0x3FDB];
	s0 =	simm.s32 @p2 $0x1  }
0x17: {  	s4 =	simm.s32 $0x1BF5;
	[smem:$0x3FB3] =	sst s0  }
0x18: {  	s0 =	sld [smem:$0x3F96];
	_ =	swait.ge [sflag:s4], $0x0  }
0x19: {  	s7 =	sld [smem:$0x3F97]  }
0x1a: {  	s8 =	sadd.s32 $0xFFFFE003, lr  }
0x1b: {  	s9 =	sadd.s32 $0xFFFFFEF7, lr;
	s5 =	simm.s32 $0xFFFFFFFF;
	p2 =	slt.u32 s8, $0xFFFFF086  }
0x1c: {  	p1 =	slt.u32 s9, $0xF7A;
	s5 =	simm.s32 @!p2 $0x0  }
0x1d: {  	s5 =	simm.s32 @p1 $0x1;
	p0 =	seq.s32 s7, s2  }
0x1e: {  	s7 =	smul.u32 @!p0 $0xF7A, s2;
	p2 =	seq.s32 @!p0 s5, $0x0  }
0x1f: {  	s9 =	smul.u32 $0xF7A, s1;
	s8 =	simm.s32 @!p0 $0x1BF5;
	p2 =	por !p2, p0  }
0x20: {  	[sflag:s8] =	ssyncset.s32 @!p0 $0xFFFFF086;
	s6 =	sadd.s32 @!p0 s3, s7;
	s7 =	simm.s32 @!p0 $0x108  }
0x21: {  	s3 =	sadd.s32 s3, s9;
	s6 =	sadd.s32 @!p0 $0x88, s6;
	s7 =	simm.s32 @p2 $0x1082  }
0x22: {  	[simem:s7], [sflag:s8] =	dma.local @!p0 [hbm:s6], $0xF7A  }
0x23: {  	s9 =	sor.u32 $0xD0000000, s2;
	s6 =	simm.s32 $0x108;
	_ =	swait.ge @!p0 [sflag:s8], $0x0  }
0x24: {  	s3 =	sadd.s32 $0x88, s3;
	s6 =	simm.s32 @!p1 $0x1082;
	[sflag:s4] =	ssyncset.s32 $0xFFFFF086  }
0x25: {  	[simem:s6], [sflag:s4] =	dma.local [hbm:s3], $0xF7A  }
0x26: {  	[smem:$0x3F97] =	sst s1;
	(tag) =	ssettag s2;
	_ =	strace s9  }
0x27: {  	s1 =	sld [smem:$0x3FA7]  }
0x28: {  	s2 =	sld [smem:$0x3FA8]  }
0x29: {  	s4 =	sld [smem:$0x3FAA]  }
0x2a: {  	p0 =	seq.s32 s5, $0x0;
	s5 =	sld [smem:$0x3FAB]  }
0x2b: {  	s6 =	sld [smem:$0x3FAC]  }
0x2c: {  	s7 =	sld [smem:$0x3FAD]  }
0x2d: {  	s3 =	simm.s32 $0x108;
	s8 =	sld [smem:$0x3FAE]  }
0x2e: {  	s3 =	simm.s32 @!p0 $0x1082;
	s9 =	sld [smem:$0x3FAF]  }
0x2f: {  	lr =	sadd.s32 s0, s3;
	s0 =	sld [smem:$0x3FA6]  }
0x30: {  	s3 =	sld [smem:$0x3FA9]  }
0x31: {  	[smem:$0x3FB2] =	sst s10  }
0x32: {  	s10 =	sld [smem:$0x3FB0];
	_ =	sdelay $0x3  }
0x33: {  	p0 =	seq.s32 s10, $0x1;
	s10 =	sld [smem:$0x3FB2];
	_ =	sdelay $0x3  }
0x34: {  	[smem:$0x3FB2] =	sst s10  }
0x35: {  	s10 =	sld [smem:$0x3FB1];
	_ =	sdelay $0x3  }
0x36: {  	p1 =	seq.s32 s10, $0x1;
	s10 =	sld [smem:$0x3FB2];
	_ =	sdelay $0x3  }
0x37: {  	[smem:$0x3FB2] =	sst s10  }
0x38: {  	s10 =	sld [smem:$0x3FB3]  }
0x39: {  	_ = 	snop;
	(pc) =	sbr.ind lr, $3  }
0x3a: {  	_ = 	snop  }
0x3b: {  	_ = 	snop  }
0x3c: {  	p2 =	seq.s32 s10, $0x1;
	s10 =	sld [smem:$0x3FB2]  }
0x3d: {  	_ =	shalt  }
0x3e: {  	_ =	shalt  }
0x3f: {  	_ =	shalt  }
0x40: {  	_ =	shalt  }
0x41: {  	_ =	shalt  }
0x42: {  	_ =	shalt  }
0x43: {  	_ =	shalt  }
0x44: {  	_ =	shalt  }
0x45: {  	_ =	shalt  }
0x46: {  	_ =	shalt  }
0x47: {  	_ =	shalt  }
0x48: {  	_ =	shalt  }
0x49: {  	_ =	shalt  }
0x4a: {  	_ =	shalt  }
0x4b: {  	_ =	shalt  }
0x4c: {  	_ =	shalt  }
0x4d: {  	_ =	shalt  }
0x4e: {  	_ =	shalt  }
0x4f: {  	_ =	shalt  }
0x50: {  	_ =	shalt  }
0x51: {  	_ =	shalt  }
0x52: {  	_ =	shalt  }
0x53: {  	_ =	shalt  }
0x54: {  	_ =	shalt  }
0x55: {  	_ =	shalt  }
0x56: {  	_ =	shalt  }
0x57: {  	_ =	shalt  }
0x58: {  	_ =	shalt  }
0x59: {  	_ =	shalt  }
0x5a: {  	_ =	shalt  }
0x5b: {  	_ =	shalt  }
0x5c: {  	_ =	shalt  }
0x5d: {  	_ =	shalt  }
0x5e: {  	_ =	shalt  }
0x5f: {  	_ =	shalt  }
0x60: {  	_ =	shalt  }
0x61: {  	_ =	shalt  }
0x62: {  	_ =	shalt  }
0x63: {  	_ =	shalt  }
0x64: {  	_ =	shalt  }
0x65: {  	_ =	shalt  }
0x66: {  	_ =	shalt  }
0x67: {  	_ =	shalt  }
0x68: {  	_ =	shalt  }
0x69: {  	_ =	shalt  }
0x6a: {  	_ =	shalt  }
0x6b: {  	_ =	shalt  }
0x6c: {  	_ =	shalt  }
0x6d: {  	_ =	shalt  }
0x6e: {  	_ =	shalt  }
0x6f: {  	_ =	shalt  }
0x70: {  	_ =	shalt  }
0x71: {  	_ =	shalt  }
0x72: {  	_ =	shalt  }
0x73: {  	_ =	shalt  }
0x74: {  	_ =	shalt  }
0x75: {  	_ =	shalt  }
0x76: {  	_ =	shalt  }
0x77: {  	_ =	shalt  }
0x78: {  	_ =	shalt  }
0x79: {  	_ =	shalt  }
0x7a: {  	_ =	shalt  }
0x7b: {  	_ =	shalt  }
0x7c: {  	_ =	shalt  }
0x7d: {  	_ =	shalt  }
0x7e: {  	_ =	shalt  }
0x7f: {  	_ =	shalt  }
0x80: {  	_ =	shalt  }
0x81: {  	_ =	shalt  }
0x82: {  	_ =	shalt  }
0x83: {  	_ =	shalt  }
0x84: {  	_ =	shalt  }
0x85: {  	_ =	shalt  }
0x86: {  	_ =	shalt  }
0x87: {  	_ =	shalt  }
.Lfunc_end0:
.L_simem_size_0:
called_computation.3_lowered:
.L_overlay_start_0:
0x88: {  	s2 =	sld [smem:$0x3FD9]  }
0x89: {  	s3 =	sld [smem:$0x3FFE];
	_ =	sdelay $0x1  }
0x8a: {  	s1 =	srdreg.scid  }
0x8b: {  	s0 =	sand.u32 $0x1, s1  }
0x8c: {  	s17 =	sshll.u32 s0, $0xA;
	s2 =	sadd.s32 s3, s2  }
0x8d: {  	s2 =	sadd.s32 s2, s17  }
0x8e: {  	[smem:$0x3FBE] =	sst s2  }
0x8f: {  	_ = 	snop  }
0x90: {  	s2 =	sld [smem:$0x3FD0];
	(tm) =	ssettm $0x1  }
0x91: {  	s18 =	sld [smem:$0x3FFB];
	_ =	sdelay $0x3  }
0x92: {  	_ =	strace s18  }
0x93: {  	s3 =	sld [smem:$0x3FFC];
	_ =	sdelay $0x3  }
0x94: {  	_ =	strace s3  }
0x95: {  	s3 =	sld [smem:$0x3FFD];
	_ =	sdelay $0x3  }
0x96: {  	_ =	strace s3  }
0x97: {  	_ =	strace $0x8FFFFFFF  }
0x98: {  	s19 =	sld [smem:$0x3FDB];
	_ =	sdelay $0x1  }
0x99: {  	s4 =	simm.s32 $_scs_section_size  }
0x9a: {  	s5 =	simm.s32 $_size__tile_overlayer_lowered;
	s6 =	simm.s32 $_tile_overlayer_lowered  }
0x9b: {  	s22 =	simm.s32 $0x1BFF;
	s21 =	sshll.u32 s6, $0x1;
	s3 =	sadd.s32 s4, s19  }
0x9c: {  	s7 =	simm.s32 $0x0;
	s20 =	sshll.u32 s5, $0x1;
	s5 =	sadd.s32 s21, s3  }
0x9d: {  	[timem:s7], [sflag:s22] =	dma.local [hbm:s5], s20  }
0x9e: {  	_ =	swait.ge [sflag:s22], s20  }
0x9f: {  	s4 =	ssub.s32 $0x0, s20;
	[sflag:s22] =	ssyncset.done $0x0  }
0xa0: {  	[sflag:s22] =	ssyncadd.s32 s4;
	_ =	sdelay $0x1  }
0xa1: {  	s23 =	simm.s32 $0x1B8B  }
0xa2: {  	_ =	swait.ge [sflag:s23], $0x1  }
0xa3: {  	[sflag:s23] =	ssyncset.done $0x0  }
0xa4: {  	s25 =	simm.s32 $0x1B8E;
	s24 =	sld [smem:$0x3FFE];
	[sflag:s23] =	ssyncadd.s32 $0xFFFFFFFF  }
0xa5: {  	s26 =	simm.s32 $execute0_lowered;
	[smem:$0x3FD2] =	sst s25  }
0xa6: {  	s5 =	sshll.u32 s26, $0x1;
	_ =	strace $0x8000004F;
	[dreg:$0x1] =	wrdreg $0xFFFFFFFF  }
0xa7: {  	s28 =	simm.s32 $_size_execute0_lowered;
	s3 =	sadd.s32 s3, s5;
	[dreg:$0x0] =	wrdreg $0x0  }
0xa8: {  	s5 =	sshll.u32 s28, $0x1;
	[dreg:$0x2] =	wrdreg s3  }
0xa9: {  	[dreg:$0x3] =	wrdreg s5  }
0xaa: {  	[dreg:$0x4] =	wrdreg $0xC0  }
0xab: {  	_ =	task [dreg:s7], $0x5FFFF  }
0xac: {  	[dreg:$0x1] =	wrdreg $0xFFFFFFFF  }
0xad: {  	[dreg:$0x0] =	wrdreg $0x60  }
0xae: {  	[dreg:$0x2] =	wrdreg s2  }
0xaf: {  	[dreg:$0x3] =	wrdreg s24  }
0xb0: {  	[dreg:$0x4] =	wrdreg $0x0  }
0xb1: {  	[dreg:$0x5] =	wrdreg $0x9  }
0xb2: {  	_ =	task.clear_ibuf [dreg:s7], $0x6FFFF;
	_ =	strace $0x9000004F  }
0xb3: {  	s29 =	simm.s32 $0x9;
	_ =	strace $0x80000051  }
0xb4: {  	_ =	swait.ge [sflag:s29], $0x1  }
0xb5: {  	[sflag:s29] =	ssyncadd.s32 $0xFFFFFFFF  }
0xb6: {  	_ =	strace $0x90000051  }
0xb7: {  	_ =	sfence  }
0xb8: {  	s30 =	sld [smem:$0x0];
	_ =	sdelay $0x2  }
0xb9: {  	s31 =	sshll.u32 s1, $0xD;
	s1 =	sshrl.u32 s1, $0x2  }
0xba: {  	s3 =	sand.u32 $0x4000, s31;
	s1 =	sadd.s32 s1, s30  }
0xbb: {  	s0 =	sor.u32 s3, s0;
	s1 =	sshll.u32 s1, $0x11  }
0xbc: {  	s0 =	sor.u32 s1, s0  }
0xbd: {  	s0 =	sadd.s32 $0x8F2B, s0  }
0xbe: {  	[sflag:s0] =	ssyncadd.remote.s32 $0x1  }
0xbf: {  	_ =	sfence.sel $0xFFFF  }
0xc0: {  	[dreg:$0x0] =	wrdreg $0xFFFFFFFF;
	(pc) =	sbr.abs _section_cstart, $3  }
0xc1: {  	[dreg:$0x1] =	wrdreg $0xFFFFFFFF  }
0xc2: {  	_ =	task.clear_ibuf [dreg:s7], $0x2FFFF;
	_ =	strace $0x9FFFFFFF  }
0xc3: {  	(tm) =	ssettm $0x7FFFFFFF  }
tec
execute0_lowered:
.L_overlay_start_1:
0x0: {  	(tag) =	ssettag $0x1  }
0x1: {  	s0 =	rddreg [dreg:$0x0]  }
0x2: {  	s2 =	rddreg [dreg:$0x1]  }
0x3: {  	s1 =	rddreg [dreg:$0x2]  }
0x4: {  	s4 =	srdreg.scid;
	s3 =	simm.s32 $0x0;
	s11 =	stileid.u32  }
0x5: {  	s30 =	simm.s32 $0x28;
	s6 =	sand.u32 $0x1, s4;
	[smem:$0x7FF] =	sst s3  }
0x6: {  	s8 =	smul.u32 $0x13C00, s11;
	s5 =	sadd.s32 $0x35000, s2;
	s12 =	sshll.u32 s11, $0x7  }
0x7: {  	s7 =	smul.u32 $0x13C000, s6;
	s4 =	sshll.u32 s6, $0x4;
	_ =	strace $0x80000050  }
0x8: {  	s6 =	ssub.s32 $0x2, s6;
	s13 =	sand.u32 $0x380, s12;
	s12 =	simm.s32 $0x1EC80  }
0x9: {  	s9 =	sor.u32 s11, s4;
	s4 =	sadd.s32 $0x15000, s2;
	s11 =	smul.u32 $0x4E200, s11  }
0xa: {  	s14 =	sshrl.u32 s6, $0x1;
	s10 =	sshrl.u32 s9, $0x3;
	s7 =	sadd.s32 s8, s7  }
0xb: {  	s6 =	ssub.s32 s6, s14;
	s23 =	sshll.u32 s9, $0xC;
	s14 =	simm.s32 $0x18800  }
0xc: {  	s3 =	smul.u32 $0x13C00, s10;
	s15 =	sshrl.u32 s11, $0x2;
	s31 =	smax.u32 s6, $0x1  }
0xd: {  	s7 =	sshrl.u32 s7, $0x3;
	s8 =	sadd.s32 s15, s1;
	[dreg:$0x14] =	wrdreg s31  }
0xe: {  	s10 =	simm.s32 $0x10;
	s16 =	sadd.s32 $0x2580, s8;
	[dreg:$0x4] =	wrdreg s8  }
0xf: {  	s11 =	simm.s32 $0x1EC00;
	s17 =	sadd.s32 $0x4B00, s8;
	[dreg:$0x6] =	wrdreg s16  }
0x10: {  	s6 =	simm.s32 $0xB;
	s18 =	sadd.s32 $0x7080, s8;
	[dreg:$0x7] =	wrdreg s17  }
0x11: {  	s2 =	sadd.s32 s7, s2;
	s19 =	sadd.s32 $0x9600, s8;
	[dreg:$0x8] =	wrdreg s18  }
0x12: {  	s15 =	simm.s32 $0x19C00;
	s20 =	sadd.s32 $0xBB80, s8;
	[dreg:$0x9] =	wrdreg s19  }
0x13: {  	s1 =	simm.s32 $0x0;
	s21 =	sadd.s32 $0xE100, s8;
	[dreg:$0xa] =	wrdreg s20  }
0x14: {  	s7 =	sor.u32 s13, s3;
	s22 =	sadd.s32 $0x10680, s8;
	[dreg:$0xb] =	wrdreg s21  }
0x15: {  	s24 =	sadd.s32 $0x12C00, s8;
	s29 =	sadd.s32 $0x83400, s2;
	[dreg:$0xc] =	wrdreg s22  }
0x16: {  	s13 =	simm.s32 $0x1B000;
	s3 =	simm.s32 $0xA;
	[dreg:$0xd] =	wrdreg s24  }
0x17: {  	s7 =	sshrl.u32 s7, $0x3;
	s16 =	sshll.u32 s9, $0xF;
	[dreg:$0x13] =	wrdreg s29  }
0x18: {  	s18 =	simm.s32 $0x1ED00;
	s19 =	simm.s32 $0x1C400;
	s0 =	sadd.s32 s0, s7  }
0x19: {  	s20 =	simm.s32 $0x1ED80;
	[dreg:$0x5] =	wrdreg s0;
	s0 =	sadd.s32 s4, s23  }
0x1a: {  	s21 =	simm.s32 $0x1D800;
	s25 =	sadd.s32 $0x10, s0;
	[dreg:$0xe] =	wrdreg s0  }
0x1b: {  	s22 =	simm.s32 $0x1EE00;
	s26 =	sadd.s32 $0x20, s0;
	[dreg:$0xf] =	wrdreg s25  }
0x1c: {  	s17 =	simm.s32 $0x1;
	s28 =	sadd.s32 $0x30, s0;
	[dreg:$0x10] =	wrdreg s26  }
0x1d: {  	s24 =	simm.s32 $0xC;
	s0 =	sadd.s32 $0x40, s0;
	[dreg:$0x11] =	wrdreg s28  }
0x1e: {  	v0 =	vimm.f32 $0.0e+00;
	s23 =	simm.s32 $0x2;
	[dreg:$0x12] =	wrdreg s0;
	s26 =	simm.s32 $0x6  }
.LBB2_1:
0x1f: {  	[dreg:$0x15] =	wrdreg s1;
	s0 =	simm.s32 $0x0;
	s2 =	simm.s32 $0x200  }
.LBB2_2:
0x20: {  	p0 =	sne.s32 s2, $0x9400;
	[tilespmem:s0+$0x16070] =	vst v0  }
0x21: {  	[tilespmem:s0+$0x16000] =	vst v0  }
0x22: {  	[tilespmem:s0+$0x16010] =	vst v0  }
.Ltmp0:
0x23: {  	[tilespmem:s0+$0x16020] =	vst v0;
	(pc) =	sbr.rel @p0 .LBB2_2-.Ltmp0, $4  }
0x24: {  	[tilespmem:s0+$0x16030] =	vst v0  }
0x25: {  	[tilespmem:s0+$0x16040] =	vst v0  }
0x26: {  	[tilespmem:s0+$0x16050] =	vst v0  }
0x27: {  	[tilespmem:s0+$0x16060] =	vst v0;
	s0 =	sshra.s32 s2, $0x2;
	s2 =	sadd.s32 $0x200, s2  }
0x28: {  	[tilespmem:s0+$0x16070] =	vst v0  }
0x29: {  	[tilespmem:s0+$0x16000] =	vst v0  }
0x2a: {  	[tilespmem:s0+$0x16010] =	vst v0  }
0x2b: {  	[tilespmem:s0+$0x16020] =	vst v0  }
0x2c: {  	[tilespmem:s0+$0x16030] =	vst v0  }
0x2d: {  	[tilespmem:s0+$0x16040] =	vst v0  }
0x2e: {  	[tilespmem:s0+$0x16050] =	vst v0;
	s25 =	rddreg [dreg:$0x5]  }
0x2f: {  	[tilespmem:s0+$0x16060] =	vst v0;
	s2 =	simm.s32 $0x80;
	s7 =	simm.s32 $0x400;
	s9 =	simm.s32 $0x13880  }
0x30: {  	[tilespmem:s9], [sflag:$0x10] =	stream.strided.gather [hbm4b:s25+s2], $0x2780, s7, s2, $0x38;
	[tilespmem:$0x1EE80] =	vst v63  }
0x31: {  	_ =	swait.ge [sflag:s10], $0x2780  }
0x32: {  	[sflag:s10] =	ssyncset.done $0x0  }
0x33: {  	s2 =	simm.s32 $0x16000;
	[sflag:s10] =	ssyncadd.s32 $0xFFFFD880  }
0x34: {  	[spmem:s8] =	stream.linear.scatter [tilespmem:s2], [sflag:$0x10], $0x2580, $0x38;
	[tilespmem:$0x1EE80] =	vst v63  }
0x35: {  	_ =	swait.ge [sflag:s10], $0x2580  }
0x36: {  	[sflag:s10] =	ssyncset.done $0x0  }
0x37: {  	s28 =	rddreg [dreg:$0x6];
	[sflag:s10] =	ssyncadd.s32 $0xFFFFDA80  }
0x38: {  	[spmem:s28] =	stream.linear.scatter [tilespmem:s2], [sflag:$0x10], $0x2580, $0x38;
	[tilespmem:$0x1EE80] =	vst v63  }
0x39: {  	_ =	swait.ge [sflag:s10], $0x2580  }
0x3a: {  	[sflag:s10] =	ssyncset.done $0x0  }
0x3b: {  	s29 =	rddreg [dreg:$0x7];
	[sflag:s10] =	ssyncadd.s32 $0xFFFFDA80  }
0x3c: {  	[spmem:s29] =	stream.linear.scatter [tilespmem:s2], [sflag:$0x10], $0x2580, $0x38;
	[tilespmem:$0x1EE80] =	vst v63  }
0x3d: {  	_ =	swait.ge [sflag:s10], $0x2580  }
0x3e: {  	[sflag:s10] =	ssyncset.done $0x0  }
0x3f: {  	s1 =	rddreg [dreg:$0x8];
	[sflag:s10] =	ssyncadd.s32 $0xFFFFDA80  }
0x40: {  	[spmem:s1] =	stream.linear.scatter [tilespmem:s2], [sflag:$0x10], $0x2580, $0x38;
	[tilespmem:$0x1EE80] =	vst v63  }
0x41: {  	_ =	swait.ge [sflag:s10], $0x2580  }
0x42: {  	[sflag:s10] =	ssyncset.done $0x0  }
0x43: {  	s7 =	rddreg [dreg:$0x9];
	[sflag:s10] =	ssyncadd.s32 $0xFFFFDA80  }
0x44: {  	[spmem:s7] =	stream.linear.scatter [tilespmem:s2], [sflag:$0x10], $0x2580, $0x38;
	[tilespmem:$0x1EE80] =	vst v63  }
0x45: {  	_ =	swait.ge [sflag:s10], $0x2580  }
0x46: {  	[sflag:s10] =	ssyncset.done $0x0  }
0x47: {  	s8 =	rddreg [dreg:$0xa];
	[sflag:s10] =	ssyncadd.s32 $0xFFFFDA80  }
0x48: {  	[spmem:s8] =	stream.linear.scatter [tilespmem:s2], [sflag:$0x10], $0x2580, $0x38;
	[tilespmem:$0x1EE80] =	vst v63  }
0x49: {  	_ =	swait.ge [sflag:s10], $0x2580  }
0x4a: {  	[sflag:s10] =	ssyncset.done $0x0  }
0x4b: {  	s25 =	rddreg [dreg:$0xb];
	[sflag:s10] =	ssyncadd.s32 $0xFFFFDA80  }
0x4c: {  	[spmem:s25] =	stream.linear.scatter [tilespmem:s2], [sflag:$0x10], $0x2580, $0x38;
	[tilespmem:$0x1EE80] =	vst v63  }
0x4d: {  	_ =	swait.ge [sflag:s10], $0x2580  }
0x4e: {  	[sflag:s10] =	ssyncset.done $0x0  }
0x4f: {  	s28 =	rddreg [dreg:$0xc];
	[sflag:s10] =	ssyncadd.s32 $0xFFFFDA80  }
0x50: {  	[spmem:s28] =	stream.linear.scatter [tilespmem:s2], [sflag:$0x10], $0x2580, $0x38;
	[tilespmem:$0x1EE80] =	vst v63  }
0x51: {  	_ =	swait.ge [sflag:s10], $0x2580  }
0x52: {  	[sflag:s10] =	ssyncset.done $0x0  }
0x53: {  	s29 =	rddreg [dreg:$0xd];
	[sflag:s10] =	ssyncadd.s32 $0xFFFFDA80  }
0x54: {  	[spmem:s29] =	stream.linear.scatter [tilespmem:s2], [sflag:$0x10], $0xC80, $0x38;
	[tilespmem:$0x1EE80] =	vst v63  }
0x55: {  	_ =	swait.ge [sflag:s10], $0xC80  }
0x56: {  	[sflag:s10] =	ssyncset.done $0x0  }
0x57: {  	[sflag:s10] =	ssyncadd.s32 $0xFFFFF380  }
0x58: {  	[bflag:$0x0] =	sbarrier.arrive $0xFFFF  }
0x59: {  	[tilespmem:s14], [sflag:$0x1] =	stream.indirect.gather [hbm4b:s5+s30], $0x80, s9, s30, $0xb8;
	[tilespmem:$0x1EE80] =	vst v63  }
0x5a: {  	s31 =	simm.s32 $0x0;
	s1 =	rddreg [dreg:$0xe]  }
0x5b: {  	[tilespmem:s11], [sflag:$0xB] =	stream.linear.gather [hbm4b:s1+s31], $0x80, $0x38;
	[tilespmem:$0x1EE80] =	vst v63  }
0x5c: {  	s2 =	simm.s32 $0x138A8  }
0x5d: {  	[tilespmem:s15], [sflag:$0x2] =	stream.indirect.gather [hbm4b:s5+s30], $0x80, s2, s30, $0xb8;
	[tilespmem:$0x1EE80] =	vst v63  }
0x5e: {  	s7 =	rddreg [dreg:$0xf]  }
0x5f: {  	[tilespmem:s12], [sflag:$0xC] =	stream.linear.gather [hbm4b:s7+s31], $0x80, $0x38;
	[tilespmem:$0x1EE80] =	vst v63  }
0x60: {  	s8 =	simm.s32 $0x138D0  }
0x61: {  	[tilespmem:s13], [sflag:$0x3] =	stream.indirect.gather [hbm4b:s5+s30], $0x80, s8, s30, $0xb8;
	[tilespmem:$0x1EE80] =	vst v63  }
0x62: {  	s9 =	rddreg [dreg:$0x10]  }
0x63: {  	[tilespmem:s18], [sflag:$0xD] =	stream.linear.gather [hbm4b:s9+s31], $0x80, $0x38;
	[tilespmem:$0x1EE80] =	vst v63  }
0x64: {  	s10 =	simm.s32 $0x138F8  }
0x65: {  	[tilespmem:s19], [sflag:$0x4] =	stream.indirect.gather [hbm4b:s5+s30], $0x80, s10, s30, $0xb8;
	[tilespmem:$0x1EE80] =	vst v63  }
0x66: {  	s13 =	rddreg [dreg:$0x11]  }
0x67: {  	[tilespmem:s20], [sflag:$0xE] =	stream.linear.gather [hbm4b:s13+s31], $0x80, $0x38;
	[tilespmem:$0x1EE80] =	vst v63  }
0x68: {  	s18 =	simm.s32 $0x13920  }
0x69: {  	[tilespmem:s21], [sflag:$0x5] =	stream.indirect.gather [hbm4b:s5+s30], $0x80, s18, s30, $0xb8;
	[tilespmem:$0x1EE80] =	vst v63  }
0x6a: {  	s19 =	rddreg [dreg:$0x12]  }
0x6b: {  	[tilespmem:s22], [sflag:$0xF] =	stream.linear.gather [hbm4b:s19+s31], $0x80, $0x38;
	[tilespmem:$0x1EE80] =	vst v63  }
0x6c: {  	_ =	swait.ge [sflag:s17], $0x1400  }
0x6d: {  	[sflag:s17] =	ssyncset.done $0x0  }
0x6e: {  	[sflag:s17] =	ssyncadd.s32 $0xFFFFEC00  }
0x6f: {  	s1 =	simm.s32 $0x8;
	s20 =	smin.u32 s31, $0xF4;
	_ =	swait.ge [sflag:s6], $0x80  }
0x70: {  	s21 =	sadd.s32 $0x5, s20;
	s18 =	simm.s32 $0x7;
	[sflag:s6] =	ssyncset.done $0x0  }
0x71: {  	s20 =	simm.s32 $0x0;
	s0 =	sshll.u32 s21, $0x7;
	[sflag:s6] =	ssyncadd.s32 $0xFFFFFF80  }
0x72: {  	s7 =	smul.u32 $0xA0, s21;
	s22 =	smin.u32 s31, $0xF3;
	s13 =	rddreg [dreg:$0x2]  }
0x73: {  	[spmem:s13] =	stream.indirect.scatter.add.f32 [tilespmem:s14], [sflag:$0x6], $0x80, s11, s30, $0xb8;
	[tilespmem:$0x1EE80] =	vst v63  }
0x74: {  	s25 =	sand.u32 $0xFC00, s0;
	s0 =	sand.u32 $0x380, s0;
	_ =	swait.ge [sflag:s23], $0x1400  }
0x75: {  	s2 =	sadd.s32 $0x6, s22;
	s8 =	sadd.s32 s16, s25;
	[sflag:s23] =	ssyncset.done $0x0  }
0x76: {  	s28 =	sshll.u32 s2, $0x7;
	s8 =	sor.u32 s0, s8;
	[sflag:s23] =	ssyncadd.s32 $0xFFFFEC00  }
0x77: {  	s25 =	smul.u32 $0xA0, s2;
	s29 =	sand.u32 $0xFC00, s28;
	_ =	swait.ge [sflag:s24], $0x80  }
0x78: {  	s9 =	sand.u32 $0x380, s28;
	s2 =	sshrl.u32 s8, $0x3;
	[sflag:s24] =	ssyncset.done $0x0  }
0x79: {  	s8 =	simm.s32 $0x3;
	s0 =	sadd.s32 s16, s29;
	[sflag:s24] =	ssyncadd.s32 $0xFFFFFF80  }
0x7a: {  	[spmem:s13] =	stream.indirect.scatter.add.f32 [tilespmem:s15], [sflag:$0x7], $0x80, s12, s30, $0xb8;
	[tilespmem:$0x1EE80] =	vst v63  }
0x7b: {  	s19 =	simm.s32 $0x9;
	s9 =	sor.u32 s9, s0;
	_ =	swait.ge [sflag:s8], $0x1400  }
0x7c: {  	s0 =	simm.s32 $0x5;
	s24 =	sshrl.u32 s9, $0x3;
	[sflag:s8] =	ssyncset.done $0x0  }
.LBB2_4:
0x7d: {  	[sflag:s8] =	ssyncadd.s32 $0xFFFFEC00;
	s10 =	simm.s32 $0xD  }
0x7e: {  	_ =	swait.ge [sflag:s10], $0x80  }
0x7f: {  	s17 =	smin.u32 s31, $0xF2;
	s29 =	simm.s32 $0x1B000;
	[sflag:s10] =	ssyncset.done $0x0  }
0x80: {  	s6 =	simm.s32 $0x1ED00;
	s22 =	simm.s32 $0x4;
	[sflag:s10] =	ssyncadd.s32 $0xFFFFFF80  }
0x81: {  	[spmem:s13] =	stream.indirect.scatter.add.f32 [tilespmem:s29], [sflag:$0x8], $0x80, s6, s30, $0xb8;
	[tilespmem:$0x1EE80] =	vst v63  }
0x82: {  	s21 =	smin.u32 s31, $0xF1;
	s14 =	simm.s32 $0xE;
	_ =	swait.ge [sflag:s22], $0x1400  }
0x83: {  	s7 =	sshrl.u32 s7, $0x2;
	s8 =	sadd.s32 $0x7, s17;
	[sflag:s22] =	ssyncset.done $0x0  }
0x84: {  	s12 =	sadd.s32 $0x8, s21;
	s21 =	simm.s32 $0x5;
	[sflag:s22] =	ssyncadd.s32 $0xFFFFEC00  }
0x85: {  	s23 =	smul.u32 $0xA0, s8;
	s8 =	sshll.u32 s8, $0x7;
	_ =	swait.ge [sflag:s14], $0x80  }
0x86: {  	s11 =	sadd.s32 $0x13880, s7;
	s28 =	sand.u32 $0xFC00, s8;
	[sflag:s14] =	ssyncset.done $0x0  }
0x87: {  	s7 =	sshrl.u32 s23, $0x2;
	s10 =	sadd.s32 s16, s28;
	[sflag:s14] =	ssyncadd.s32 $0xFFFFFF80  }
0x88: {  	s23 =	simm.s32 $0x1ED80;
	s28 =	simm.s32 $0x1C400;
	s22 =	rddreg [dreg:$0x2]  }
0x89: {  	[spmem:s22] =	stream.indirect.scatter.add.f32 [tilespmem:s28], [sflag:$0x9], $0x80, s23, s30, $0xb8;
	[tilespmem:$0x1EE80] =	vst v63  }
0x8a: {  	_ =	swait.ge [sflag:s21], $0x1400  }
0x8b: {  	s8 =	sand.u32 $0x380, s8;
	[sflag:s21] =	ssyncset.done $0x0  }
0x8c: {  	s13 =	sshll.u32 s12, $0x7;
	s22 =	simm.s32 $0xF;
	[sflag:s21] =	ssyncadd.s32 $0xFFFFEC00  }
0x8d: {  	s8 =	sor.u32 s8, s10;
	s17 =	sand.u32 $0xFC00, s13;
	_ =	swait.ge [sflag:s22], $0x80  }
0x8e: {  	s13 =	sand.u32 $0x380, s13;
	s17 =	sadd.s32 s16, s17;
	[sflag:s22] =	ssyncset.done $0x0  }
0x8f: {  	s10 =	sshrl.u32 s8, $0x3;
	s8 =	sor.u32 s13, s17;
	[sflag:s22] =	ssyncadd.s32 $0xFFFFFF80  }
0x90: {  	s21 =	simm.s32 $0x1EE00;
	s22 =	simm.s32 $0x1D800;
	s13 =	rddreg [dreg:$0x2]  }
0x91: {  	[spmem:s13] =	stream.indirect.scatter.add.f32 [tilespmem:s22], [sflag:$0xA], $0x80, s21, s30, $0xb8;
	[tilespmem:$0x1EE80] =	vst v63  }
0x92: {  	_ =	swait.ge [sflag:s26], $0x1400  }
0x93: {  	[sflag:s26] =	ssyncset.done $0x0  }
0x94: {  	s14 =	simm.s32 $0x18800;
	[sflag:s26] =	ssyncadd.s32 $0xFFFFEC00  }
0x95: {  	[tilespmem:s14], [sflag:$0x1] =	stream.indirect.gather [hbm4b:s5+s30], $0x80, s11, s30, $0xb8;
	[tilespmem:$0x1EE80] =	vst v63  }
0x96: {  	s15 =	simm.s32 $0x1EC00;
	s2 =	sadd.s32 s4, s2  }
0x97: {  	[tilespmem:s15], [sflag:$0xB] =	stream.linear.gather [hbm4b:s2+s20], $0x80, $0x38;
	[tilespmem:$0x1EE80] =	vst v63  }
0x98: {  	s9 =	smov.u32 s0;
	s12 =	smul.u32 $0xA0, s12;
	_ =	swait.ge [sflag:s18], $0x1400  }
0x99: {  	s17 =	sshrl.u32 s25, $0x2;
	s25 =	smin.u32 s31, $0xF0;
	[sflag:s18] =	ssyncset.done $0x0  }
0x9a: {  	s11 =	sadd.s32 $0x13880, s17;
	s15 =	simm.s32 $0x19C00;
	[sflag:s18] =	ssyncadd.s32 $0xFFFFEC00  }
0x9b: {  	[tilespmem:s15], [sflag:$0x2] =	stream.indirect.gather [hbm4b:s5+s30], $0x80, s11, s30, $0xb8;
	[tilespmem:$0x1EE80] =	vst v63  }
0x9c: {  	s13 =	sadd.s32 s4, s24;
	s17 =	simm.s32 $0x1EC80;
	s2 =	sadd.s32 $0x9, s25  }
0x9d: {  	[tilespmem:s17], [sflag:$0xC] =	stream.linear.gather [hbm4b:s13+s20], $0x80, $0x38;
	[tilespmem:$0x1EE80] =	vst v63  }
0x9e: {  	s24 =	smul.u32 $0xA0, s2;
	s2 =	sshll.u32 s2, $0x7;
	_ =	swait.ge [sflag:s1], $0x1400  }
0x9f: {  	s7 =	sadd.s32 $0x13880, s7;
	s25 =	sand.u32 $0xFC00, s2;
	[sflag:s1] =	ssyncset.done $0x0  }
0xa0: {  	s2 =	sand.u32 $0x380, s2;
	s11 =	sadd.s32 s16, s25;
	[sflag:s1] =	ssyncadd.s32 $0xFFFFEC00  }
0xa1: {  	[tilespmem:s29], [sflag:$0x3] =	stream.indirect.gather [hbm4b:s5+s30], $0x80, s7, s30, $0xb8;
	[tilespmem:$0x1EE80] =	vst v63  }
0xa2: {  	s12 =	sshrl.u32 s12, $0x2;
	s2 =	sor.u32 s2, s11;
	s11 =	sadd.s32 s4, s10  }
0xa3: {  	[tilespmem:s6], [sflag:$0xD] =	stream.linear.gather [hbm4b:s11+s20], $0x80, $0x38;
	[tilespmem:$0x1EE80] =	vst v63  }
0xa4: {  	s31 =	smov.u32 s9;
	s8 =	sshrl.u32 s8, $0x3;
	_ =	swait.ge [sflag:s19], $0x1400  }
0xa5: {  	s9 =	smin.u32 s31, $0xF4;
	s25 =	sadd.s32 $0x13880, s12;
	[sflag:s19] =	ssyncset.done $0x0  }
0xa6: {  	s13 =	sshrl.u32 s24, $0x2;
	s7 =	sadd.s32 $0x5, s9;
	[sflag:s19] =	ssyncadd.s32 $0xFFFFEC00  }
0xa7: {  	[tilespmem:s28], [sflag:$0x4] =	stream.indirect.gather [hbm4b:s5+s30], $0x80, s25, s30, $0xb8;
	[tilespmem:$0x1EE80] =	vst v63  }
0xa8: {  	s10 =	sshrl.u32 s2, $0x3;
	s29 =	sshll.u32 s7, $0x7;
	s28 =	sadd.s32 s4, s8  }
0xa9: {  	[tilespmem:s23], [sflag:$0xE] =	stream.linear.gather [hbm4b:s28+s20], $0x80, $0x38;
	[tilespmem:$0x1EE80] =	vst v63  }
0xaa: {  	s12 =	sadd.s32 $0x13880, s13;
	s6 =	sand.u32 $0xFC00, s29;
	_ =	swait.ge [sflag:s3], $0x1400  }
0xab: {  	s11 =	sand.u32 $0x380, s29;
	s13 =	sadd.s32 s16, s6;
	[sflag:s3] =	ssyncset.done $0x0  }
0xac: {  	s29 =	sor.u32 s11, s13;
	s13 =	rddreg [dreg:$0x2];
	[sflag:s3] =	ssyncadd.s32 $0xFFFFEC00  }
0xad: {  	[tilespmem:s22], [sflag:$0x5] =	stream.indirect.gather [hbm4b:s5+s30], $0x80, s12, s30, $0xb8;
	[tilespmem:$0x1EE80] =	vst v63  }
0xae: {  	s10 =	sadd.s32 s4, s10;
	s22 =	simm.s32 $0x1  }
0xaf: {  	[tilespmem:s21], [sflag:$0xF] =	stream.linear.gather [hbm4b:s10+s20], $0x80, $0x38;
	[tilespmem:$0x1EE80] =	vst v63  }
0xb0: {  	_ =	swait.ge [sflag:s22], $0x1400  }
0xb1: {  	[sflag:s22] =	ssyncset.done $0x0  }
0xb2: {  	s23 =	simm.s32 $0xB;
	[sflag:s22] =	ssyncadd.s32 $0xFFFFEC00  }
0xb3: {  	s24 =	smin.u32 s31, $0xF3;
	_ =	swait.ge [sflag:s23], $0x80  }
0xb4: {  	s24 =	sadd.s32 $0x6, s24;
	[sflag:s23] =	ssyncset.done $0x0  }
0xb5: {  	s11 =	simm.s32 $0x1EC00;
	s28 =	simm.s32 $0x2;
	[sflag:s23] =	ssyncadd.s32 $0xFFFFFF80  }
0xb6: {  	[spmem:s13] =	stream.indirect.scatter.add.f32 [tilespmem:s14], [sflag:$0x6], $0x80, s11, s30, $0xb8;
	[tilespmem:$0x1EE80] =	vst v63  }
0xb7: {  	p0 =	sne.s32 s0, $0xF5;
	s6 =	sshll.u32 s24, $0x7;
	_ =	swait.ge [sflag:s28], $0x1400  }
0xb8: {  	s2 =	sshrl.u32 s29, $0x3;
	s29 =	simm.s32 $0xC;
	[sflag:s28] =	ssyncset.done $0x0  }
0xb9: {  	s25 =	smul.u32 $0xA0, s24;
	s12 =	sand.u32 $0xFC00, s6;
	[sflag:s28] =	ssyncadd.s32 $0xFFFFEC00  }
0xba: {  	s8 =	sand.u32 $0x380, s6;
	s9 =	sadd.s32 s16, s12;
	_ =	swait.ge [sflag:s29], $0x80  }
.Ltmp1:
0xbb: {  	s8 =	sor.u32 s8, s9;
	[sflag:s29] =	ssyncset.done $0x0;
	(pc) =	sbr.rel @p0 .LBB2_4-.Ltmp1, $4  }
0xbc: {  	s24 =	sshrl.u32 s8, $0x3;
	s8 =	simm.s32 $0x3;
	[sflag:s29] =	ssyncadd.s32 $0xFFFFFF80  }
0xbd: {  	[spmem:s13] =	stream.indirect.scatter.add.f32 [tilespmem:s15], [sflag:$0x7], $0x80, s17, s30, $0xb8;
	[tilespmem:$0x1EE80] =	vst v63  }
0xbe: {  	s0 =	sadd.s32 $0x5, s0;
	_ =	swait.ge [sflag:s8], $0x1400  }
0xbf: {  	s7 =	smul.u32 $0xA0, s7;
	s23 =	simm.s32 $0x1EC80;
	[sflag:s8] =	ssyncset.done $0x0  }
0xc0: {  	[sflag:s8] =	ssyncadd.s32 $0xFFFFEC00;
	s22 =	simm.s32 $0xD  }
0xc1: {  	_ =	swait.ge [sflag:s22], $0x80  }
0xc2: {  	s29 =	simm.s32 $0x1B000;
	[sflag:s22] =	ssyncset.done $0x0  }
0xc3: {  	s6 =	simm.s32 $0x1ED00;
	s21 =	simm.s32 $0x4;
	[sflag:s22] =	ssyncadd.s32 $0xFFFFFF80  }
0xc4: {  	[spmem:s13] =	stream.indirect.scatter.add.f32 [tilespmem:s29], [sflag:$0x8], $0x80, s6, s30, $0xb8;
	[tilespmem:$0x1EE80] =	vst v63  }
0xc5: {  	_ =	swait.ge [sflag:s21], $0x1400  }
0xc6: {  	[sflag:s21] =	ssyncset.done $0x0  }
0xc7: {  	s12 =	simm.s32 $0xE;
	[sflag:s21] =	ssyncadd.s32 $0xFFFFEC00  }
0xc8: {  	_ =	swait.ge [sflag:s12], $0x80  }
0xc9: {  	s0 =	simm.s32 $0x1ED80;
	[sflag:s12] =	ssyncset.done $0x0  }
0xca: {  	s28 =	simm.s32 $0x1C400;
	s10 =	simm.s32 $0x5;
	[sflag:s12] =	ssyncadd.s32 $0xFFFFFF80  }
0xcb: {  	[spmem:s13] =	stream.indirect.scatter.add.f32 [tilespmem:s28], [sflag:$0x9], $0x80, s0, s30, $0xb8;
	[tilespmem:$0x1EE80] =	vst v63  }
0xcc: {  	_ =	swait.ge [sflag:s10], $0x1400  }
0xcd: {  	[sflag:s10] =	ssyncset.done $0x0  }
0xce: {  	s9 =	simm.s32 $0xF;
	[sflag:s10] =	ssyncadd.s32 $0xFFFFEC00  }
0xcf: {  	_ =	swait.ge [sflag:s9], $0x80  }
0xd0: {  	[sflag:s9] =	ssyncset.done $0x0  }
0xd1: {  	s17 =	simm.s32 $0x1D800;
	s0 =	simm.s32 $0x1EE00;
	[sflag:s9] =	ssyncadd.s32 $0xFFFFFF80  }
0xd2: {  	[spmem:s13] =	stream.indirect.scatter.add.f32 [tilespmem:s17], [sflag:$0xA], $0x80, s0, s30, $0xb8;
	[tilespmem:$0x1EE80] =	vst v63  }
0xd3: {  	s7 =	sshrl.u32 s7, $0x2;
	_ =	swait.ge [sflag:s26], $0x1400  }
0xd4: {  	s0 =	sadd.s32 $0x13880, s7;
	[sflag:s26] =	ssyncset.done $0x0  }
0xd5: {  	s7 =	sadd.s32 s4, s2;
	s2 =	smin.u32 s31, $0xF2;
	[sflag:s26] =	ssyncadd.s32 $0xFFFFEC00  }
0xd6: {  	[tilespmem:s14], [sflag:$0x1] =	stream.indirect.gather [hbm4b:s5+s30], $0x80, s0, s30, $0xb8;
	[tilespmem:$0x1EE80] =	vst v63  }
0xd7: {  	s0 =	sadd.s32 $0x7, s2  }
0xd8: {  	[tilespmem:s11], [sflag:$0xB] =	stream.linear.gather [hbm4b:s7+s20], $0x80, $0x38;
	[tilespmem:$0x1EE80] =	vst v63  }
0xd9: {  	s7 =	sshrl.u32 s25, $0x2;
	s25 =	sshll.u32 s0, $0x7;
	s0 =	smul.u32 $0xA0, s0  }
0xda: {  	s13 =	simm.s32 $0x1D800;
	_ =	swait.ge [sflag:s18], $0x1400  }
0xdb: {  	s2 =	sadd.s32 $0x13880, s7;
	[sflag:s18] =	ssyncset.done $0x0;
	s0 =	sshrl.u32 s0, $0x2  }
0xdc: {  	[sflag:s18] =	ssyncadd.s32 $0xFFFFEC00;
	s18 =	sadd.s32 s4, s24;
	s24 =	sand.u32 $0xFC00, s25  }
0xdd: {  	[tilespmem:s15], [sflag:$0x2] =	stream.indirect.gather [hbm4b:s5+s30], $0x80, s2, s30, $0xb8;
	[tilespmem:$0x1EE80] =	vst v63  }
0xde: {  	s7 =	sadd.s32 s16, s24;
	s2 =	sand.u32 $0x380, s25;
	s25 =	smin.u32 s31, $0xF1  }
0xdf: {  	s0 =	sadd.s32 $0x13880, s0;
	s2 =	sor.u32 s2, s7;
	s7 =	sadd.s32 $0x8, s25  }
0xe0: {  	[tilespmem:s23], [sflag:$0xC] =	stream.linear.gather [hbm4b:s18+s20], $0x80, $0x38;
	[tilespmem:$0x1EE80] =	vst v63  }
0xe1: {  	s25 =	smin.u32 s31, $0xF0;
	s31 =	simm.s32 $0x1ED80;
	_ =	swait.ge [sflag:s1], $0x1400  }
0xe2: {  	s2 =	sshrl.u32 s2, $0x3;
	s18 =	sshll.u32 s7, $0x7;
	[sflag:s1] =	ssyncset.done $0x0  }
0xe3: {  	s24 =	smul.u32 $0xA0, s7;
	s7 =	sadd.s32 $0x9, s25;
	[sflag:s1] =	ssyncadd.s32 $0xFFFFEC00  }
0xe4: {  	[tilespmem:s29], [sflag:$0x3] =	stream.indirect.gather [hbm4b:s5+s30], $0x80, s0, s30, $0xb8;
	[tilespmem:$0x1EE80] =	vst v63  }
0xe5: {  	s2 =	sadd.s32 s4, s2;
	s23 =	sand.u32 $0xFC00, s18;
	s0 =	sand.u32 $0x380, s18  }
0xe6: {  	[tilespmem:s6], [sflag:$0xD] =	stream.linear.gather [hbm4b:s2+s20], $0x80, $0x38;
	[tilespmem:$0x1EE80] =	vst v63  }
0xe7: {  	s29 =	sshll.u32 s7, $0x7;
	s2 =	sadd.s32 s16, s23;
	_ =	swait.ge [sflag:s19], $0x1400  }
0xe8: {  	s0 =	sor.u32 s0, s2;
	s2 =	sshrl.u32 s24, $0x2;
	[sflag:s19] =	ssyncset.done $0x0  }
0xe9: {  	s0 =	sshrl.u32 s0, $0x3;
	s2 =	sadd.s32 $0x13880, s2;
	[sflag:s19] =	ssyncadd.s32 $0xFFFFEC00  }
0xea: {  	[tilespmem:s28], [sflag:$0x4] =	stream.indirect.gather [hbm4b:s5+s30], $0x80, s2, s30, $0xb8;
	[tilespmem:$0x1EE80] =	vst v63  }
0xeb: {  	s1 =	smul.u32 $0xA0, s7;
	s6 =	sand.u32 $0xFC00, s29;
	s0 =	sadd.s32 s4, s0  }
0xec: {  	[tilespmem:s31], [sflag:$0xE] =	stream.linear.gather [hbm4b:s0+s20], $0x80, $0x38;
	[tilespmem:$0x1EE80] =	vst v63  }
0xed: {  	s7 =	sadd.s32 s16, s6;
	s2 =	sand.u32 $0x380, s29;
	_ =	swait.ge [sflag:s3], $0x1400  }
0xee: {  	s2 =	sor.u32 s2, s7;
	s0 =	sshrl.u32 s1, $0x2;
	[sflag:s3] =	ssyncset.done $0x0  }
0xef: {  	s2 =	sshrl.u32 s2, $0x3;
	s0 =	sadd.s32 $0x13880, s0;
	[sflag:s3] =	ssyncadd.s32 $0xFFFFEC00  }
0xf0: {  	[tilespmem:s13], [sflag:$0x5] =	stream.indirect.gather [hbm4b:s5+s30], $0x80, s0, s30, $0xb8;
	[tilespmem:$0x1EE80] =	vst v63  }
0xf1: {  	s17 =	simm.s32 $0x1EE00;
	s18 =	simm.s32 $0x1;
	s13 =	sadd.s32 s4, s2  }
0xf2: {  	[tilespmem:s17], [sflag:$0xF] =	stream.linear.gather [hbm4b:s13+s20], $0x80, $0x38;
	[tilespmem:$0x1EE80] =	vst v63  }
0xf3: {  	_ =	swait.ge [sflag:s18], $0x1400  }
0xf4: {  	[sflag:s18] =	ssyncset.done $0x0  }
0xf5: {  	s19 =	simm.s32 $0xB;
	[sflag:s18] =	ssyncadd.s32 $0xFFFFEC00  }
0xf6: {  	_ =	swait.ge [sflag:s19], $0x80  }
0xf7: {  	[sflag:s19] =	ssyncset.done $0x0  }
0xf8: {  	s20 =	simm.s32 $0x2;
	[sflag:s19] =	ssyncadd.s32 $0xFFFFFF80  }
0xf9: {  	_ =	swait.ge [sflag:s20], $0x1400  }
0xfa: {  	[sflag:s20] =	ssyncset.done $0x0  }
0xfb: {  	s23 =	simm.s32 $0xC;
	[sflag:s20] =	ssyncadd.s32 $0xFFFFEC00  }
0xfc: {  	_ =	swait.ge [sflag:s23], $0x80  }
0xfd: {  	[sflag:s23] =	ssyncset.done $0x0  }
0xfe: {  	[sflag:s23] =	ssyncadd.s32 $0xFFFFFF80  }
0xff: {  	_ =	swait.ge [sflag:s8], $0x1400  }
0x100: {  	[sflag:s8] =	ssyncset.done $0x0  }
0x101: {  	[sflag:s8] =	ssyncadd.s32 $0xFFFFEC00  }
0x102: {  	_ =	swait.ge [sflag:s22], $0x80  }
0x103: {  	[sflag:s22] =	ssyncset.done $0x0  }
0x104: {  	[sflag:s22] =	ssyncadd.s32 $0xFFFFFF80  }
0x105: {  	_ =	swait.ge [sflag:s21], $0x1400  }
0x106: {  	[sflag:s21] =	ssyncset.done $0x0  }
0x107: {  	[sflag:s21] =	ssyncadd.s32 $0xFFFFEC00  }
0x108: {  	_ =	swait.ge [sflag:s12], $0x80  }
0x109: {  	[sflag:s12] =	ssyncset.done $0x0  }
0x10a: {  	[sflag:s12] =	ssyncadd.s32 $0xFFFFFF80  }
0x10b: {  	_ =	swait.ge [sflag:s10], $0x1400  }
0x10c: {  	[sflag:s10] =	ssyncset.done $0x0  }
0x10d: {  	[sflag:s10] =	ssyncadd.s32 $0xFFFFEC00  }
0x10e: {  	_ =	swait.ge [sflag:s9], $0x80  }
0x10f: {  	[sflag:s9] =	ssyncset.done $0x0  }
0x110: {  	s24 =	stileid.u32;
	[sflag:s9] =	ssyncadd.s32 $0xFFFFFF80  }
0x111: {  	s0 =	sshll.u32 s24, $0x6;
	[bflag:$0x0] =	sbarrier.arrive $0xFFFF  }
0x112: {  	s0 =	sor.u32 $0x1C10, s0;
	s8 =	rddreg [dreg:$0x4]  }
0x113: {  	s10 =	simm.s32 $0x10;
	s28 =	rddreg [dreg:$0x13];
	s25 =	sshrl.u32 s8, $0x3  }
0x114: {  	[hbm:s28], [sflag:s0] =	dma.local [spmem:s25], $0x2710  }
0x115: {  	_ =	swait.ge [sflag:s10], $0x2710  }
0x116: {  	s29 =	rddreg [dreg:$0x15]  }
0x117: {  	s31 =	rddreg [dreg:$0x14];
	s1 =	sadd.s32 $0x1, s29  }
0x118: {  	p0 =	sne.s32 s1, s31  }
.Ltmp2:
0x119: {  	s6 =	simm.s32 $0xB;
	(pc) =	sbr.rel @p0 .LBB2_1-.Ltmp2, $4  }
0x11a: {  	s24 =	simm.s32 $0xC;
	s13 =	simm.s32 $0x1B000;
	s17 =	simm.s32 $0x1  }
0x11b: {  	s18 =	simm.s32 $0x1ED00;
	s19 =	simm.s32 $0x1C400;
	s20 =	simm.s32 $0x1ED80  }
0x11c: {  	s23 =	simm.s32 $0x2;
	s22 =	simm.s32 $0x1EE00;
	[sflag:s10] =	ssyncset.done $0x0  }
0x11d: {  	s21 =	simm.s32 $0x1D800;
	s12 =	simm.s32 $0x1EC80;
	[sflag:s10] =	ssyncadd.s32 $0xFFFFD8F0  }
0x11e: {  	_ =	sfence.sel $0x180000  }
0x11f: {  	[bflag:$0x0] =	sbarrier.arrive $0xFFFF  }
0x120: {  	_ =	strace $0x90000050  }
0x121: {  	s0 =	stileid.u32;
	[bflag:$0x2] =	sbarrier.arrive $0xFFFF  }
0x122: {  	p0 =	sne.s32 s0, $0x0;
	s0 =	rddreg [dreg:$0x3]  }
0x123: {  	s0 =	sadd.s32 @!p0 $0x100000, s0  }
0x124: {  	[sflag:s0] =	ssyncadd.tile.s32 @!p0 $0x1;
	_ =	shalt  }
.Lfunc_end2:
_tile_overlayer_lowered:
.L_overlay_start_2:
0x125: {  	(tag) =	ssettag $0x2  }
0x126: {  	s0 =	rddreg [dreg:$0x0];
	s2 =	stileid.u32  }
0x127: {  	s1 =	rddreg [dreg:$0x1];
	p0 =	sne.s32 s2, $0x0  }
0x128: {  	s3 =	rddreg [dreg:$0x2];
	[bflag:$0x3] =	sbarrier.arrive $0xFFFF;
	s2 =	simm.s32 @!p0 $0x1C10  }
0x129: {  	[timem:s3], [sflag:s2] =	dma.local @!p0 [hbm:s0], s1  }
0x12a: {  	s0 =	simm.s32 @!p0 $0x10  }
0x12b: {  	_ =	swait.ge @!p0 [sflag:s0], s1  }
0x12c: {  	s1 =	ssub.s32 @!p0 $0x0, s1;
	[sflag:s0] =	ssyncset.done @!p0 $0x0  }
0x12d: {  	[sflag:s0] =	ssyncadd.s32 @!p0 s1  }
0x12e: {  	[bflag:$0x3] =	sbarrier.arrive $0xFFFF  }
0x12f: {  	_ =	shalt  }

</sc_bundles>
